<compile_context>
chip_gen: v7x
topology: tpu7x:2x2x1
jax: 0.10.2.dev20260603
libtpu: 0.0.44.dev20260713+nightly
codegen_flags: <defaults>
</compile_context>

<pallas_src>
import functools

import jax
import jax.numpy as jnp
from jax import lax
from jax.experimental import pallas as pl
from jax.experimental.pallas import tpu as pltpu
from jax.experimental.pallas import tpu_sc as plsc

N = 10000
E = 160000
TT = 20000
EMBED = 128
HIDDEN = 256
R2 = 8
NC, NS, LANES = 2, 16, 16
CH = 128
NB_N, BLK_N = 25, 400
NB_T, BLK_T = 25, 800
NCH_N = (N + CH - 1) // CH
NCH_E = E // CH
NCH_EP = 1280
EP = NCH_EP * CH
NCH_T = (TT + CH - 1) // CH
EPS = EP // NS
ROWS_PER_TILE = 640
NPAD = N + CH


@functools.cache
def _mesh():
    return plsc.VectorSubcoreMesh(core_axis_name="c", subcore_axis_name="s",
                                  num_cores=NC, num_subcores=NS)


def _vec_loop(n16, body):
    def f(i, _):
        body(pl.ds(i * LANES, LANES))
        return 0
    lax.fori_loop(0, n16, f, 0)


def _sc_a_body(embeds_hbm, nid_hbm, dst_hbm, z640_hbm, ones_hbm,
               emb_out, deg0_out, deg1_out,
               idx_v, rows_v, ones_v, z640_v, deg_sh, sem):
    c = lax.axis_index("c")
    s = lax.axis_index("s")
    w = s * NC + c

    def gat(i, _):
        j = jnp.minimum(w + 32 * i, NCH_N - 1)
        start = jnp.minimum(j * CH, N - CH)
        pltpu.sync_copy(nid_hbm.at[pl.ds(start, CH)], idx_v)
        pltpu.async_copy(embeds_hbm.at[idx_v], rows_v, sem).wait()
        pltpu.sync_copy(rows_v, emb_out.at[pl.ds(start, CH)])
        return 0
    lax.fori_loop(0, 3, gat, 0)

    zs = jnp.minimum(s * ROWS_PER_TILE, N - ROWS_PER_TILE)
    pltpu.sync_copy(z640_hbm, z640_v)
    pltpu.sync_copy(z640_v, deg_sh.at[pl.ds(zs, ROWS_PER_TILE)])
    pltpu.sync_copy(ones_hbm, ones_v)
    plsc.subcore_barrier()

    nj = jnp.where(w < NCH_E - (NCH_E // 32) * 32, NCH_E // 32 + 1, NCH_E // 32)

    def deg_add(i, _):
        base = (w + 32 * i) * CH
        pltpu.sync_copy(dst_hbm.at[pl.ds(base, CH)], idx_v)
        pltpu.sync_copy(ones_v, deg_sh.at[idx_v], add=True)
        return 0
    lax.fori_loop(0, nj, deg_add, 0)
    plsc.subcore_barrier()

    pltpu.sync_copy(deg_sh.at[pl.ds(zs, ROWS_PER_TILE)], z640_v)

    @pl.when(c == 0)
    def _():
        pltpu.sync_copy(z640_v, deg0_out.at[pl.ds(zs, ROWS_PER_TILE)])

    @pl.when(c == 1)
    def _():
        pltpu.sync_copy(z640_v, deg1_out.at[pl.ds(zs, ROWS_PER_TILE)])


def _sc_gather_deg(*args):
    return pl.kernel(
        _sc_a_body,
        out_type=(
            jax.ShapeDtypeStruct((N, EMBED), jnp.float32),
            jax.ShapeDtypeStruct((N,), jnp.float32),
            jax.ShapeDtypeStruct((N,), jnp.float32),
        ),
        mesh=_mesh(),
        scratch_types=[
            pltpu.VMEM((CH,), jnp.int32),
            pltpu.VMEM((CH, EMBED), jnp.float32),
            pltpu.VMEM((CH,), jnp.float32),
            pltpu.VMEM((ROWS_PER_TILE,), jnp.float32),
            pltpu.VMEM_SHARED((N,), jnp.float32),
            pltpu.SemaphoreType.DMA,
        ],
    )(*args)


def _sc_c_body(pm_hbm, ps_hbm, src_hbm, ety_hbm, dst_hbm, d0_hbm, d1_hbm,
               z2d_hbm, aggm_out, aggs_out, deg_out,
               sidx_v, eidx_v, fidx_v, didx_v, sidx_w, eidx_w, didx_w,
               fidx_w, rows_v, da_v, db_v, agg_sh, sem):
    c = lax.axis_index("c")
    s = lax.axis_index("s")

    zs = jnp.minimum(s * ROWS_PER_TILE, N - ROWS_PER_TILE)
    pltpu.sync_copy(z2d_hbm, rows_v.at[0])
    for k in range(ROWS_PER_TILE // CH):
        pltpu.sync_copy(rows_v.at[0], agg_sh.at[pl.ds(zs + k * CH, CH)])
    plsc.subcore_barrier()

    nj = jnp.where(s < NCH_E - (NCH_E // NS) * NS,
                   NCH_E // NS + 1, NCH_E // NS)

    bufs = ((sidx_v, eidx_v, didx_v, fidx_v, 0),
            (sidx_w, eidx_w, didx_w, fidx_w, 1))

    def _prep(i, bset):
        si, ei, di, fi, _ = bset
        base = (s + NS * i) * CH
        pltpu.sync_copy(src_hbm.at[pl.ds(base, CH)], si)
        pltpu.sync_copy(ety_hbm.at[pl.ds(base, CH)], ei)
        pltpu.sync_copy(dst_hbm.at[pl.ds(base, CH)], di)

        def f(sl):
            fi[sl] = ei[sl] * N + si[sl]
        _vec_loop(CH // LANES, f)

    def _start(bset):
        _, _, _, fi, b = bset

        @pl.when(c == 0)
        def _():
            pltpu.async_copy(pm_hbm.at[fi], rows_v.at[b], sem)

        @pl.when(c == 1)
        def _():
            pltpu.async_copy(ps_hbm.at[fi], rows_v.at[b], sem)

    def _wait():
        @pl.when(c == 0)
        def _():
            pltpu.make_async_copy(pm_hbm.at[fidx_v], rows_v.at[0], sem).wait()

        @pl.when(c == 1)
        def _():
            pltpu.make_async_copy(ps_hbm.at[fidx_v], rows_v.at[0], sem).wait()

    def _on_parity(i, fn):
        par = lax.rem(i, 2)

        @pl.when(par == 0)
        def _():
            fn(bufs[0])

        @pl.when(par == 1)
        def _():
            fn(bufs[1])

    _prep(0, bufs[0])
    _start(bufs[0])

    def body(i, _):
        @pl.when(i + 1 < nj)
        def _():
            _on_parity(i + 1, lambda bset: _prep(i + 1, bset))

        _wait()

        @pl.when(i + 1 < nj)
        def _():
            _on_parity(i + 1, _start)

        def _scat(bset):
            _, _, di, _, b = bset
            pltpu.sync_copy(rows_v.at[b], agg_sh.at[di], add=True)
        _on_parity(i, _scat)
        return 0
    lax.fori_loop(0, nj, body, 0)
    plsc.subcore_barrier()

    zo = jnp.minimum(s * ROWS_PER_TILE, N - ROWS_PER_TILE)
    for k in range(ROWS_PER_TILE // CH):
        buf = rows_v.at[k % 2]
        pltpu.sync_copy(agg_sh.at[pl.ds(zo + k * CH, CH)], buf)

        @pl.when(c == 0)
        def _():
            pltpu.sync_copy(buf, aggm_out.at[pl.ds(zo + k * CH, CH)])

        @pl.when(c == 1)
        def _():
            pltpu.sync_copy(buf, aggs_out.at[pl.ds(zo + k * CH, CH)])

    @pl.when(c == 0)
    def _():
        pltpu.sync_copy(d0_hbm.at[pl.ds(zo, ROWS_PER_TILE)], da_v)
        pltpu.sync_copy(d1_hbm.at[pl.ds(zo, ROWS_PER_TILE)], db_v)

        def addv(sl):
            da_v[sl] = da_v[sl] + db_v[sl]
        _vec_loop(ROWS_PER_TILE // LANES, addv)
        pltpu.sync_copy(da_v, deg_out.at[pl.ds(zo, ROWS_PER_TILE)])


def _sc_edge_agg(*args):
    return pl.kernel(
        _sc_c_body,
        out_type=(
            jax.ShapeDtypeStruct((N, EMBED), jnp.float32),
            jax.ShapeDtypeStruct((N, EMBED), jnp.float32),
            jax.ShapeDtypeStruct((N,), jnp.float32),
        ),
        mesh=_mesh(),
        scratch_types=[
            pltpu.VMEM((CH,), jnp.int32),
            pltpu.VMEM((CH,), jnp.int32),
            pltpu.VMEM((CH,), jnp.int32),
            pltpu.VMEM((CH,), jnp.int32),
            pltpu.VMEM((CH,), jnp.int32),
            pltpu.VMEM((CH,), jnp.int32),
            pltpu.VMEM((CH,), jnp.int32),
            pltpu.VMEM((CH,), jnp.int32),
            pltpu.VMEM((2, CH, EMBED), jnp.float32),
            pltpu.VMEM((ROWS_PER_TILE,), jnp.float32),
            pltpu.VMEM((ROWS_PER_TILE,), jnp.float32),
            pltpu.VMEM_SHARED((N, EMBED), jnp.float32),
            pltpu.SemaphoreType.DMA,
        ],
    )(*args)


def _sc_e_body(enc_hbm, ts_hbm, to_hbm, smss_out, omos_out,
               idxs_v, idxo_v, bufs_v, bufo_v, sema, semb):
    c = lax.axis_index("c")
    s = lax.axis_index("s")
    w = s * NC + c

    def chunk(i, _):
        j = jnp.minimum(w + 32 * i, NCH_T - 1)
        start = jnp.minimum(j * CH, TT - CH)
        pltpu.sync_copy(ts_hbm.at[pl.ds(start, CH)], idxs_v)
        pltpu.sync_copy(to_hbm.at[pl.ds(start, CH)], idxo_v)
        da = pltpu.async_copy(enc_hbm.at[idxs_v], bufs_v, sema)
        db = pltpu.async_copy(enc_hbm.at[idxo_v], bufo_v, semb)
        da.wait()
        pltpu.sync_copy(bufs_v, smss_out.at[pl.ds(start, CH)])
        db.wait()
        pltpu.sync_copy(bufo_v, omos_out.at[pl.ds(start, CH)])
        return 0
    lax.fori_loop(0, 5, chunk, 0)


def _sc_trip_gather(*args):
    return pl.kernel(
        _sc_e_body,
        out_type=(
            jax.ShapeDtypeStruct((TT, 2 * EMBED), jnp.float32),
            jax.ShapeDtypeStruct((TT, 2 * EMBED), jnp.float32),
        ),
        mesh=_mesh(),
        scratch_types=[
            pltpu.VMEM((CH,), jnp.int32),
            pltpu.VMEM((CH,), jnp.int32),
            pltpu.VMEM((CH, 2 * EMBED), jnp.float32),
            pltpu.VMEM((CH, 2 * EMBED), jnp.float32),
            pltpu.SemaphoreType.DMA,
            pltpu.SemaphoreType.DMA,
        ],
    )(*args)


def _tc_b_body(emb_ref, wb1_ref, wb2_ref, h_ref, pm_ref, ps_ref):
    emb = emb_ref[...]
    h = h_ref[...]
    for r in range(R2):
        big = (jnp.dot(emb, wb1_ref[r], preferred_element_type=jnp.float32)
               + jnp.dot(h, wb2_ref[r], preferred_element_type=jnp.float32))
        pm_ref[r] = big[:, :EMBED]
        ps_ref[r] = big[:, EMBED:]


def _tc_transform(emb, Wb1, Wb2, cur_h):
    whole = lambda b: (0, 0)
    return pl.pallas_call(
        _tc_b_body,
        grid=(NB_N,),
        in_specs=[
            pl.BlockSpec((BLK_N, EMBED), lambda b: (b, 0)),
            pl.BlockSpec((R2, EMBED, 2 * EMBED), lambda b: (0, 0, 0)),
            pl.BlockSpec((R2, HIDDEN, 2 * EMBED), lambda b: (0, 0, 0)),
            pl.BlockSpec((1, HIDDEN), whole),
        ],
        out_specs=[
            pl.BlockSpec((R2, BLK_N, EMBED), lambda b: (0, b, 0)),
            pl.BlockSpec((R2, BLK_N, EMBED), lambda b: (0, b, 0)),
        ],
        out_shape=[
            jax.ShapeDtypeStruct((R2, N, EMBED), jnp.float32),
            jax.ShapeDtypeStruct((R2, N, EMBED), jnp.float32),
        ],
    )(emb, Wb1, Wb2, cur_h)


def _softplus(x):
    return jnp.maximum(x, 0.0) + jnp.log(1.0 + jnp.exp(-jnp.abs(x)))


def _tc_d_body(agg0_ref, agg1_ref, emb_ref, deg_ref, wlm_ref, wls_ref,
               bm_ref, bs_ref, h_ref, wp_ref, bp_ref, wpem_ref, bpem_ref,
               wpes_ref, bpes_ref, enc_ref, kld_ref, acc_ref):
    i = pl.program_id(0)

    @pl.when(i == 0)
    def _():
        acc_ref[0, 0] = 0.0

    aggm = agg0_ref[...]
    aggs = agg1_ref[...]
    emb = emb_ref[...]
    h = h_ref[...]
    degc = jnp.maximum(deg_ref[...], 1.0)
    wlm = wlm_ref[...]
    wls = wls_ref[...]
    c_m = jnp.dot(h, wlm[EMBED:], preferred_element_type=jnp.float32) + bm_ref[...]
    c_s = jnp.dot(h, wls[EMBED:], preferred_element_type=jnp.float32) + bs_ref[...]
    mean = (aggm / degc
            + jnp.dot(emb, wlm[:EMBED], preferred_element_type=jnp.float32) + c_m)
    sraw = (aggs / degc
            + jnp.dot(emb, wls[:EMBED], preferred_element_type=jnp.float32) + c_s)
    std = _softplus(sraw) + 1e-6
    enc_ref[...] = jnp.concatenate([mean, std], axis=1)

    prior_h = jax.nn.relu(jnp.dot(h, wp_ref[...], preferred_element_type=jnp.float32)
                          + bp_ref[...])
    p_mean = jnp.dot(prior_h, wpem_ref[...], preferred_element_type=jnp.float32) + bpem_ref[...]
    p_std = _softplus(jnp.dot(prior_h, wpes_ref[...], preferred_element_type=jnp.float32)
                      + bpes_ref[...]) + 1e-6
    e = (2.0 * jnp.log(p_std) - 2.0 * jnp.log(std)
         + (std * std + (mean - p_mean) ** 2) / (p_std * p_std) - 1.0)
    acc_ref[0, 0] += jnp.sum(e)

    @pl.when(i == NB_N - 1)
    def _():
        kld_ref[...] = jnp.reshape(0.5 * acc_ref[0, 0], (1, 1))


def _tc_combine(agg0, agg1, emb, deg, W_loop_m, W_loop_s, b_m, b_s, cur_h,
                W_prior, b_prior, W_pe_m, b_pe_m, W_pe_s, b_pe_s):
    wrow = lambda b: (0, 0)
    return pl.pallas_call(
        _tc_d_body,
        grid=(NB_N,),
        in_specs=[
            pl.BlockSpec((BLK_N, EMBED), lambda b: (b, 0)),
            pl.BlockSpec((BLK_N, EMBED), lambda b: (b, 0)),
            pl.BlockSpec((BLK_N, EMBED), lambda b: (b, 0)),
            pl.BlockSpec((BLK_N, 1), lambda b: (b, 0)),
            pl.BlockSpec((EMBED + HIDDEN, EMBED), wrow),
            pl.BlockSpec((EMBED + HIDDEN, EMBED), wrow),
            pl.BlockSpec((1, EMBED), wrow),
            pl.BlockSpec((1, EMBED), wrow),
            pl.BlockSpec((1, HIDDEN), wrow),
            pl.BlockSpec((HIDDEN, HIDDEN), wrow),
            pl.BlockSpec((1, HIDDEN), wrow),
            pl.BlockSpec((HIDDEN, EMBED), wrow),
            pl.BlockSpec((1, EMBED), wrow),
            pl.BlockSpec((HIDDEN, EMBED), wrow),
            pl.BlockSpec((1, EMBED), wrow),
        ],
        out_specs=[
            pl.BlockSpec((BLK_N, 2 * EMBED), lambda b: (b, 0)),
            pl.BlockSpec((1, 1), wrow),
        ],
        out_shape=[
            jax.ShapeDtypeStruct((N, 2 * EMBED), jnp.float32),
            jax.ShapeDtypeStruct((1, 1), jnp.float32),
        ],
        scratch_shapes=[pltpu.SMEM((1, 1), jnp.float32)],
    )(agg0, agg1, emb, deg, W_loop_m, W_loop_s, b_m, b_s, cur_h,
      W_prior, b_prior, W_pe_m, b_pe_m, W_pe_s, b_pe_s)


def _tc_f_body(smss_ref, omos_ref, es_ref, er_ref, eo_ref,
               lab_ref, h_ref, wrem_ref, brem_ref, wres_ref, bres_ref,
               wp_ref, bp_ref, wprm_ref, bprm_ref, wprs_ref, bprs_ref,
               klde_ref, out_ref, acc_ref):
    i = pl.program_id(0)

    @pl.when(i == 0)
    def _():
        acc_ref[0, 0] = 0.0

    h = h_ref[...]
    rm = jnp.dot(h, wrem_ref[...], preferred_element_type=jnp.float32) + brem_ref[...]
    rs = _softplus(jnp.dot(h, wres_ref[...], preferred_element_type=jnp.float32)
                   + bres_ref[...]) + 1e-6
    smss = smss_ref[...]
    omos = omos_ref[...]
    s = smss[:, :EMBED] + es_ref[...] * smss[:, EMBED:]
    o = omos[:, :EMBED] + eo_ref[...] * omos[:, EMBED:]
    r = rm + er_ref[...] * rs
    score = jnp.sum(s * r * o, axis=1)
    y = lab_ref[0, 0, :].astype(jnp.float32)
    bce = (jnp.maximum(score, 0.0) - score * y
           + jnp.log(1.0 + jnp.exp(-jnp.abs(score))))
    acc_ref[0, 0] += jnp.sum(bce)

    @pl.when(i == NB_T - 1)
    def _():
        prior_h = jax.nn.relu(jnp.dot(h, wp_ref[...], preferred_element_type=jnp.float32)
                              + bp_ref[...])
        p_rm = jnp.dot(prior_h, wprm_ref[...], preferred_element_type=jnp.float32) + bprm_ref[...]
        p_rs = _softplus(jnp.dot(prior_h, wprs_ref[...], preferred_element_type=jnp.float32)
                         + bprs_ref[...]) + 1e-6
        e = (2.0 * jnp.log(p_rs) - 2.0 * jnp.log(rs)
             + (rs * rs + (rm - p_rm) ** 2) / (p_rs * p_rs) - 1.0)
        kld_rel = 0.5 * float(R2) * jnp.sum(e)
        total = acc_ref[0, 0] / float(TT) + jnp.sum(klde_ref[...]) + kld_rel
        out_ref[...] = jnp.reshape(total, (1, 1))


def _tc_triplet(smss, omos, eps_s, eps_r, eps_o, labels3, cur_h,
                W_re_m, b_re_m, W_re_s, b_re_s, W_prior, b_prior,
                W_pr_m, b_pr_m, W_pr_s, b_pr_s, kld_ent):
    wrow = lambda b: (0, 0)
    tblk = pl.BlockSpec((BLK_T, EMBED), lambda b: (b, 0))
    tblk2 = pl.BlockSpec((BLK_T, 2 * EMBED), lambda b: (b, 0))
    return pl.pallas_call(
        _tc_f_body,
        grid=(NB_T,),
        in_specs=[
            tblk2, tblk2, tblk, tblk, tblk,
            pl.BlockSpec((1, 1, BLK_T), lambda b: (b, 0, 0)),
            pl.BlockSpec((1, HIDDEN), wrow),
            pl.BlockSpec((HIDDEN, EMBED), wrow),
            pl.BlockSpec((1, EMBED), wrow),
            pl.BlockSpec((HIDDEN, EMBED), wrow),
            pl.BlockSpec((1, EMBED), wrow),
            pl.BlockSpec((HIDDEN, HIDDEN), wrow),
            pl.BlockSpec((1, HIDDEN), wrow),
            pl.BlockSpec((HIDDEN, EMBED), wrow),
            pl.BlockSpec((1, EMBED), wrow),
            pl.BlockSpec((HIDDEN, EMBED), wrow),
            pl.BlockSpec((1, EMBED), wrow),
            pl.BlockSpec((1, 1), wrow),
        ],
        out_specs=pl.BlockSpec((1, 1), wrow),
        out_shape=jax.ShapeDtypeStruct((1, 1), jnp.float32),
        scratch_shapes=[pltpu.SMEM((1, 1), jnp.float32)],
    )(smss, omos, eps_s, eps_r, eps_o, labels3, cur_h,
      W_re_m, b_re_m, W_re_s, b_re_s, W_prior, b_prior,
      W_pr_m, b_pr_m, W_pr_s, b_pr_s, kld_ent)


def kernel(node_ids, edge_index, edge_type, trip_s, trip_r, trip_o, labels,
           ent_embeds, h0, W_rel_m, W_loop_m, b_m, W_rel_s, W_loop_s, b_s,
           W_re_m, b_re_m, W_re_s, b_re_s, W_prior, b_prior, W_pe_m, b_pe_m,
           W_pe_s, b_pe_s, W_pr_m, b_pr_m, W_pr_s, b_pr_s):
    f32 = jnp.float32
    i32 = jnp.int32
    node_ids = node_ids.astype(i32)
    src = edge_index[0].astype(i32)
    dst = edge_index[1].astype(i32)
    etype = edge_type.astype(i32)
    ts = trip_s.astype(i32)
    to = trip_o.astype(i32)
    cur_h = h0[-1, 0].reshape(1, HIDDEN)

    Wb1 = jnp.concatenate([W_rel_m[:, :EMBED, :], W_rel_s[:, :EMBED, :]],
                          axis=2)
    Wb2 = jnp.concatenate([W_rel_m[:, EMBED:, :], W_rel_s[:, EMBED:, :]],
                          axis=2)

    z640 = jnp.zeros((ROWS_PER_TILE,), f32)
    ones128 = jnp.ones((CH,), f32)
    z2d = jnp.zeros((CH, EMBED), f32)

    emb, deg0, deg1 = _sc_gather_deg(ent_embeds, node_ids, dst, z640, ones128)
    P_m, P_s = _tc_transform(emb, Wb1, Wb2, cur_h)
    agg0, agg1, deg = _sc_edge_agg(
        P_m.reshape(R2 * N, EMBED), P_s.reshape(R2 * N, EMBED),
        src, etype, dst, deg0, deg1, z2d)

    enc, kld_ent = _tc_combine(
        agg0, agg1, emb, deg.reshape(N, 1), W_loop_m, W_loop_s,
        b_m.reshape(1, EMBED), b_s.reshape(1, EMBED), cur_h,
        W_prior, b_prior.reshape(1, HIDDEN),
        W_pe_m, b_pe_m.reshape(1, EMBED), W_pe_s, b_pe_s.reshape(1, EMBED))

    smss, omos = _sc_trip_gather(enc, ts, to)

    k = jax.random.key(1)
    eps_s = jax.random.normal(jax.random.fold_in(k, 0), (TT, EMBED), f32)
    eps_r = jax.random.normal(jax.random.fold_in(k, 1), (TT, EMBED), f32)
    eps_o = jax.random.normal(jax.random.fold_in(k, 2), (TT, EMBED), f32)

    out = _tc_triplet(
        smss, omos, eps_s, eps_r, eps_o,
        labels.astype(i32).reshape(NB_T, 1, BLK_T), cur_h,
        W_re_m, b_re_m.reshape(1, EMBED), W_re_s, b_re_s.reshape(1, EMBED),
        W_prior, b_prior.reshape(1, HIDDEN),
        W_pr_m, b_pr_m.reshape(1, EMBED), W_pr_s, b_pr_s.reshape(1, EMBED),
        kld_ent)
    return out.reshape(())

# --- scband reference (transcript-rebuilt; emitter-appended) ---
"""Pipeline reference for scband-vkg-vre-79104707658329 (READ-ONLY COPY).

The authoritative reference and input builder live on the scoring server;
editing this copy changes nothing except your own understanding.
"""

import jax, jax.numpy as jnp
import numpy as np

N = 10000
NUM_ENTS = 10000
E = 160000
T = 20000
EMBED = 128
HIDDEN = 256
NUM_RELS = 4
R2 = 2 * NUM_RELS
NUM_LAYERS = 2
D_IN = EMBED + HIDDEN


def _glorot(key, shape):
    fan_in, fan_out = shape[-2], shape[-1]
    return jax.random.normal(key, shape, dtype=jnp.float32) * jnp.sqrt(2.0 / (fan_in + fan_out))


def setup_inputs():
    ks = jax.random.split(jax.random.key(0), 32)
    inp = {}
    inp['node_ids'] = jax.random.randint(ks[0], (N,), 0, NUM_ENTS)
    inp['edge_index'] = jax.random.randint(ks[1], (2, E), 0, N)
    inp['edge_type'] = jax.random.randint(ks[2], (E,), 0, R2)
    inp['trip_s'] = jax.random.randint(ks[3], (T,), 0, N)
    inp['trip_r'] = jax.random.randint(ks[4], (T,), 0, R2)
    inp['trip_o'] = jax.random.randint(ks[5], (T,), 0, N)
    inp['labels'] = jax.random.randint(ks[6], (T,), 0, 2)
    inp['ent_embeds'] = _glorot(ks[7], (NUM_ENTS, EMBED))
    inp['h0'] = _glorot(ks[8], (NUM_LAYERS, 1, HIDDEN))
    inp['W_rel_m'] = _glorot(ks[9], (R2, D_IN, EMBED))
    inp['W_loop_m'] = _glorot(ks[10], (D_IN, EMBED))
    inp['b_m'] = jnp.zeros((EMBED,), jnp.float32)
    inp['W_rel_s'] = _glorot(ks[11], (R2, D_IN, EMBED))
    inp['W_loop_s'] = _glorot(ks[12], (D_IN, EMBED))
    inp['b_s'] = jnp.zeros((EMBED,), jnp.float32)
    inp['W_re_m'] = _glorot(ks[13], (HIDDEN, EMBED))
    inp['b_re_m'] = jnp.zeros((EMBED,), jnp.float32)
    inp['W_re_s'] = _glorot(ks[14], (HIDDEN, EMBED))
    inp['b_re_s'] = jnp.zeros((EMBED,), jnp.float32)
    inp['W_prior'] = _glorot(ks[15], (HIDDEN, HIDDEN))
    inp['b_prior'] = jnp.zeros((HIDDEN,), jnp.float32)
    inp['W_pe_m'] = _glorot(ks[16], (HIDDEN, EMBED))
    inp['b_pe_m'] = jnp.zeros((EMBED,), jnp.float32)
    inp['W_pe_s'] = _glorot(ks[17], (HIDDEN, EMBED))
    inp['b_pe_s'] = jnp.zeros((EMBED,), jnp.float32)
    inp['W_pr_m'] = _glorot(ks[18], (HIDDEN, EMBED))
    inp['b_pr_m'] = jnp.zeros((EMBED,), jnp.float32)
    inp['W_pr_s'] = _glorot(ks[19], (HIDDEN, EMBED))
    inp['b_pr_s'] = jnp.zeros((EMBED,), jnp.float32)
    return inp


def _softplus(x):
    return jnp.logaddexp(x, 0.0)


def _kld_gauss(q_mean, q_std, p_mean, p_std):
    e = 2.0 * jnp.log(p_std) - 2.0 * jnp.log(q_std) + (q_std ** 2 + (q_mean - p_mean) ** 2) / p_std ** 2 - 1.0
    return 0.5 * jnp.sum(e)


def _rgcn(x, src, dst, etype, W_rel, W_loop, b):
    H = jnp.einsum('nd,rdo->rno', x, W_rel)
    msgs = H[etype, src]
    n = x.shape[0]
    agg = jnp.zeros((n, W_rel.shape[-1]), x.dtype).at[dst].add(msgs)
    deg = jnp.zeros((n,), x.dtype).at[dst].add(1.0)
    agg = agg / jnp.maximum(deg, 1.0)[:, None]
    return agg + x @ W_loop + b


def reference(node_ids, edge_index, edge_type, trip_s, trip_r, trip_o, labels, ent_embeds, h0, W_rel_m, W_loop_m, b_m, W_rel_s, W_loop_s, b_s, W_re_m, b_re_m, W_re_s, b_re_s, W_prior, b_prior, W_pe_m, b_pe_m, W_pe_s, b_pe_s, W_pr_m, b_pr_m, W_pr_s, b_pr_s):
    src, dst = edge_index[0], edge_index[1]
    cur_h = h0[-1, 0]
    x = jnp.concatenate([ent_embeds[node_ids], jnp.broadcast_to(cur_h, (node_ids.shape[0], cur_h.shape[0]))], axis=-1)
    enc_ent_mean = _rgcn(x, src, dst, edge_type, W_rel_m, W_loop_m, b_m)
    enc_ent_std = _softplus(_rgcn(x, src, dst, edge_type, W_rel_s, W_loop_s, b_s)) + 1e-6
    rel_enc_mean = jnp.broadcast_to(cur_h @ W_re_m + b_re_m, (R2, EMBED))
    rel_enc_std = jnp.broadcast_to(_softplus(cur_h @ W_re_s + b_re_s) + 1e-6, (R2, EMBED))
    k = jax.random.key(1)
    eps_s = jax.random.normal(jax.random.fold_in(k, 0), (trip_s.shape[0], EMBED), jnp.float32)
    eps_r = jax.random.normal(jax.random.fold_in(k, 1), (trip_s.shape[0], EMBED), jnp.float32)
    eps_o = jax.random.normal(jax.random.fold_in(k, 2), (trip_s.shape[0], EMBED), jnp.float32)
    s = enc_ent_mean[trip_s] + eps_s * enc_ent_std[trip_s]
    r = rel_enc_mean[trip_r] + eps_r * rel_enc_std[trip_r]
    o = enc_ent_mean[trip_o] + eps_o * enc_ent_std[trip_o]
    score = jnp.sum(s * r * o, axis=1)
    y = labels.astype(jnp.float32)
    predict_loss = jnp.mean(jnp.maximum(score, 0.0) - score * y + jnp.log1p(jnp.exp(-jnp.abs(score))))
    prior_h = jax.nn.relu(cur_h @ W_prior + b_prior)
    p_ent_mean = prior_h @ W_pe_m + b_pe_m
    p_ent_std = _softplus(prior_h @ W_pe_s + b_pe_s) + 1e-6
    p_rel_mean = prior_h @ W_pr_m + b_pr_m
    p_rel_std = _softplus(prior_h @ W_pr_s + b_pr_s) + 1e-6
    kld = _kld_gauss(enc_ent_mean, enc_ent_std, jnp.broadcast_to(p_ent_mean, enc_ent_mean.shape), jnp.broadcast_to(p_ent_std, enc_ent_std.shape))
    kld = kld + _kld_gauss(rel_enc_mean, rel_enc_std, jnp.broadcast_to(p_rel_mean, rel_enc_mean.shape), jnp.broadcast_to(p_rel_std, rel_enc_std.shape))
    return predict_loss + kld

if __name__ == "__main__":
    import jax
    _d = setup_inputs()
    print(jax.jit(kernel)(*tuple(_d.values())))

</pallas_src>

<mosaic_0001>
#map = affine_map<(d0, d1) -> (0, 0)>
#map1 = affine_map<(d0, d1) -> (0)>
module attributes {stable_mosaic.version = 14 : i64} {
  func.func @_sc_e_body(%arg0: i32, %arg1: i32, %arg2: memref<10000x256xf32, #tpu.memory_space<hbm>>, %arg3: memref<20000xi32, #tpu.memory_space<hbm>>, %arg4: memref<20000xi32, #tpu.memory_space<hbm>>, %arg5: memref<20000x256xf32, #tpu.memory_space<hbm>>, %arg6: memref<20000x256xf32, #tpu.memory_space<hbm>>, %arg7: memref<128xi32, #tpu.memory_space<vmem>>, %arg8: memref<128xi32, #tpu.memory_space<vmem>>, %arg9: memref<128x256xf32, #tpu.memory_space<vmem>>, %arg10: memref<128x256xf32, #tpu.memory_space<vmem>>, %arg11: memref<!tpu.dma_semaphore, #tpu.memory_space<semaphore_mem>>, %arg12: memref<!tpu.dma_semaphore, #tpu.memory_space<semaphore_mem>>) attributes {dimension_semantics = [#tpu.dimension_semantics<core_parallel>, #tpu.dimension_semantics<subcore_parallel>], iteration_bounds = array<i64: 2, 16>, scalar_prefetch = 0 : i64, scratch_operands = 6 : i64, tpu.core_type = #tpu.core_type<sc_vector_subcore>, window_params = [{transform_indices = #map}, {transform_indices = #map1}, {transform_indices = #map1}, {transform_indices = #map}, {transform_indices = #map}]} {
    %mul3A = arith.constant 2 : i32
    %mul3A_0 = arith.muli %arg1, %mul3A : i32
    %add3A = arith.addi %mul3A_0, %arg0 : i32
    %scan3A = arith.constant 0 : i32
    %scan3A_1 = arith.constant 0 : i32
    %scan3A_2 = arith.constant 5 : i32
    %scan3A_3 = arith.addi %scan3A_1, %scan3A_2 : i32
    %scan3A_4 = arith.constant 1 : i32
    %scan3A_5 = scf.for %scan3A_7 = %scan3A_1 to %scan3A_3 step %scan3A_4 iter_args(%scan3A_8 = %scan3A) -> (i32)  : i32 {
      %mul3A_9 = arith.constant 32 : i32
      %mul3A_10 = arith.muli %mul3A_9, %scan3A_7 : i32
      %add3A_11 = arith.addi %add3A, %mul3A_10 : i32
      %min3A = arith.constant 156 : i32
      %min3A_12 = arith.minsi %add3A_11, %min3A : i32
      %mul3A_13 = arith.constant 128 : i32
      %mul3A_14 = arith.muli %min3A_12, %mul3A_13 : i32
      %min3A_15 = arith.constant 19872 : i32
      %min3A_16 = arith.minsi %mul3A_14, %min3A_15 : i32
      "tpu.region"() ({
        %run_scoped3A = tpu.sem_alloc : memref<!tpu.dma_semaphore, #tpu.memory_space<semaphore_mem>>
        %dma_start3A_28 = tpu.memref_slice %arg3[%min3A_16] : memref<20000xi32, #tpu.memory_space<hbm>> -> memref<128xi32, #tpu.memory_space<hbm>>
        %dma_start3A_29 = tpu.memref_slice %arg3[%min3A_16] : memref<20000xi32, #tpu.memory_space<hbm>> -> memref<128xi32, #tpu.memory_space<hbm>>
        tpu.enqueue_dma source(%dma_start3A_29 : memref<128xi32, #tpu.memory_space<hbm>>) target(%arg7 : memref<128xi32, #tpu.memory_space<vmem>>) target_semaphore(%run_scoped3A : memref<!tpu.dma_semaphore, #tpu.memory_space<semaphore_mem>>)
        %dma_wait3A_30 = tpu.memref_slice %arg3[%min3A_16] : memref<20000xi32, #tpu.memory_space<hbm>> -> memref<128xi32, #tpu.memory_space<hbm>>
        %dma_wait3A_31 = tpu.memref_slice %arg3[%min3A_16] : memref<20000xi32, #tpu.memory_space<hbm>> -> memref<128xi32, #tpu.memory_space<hbm>>
        tpu.wait_dma2 semaphore(%run_scoped3A : memref<!tpu.dma_semaphore, #tpu.memory_space<semaphore_mem>>) src(%dma_wait3A_31 : memref<128xi32, #tpu.memory_space<hbm>>) dst(%arg7 : memref<128xi32, #tpu.memory_space<vmem>>)
        tpu.yield
      }) : () -> ()
      "tpu.region"() ({
        %run_scoped3A = tpu.sem_alloc : memref<!tpu.dma_semaphore, #tpu.memory_space<semaphore_mem>>
        %dma_start3A_28 = tpu.memref_slice %arg4[%min3A_16] : memref<20000xi32, #tpu.memory_space<hbm>> -> memref<128xi32, #tpu.memory_space<hbm>>
        %dma_start3A_29 = tpu.memref_slice %arg4[%min3A_16] : memref<20000xi32, #tpu.memory_space<hbm>> -> memref<128xi32, #tpu.memory_space<hbm>>
        tpu.enqueue_dma source(%dma_start3A_29 : memref<128xi32, #tpu.memory_space<hbm>>) target(%arg8 : memref<128xi32, #tpu.memory_space<vmem>>) target_semaphore(%run_scoped3A : memref<!tpu.dma_semaphore, #tpu.memory_space<semaphore_mem>>)
        %dma_wait3A_30 = tpu.memref_slice %arg4[%min3A_16] : memref<20000xi32, #tpu.memory_space<hbm>> -> memref<128xi32, #tpu.memory_space<hbm>>
        %dma_wait3A_31 = tpu.memref_slice %arg4[%min3A_16] : memref<20000xi32, #tpu.memory_space<hbm>> -> memref<128xi32, #tpu.memory_space<hbm>>
        tpu.wait_dma2 semaphore(%run_scoped3A : memref<!tpu.dma_semaphore, #tpu.memory_space<semaphore_mem>>) src(%dma_wait3A_31 : memref<128xi32, #tpu.memory_space<hbm>>) dst(%arg8 : memref<128xi32, #tpu.memory_space<vmem>>)
        tpu.yield
      }) : () -> ()
      %dma_start3A = arith.constant 0 : i32
      %dma_start3A_17 = arith.constant 0 : i32
      %dma_start3A_18 = tpu.memref_slice %arg2[%dma_start3A, %dma_start3A_17] : memref<10000x256xf32, #tpu.memory_space<hbm>> -> memref<10000x256xf32, #tpu.memory_space<hbm>>
      tpu.enqueue_indirect_dma source(%dma_start3A_18 : memref<10000x256xf32, #tpu.memory_space<hbm>>) target(%arg9 : memref<128x256xf32, #tpu.memory_space<vmem>>) offsets(%arg7 : memref<128xi32, #tpu.memory_space<vmem>>) semaphore(%arg11 : memref<!tpu.dma_semaphore, #tpu.memory_space<semaphore_mem>>)
      %dma_start3A_19 = arith.constant 0 : i32
      %dma_start3A_20 = arith.constant 0 : i32
      %dma_start3A_21 = tpu.memref_slice %arg2[%dma_start3A_19, %dma_start3A_20] : memref<10000x256xf32, #tpu.memory_space<hbm>> -> memref<10000x256xf32, #tpu.memory_space<hbm>>
      tpu.enqueue_indirect_dma source(%dma_start3A_21 : memref<10000x256xf32, #tpu.memory_space<hbm>>) target(%arg10 : memref<128x256xf32, #tpu.memory_space<vmem>>) offsets(%arg8 : memref<128xi32, #tpu.memory_space<vmem>>) semaphore(%arg12 : memref<!tpu.dma_semaphore, #tpu.memory_space<semaphore_mem>>)
      %dma_wait3A = arith.constant 0 : i32
      %dma_wait3A_22 = arith.constant 0 : i32
      %dma_wait3A_23 = tpu.memref_slice %arg2[%dma_wait3A, %dma_wait3A_22] : memref<10000x256xf32, #tpu.memory_space<hbm>> -> memref<10000x256xf32, #tpu.memory_space<hbm>>
      tpu.wait_indirect_dma semaphore(%arg11 : memref<!tpu.dma_semaphore, #tpu.memory_space<semaphore_mem>>) src(%dma_wait3A_23 : memref<10000x256xf32, #tpu.memory_space<hbm>>) dst(%arg9 : memref<128x256xf32, #tpu.memory_space<vmem>>)
      "tpu.region"() ({
        %run_scoped3A = tpu.sem_alloc : memref<!tpu.dma_semaphore, #tpu.memory_space<semaphore_mem>>
        %dma_start3A_28 = arith.constant 0 : i32
        %dma_start3A_29 = tpu.memref_slice %arg5[%min3A_16, %dma_start3A_28] : memref<20000x256xf32, #tpu.memory_space<hbm>> -> memref<128x256xf32, #tpu.memory_space<hbm>>
        %dma_start3A_30 = arith.constant 0 : i32
        %dma_start3A_31 = tpu.memref_slice %arg5[%min3A_16, %dma_start3A_30] : memref<20000x256xf32, #tpu.memory_space<hbm>> -> memref<128x256xf32, #tpu.memory_space<hbm>>
        tpu.enqueue_dma source(%arg9 : memref<128x256xf32, #tpu.memory_space<vmem>>) target(%dma_start3A_31 : memref<128x256xf32, #tpu.memory_space<hbm>>) target_semaphore(%run_scoped3A : memref<!tpu.dma_semaphore, #tpu.memory_space<semaphore_mem>>)
        %dma_wait3A_32 = arith.constant 0 : i32
        %dma_wait3A_33 = tpu.memref_slice %arg5[%min3A_16, %dma_wait3A_32] : memref<20000x256xf32, #tpu.memory_space<hbm>> -> memref<128x256xf32, #tpu.memory_space<hbm>>
        %dma_wait3A_34 = arith.constant 0 : i32
        %dma_wait3A_35 = tpu.memref_slice %arg5[%min3A_16, %dma_wait3A_34] : memref<20000x256xf32, #tpu.memory_space<hbm>> -> memref<128x256xf32, #tpu.memory_space<hbm>>
        tpu.wait_dma2 semaphore(%run_scoped3A : memref<!tpu.dma_semaphore, #tpu.memory_space<semaphore_mem>>) src(%arg9 : memref<128x256xf32, #tpu.memory_space<vmem>>) dst(%dma_wait3A_35 : memref<128x256xf32, #tpu.memory_space<hbm>>)
        tpu.yield
      }) : () -> ()
      %dma_wait3A_24 = arith.constant 0 : i32
      %dma_wait3A_25 = arith.constant 0 : i32
      %dma_wait3A_26 = tpu.memref_slice %arg2[%dma_wait3A_24, %dma_wait3A_25] : memref<10000x256xf32, #tpu.memory_space<hbm>> -> memref<10000x256xf32, #tpu.memory_space<hbm>>
      tpu.wait_indirect_dma semaphore(%arg12 : memref<!tpu.dma_semaphore, #tpu.memory_space<semaphore_mem>>) src(%dma_wait3A_26 : memref<10000x256xf32, #tpu.memory_space<hbm>>) dst(%arg10 : memref<128x256xf32, #tpu.memory_space<vmem>>)
      "tpu.region"() ({
        %run_scoped3A = tpu.sem_alloc : memref<!tpu.dma_semaphore, #tpu.memory_space<semaphore_mem>>
        %dma_start3A_28 = arith.constant 0 : i32
        %dma_start3A_29 = tpu.memref_slice %arg6[%min3A_16, %dma_start3A_28] : memref<20000x256xf32, #tpu.memory_space<hbm>> -> memref<128x256xf32, #tpu.memory_space<hbm>>
        %dma_start3A_30 = arith.constant 0 : i32
        %dma_start3A_31 = tpu.memref_slice %arg6[%min3A_16, %dma_start3A_30] : memref<20000x256xf32, #tpu.memory_space<hbm>> -> memref<128x256xf32, #tpu.memory_space<hbm>>
        tpu.enqueue_dma source(%arg10 : memref<128x256xf32, #tpu.memory_space<vmem>>) target(%dma_start3A_31 : memref<128x256xf32, #tpu.memory_space<hbm>>) target_semaphore(%run_scoped3A : memref<!tpu.dma_semaphore, #tpu.memory_space<semaphore_mem>>)
        %dma_wait3A_32 = arith.constant 0 : i32
        %dma_wait3A_33 = tpu.memref_slice %arg6[%min3A_16, %dma_wait3A_32] : memref<20000x256xf32, #tpu.memory_space<hbm>> -> memref<128x256xf32, #tpu.memory_space<hbm>>
        %dma_wait3A_34 = arith.constant 0 : i32
        %dma_wait3A_35 = tpu.memref_slice %arg6[%min3A_16, %dma_wait3A_34] : memref<20000x256xf32, #tpu.memory_space<hbm>> -> memref<128x256xf32, #tpu.memory_space<hbm>>
        tpu.wait_dma2 semaphore(%run_scoped3A : memref<!tpu.dma_semaphore, #tpu.memory_space<semaphore_mem>>) src(%arg10 : memref<128x256xf32, #tpu.memory_space<vmem>>) dst(%dma_wait3A_35 : memref<128x256xf32, #tpu.memory_space<hbm>>)
        tpu.yield
      }) : () -> ()
      %scan3A_27 = arith.constant 0 : i32
      scf.yield %scan3A_27 : i32
    }
    %scan3A_6 = arith.constant 5 : i32
    return
  }
}

#map = affine_map<(d0, d1) -> (0, 0)>
#map1 = affine_map<(d0, d1) -> (0)>
module attributes {stable_mosaic.version = 14 : i64} {
  func.func @_sc_a_body(%arg0: i32, %arg1: i32, %arg2: memref<10000x128xf32, #tpu.memory_space<hbm>>, %arg3: memref<10000xi32, #tpu.memory_space<hbm>>, %arg4: memref<160000xi32, #tpu.memory_space<hbm>>, %arg5: memref<640xf32, #tpu.memory_space<hbm>>, %arg6: memref<128xf32, #tpu.memory_space<hbm>>, %arg7: memref<10000x128xf32, #tpu.memory_space<hbm>>, %arg8: memref<10000xf32, #tpu.memory_space<hbm>>, %arg9: memref<10000xf32, #tpu.memory_space<hbm>>, %arg10: memref<128xi32, #tpu.memory_space<vmem>>, %arg11: memref<128x128xf32, #tpu.memory_space<vmem>>, %arg12: memref<128xf32, #tpu.memory_space<vmem>>, %arg13: memref<640xf32, #tpu.memory_space<vmem>>, %arg14: memref<10000xf32, #tpu.memory_space<vmem_shared>>, %arg15: memref<!tpu.dma_semaphore, #tpu.memory_space<semaphore_mem>>) attributes {dimension_semantics = [#tpu.dimension_semantics<core_parallel>, #tpu.dimension_semantics<subcore_parallel>], iteration_bounds = array<i64: 2, 16>, scalar_prefetch = 0 : i64, scratch_operands = 6 : i64, tpu.core_type = #tpu.core_type<sc_vector_subcore>, window_params = [{transform_indices = #map}, {transform_indices = #map1}, {transform_indices = #map1}, {transform_indices = #map1}, {transform_indices = #map1}, {transform_indices = #map}, {transform_indices = #map1}, {transform_indices = #map1}]} {
    %mul3A = arith.constant 2 : i32
    %mul3A_0 = arith.muli %arg1, %mul3A : i32
    %add3A = arith.addi %mul3A_0, %arg0 : i32
    %scan3A = arith.constant 0 : i32
    %scan3A_1 = arith.constant 0 : i32
    %scan3A_2 = arith.constant 3 : i32
    %scan3A_3 = arith.addi %scan3A_1, %scan3A_2 : i32
    %scan3A_4 = arith.constant 1 : i32
    %scan3A_5 = scf.for %scan3A_31 = %scan3A_1 to %scan3A_3 step %scan3A_4 iter_args(%scan3A_32 = %scan3A) -> (i32)  : i32 {
      %mul3A_33 = arith.constant 32 : i32
      %mul3A_34 = arith.muli %mul3A_33, %scan3A_31 : i32
      %add3A_35 = arith.addi %add3A, %mul3A_34 : i32
      %min3A_36 = arith.constant 78 : i32
      %min3A_37 = arith.minsi %add3A_35, %min3A_36 : i32
      %mul3A_38 = arith.constant 128 : i32
      %mul3A_39 = arith.muli %min3A_37, %mul3A_38 : i32
      %min3A_40 = arith.constant 9872 : i32
      %min3A_41 = arith.minsi %mul3A_39, %min3A_40 : i32
      "tpu.region"() ({
        %run_scoped3A = tpu.sem_alloc : memref<!tpu.dma_semaphore, #tpu.memory_space<semaphore_mem>>
        %dma_start3A_47 = tpu.memref_slice %arg3[%min3A_41] : memref<10000xi32, #tpu.memory_space<hbm>> -> memref<128xi32, #tpu.memory_space<hbm>>
        %dma_start3A_48 = tpu.memref_slice %arg3[%min3A_41] : memref<10000xi32, #tpu.memory_space<hbm>> -> memref<128xi32, #tpu.memory_space<hbm>>
        tpu.enqueue_dma source(%dma_start3A_48 : memref<128xi32, #tpu.memory_space<hbm>>) target(%arg10 : memref<128xi32, #tpu.memory_space<vmem>>) target_semaphore(%run_scoped3A : memref<!tpu.dma_semaphore, #tpu.memory_space<semaphore_mem>>)
        %dma_wait3A_49 = tpu.memref_slice %arg3[%min3A_41] : memref<10000xi32, #tpu.memory_space<hbm>> -> memref<128xi32, #tpu.memory_space<hbm>>
        %dma_wait3A_50 = tpu.memref_slice %arg3[%min3A_41] : memref<10000xi32, #tpu.memory_space<hbm>> -> memref<128xi32, #tpu.memory_space<hbm>>
        tpu.wait_dma2 semaphore(%run_scoped3A : memref<!tpu.dma_semaphore, #tpu.memory_space<semaphore_mem>>) src(%dma_wait3A_50 : memref<128xi32, #tpu.memory_space<hbm>>) dst(%arg10 : memref<128xi32, #tpu.memory_space<vmem>>)
        tpu.yield
      }) : () -> ()
      %dma_start3A = arith.constant 0 : i32
      %dma_start3A_42 = arith.constant 0 : i32
      %dma_start3A_43 = tpu.memref_slice %arg2[%dma_start3A, %dma_start3A_42] : memref<10000x128xf32, #tpu.memory_space<hbm>> -> memref<10000x128xf32, #tpu.memory_space<hbm>>
      tpu.enqueue_indirect_dma source(%dma_start3A_43 : memref<10000x128xf32, #tpu.memory_space<hbm>>) target(%arg11 : memref<128x128xf32, #tpu.memory_space<vmem>>) offsets(%arg10 : memref<128xi32, #tpu.memory_space<vmem>>) semaphore(%arg15 : memref<!tpu.dma_semaphore, #tpu.memory_space<semaphore_mem>>)
      %dma_wait3A = arith.constant 0 : i32
      %dma_wait3A_44 = arith.constant 0 : i32
      %dma_wait3A_45 = tpu.memref_slice %arg2[%dma_wait3A, %dma_wait3A_44] : memref<10000x128xf32, #tpu.memory_space<hbm>> -> memref<10000x128xf32, #tpu.memory_space<hbm>>
      tpu.wait_indirect_dma semaphore(%arg15 : memref<!tpu.dma_semaphore, #tpu.memory_space<semaphore_mem>>) src(%dma_wait3A_45 : memref<10000x128xf32, #tpu.memory_space<hbm>>) dst(%arg11 : memref<128x128xf32, #tpu.memory_space<vmem>>)
      "tpu.region"() ({
        %run_scoped3A = tpu.sem_alloc : memref<!tpu.dma_semaphore, #tpu.memory_space<semaphore_mem>>
        %dma_start3A_47 = arith.constant 0 : i32
        %dma_start3A_48 = tpu.memref_slice %arg7[%min3A_41, %dma_start3A_47] : memref<10000x128xf32, #tpu.memory_space<hbm>> -> memref<128x128xf32, #tpu.memory_space<hbm>>
        %dma_start3A_49 = arith.constant 0 : i32
        %dma_start3A_50 = tpu.memref_slice %arg7[%min3A_41, %dma_start3A_49] : memref<10000x128xf32, #tpu.memory_space<hbm>> -> memref<128x128xf32, #tpu.memory_space<hbm>>
        tpu.enqueue_dma source(%arg11 : memref<128x128xf32, #tpu.memory_space<vmem>>) target(%dma_start3A_50 : memref<128x128xf32, #tpu.memory_space<hbm>>) target_semaphore(%run_scoped3A : memref<!tpu.dma_semaphore, #tpu.memory_space<semaphore_mem>>)
        %dma_wait3A_51 = arith.constant 0 : i32
        %dma_wait3A_52 = tpu.memref_slice %arg7[%min3A_41, %dma_wait3A_51] : memref<10000x128xf32, #tpu.memory_space<hbm>> -> memref<128x128xf32, #tpu.memory_space<hbm>>
        %dma_wait3A_53 = arith.constant 0 : i32
        %dma_wait3A_54 = tpu.memref_slice %arg7[%min3A_41, %dma_wait3A_53] : memref<10000x128xf32, #tpu.memory_space<hbm>> -> memref<128x128xf32, #tpu.memory_space<hbm>>
        tpu.wait_dma2 semaphore(%run_scoped3A : memref<!tpu.dma_semaphore, #tpu.memory_space<semaphore_mem>>) src(%arg11 : memref<128x128xf32, #tpu.memory_space<vmem>>) dst(%dma_wait3A_54 : memref<128x128xf32, #tpu.memory_space<hbm>>)
        tpu.yield
      }) : () -> ()
      %scan3A_46 = arith.constant 0 : i32
      scf.yield %scan3A_46 : i32
    }
    %scan3A_6 = arith.constant 3 : i32
    %mul3A_7 = arith.constant 640 : i32
    %mul3A_8 = arith.muli %arg1, %mul3A_7 : i32
    %min3A = arith.constant 9360 : i32
    %min3A_9 = arith.minsi %mul3A_8, %min3A : i32
    "tpu.region"() ({
      %run_scoped3A = tpu.sem_alloc : memref<!tpu.dma_semaphore, #tpu.memory_space<semaphore_mem>>
      tpu.enqueue_dma source(%arg5 : memref<640xf32, #tpu.memory_space<hbm>>) target(%arg13 : memref<640xf32, #tpu.memory_space<vmem>>) target_semaphore(%run_scoped3A : memref<!tpu.dma_semaphore, #tpu.memory_space<semaphore_mem>>)
      tpu.wait_dma2 semaphore(%run_scoped3A : memref<!tpu.dma_semaphore, #tpu.memory_space<semaphore_mem>>) src(%arg5 : memref<640xf32, #tpu.memory_space<hbm>>) dst(%arg13 : memref<640xf32, #tpu.memory_space<vmem>>)
      tpu.yield
    }) : () -> ()
    "tpu.region"() ({
      %run_scoped3A = tpu.sem_alloc : memref<!tpu.dma_semaphore, #tpu.memory_space<semaphore_mem>>
      %dma_start3A = tpu.memref_slice %arg14[%min3A_9] : memref<10000xf32, #tpu.memory_space<vmem_shared>> -> memref<640xf32, #tpu.memory_space<vmem_shared>>
      %dma_start3A_31 = tpu.memref_slice %arg14[%min3A_9] : memref<10000xf32, #tpu.memory_space<vmem_shared>> -> memref<640xf32, #tpu.memory_space<vmem_shared>>
      tpu.enqueue_dma source(%arg13 : memref<640xf32, #tpu.memory_space<vmem>>) target(%dma_start3A_31 : memref<640xf32, #tpu.memory_space<vmem_shared>>) target_semaphore(%run_scoped3A : memref<!tpu.dma_semaphore, #tpu.memory_space<semaphore_mem>>)
      %dma_wait3A = tpu.memref_slice %arg14[%min3A_9] : memref<10000xf32, #tpu.memory_space<vmem_shared>> -> memref<640xf32, #tpu.memory_space<vmem_shared>>
      %dma_wait3A_32 = tpu.memref_slice %arg14[%min3A_9] : memref<10000xf32, #tpu.memory_space<vmem_shared>> -> memref<640xf32, #tpu.memory_space<vmem_shared>>
      tpu.wait_dma2 semaphore(%run_scoped3A : memref<!tpu.dma_semaphore, #tpu.memory_space<semaphore_mem>>) src(%arg13 : memref<640xf32, #tpu.memory_space<vmem>>) dst(%dma_wait3A_32 : memref<640xf32, #tpu.memory_space<vmem_shared>>)
      tpu.yield
    }) : () -> ()
    "tpu.region"() ({
      %run_scoped3A = tpu.sem_alloc : memref<!tpu.dma_semaphore, #tpu.memory_space<semaphore_mem>>
      tpu.enqueue_dma source(%arg6 : memref<128xf32, #tpu.memory_space<hbm>>) target(%arg12 : memref<128xf32, #tpu.memory_space<vmem>>) target_semaphore(%run_scoped3A : memref<!tpu.dma_semaphore, #tpu.memory_space<semaphore_mem>>)
      tpu.wait_dma2 semaphore(%run_scoped3A : memref<!tpu.dma_semaphore, #tpu.memory_space<semaphore_mem>>) src(%arg6 : memref<128xf32, #tpu.memory_space<hbm>>) dst(%arg12 : memref<128xf32, #tpu.memory_space<vmem>>)
      tpu.yield
    }) : () -> ()
    %barrier3A = arith.constant 0 : index
    tpu.barrier barrier_id(%barrier3A)
    %lt3A = arith.constant 2 : i32
    %lt3A_10 = arith.cmpi slt, %add3A, %lt3A : i32
    %jit3A = arith.constant 40 : i32
    %jit3A_11 = arith.constant 39 : i32
    %select_n3A = arith.select %lt3A_10, %jit3A, %jit3A_11 : i32
    %while3A = arith.constant 0 : i32
    %while3A_12 = arith.constant 0 : i32
    %while3A_13 = arith.subi %select_n3A, %while3A : i32
    %while3A_14 = arith.addi %while3A, %while3A_13 : i32
    %while3A_15 = arith.constant 1 : i32
    %while3A_16 = arith.divsi %while3A_13, %while3A_15 : i32
    %while3A_17 = arith.muli %while3A_16, %while3A_15 : i32
    %while3A_18 = arith.addi %while3A, %while3A_17 : i32
    %while3A_19 = arith.constant 1 : i32
    %while3A_20 = scf.for %while3A_31 = %while3A to %while3A_18 step %while3A_19 iter_args(%while3A_32 = %while3A_12) -> (i32)  : i32 {
      %mul3A_33 = arith.constant 32 : i32
      %mul3A_34 = arith.muli %mul3A_33, %while3A_31 : i32
      %add3A_35 = arith.addi %add3A, %mul3A_34 : i32
      %mul3A_36 = arith.constant 128 : i32
      %mul3A_37 = arith.muli %add3A_35, %mul3A_36 : i32
      "tpu.region"() ({
        %run_scoped3A = tpu.sem_alloc : memref<!tpu.dma_semaphore, #tpu.memory_space<semaphore_mem>>
        %dma_start3A = tpu.memref_slice %arg4[%mul3A_37] : memref<160000xi32, #tpu.memory_space<hbm>> -> memref<128xi32, #tpu.memory_space<hbm>>
        %dma_start3A_39 = tpu.memref_slice %arg4[%mul3A_37] : memref<160000xi32, #tpu.memory_space<hbm>> -> memref<128xi32, #tpu.memory_space<hbm>>
        tpu.enqueue_dma source(%dma_start3A_39 : memref<128xi32, #tpu.memory_space<hbm>>) target(%arg10 : memref<128xi32, #tpu.memory_space<vmem>>) target_semaphore(%run_scoped3A : memref<!tpu.dma_semaphore, #tpu.memory_space<semaphore_mem>>)
        %dma_wait3A = tpu.memref_slice %arg4[%mul3A_37] : memref<160000xi32, #tpu.memory_space<hbm>> -> memref<128xi32, #tpu.memory_space<hbm>>
        %dma_wait3A_40 = tpu.memref_slice %arg4[%mul3A_37] : memref<160000xi32, #tpu.memory_space<hbm>> -> memref<128xi32, #tpu.memory_space<hbm>>
        tpu.wait_dma2 semaphore(%run_scoped3A : memref<!tpu.dma_semaphore, #tpu.memory_space<semaphore_mem>>) src(%dma_wait3A_40 : memref<128xi32, #tpu.memory_space<hbm>>) dst(%arg10 : memref<128xi32, #tpu.memory_space<vmem>>)
        tpu.yield
      }) : () -> ()
      "tpu.region"() ({
        %run_scoped3A = tpu.sem_alloc : memref<!tpu.dma_semaphore, #tpu.memory_space<semaphore_mem>>
        %dma_start3A = arith.constant 0 : i32
        %dma_start3A_39 = tpu.memref_slice %arg14[%dma_start3A] : memref<10000xf32, #tpu.memory_space<vmem_shared>> -> memref<10000xf32, #tpu.memory_space<vmem_shared>>
        tpu.enqueue_indirect_dma source(%arg12 : memref<128xf32, #tpu.memory_space<vmem>>) target(%dma_start3A_39 : memref<10000xf32, #tpu.memory_space<vmem_shared>>) offsets(%arg10 : memref<128xi32, #tpu.memory_space<vmem>>) semaphore(%run_scoped3A : memref<!tpu.dma_semaphore, #tpu.memory_space<semaphore_mem>>) {add = true}
        %dma_wait3A = arith.constant 0 : i32
        %dma_wait3A_40 = tpu.memref_slice %arg14[%dma_wait3A] : memref<10000xf32, #tpu.memory_space<vmem_shared>> -> memref<10000xf32, #tpu.memory_space<vmem_shared>>
        tpu.wait_indirect_dma semaphore(%run_scoped3A : memref<!tpu.dma_semaphore, #tpu.memory_space<semaphore_mem>>) src(%arg12 : memref<128xf32, #tpu.memory_space<vmem>>) dst(%dma_wait3A_40 : memref<10000xf32, #tpu.memory_space<vmem_shared>>)
        tpu.yield
      }) : () -> ()
      %while3A_38 = arith.constant 0 : i32
      scf.yield %while3A_38 : i32
    }
    %while3A_21 = arith.constant 1 : i32
    %while3A_22 = scf.for %while3A_31 = %while3A_18 to %while3A_14 step %while3A_21 iter_args(%while3A_32 = %while3A_20) -> (i32)  : i32 {
      %mul3A_33 = arith.constant 32 : i32
      %mul3A_34 = arith.muli %mul3A_33, %while3A_31 : i32
      %add3A_35 = arith.addi %add3A, %mul3A_34 : i32
      %mul3A_36 = arith.constant 128 : i32
      %mul3A_37 = arith.muli %add3A_35, %mul3A_36 : i32
      "tpu.region"() ({
        %run_scoped3A = tpu.sem_alloc : memref<!tpu.dma_semaphore, #tpu.memory_space<semaphore_mem>>
        %dma_start3A = tpu.memref_slice %arg4[%mul3A_37] : memref<160000xi32, #tpu.memory_space<hbm>> -> memref<128xi32, #tpu.memory_space<hbm>>
        %dma_start3A_39 = tpu.memref_slice %arg4[%mul3A_37] : memref<160000xi32, #tpu.memory_space<hbm>> -> memref<128xi32, #tpu.memory_space<hbm>>
        tpu.enqueue_dma source(%dma_start3A_39 : memref<128xi32, #tpu.memory_space<hbm>>) target(%arg10 : memref<128xi32, #tpu.memory_space<vmem>>) target_semaphore(%run_scoped3A : memref<!tpu.dma_semaphore, #tpu.memory_space<semaphore_mem>>)
        %dma_wait3A = tpu.memref_slice %arg4[%mul3A_37] : memref<160000xi32, #tpu.memory_space<hbm>> -> memref<128xi32, #tpu.memory_space<hbm>>
        %dma_wait3A_40 = tpu.memref_slice %arg4[%mul3A_37] : memref<160000xi32, #tpu.memory_space<hbm>> -> memref<128xi32, #tpu.memory_space<hbm>>
        tpu.wait_dma2 semaphore(%run_scoped3A : memref<!tpu.dma_semaphore, #tpu.memory_space<semaphore_mem>>) src(%dma_wait3A_40 : memref<128xi32, #tpu.memory_space<hbm>>) dst(%arg10 : memref<128xi32, #tpu.memory_space<vmem>>)
        tpu.yield
      }) : () -> ()
      "tpu.region"() ({
        %run_scoped3A = tpu.sem_alloc : memref<!tpu.dma_semaphore, #tpu.memory_space<semaphore_mem>>
        %dma_start3A = arith.constant 0 : i32
        %dma_start3A_39 = tpu.memref_slice %arg14[%dma_start3A] : memref<10000xf32, #tpu.memory_space<vmem_shared>> -> memref<10000xf32, #tpu.memory_space<vmem_shared>>
        tpu.enqueue_indirect_dma source(%arg12 : memref<128xf32, #tpu.memory_space<vmem>>) target(%dma_start3A_39 : memref<10000xf32, #tpu.memory_space<vmem_shared>>) offsets(%arg10 : memref<128xi32, #tpu.memory_space<vmem>>) semaphore(%run_scoped3A : memref<!tpu.dma_semaphore, #tpu.memory_space<semaphore_mem>>) {add = true}
        %dma_wait3A = arith.constant 0 : i32
        %dma_wait3A_40 = tpu.memref_slice %arg14[%dma_wait3A] : memref<10000xf32, #tpu.memory_space<vmem_shared>> -> memref<10000xf32, #tpu.memory_space<vmem_shared>>
        tpu.wait_indirect_dma semaphore(%run_scoped3A : memref<!tpu.dma_semaphore, #tpu.memory_space<semaphore_mem>>) src(%arg12 : memref<128xf32, #tpu.memory_space<vmem>>) dst(%dma_wait3A_40 : memref<10000xf32, #tpu.memory_space<vmem_shared>>)
        tpu.yield
      }) : () -> ()
      %while3A_38 = arith.constant 0 : i32
      scf.yield %while3A_38 : i32
    }
    %barrier3A_23 = arith.constant 0 : index
    tpu.barrier barrier_id(%barrier3A_23)
    "tpu.region"() ({
      %run_scoped3A = tpu.sem_alloc : memref<!tpu.dma_semaphore, #tpu.memory_space<semaphore_mem>>
      %dma_start3A = tpu.memref_slice %arg14[%min3A_9] : memref<10000xf32, #tpu.memory_space<vmem_shared>> -> memref<640xf32, #tpu.memory_space<vmem_shared>>
      %dma_start3A_31 = tpu.memref_slice %arg14[%min3A_9] : memref<10000xf32, #tpu.memory_space<vmem_shared>> -> memref<640xf32, #tpu.memory_space<vmem_shared>>
      tpu.enqueue_dma source(%dma_start3A_31 : memref<640xf32, #tpu.memory_space<vmem_shared>>) target(%arg13 : memref<640xf32, #tpu.memory_space<vmem>>) target_semaphore(%run_scoped3A : memref<!tpu.dma_semaphore, #tpu.memory_space<semaphore_mem>>)
      %dma_wait3A = tpu.memref_slice %arg14[%min3A_9] : memref<10000xf32, #tpu.memory_space<vmem_shared>> -> memref<640xf32, #tpu.memory_space<vmem_shared>>
      %dma_wait3A_32 = tpu.memref_slice %arg14[%min3A_9] : memref<10000xf32, #tpu.memory_space<vmem_shared>> -> memref<640xf32, #tpu.memory_space<vmem_shared>>
      tpu.wait_dma2 semaphore(%run_scoped3A : memref<!tpu.dma_semaphore, #tpu.memory_space<semaphore_mem>>) src(%dma_wait3A_32 : memref<640xf32, #tpu.memory_space<vmem_shared>>) dst(%arg13 : memref<640xf32, #tpu.memory_space<vmem>>)
      tpu.yield
    }) : () -> ()
    %eq3A = arith.constant 0 : i32
    %eq3A_24 = arith.cmpi eq, %arg0, %eq3A : i32
    %convert_element_type3A = arith.extui %eq3A_24 : i1 to i32
    %cond3A = arith.constant 0 : i32
    %cond3A_25 = arith.cmpi ne, %convert_element_type3A, %cond3A : i32
    scf.if %cond3A_25 {
      "tpu.region"() ({
        %run_scoped3A = tpu.sem_alloc : memref<!tpu.dma_semaphore, #tpu.memory_space<semaphore_mem>>
        %dma_start3A = tpu.memref_slice %arg8[%min3A_9] : memref<10000xf32, #tpu.memory_space<hbm>> -> memref<640xf32, #tpu.memory_space<hbm>>
        %dma_start3A_31 = tpu.memref_slice %arg8[%min3A_9] : memref<10000xf32, #tpu.memory_space<hbm>> -> memref<640xf32, #tpu.memory_space<hbm>>
        tpu.enqueue_dma source(%arg13 : memref<640xf32, #tpu.memory_space<vmem>>) target(%dma_start3A_31 : memref<640xf32, #tpu.memory_space<hbm>>) target_semaphore(%run_scoped3A : memref<!tpu.dma_semaphore, #tpu.memory_space<semaphore_mem>>)
        %dma_wait3A = tpu.memref_slice %arg8[%min3A_9] : memref<10000xf32, #tpu.memory_space<hbm>> -> memref<640xf32, #tpu.memory_space<hbm>>
        %dma_wait3A_32 = tpu.memref_slice %arg8[%min3A_9] : memref<10000xf32, #tpu.memory_space<hbm>> -> memref<640xf32, #tpu.memory_space<hbm>>
        tpu.wait_dma2 semaphore(%run_scoped3A : memref<!tpu.dma_semaphore, #tpu.memory_space<semaphore_mem>>) src(%arg13 : memref<640xf32, #tpu.memory_space<vmem>>) dst(%dma_wait3A_32 : memref<640xf32, #tpu.memory_space<hbm>>)
        tpu.yield
      }) : () -> ()
    } else {
    }
    %eq3A_26 = arith.constant 1 : i32
    %eq3A_27 = arith.cmpi eq, %arg0, %eq3A_26 : i32
    %convert_element_type3A_28 = arith.extui %eq3A_27 : i1 to i32
    %cond3A_29 = arith.constant 0 : i32
    %cond3A_30 = arith.cmpi ne, %convert_element_type3A_28, %cond3A_29 : i32
    scf.if %cond3A_30 {
      "tpu.region"() ({
        %run_scoped3A = tpu.sem_alloc : memref<!tpu.dma_semaphore, #tpu.memory_space<semaphore_mem>>
        %dma_start3A = tpu.memref_slice %arg9[%min3A_9] : memref<10000xf32, #tpu.memory_space<hbm>> -> memref<640xf32, #tpu.memory_space<hbm>>
        %dma_start3A_31 = tpu.memref_slice %arg9[%min3A_9] : memref<10000xf32, #tpu.memory_space<hbm>> -> memref<640xf32, #tpu.memory_space<hbm>>
        tpu.enqueue_dma source(%arg13 : memref<640xf32, #tpu.memory_space<vmem>>) target(%dma_start3A_31 : memref<640xf32, #tpu.memory_space<hbm>>) target_semaphore(%run_scoped3A : memref<!tpu.dma_semaphore, #tpu.memory_space<semaphore_mem>>)
        %dma_wait3A = tpu.memref_slice %arg9[%min3A_9] : memref<10000xf32, #tpu.memory_space<hbm>> -> memref<640xf32, #tpu.memory_space<hbm>>
        %dma_wait3A_32 = tpu.memref_slice %arg9[%min3A_9] : memref<10000xf32, #tpu.memory_space<hbm>> -> memref<640xf32, #tpu.memory_space<hbm>>
        tpu.wait_dma2 semaphore(%run_scoped3A : memref<!tpu.dma_semaphore, #tpu.memory_space<semaphore_mem>>) src(%arg13 : memref<640xf32, #tpu.memory_space<vmem>>) dst(%dma_wait3A_32 : memref<640xf32, #tpu.memory_space<hbm>>)
        tpu.yield
      }) : () -> ()
    } else {
    }
    return
  }
}

#map = affine_map<(d0, d1) -> (0, 0)>
#map1 = affine_map<(d0, d1) -> (0)>
module attributes {stable_mosaic.version = 14 : i64} {
  func.func @_sc_c_body(%arg0: i32, %arg1: i32, %arg2: memref<80000x128xf32, #tpu.memory_space<hbm>>, %arg3: memref<80000x128xf32, #tpu.memory_space<hbm>>, %arg4: memref<160000xi32, #tpu.memory_space<hbm>>, %arg5: memref<160000xi32, #tpu.memory_space<hbm>>, %arg6: memref<160000xi32, #tpu.memory_space<hbm>>, %arg7: memref<10000xf32, #tpu.memory_space<hbm>>, %arg8: memref<10000xf32, #tpu.memory_space<hbm>>, %arg9: memref<128x128xf32, #tpu.memory_space<hbm>>, %arg10: memref<10000x128xf32, #tpu.memory_space<hbm>>, %arg11: memref<10000x128xf32, #tpu.memory_space<hbm>>, %arg12: memref<10000xf32, #tpu.memory_space<hbm>>, %arg13: memref<128xi32, #tpu.memory_space<vmem>>, %arg14: memref<128xi32, #tpu.memory_space<vmem>>, %arg15: memref<128xi32, #tpu.memory_space<vmem>>, %arg16: memref<128xi32, #tpu.memory_space<vmem>>, %arg17: memref<128xi32, #tpu.memory_space<vmem>>, %arg18: memref<128xi32, #tpu.memory_space<vmem>>, %arg19: memref<128xi32, #tpu.memory_space<vmem>>, %arg20: memref<128xi32, #tpu.memory_space<vmem>>, %arg21: memref<2x128x128xf32, #tpu.memory_space<vmem>>, %arg22: memref<640xf32, #tpu.memory_space<vmem>>, %arg23: memref<640xf32, #tpu.memory_space<vmem>>, %arg24: memref<10000x128xf32, #tpu.memory_space<vmem_shared>>, %arg25: memref<!tpu.dma_semaphore, #tpu.memory_space<semaphore_mem>>) attributes {dimension_semantics = [#tpu.dimension_semantics<core_parallel>, #tpu.dimension_semantics<subcore_parallel>], iteration_bounds = array<i64: 2, 16>, scalar_prefetch = 0 : i64, scratch_operands = 13 : i64, tpu.core_type = #tpu.core_type<sc_vector_subcore>, window_params = [{transform_indices = #map}, {transform_indices = #map}, {transform_indices = #map1}, {transform_indices = #map1}, {transform_indices = #map1}, {transform_indices = #map1}, {transform_indices = #map1}, {transform_indices = #map}, {transform_indices = #map}, {transform_indices = #map}, {transform_indices = #map1}]} {
    %mul3A = arith.constant 640 : i32
    %mul3A_0 = arith.muli %arg1, %mul3A : i32
    %min3A = arith.constant 9360 : i32
    %min3A_1 = arith.minsi %mul3A_0, %min3A : i32
    %run_scoped3A = arith.constant 0 : i32
    "tpu.region"() ({
      %run_scoped3A_131 = tpu.sem_alloc : memref<!tpu.dma_semaphore, #tpu.memory_space<semaphore_mem>>
      %dma_start3A = arith.constant 0 : i32
      %dma_start3A_132 = arith.constant 0 : i32
      %dma_start3A_133 = tpu.memref_slice %arg21[%run_scoped3A, %dma_start3A, %dma_start3A_132] : memref<2x128x128xf32, #tpu.memory_space<vmem>> -> memref<1x128x128xf32, #tpu.memory_space<vmem>>
      %dma_start3A_134 = tpu.memref_squeeze %dma_start3A_133 : memref<1x128x128xf32, #tpu.memory_space<vmem>> -> memref<128x128xf32, #tpu.memory_space<vmem>>
      %dma_start3A_135 = arith.constant 0 : i32
      %dma_start3A_136 = arith.constant 0 : i32
      %dma_start3A_137 = tpu.memref_slice %arg21[%run_scoped3A, %dma_start3A_135, %dma_start3A_136] : memref<2x128x128xf32, #tpu.memory_space<vmem>> -> memref<1x128x128xf32, #tpu.memory_space<vmem>>
      %dma_start3A_138 = tpu.memref_squeeze %dma_start3A_137 : memref<1x128x128xf32, #tpu.memory_space<vmem>> -> memref<128x128xf32, #tpu.memory_space<vmem>>
      tpu.enqueue_dma source(%arg9 : memref<128x128xf32, #tpu.memory_space<hbm>>) target(%dma_start3A_138 : memref<128x128xf32, #tpu.memory_space<vmem>>) target_semaphore(%run_scoped3A_131 : memref<!tpu.dma_semaphore, #tpu.memory_space<semaphore_mem>>)
      %dma_wait3A = arith.constant 0 : i32
      %dma_wait3A_139 = arith.constant 0 : i32
      %dma_wait3A_140 = tpu.memref_slice %arg21[%run_scoped3A, %dma_wait3A, %dma_wait3A_139] : memref<2x128x128xf32, #tpu.memory_space<vmem>> -> memref<1x128x128xf32, #tpu.memory_space<vmem>>
      %dma_wait3A_141 = tpu.memref_squeeze %dma_wait3A_140 : memref<1x128x128xf32, #tpu.memory_space<vmem>> -> memref<128x128xf32, #tpu.memory_space<vmem>>
      %dma_wait3A_142 = arith.constant 0 : i32
      %dma_wait3A_143 = arith.constant 0 : i32
      %dma_wait3A_144 = tpu.memref_slice %arg21[%run_scoped3A, %dma_wait3A_142, %dma_wait3A_143] : memref<2x128x128xf32, #tpu.memory_space<vmem>> -> memref<1x128x128xf32, #tpu.memory_space<vmem>>
      %dma_wait3A_145 = tpu.memref_squeeze %dma_wait3A_144 : memref<1x128x128xf32, #tpu.memory_space<vmem>> -> memref<128x128xf32, #tpu.memory_space<vmem>>
      tpu.wait_dma2 semaphore(%run_scoped3A_131 : memref<!tpu.dma_semaphore, #tpu.memory_space<semaphore_mem>>) src(%arg9 : memref<128x128xf32, #tpu.memory_space<hbm>>) dst(%dma_wait3A_145 : memref<128x128xf32, #tpu.memory_space<vmem>>)
      tpu.yield
    }) : () -> ()
    %add3A = arith.constant 0 : i32
    %add3A_2 = arith.addi %min3A_1, %add3A : i32
    %run_scoped3A_3 = arith.constant 0 : i32
    "tpu.region"() ({
      %run_scoped3A_131 = tpu.sem_alloc : memref<!tpu.dma_semaphore, #tpu.memory_space<semaphore_mem>>
      %dma_start3A = arith.constant 0 : i32
      %dma_start3A_132 = arith.constant 0 : i32
      %dma_start3A_133 = tpu.memref_slice %arg21[%run_scoped3A_3, %dma_start3A, %dma_start3A_132] : memref<2x128x128xf32, #tpu.memory_space<vmem>> -> memref<1x128x128xf32, #tpu.memory_space<vmem>>
      %dma_start3A_134 = tpu.memref_squeeze %dma_start3A_133 : memref<1x128x128xf32, #tpu.memory_space<vmem>> -> memref<128x128xf32, #tpu.memory_space<vmem>>
      %dma_start3A_135 = arith.constant 0 : i32
      %dma_start3A_136 = tpu.memref_slice %arg24[%add3A_2, %dma_start3A_135] : memref<10000x128xf32, #tpu.memory_space<vmem_shared>> -> memref<128x128xf32, #tpu.memory_space<vmem_shared>>
      %dma_start3A_137 = arith.constant 0 : i32
      %dma_start3A_138 = tpu.memref_slice %arg24[%add3A_2, %dma_start3A_137] : memref<10000x128xf32, #tpu.memory_space<vmem_shared>> -> memref<128x128xf32, #tpu.memory_space<vmem_shared>>
      %dma_start3A_139 = arith.constant 0 : i32
      %dma_start3A_140 = arith.constant 0 : i32
      %dma_start3A_141 = tpu.memref_slice %arg21[%run_scoped3A_3, %dma_start3A_139, %dma_start3A_140] : memref<2x128x128xf32, #tpu.memory_space<vmem>> -> memref<1x128x128xf32, #tpu.memory_space<vmem>>
      %dma_start3A_142 = tpu.memref_squeeze %dma_start3A_141 : memref<1x128x128xf32, #tpu.memory_space<vmem>> -> memref<128x128xf32, #tpu.memory_space<vmem>>
      tpu.enqueue_dma source(%dma_start3A_142 : memref<128x128xf32, #tpu.memory_space<vmem>>) target(%dma_start3A_138 : memref<128x128xf32, #tpu.memory_space<vmem_shared>>) target_semaphore(%run_scoped3A_131 : memref<!tpu.dma_semaphore, #tpu.memory_space<semaphore_mem>>)
      %dma_wait3A = arith.constant 0 : i32
      %dma_wait3A_143 = arith.constant 0 : i32
      %dma_wait3A_144 = tpu.memref_slice %arg21[%run_scoped3A_3, %dma_wait3A, %dma_wait3A_143] : memref<2x128x128xf32, #tpu.memory_space<vmem>> -> memref<1x128x128xf32, #tpu.memory_space<vmem>>
      %dma_wait3A_145 = tpu.memref_squeeze %dma_wait3A_144 : memref<1x128x128xf32, #tpu.memory_space<vmem>> -> memref<128x128xf32, #tpu.memory_space<vmem>>
      %dma_wait3A_146 = arith.constant 0 : i32
      %dma_wait3A_147 = tpu.memref_slice %arg24[%add3A_2, %dma_wait3A_146] : memref<10000x128xf32, #tpu.memory_space<vmem_shared>> -> memref<128x128xf32, #tpu.memory_space<vmem_shared>>
      %dma_wait3A_148 = arith.constant 0 : i32
      %dma_wait3A_149 = tpu.memref_slice %arg24[%add3A_2, %dma_wait3A_148] : memref<10000x128xf32, #tpu.memory_space<vmem_shared>> -> memref<128x128xf32, #tpu.memory_space<vmem_shared>>
      %dma_wait3A_150 = arith.constant 0 : i32
      %dma_wait3A_151 = arith.constant 0 : i32
      %dma_wait3A_152 = tpu.memref_slice %arg21[%run_scoped3A_3, %dma_wait3A_150, %dma_wait3A_151] : memref<2x128x128xf32, #tpu.memory_space<vmem>> -> memref<1x128x128xf32, #tpu.memory_space<vmem>>
      %dma_wait3A_153 = tpu.memref_squeeze %dma_wait3A_152 : memref<1x128x128xf32, #tpu.memory_space<vmem>> -> memref<128x128xf32, #tpu.memory_space<vmem>>
      tpu.wait_dma2 semaphore(%run_scoped3A_131 : memref<!tpu.dma_semaphore, #tpu.memory_space<semaphore_mem>>) src(%dma_wait3A_153 : memref<128x128xf32, #tpu.memory_space<vmem>>) dst(%dma_wait3A_149 : memref<128x128xf32, #tpu.memory_space<vmem_shared>>)
      tpu.yield
    }) : () -> ()
    %add3A_4 = arith.constant 128 : i32
    %add3A_5 = arith.addi %min3A_1, %add3A_4 : i32
    %run_scoped3A_6 = arith.constant 0 : i32
    "tpu.region"() ({
      %run_scoped3A_131 = tpu.sem_alloc : memref<!tpu.dma_semaphore, #tpu.memory_space<semaphore_mem>>
      %dma_start3A = arith.constant 0 : i32
      %dma_start3A_132 = arith.constant 0 : i32
      %dma_start3A_133 = tpu.memref_slice %arg21[%run_scoped3A_6, %dma_start3A, %dma_start3A_132] : memref<2x128x128xf32, #tpu.memory_space<vmem>> -> memref<1x128x128xf32, #tpu.memory_space<vmem>>
      %dma_start3A_134 = tpu.memref_squeeze %dma_start3A_133 : memref<1x128x128xf32, #tpu.memory_space<vmem>> -> memref<128x128xf32, #tpu.memory_space<vmem>>
      %dma_start3A_135 = arith.constant 0 : i32
      %dma_start3A_136 = tpu.memref_slice %arg24[%add3A_5, %dma_start3A_135] : memref<10000x128xf32, #tpu.memory_space<vmem_shared>> -> memref<128x128xf32, #tpu.memory_space<vmem_shared>>
      %dma_start3A_137 = arith.constant 0 : i32
      %dma_start3A_138 = tpu.memref_slice %arg24[%add3A_5, %dma_start3A_137] : memref<10000x128xf32, #tpu.memory_space<vmem_shared>> -> memref<128x128xf32, #tpu.memory_space<vmem_shared>>
      %dma_start3A_139 = arith.constant 0 : i32
      %dma_start3A_140 = arith.constant 0 : i32
      %dma_start3A_141 = tpu.memref_slice %arg21[%run_scoped3A_6, %dma_start3A_139, %dma_start3A_140] : memref<2x128x128xf32, #tpu.memory_space<vmem>> -> memref<1x128x128xf32, #tpu.memory_space<vmem>>
      %dma_start3A_142 = tpu.memref_squeeze %dma_start3A_141 : memref<1x128x128xf32, #tpu.memory_space<vmem>> -> memref<128x128xf32, #tpu.memory_space<vmem>>
      tpu.enqueue_dma source(%dma_start3A_142 : memref<128x128xf32, #tpu.memory_space<vmem>>) target(%dma_start3A_138 : memref<128x128xf32, #tpu.memory_space<vmem_shared>>) target_semaphore(%run_scoped3A_131 : memref<!tpu.dma_semaphore, #tpu.memory_space<semaphore_mem>>)
      %dma_wait3A = arith.constant 0 : i32
      %dma_wait3A_143 = arith.constant 0 : i32
      %dma_wait3A_144 = tpu.memref_slice %arg21[%run_scoped3A_6, %dma_wait3A, %dma_wait3A_143] : memref<2x128x128xf32, #tpu.memory_space<vmem>> -> memref<1x128x128xf32, #tpu.memory_space<vmem>>
      %dma_wait3A_145 = tpu.memref_squeeze %dma_wait3A_144 : memref<1x128x128xf32, #tpu.memory_space<vmem>> -> memref<128x128xf32, #tpu.memory_space<vmem>>
      %dma_wait3A_146 = arith.constant 0 : i32
      %dma_wait3A_147 = tpu.memref_slice %arg24[%add3A_5, %dma_wait3A_146] : memref<10000x128xf32, #tpu.memory_space<vmem_shared>> -> memref<128x128xf32, #tpu.memory_space<vmem_shared>>
      %dma_wait3A_148 = arith.constant 0 : i32
      %dma_wait3A_149 = tpu.memref_slice %arg24[%add3A_5, %dma_wait3A_148] : memref<10000x128xf32, #tpu.memory_space<vmem_shared>> -> memref<128x128xf32, #tpu.memory_space<vmem_shared>>
      %dma_wait3A_150 = arith.constant 0 : i32
      %dma_wait3A_151 = arith.constant 0 : i32
      %dma_wait3A_152 = tpu.memref_slice %arg21[%run_scoped3A_6, %dma_wait3A_150, %dma_wait3A_151] : memref<2x128x128xf32, #tpu.memory_space<vmem>> -> memref<1x128x128xf32, #tpu.memory_space<vmem>>
      %dma_wait3A_153 = tpu.memref_squeeze %dma_wait3A_152 : memref<1x128x128xf32, #tpu.memory_space<vmem>> -> memref<128x128xf32, #tpu.memory_space<vmem>>
      tpu.wait_dma2 semaphore(%run_scoped3A_131 : memref<!tpu.dma_semaphore, #tpu.memory_space<semaphore_mem>>) src(%dma_wait3A_153 : memref<128x128xf32, #tpu.memory_space<vmem>>) dst(%dma_wait3A_149 : memref<128x128xf32, #tpu.memory_space<vmem_shared>>)
      tpu.yield
    }) : () -> ()
    %add3A_7 = arith.constant 256 : i32
    %add3A_8 = arith.addi %min3A_1, %add3A_7 : i32
    %run_scoped3A_9 = arith.constant 0 : i32
    "tpu.region"() ({
      %run_scoped3A_131 = tpu.sem_alloc : memref<!tpu.dma_semaphore, #tpu.memory_space<semaphore_mem>>
      %dma_start3A = arith.constant 0 : i32
      %dma_start3A_132 = arith.constant 0 : i32
      %dma_start3A_133 = tpu.memref_slice %arg21[%run_scoped3A_9, %dma_start3A, %dma_start3A_132] : memref<2x128x128xf32, #tpu.memory_space<vmem>> -> memref<1x128x128xf32, #tpu.memory_space<vmem>>
      %dma_start3A_134 = tpu.memref_squeeze %dma_start3A_133 : memref<1x128x128xf32, #tpu.memory_space<vmem>> -> memref<128x128xf32, #tpu.memory_space<vmem>>
      %dma_start3A_135 = arith.constant 0 : i32
      %dma_start3A_136 = tpu.memref_slice %arg24[%add3A_8, %dma_start3A_135] : memref<10000x128xf32, #tpu.memory_space<vmem_shared>> -> memref<128x128xf32, #tpu.memory_space<vmem_shared>>
      %dma_start3A_137 = arith.constant 0 : i32
      %dma_start3A_138 = tpu.memref_slice %arg24[%add3A_8, %dma_start3A_137] : memref<10000x128xf32, #tpu.memory_space<vmem_shared>> -> memref<128x128xf32, #tpu.memory_space<vmem_shared>>
      %dma_start3A_139 = arith.constant 0 : i32
      %dma_start3A_140 = arith.constant 0 : i32
      %dma_start3A_141 = tpu.memref_slice %arg21[%run_scoped3A_9, %dma_start3A_139, %dma_start3A_140] : memref<2x128x128xf32, #tpu.memory_space<vmem>> -> memref<1x128x128xf32, #tpu.memory_space<vmem>>
      %dma_start3A_142 = tpu.memref_squeeze %dma_start3A_141 : memref<1x128x128xf32, #tpu.memory_space<vmem>> -> memref<128x128xf32, #tpu.memory_space<vmem>>
      tpu.enqueue_dma source(%dma_start3A_142 : memref<128x128xf32, #tpu.memory_space<vmem>>) target(%dma_start3A_138 : memref<128x128xf32, #tpu.memory_space<vmem_shared>>) target_semaphore(%run_scoped3A_131 : memref<!tpu.dma_semaphore, #tpu.memory_space<semaphore_mem>>)
      %dma_wait3A = arith.constant 0 : i32
      %dma_wait3A_143 = arith.constant 0 : i32
      %dma_wait3A_144 = tpu.memref_slice %arg21[%run_scoped3A_9, %dma_wait3A, %dma_wait3A_143] : memref<2x128x128xf32, #tpu.memory_space<vmem>> -> memref<1x128x128xf32, #tpu.memory_space<vmem>>
      %dma_wait3A_145 = tpu.memref_squeeze %dma_wait3A_144 : memref<1x128x128xf32, #tpu.memory_space<vmem>> -> memref<128x128xf32, #tpu.memory_space<vmem>>
      %dma_wait3A_146 = arith.constant 0 : i32
      %dma_wait3A_147 = tpu.memref_slice %arg24[%add3A_8, %dma_wait3A_146] : memref<10000x128xf32, #tpu.memory_space<vmem_shared>> -> memref<128x128xf32, #tpu.memory_space<vmem_shared>>
      %dma_wait3A_148 = arith.constant 0 : i32
      %dma_wait3A_149 = tpu.memref_slice %arg24[%add3A_8, %dma_wait3A_148] : memref<10000x128xf32, #tpu.memory_space<vmem_shared>> -> memref<128x128xf32, #tpu.memory_space<vmem_shared>>
      %dma_wait3A_150 = arith.constant 0 : i32
      %dma_wait3A_151 = arith.constant 0 : i32
      %dma_wait3A_152 = tpu.memref_slice %arg21[%run_scoped3A_9, %dma_wait3A_150, %dma_wait3A_151] : memref<2x128x128xf32, #tpu.memory_space<vmem>> -> memref<1x128x128xf32, #tpu.memory_space<vmem>>
      %dma_wait3A_153 = tpu.memref_squeeze %dma_wait3A_152 : memref<1x128x128xf32, #tpu.memory_space<vmem>> -> memref<128x128xf32, #tpu.memory_space<vmem>>
      tpu.wait_dma2 semaphore(%run_scoped3A_131 : memref<!tpu.dma_semaphore, #tpu.memory_space<semaphore_mem>>) src(%dma_wait3A_153 : memref<128x128xf32, #tpu.memory_space<vmem>>) dst(%dma_wait3A_149 : memref<128x128xf32, #tpu.memory_space<vmem_shared>>)
      tpu.yield
    }) : () -> ()
    %add3A_10 = arith.constant 384 : i32
    %add3A_11 = arith.addi %min3A_1, %add3A_10 : i32
    %run_scoped3A_12 = arith.constant 0 : i32
    "tpu.region"() ({
      %run_scoped3A_131 = tpu.sem_alloc : memref<!tpu.dma_semaphore, #tpu.memory_space<semaphore_mem>>
      %dma_start3A = arith.constant 0 : i32
      %dma_start3A_132 = arith.constant 0 : i32
      %dma_start3A_133 = tpu.memref_slice %arg21[%run_scoped3A_12, %dma_start3A, %dma_start3A_132] : memref<2x128x128xf32, #tpu.memory_space<vmem>> -> memref<1x128x128xf32, #tpu.memory_space<vmem>>
      %dma_start3A_134 = tpu.memref_squeeze %dma_start3A_133 : memref<1x128x128xf32, #tpu.memory_space<vmem>> -> memref<128x128xf32, #tpu.memory_space<vmem>>
      %dma_start3A_135 = arith.constant 0 : i32
      %dma_start3A_136 = tpu.memref_slice %arg24[%add3A_11, %dma_start3A_135] : memref<10000x128xf32, #tpu.memory_space<vmem_shared>> -> memref<128x128xf32, #tpu.memory_space<vmem_shared>>
      %dma_start3A_137 = arith.constant 0 : i32
      %dma_start3A_138 = tpu.memref_slice %arg24[%add3A_11, %dma_start3A_137] : memref<10000x128xf32, #tpu.memory_space<vmem_shared>> -> memref<128x128xf32, #tpu.memory_space<vmem_shared>>
      %dma_start3A_139 = arith.constant 0 : i32
      %dma_start3A_140 = arith.constant 0 : i32
      %dma_start3A_141 = tpu.memref_slice %arg21[%run_scoped3A_12, %dma_start3A_139, %dma_start3A_140] : memref<2x128x128xf32, #tpu.memory_space<vmem>> -> memref<1x128x128xf32, #tpu.memory_space<vmem>>
      %dma_start3A_142 = tpu.memref_squeeze %dma_start3A_141 : memref<1x128x128xf32, #tpu.memory_space<vmem>> -> memref<128x128xf32, #tpu.memory_space<vmem>>
      tpu.enqueue_dma source(%dma_start3A_142 : memref<128x128xf32, #tpu.memory_space<vmem>>) target(%dma_start3A_138 : memref<128x128xf32, #tpu.memory_space<vmem_shared>>) target_semaphore(%run_scoped3A_131 : memref<!tpu.dma_semaphore, #tpu.memory_space<semaphore_mem>>)
      %dma_wait3A = arith.constant 0 : i32
      %dma_wait3A_143 = arith.constant 0 : i32
      %dma_wait3A_144 = tpu.memref_slice %arg21[%run_scoped3A_12, %dma_wait3A, %dma_wait3A_143] : memref<2x128x128xf32, #tpu.memory_space<vmem>> -> memref<1x128x128xf32, #tpu.memory_space<vmem>>
      %dma_wait3A_145 = tpu.memref_squeeze %dma_wait3A_144 : memref<1x128x128xf32, #tpu.memory_space<vmem>> -> memref<128x128xf32, #tpu.memory_space<vmem>>
      %dma_wait3A_146 = arith.constant 0 : i32
      %dma_wait3A_147 = tpu.memref_slice %arg24[%add3A_11, %dma_wait3A_146] : memref<10000x128xf32, #tpu.memory_space<vmem_shared>> -> memref<128x128xf32, #tpu.memory_space<vmem_shared>>
      %dma_wait3A_148 = arith.constant 0 : i32
      %dma_wait3A_149 = tpu.memref_slice %arg24[%add3A_11, %dma_wait3A_148] : memref<10000x128xf32, #tpu.memory_space<vmem_shared>> -> memref<128x128xf32, #tpu.memory_space<vmem_shared>>
      %dma_wait3A_150 = arith.constant 0 : i32
      %dma_wait3A_151 = arith.constant 0 : i32
      %dma_wait3A_152 = tpu.memref_slice %arg21[%run_scoped3A_12, %dma_wait3A_150, %dma_wait3A_151] : memref<2x128x128xf32, #tpu.memory_space<vmem>> -> memref<1x128x128xf32, #tpu.memory_space<vmem>>
      %dma_wait3A_153 = tpu.memref_squeeze %dma_wait3A_152 : memref<1x128x128xf32, #tpu.memory_space<vmem>> -> memref<128x128xf32, #tpu.memory_space<vmem>>
      tpu.wait_dma2 semaphore(%run_scoped3A_131 : memref<!tpu.dma_semaphore, #tpu.memory_space<semaphore_mem>>) src(%dma_wait3A_153 : memref<128x128xf32, #tpu.memory_space<vmem>>) dst(%dma_wait3A_149 : memref<128x128xf32, #tpu.memory_space<vmem_shared>>)
      tpu.yield
    }) : () -> ()
    %add3A_13 = arith.constant 512 : i32
    %add3A_14 = arith.addi %min3A_1, %add3A_13 : i32
    %run_scoped3A_15 = arith.constant 0 : i32
    "tpu.region"() ({
      %run_scoped3A_131 = tpu.sem_alloc : memref<!tpu.dma_semaphore, #tpu.memory_space<semaphore_mem>>
      %dma_start3A = arith.constant 0 : i32
      %dma_start3A_132 = arith.constant 0 : i32
      %dma_start3A_133 = tpu.memref_slice %arg21[%run_scoped3A_15, %dma_start3A, %dma_start3A_132] : memref<2x128x128xf32, #tpu.memory_space<vmem>> -> memref<1x128x128xf32, #tpu.memory_space<vmem>>
      %dma_start3A_134 = tpu.memref_squeeze %dma_start3A_133 : memref<1x128x128xf32, #tpu.memory_space<vmem>> -> memref<128x128xf32, #tpu.memory_space<vmem>>
      %dma_start3A_135 = arith.constant 0 : i32
      %dma_start3A_136 = tpu.memref_slice %arg24[%add3A_14, %dma_start3A_135] : memref<10000x128xf32, #tpu.memory_space<vmem_shared>> -> memref<128x128xf32, #tpu.memory_space<vmem_shared>>
      %dma_start3A_137 = arith.constant 0 : i32
      %dma_start3A_138 = tpu.memref_slice %arg24[%add3A_14, %dma_start3A_137] : memref<10000x128xf32, #tpu.memory_space<vmem_shared>> -> memref<128x128xf32, #tpu.memory_space<vmem_shared>>
      %dma_start3A_139 = arith.constant 0 : i32
      %dma_start3A_140 = arith.constant 0 : i32
      %dma_start3A_141 = tpu.memref_slice %arg21[%run_scoped3A_15, %dma_start3A_139, %dma_start3A_140] : memref<2x128x128xf32, #tpu.memory_space<vmem>> -> memref<1x128x128xf32, #tpu.memory_space<vmem>>
      %dma_start3A_142 = tpu.memref_squeeze %dma_start3A_141 : memref<1x128x128xf32, #tpu.memory_space<vmem>> -> memref<128x128xf32, #tpu.memory_space<vmem>>
      tpu.enqueue_dma source(%dma_start3A_142 : memref<128x128xf32, #tpu.memory_space<vmem>>) target(%dma_start3A_138 : memref<128x128xf32, #tpu.memory_space<vmem_shared>>) target_semaphore(%run_scoped3A_131 : memref<!tpu.dma_semaphore, #tpu.memory_space<semaphore_mem>>)
      %dma_wait3A = arith.constant 0 : i32
      %dma_wait3A_143 = arith.constant 0 : i32
      %dma_wait3A_144 = tpu.memref_slice %arg21[%run_scoped3A_15, %dma_wait3A, %dma_wait3A_143] : memref<2x128x128xf32, #tpu.memory_space<vmem>> -> memref<1x128x128xf32, #tpu.memory_space<vmem>>
      %dma_wait3A_145 = tpu.memref_squeeze %dma_wait3A_144 : memref<1x128x128xf32, #tpu.memory_space<vmem>> -> memref<128x128xf32, #tpu.memory_space<vmem>>
      %dma_wait3A_146 = arith.constant 0 : i32
      %dma_wait3A_147 = tpu.memref_slice %arg24[%add3A_14, %dma_wait3A_146] : memref<10000x128xf32, #tpu.memory_space<vmem_shared>> -> memref<128x128xf32, #tpu.memory_space<vmem_shared>>
      %dma_wait3A_148 = arith.constant 0 : i32
      %dma_wait3A_149 = tpu.memref_slice %arg24[%add3A_14, %dma_wait3A_148] : memref<10000x128xf32, #tpu.memory_space<vmem_shared>> -> memref<128x128xf32, #tpu.memory_space<vmem_shared>>
      %dma_wait3A_150 = arith.constant 0 : i32
      %dma_wait3A_151 = arith.constant 0 : i32
      %dma_wait3A_152 = tpu.memref_slice %arg21[%run_scoped3A_15, %dma_wait3A_150, %dma_wait3A_151] : memref<2x128x128xf32, #tpu.memory_space<vmem>> -> memref<1x128x128xf32, #tpu.memory_space<vmem>>
      %dma_wait3A_153 = tpu.memref_squeeze %dma_wait3A_152 : memref<1x128x128xf32, #tpu.memory_space<vmem>> -> memref<128x128xf32, #tpu.memory_space<vmem>>
      tpu.wait_dma2 semaphore(%run_scoped3A_131 : memref<!tpu.dma_semaphore, #tpu.memory_space<semaphore_mem>>) src(%dma_wait3A_153 : memref<128x128xf32, #tpu.memory_space<vmem>>) dst(%dma_wait3A_149 : memref<128x128xf32, #tpu.memory_space<vmem_shared>>)
      tpu.yield
    }) : () -> ()
    %barrier3A = arith.constant 0 : index
    tpu.barrier barrier_id(%barrier3A)
    %lt3A = arith.constant 2 : i32
    %lt3A_16 = arith.cmpi slt, %arg1, %lt3A : i32
    %jit3A = arith.constant 79 : i32
    %jit3A_17 = arith.constant 78 : i32
    %select_n3A = arith.select %lt3A_16, %jit3A, %jit3A_17 : i32
    %add3A_18 = arith.constant 0 : i32
    %add3A_19 = arith.addi %arg1, %add3A_18 : i32
    %mul3A_20 = arith.constant 128 : i32
    %mul3A_21 = arith.muli %add3A_19, %mul3A_20 : i32
    "tpu.region"() ({
      %run_scoped3A_131 = tpu.sem_alloc : memref<!tpu.dma_semaphore, #tpu.memory_space<semaphore_mem>>
      %dma_start3A = tpu.memref_slice %arg4[%mul3A_21] : memref<160000xi32, #tpu.memory_space<hbm>> -> memref<128xi32, #tpu.memory_space<hbm>>
      %dma_start3A_132 = tpu.memref_slice %arg4[%mul3A_21] : memref<160000xi32, #tpu.memory_space<hbm>> -> memref<128xi32, #tpu.memory_space<hbm>>
      tpu.enqueue_dma source(%dma_start3A_132 : memref<128xi32, #tpu.memory_space<hbm>>) target(%arg13 : memref<128xi32, #tpu.memory_space<vmem>>) target_semaphore(%run_scoped3A_131 : memref<!tpu.dma_semaphore, #tpu.memory_space<semaphore_mem>>)
      %dma_wait3A = tpu.memref_slice %arg4[%mul3A_21] : memref<160000xi32, #tpu.memory_space<hbm>> -> memref<128xi32, #tpu.memory_space<hbm>>
      %dma_wait3A_133 = tpu.memref_slice %arg4[%mul3A_21] : memref<160000xi32, #tpu.memory_space<hbm>> -> memref<128xi32, #tpu.memory_space<hbm>>
      tpu.wait_dma2 semaphore(%run_scoped3A_131 : memref<!tpu.dma_semaphore, #tpu.memory_space<semaphore_mem>>) src(%dma_wait3A_133 : memref<128xi32, #tpu.memory_space<hbm>>) dst(%arg13 : memref<128xi32, #tpu.memory_space<vmem>>)
      tpu.yield
    }) : () -> ()
    "tpu.region"() ({
      %run_scoped3A_131 = tpu.sem_alloc : memref<!tpu.dma_semaphore, #tpu.memory_space<semaphore_mem>>
      %dma_start3A = tpu.memref_slice %arg5[%mul3A_21] : memref<160000xi32, #tpu.memory_space<hbm>> -> memref<128xi32, #tpu.memory_space<hbm>>
      %dma_start3A_132 = tpu.memref_slice %arg5[%mul3A_21] : memref<160000xi32, #tpu.memory_space<hbm>> -> memref<128xi32, #tpu.memory_space<hbm>>
      tpu.enqueue_dma source(%dma_start3A_132 : memref<128xi32, #tpu.memory_space<hbm>>) target(%arg14 : memref<128xi32, #tpu.memory_space<vmem>>) target_semaphore(%run_scoped3A_131 : memref<!tpu.dma_semaphore, #tpu.memory_space<semaphore_mem>>)
      %dma_wait3A = tpu.memref_slice %arg5[%mul3A_21] : memref<160000xi32, #tpu.memory_space<hbm>> -> memref<128xi32, #tpu.memory_space<hbm>>
      %dma_wait3A_133 = tpu.memref_slice %arg5[%mul3A_21] : memref<160000xi32, #tpu.memory_space<hbm>> -> memref<128xi32, #tpu.memory_space<hbm>>
      tpu.wait_dma2 semaphore(%run_scoped3A_131 : memref<!tpu.dma_semaphore, #tpu.memory_space<semaphore_mem>>) src(%dma_wait3A_133 : memref<128xi32, #tpu.memory_space<hbm>>) dst(%arg14 : memref<128xi32, #tpu.memory_space<vmem>>)
      tpu.yield
    }) : () -> ()
    "tpu.region"() ({
      %run_scoped3A_131 = tpu.sem_alloc : memref<!tpu.dma_semaphore, #tpu.memory_space<semaphore_mem>>
      %dma_start3A = tpu.memref_slice %arg6[%mul3A_21] : memref<160000xi32, #tpu.memory_space<hbm>> -> memref<128xi32, #tpu.memory_space<hbm>>
      %dma_start3A_132 = tpu.memref_slice %arg6[%mul3A_21] : memref<160000xi32, #tpu.memory_space<hbm>> -> memref<128xi32, #tpu.memory_space<hbm>>
      tpu.enqueue_dma source(%dma_start3A_132 : memref<128xi32, #tpu.memory_space<hbm>>) target(%arg16 : memref<128xi32, #tpu.memory_space<vmem>>) target_semaphore(%run_scoped3A_131 : memref<!tpu.dma_semaphore, #tpu.memory_space<semaphore_mem>>)
      %dma_wait3A = tpu.memref_slice %arg6[%mul3A_21] : memref<160000xi32, #tpu.memory_space<hbm>> -> memref<128xi32, #tpu.memory_space<hbm>>
      %dma_wait3A_133 = tpu.memref_slice %arg6[%mul3A_21] : memref<160000xi32, #tpu.memory_space<hbm>> -> memref<128xi32, #tpu.memory_space<hbm>>
      tpu.wait_dma2 semaphore(%run_scoped3A_131 : memref<!tpu.dma_semaphore, #tpu.memory_space<semaphore_mem>>) src(%dma_wait3A_133 : memref<128xi32, #tpu.memory_space<hbm>>) dst(%arg16 : memref<128xi32, #tpu.memory_space<vmem>>)
      tpu.yield
    }) : () -> ()
    %scan3A = arith.constant 0 : i32
    %scan3A_22 = arith.constant 0 : i32
    %scan3A_23 = arith.constant 8 : i32
    %scan3A_24 = arith.addi %scan3A_22, %scan3A_23 : i32
    %scan3A_25 = arith.constant 1 : i32
    %scan3A_26 = scf.for %scan3A_131 = %scan3A_22 to %scan3A_24 step %scan3A_25 iter_args(%scan3A_132 = %scan3A) -> (i32)  : i32 {
      %mul3A_133 = arith.constant 16 : i32
      %mul3A_134 = arith.muli %scan3A_131, %mul3A_133 : i32
      %get3A = arith.index_cast %mul3A_134 : i32 to index
      %get3A_135 = tpu.vector_load %arg14[%get3A] {strides = array<i32>} : memref<128xi32, #tpu.memory_space<vmem>>, vector<16xi32>,
      %get3A_136 = vector.shape_cast %get3A_135 : vector<16xi32> to vector<16xi32>
      %mul3A_137 = arith.constant 10000 : i32
      %mul3A_138 = vector.broadcast %mul3A_137 : i32 to vector<16xi32>
      %mul3A_139 = arith.muli %get3A_136, %mul3A_138 : vector<16xi32>
      %get3A_140 = arith.index_cast %mul3A_134 : i32 to index
      %get3A_141 = tpu.vector_load %arg13[%get3A_140] {strides = array<i32>} : memref<128xi32, #tpu.memory_space<vmem>>, vector<16xi32>,
      %get3A_142 = vector.shape_cast %get3A_141 : vector<16xi32> to vector<16xi32>
      %add3A_143 = arith.addi %mul3A_139, %get3A_142 : vector<16xi32>
      %swap3A = arith.index_cast %mul3A_134 : i32 to index
      %swap3A_144 = tpu.vector_load %arg15[%swap3A] {strides = array<i32>} : memref<128xi32, #tpu.memory_space<vmem>>, vector<16xi32>,
      %swap3A_145 = vector.shape_cast %swap3A_144 : vector<16xi32> to vector<16xi32>
      %swap3A_146 = vector.shape_cast %add3A_143 : vector<16xi32> to vector<16xi32>
      tpu.vector_store %arg15[%swap3A], %swap3A_146 {strides = array<i32>} : memref<128xi32, #tpu.memory_space<vmem>>, vector<16xi32>,
      %scan3A_147 = arith.constant 0 : i32
      scf.yield %scan3A_147 : i32
    }
    %scan3A_27 = arith.constant 8 : i32
    %eq3A = arith.constant 0 : i32
    %eq3A_28 = arith.cmpi eq, %arg0, %eq3A : i32
    %convert_element_type3A = arith.extui %eq3A_28 : i1 to i32
    %cond3A = arith.constant 0 : i32
    %cond3A_29 = arith.cmpi ne, %convert_element_type3A, %cond3A : i32
    scf.if %cond3A_29 {
      %dma_start3A = arith.constant 0 : i32
      %dma_start3A_131 = arith.constant 0 : i32
      %dma_start3A_132 = arith.constant 0 : i32
      %dma_start3A_133 = tpu.memref_slice %arg21[%dma_start3A, %dma_start3A_131, %dma_start3A_132] : memref<2x128x128xf32, #tpu.memory_space<vmem>> -> memref<1x128x128xf32, #tpu.memory_space<vmem>>
      %dma_start3A_134 = tpu.memref_squeeze %dma_start3A_133 : memref<1x128x128xf32, #tpu.memory_space<vmem>> -> memref<128x128xf32, #tpu.memory_space<vmem>>
      %dma_start3A_135 = arith.constant 0 : i32
      %dma_start3A_136 = arith.constant 0 : i32
      %dma_start3A_137 = tpu.memref_slice %arg2[%dma_start3A_135, %dma_start3A_136] : memref<80000x128xf32, #tpu.memory_space<hbm>> -> memref<80000x128xf32, #tpu.memory_space<hbm>>
      tpu.enqueue_indirect_dma source(%dma_start3A_137 : memref<80000x128xf32, #tpu.memory_space<hbm>>) target(%dma_start3A_134 : memref<128x128xf32, #tpu.memory_space<vmem>>) offsets(%arg15 : memref<128xi32, #tpu.memory_space<vmem>>) semaphore(%arg25 : memref<!tpu.dma_semaphore, #tpu.memory_space<semaphore_mem>>)
    } else {
    }
    %eq3A_30 = arith.constant 1 : i32
    %eq3A_31 = arith.cmpi eq, %arg0, %eq3A_30 : i32
    %convert_element_type3A_32 = arith.extui %eq3A_31 : i1 to i32
    %cond3A_33 = arith.constant 0 : i32
    %cond3A_34 = arith.cmpi ne, %convert_element_type3A_32, %cond3A_33 : i32
    scf.if %cond3A_34 {
      %dma_start3A = arith.constant 0 : i32
      %dma_start3A_131 = arith.constant 0 : i32
      %dma_start3A_132 = arith.constant 0 : i32
      %dma_start3A_133 = tpu.memref_slice %arg21[%dma_start3A, %dma_start3A_131, %dma_start3A_132] : memref<2x128x128xf32, #tpu.memory_space<vmem>> -> memref<1x128x128xf32, #tpu.memory_space<vmem>>
      %dma_start3A_134 = tpu.memref_squeeze %dma_start3A_133 : memref<1x128x128xf32, #tpu.memory_space<vmem>> -> memref<128x128xf32, #tpu.memory_space<vmem>>
      %dma_start3A_135 = arith.constant 0 : i32
      %dma_start3A_136 = arith.constant 0 : i32
      %dma_start3A_137 = tpu.memref_slice %arg3[%dma_start3A_135, %dma_start3A_136] : memref<80000x128xf32, #tpu.memory_space<hbm>> -> memref<80000x128xf32, #tpu.memory_space<hbm>>
      tpu.enqueue_indirect_dma source(%dma_start3A_137 : memref<80000x128xf32, #tpu.memory_space<hbm>>) target(%dma_start3A_134 : memref<128x128xf32, #tpu.memory_space<vmem>>) offsets(%arg15 : memref<128xi32, #tpu.memory_space<vmem>>) semaphore(%arg25 : memref<!tpu.dma_semaphore, #tpu.memory_space<semaphore_mem>>)
    } else {
    }
    %while3A = arith.constant 0 : i32
    %while3A_35 = arith.constant 0 : i32
    %while3A_36 = arith.subi %select_n3A, %while3A : i32
    %while3A_37 = arith.addi %while3A, %while3A_36 : i32
    %while3A_38 = arith.constant 1 : i32
    %while3A_39 = arith.divsi %while3A_36, %while3A_38 : i32
    %while3A_40 = arith.muli %while3A_39, %while3A_38 : i32
    %while3A_41 = arith.addi %while3A, %while3A_40 : i32
    %while3A_42 = arith.constant 1 : i32
    %while3A_43 = scf.for %while3A_131 = %while3A to %while3A_41 step %while3A_42 iter_args(%while3A_132 = %while3A_35) -> (i32)  : i32 {
      %add3A_133 = arith.constant 1 : i32
      %add3A_134 = arith.addi %while3A_131, %add3A_133 : i32
      %lt3A_135 = arith.cmpi slt, %add3A_134, %select_n3A : i32
      %convert_element_type3A_136 = arith.extui %lt3A_135 : i1 to i32
      %cond3A_137 = arith.constant 0 : i32
      %cond3A_138 = arith.cmpi ne, %convert_element_type3A_136, %cond3A_137 : i32
      scf.if %cond3A_138 {
        %add3A_167 = arith.constant 1 : i32
        %add3A_168 = arith.addi %while3A_131, %add3A_167 : i32
        %rem3A_169 = arith.constant 2 : i32
        %rem3A_170 = arith.remsi %add3A_168, %rem3A_169 : i32
        %eq3A_171 = arith.constant 0 : i32
        %eq3A_172 = arith.cmpi eq, %rem3A_170, %eq3A_171 : i32
        %convert_element_type3A_173 = arith.extui %eq3A_172 : i1 to i32
        %cond3A_174 = arith.constant 0 : i32
        %cond3A_175 = arith.cmpi ne, %convert_element_type3A_173, %cond3A_174 : i32
        scf.if %cond3A_175 {
          %add3A_181 = arith.constant 1 : i32
          %add3A_182 = arith.addi %while3A_131, %add3A_181 : i32
          %mul3A_183 = arith.constant 16 : i32
          %mul3A_184 = arith.muli %mul3A_183, %add3A_182 : i32
          %add3A_185 = arith.addi %arg1, %mul3A_184 : i32
          %mul3A_186 = arith.constant 128 : i32
          %mul3A_187 = arith.muli %add3A_185, %mul3A_186 : i32
          "tpu.region"() ({
            %run_scoped3A_195 = tpu.sem_alloc : memref<!tpu.dma_semaphore, #tpu.memory_space<semaphore_mem>>
            %dma_start3A = tpu.memref_slice %arg4[%mul3A_187] : memref<160000xi32, #tpu.memory_space<hbm>> -> memref<128xi32, #tpu.memory_space<hbm>>
            %dma_start3A_196 = tpu.memref_slice %arg4[%mul3A_187] : memref<160000xi32, #tpu.memory_space<hbm>> -> memref<128xi32, #tpu.memory_space<hbm>>
            tpu.enqueue_dma source(%dma_start3A_196 : memref<128xi32, #tpu.memory_space<hbm>>) target(%arg13 : memref<128xi32, #tpu.memory_space<vmem>>) target_semaphore(%run_scoped3A_195 : memref<!tpu.dma_semaphore, #tpu.memory_space<semaphore_mem>>)
            %dma_wait3A = tpu.memref_slice %arg4[%mul3A_187] : memref<160000xi32, #tpu.memory_space<hbm>> -> memref<128xi32, #tpu.memory_space<hbm>>
            %dma_wait3A_197 = tpu.memref_slice %arg4[%mul3A_187] : memref<160000xi32, #tpu.memory_space<hbm>> -> memref<128xi32, #tpu.memory_space<hbm>>
            tpu.wait_dma2 semaphore(%run_scoped3A_195 : memref<!tpu.dma_semaphore, #tpu.memory_space<semaphore_mem>>) src(%dma_wait3A_197 : memref<128xi32, #tpu.memory_space<hbm>>) dst(%arg13 : memref<128xi32, #tpu.memory_space<vmem>>)
            tpu.yield
          }) : () -> ()
          "tpu.region"() ({
            %run_scoped3A_195 = tpu.sem_alloc : memref<!tpu.dma_semaphore, #tpu.memory_space<semaphore_mem>>
            %dma_start3A = tpu.memref_slice %arg5[%mul3A_187] : memref<160000xi32, #tpu.memory_space<hbm>> -> memref<128xi32, #tpu.memory_space<hbm>>
            %dma_start3A_196 = tpu.memref_slice %arg5[%mul3A_187] : memref<160000xi32, #tpu.memory_space<hbm>> -> memref<128xi32, #tpu.memory_space<hbm>>
            tpu.enqueue_dma source(%dma_start3A_196 : memref<128xi32, #tpu.memory_space<hbm>>) target(%arg14 : memref<128xi32, #tpu.memory_space<vmem>>) target_semaphore(%run_scoped3A_195 : memref<!tpu.dma_semaphore, #tpu.memory_space<semaphore_mem>>)
            %dma_wait3A = tpu.memref_slice %arg5[%mul3A_187] : memref<160000xi32, #tpu.memory_space<hbm>> -> memref<128xi32, #tpu.memory_space<hbm>>
            %dma_wait3A_197 = tpu.memref_slice %arg5[%mul3A_187] : memref<160000xi32, #tpu.memory_space<hbm>> -> memref<128xi32, #tpu.memory_space<hbm>>
            tpu.wait_dma2 semaphore(%run_scoped3A_195 : memref<!tpu.dma_semaphore, #tpu.memory_space<semaphore_mem>>) src(%dma_wait3A_197 : memref<128xi32, #tpu.memory_space<hbm>>) dst(%arg14 : memref<128xi32, #tpu.memory_space<vmem>>)
            tpu.yield
          }) : () -> ()
          "tpu.region"() ({
            %run_scoped3A_195 = tpu.sem_alloc : memref<!tpu.dma_semaphore, #tpu.memory_space<semaphore_mem>>
            %dma_start3A = tpu.memref_slice %arg6[%mul3A_187] : memref<160000xi32, #tpu.memory_space<hbm>> -> memref<128xi32, #tpu.memory_space<hbm>>
            %dma_start3A_196 = tpu.memref_slice %arg6[%mul3A_187] : memref<160000xi32, #tpu.memory_space<hbm>> -> memref<128xi32, #tpu.memory_space<hbm>>
            tpu.enqueue_dma source(%dma_start3A_196 : memref<128xi32, #tpu.memory_space<hbm>>) target(%arg16 : memref<128xi32, #tpu.memory_space<vmem>>) target_semaphore(%run_scoped3A_195 : memref<!tpu.dma_semaphore, #tpu.memory_space<semaphore_mem>>)
            %dma_wait3A = tpu.memref_slice %arg6[%mul3A_187] : memref<160000xi32, #tpu.memory_space<hbm>> -> memref<128xi32, #tpu.memory_space<hbm>>
            %dma_wait3A_197 = tpu.memref_slice %arg6[%mul3A_187] : memref<160000xi32, #tpu.memory_space<hbm>> -> memref<128xi32, #tpu.memory_space<hbm>>
            tpu.wait_dma2 semaphore(%run_scoped3A_195 : memref<!tpu.dma_semaphore, #tpu.memory_space<semaphore_mem>>) src(%dma_wait3A_197 : memref<128xi32, #tpu.memory_space<hbm>>) dst(%arg16 : memref<128xi32, #tpu.memory_space<vmem>>)
            tpu.yield
          }) : () -> ()
          %scan3A_188 = arith.constant 0 : i32
          %scan3A_189 = arith.constant 0 : i32
          %scan3A_190 = arith.constant 8 : i32
          %scan3A_191 = arith.addi %scan3A_189, %scan3A_190 : i32
          %scan3A_192 = arith.constant 1 : i32
          %scan3A_193 = scf.for %scan3A_195 = %scan3A_189 to %scan3A_191 step %scan3A_192 iter_args(%scan3A_196 = %scan3A_188) -> (i32)  : i32 {
            %mul3A_197 = arith.constant 16 : i32
            %mul3A_198 = arith.muli %scan3A_195, %mul3A_197 : i32
            %get3A = arith.index_cast %mul3A_198 : i32 to index
            %get3A_199 = tpu.vector_load %arg14[%get3A] {strides = array<i32>} : memref<128xi32, #tpu.memory_space<vmem>>, vector<16xi32>,
            %get3A_200 = vector.shape_cast %get3A_199 : vector<16xi32> to vector<16xi32>
            %mul3A_201 = arith.constant 10000 : i32
            %mul3A_202 = vector.broadcast %mul3A_201 : i32 to vector<16xi32>
            %mul3A_203 = arith.muli %get3A_200, %mul3A_202 : vector<16xi32>
            %get3A_204 = arith.index_cast %mul3A_198 : i32 to index
            %get3A_205 = tpu.vector_load %arg13[%get3A_204] {strides = array<i32>} : memref<128xi32, #tpu.memory_space<vmem>>, vector<16xi32>,
            %get3A_206 = vector.shape_cast %get3A_205 : vector<16xi32> to vector<16xi32>
            %add3A_207 = arith.addi %mul3A_203, %get3A_206 : vector<16xi32>
            %swap3A = arith.index_cast %mul3A_198 : i32 to index
            %swap3A_208 = tpu.vector_load %arg15[%swap3A] {strides = array<i32>} : memref<128xi32, #tpu.memory_space<vmem>>, vector<16xi32>,
            %swap3A_209 = vector.shape_cast %swap3A_208 : vector<16xi32> to vector<16xi32>
            %swap3A_210 = vector.shape_cast %add3A_207 : vector<16xi32> to vector<16xi32>
            tpu.vector_store %arg15[%swap3A], %swap3A_210 {strides = array<i32>} : memref<128xi32, #tpu.memory_space<vmem>>, vector<16xi32>,
            %scan3A_211 = arith.constant 0 : i32
            scf.yield %scan3A_211 : i32
          }
          %scan3A_194 = arith.constant 8 : i32
        } else {
        }
        %eq3A_176 = arith.constant 1 : i32
        %eq3A_177 = arith.cmpi eq, %rem3A_170, %eq3A_176 : i32
        %convert_element_type3A_178 = arith.extui %eq3A_177 : i1 to i32
        %cond3A_179 = arith.constant 0 : i32
        %cond3A_180 = arith.cmpi ne, %convert_element_type3A_178, %cond3A_179 : i32
        scf.if %cond3A_180 {
          %add3A_181 = arith.constant 1 : i32
          %add3A_182 = arith.addi %while3A_131, %add3A_181 : i32
          %mul3A_183 = arith.constant 16 : i32
          %mul3A_184 = arith.muli %mul3A_183, %add3A_182 : i32
          %add3A_185 = arith.addi %arg1, %mul3A_184 : i32
          %mul3A_186 = arith.constant 128 : i32
          %mul3A_187 = arith.muli %add3A_185, %mul3A_186 : i32
          "tpu.region"() ({
            %run_scoped3A_195 = tpu.sem_alloc : memref<!tpu.dma_semaphore, #tpu.memory_space<semaphore_mem>>
            %dma_start3A = tpu.memref_slice %arg4[%mul3A_187] : memref<160000xi32, #tpu.memory_space<hbm>> -> memref<128xi32, #tpu.memory_space<hbm>>
            %dma_start3A_196 = tpu.memref_slice %arg4[%mul3A_187] : memref<160000xi32, #tpu.memory_space<hbm>> -> memref<128xi32, #tpu.memory_space<hbm>>
            tpu.enqueue_dma source(%dma_start3A_196 : memref<128xi32, #tpu.memory_space<hbm>>) target(%arg17 : memref<128xi32, #tpu.memory_space<vmem>>) target_semaphore(%run_scoped3A_195 : memref<!tpu.dma_semaphore, #tpu.memory_space<semaphore_mem>>)
            %dma_wait3A = tpu.memref_slice %arg4[%mul3A_187] : memref<160000xi32, #tpu.memory_space<hbm>> -> memref<128xi32, #tpu.memory_space<hbm>>
            %dma_wait3A_197 = tpu.memref_slice %arg4[%mul3A_187] : memref<160000xi32, #tpu.memory_space<hbm>> -> memref<128xi32, #tpu.memory_space<hbm>>
            tpu.wait_dma2 semaphore(%run_scoped3A_195 : memref<!tpu.dma_semaphore, #tpu.memory_space<semaphore_mem>>) src(%dma_wait3A_197 : memref<128xi32, #tpu.memory_space<hbm>>) dst(%arg17 : memref<128xi32, #tpu.memory_space<vmem>>)
            tpu.yield
          }) : () -> ()
          "tpu.region"() ({
            %run_scoped3A_195 = tpu.sem_alloc : memref<!tpu.dma_semaphore, #tpu.memory_space<semaphore_mem>>
            %dma_start3A = tpu.memref_slice %arg5[%mul3A_187] : memref<160000xi32, #tpu.memory_space<hbm>> -> memref<128xi32, #tpu.memory_space<hbm>>
            %dma_start3A_196 = tpu.memref_slice %arg5[%mul3A_187] : memref<160000xi32, #tpu.memory_space<hbm>> -> memref<128xi32, #tpu.memory_space<hbm>>
            tpu.enqueue_dma source(%dma_start3A_196 : memref<128xi32, #tpu.memory_space<hbm>>) target(%arg18 : memref<128xi32, #tpu.memory_space<vmem>>) target_semaphore(%run_scoped3A_195 : memref<!tpu.dma_semaphore, #tpu.memory_space<semaphore_mem>>)
            %dma_wait3A = tpu.memref_slice %arg5[%mul3A_187] : memref<160000xi32, #tpu.memory_space<hbm>> -> memref<128xi32, #tpu.memory_space<hbm>>
            %dma_wait3A_197 = tpu.memref_slice %arg5[%mul3A_187] : memref<160000xi32, #tpu.memory_space<hbm>> -> memref<128xi32, #tpu.memory_space<hbm>>
            tpu.wait_dma2 semaphore(%run_scoped3A_195 : memref<!tpu.dma_semaphore, #tpu.memory_space<semaphore_mem>>) src(%dma_wait3A_197 : memref<128xi32, #tpu.memory_space<hbm>>) dst(%arg18 : memref<128xi32, #tpu.memory_space<vmem>>)
            tpu.yield
          }) : () -> ()
          "tpu.region"() ({
            %run_scoped3A_195 = tpu.sem_alloc : memref<!tpu.dma_semaphore, #tpu.memory_space<semaphore_mem>>
            %dma_start3A = tpu.memref_slice %arg6[%mul3A_187] : memref<160000xi32, #tpu.memory_space<hbm>> -> memref<128xi32, #tpu.memory_space<hbm>>
            %dma_start3A_196 = tpu.memref_slice %arg6[%mul3A_187] : memref<160000xi32, #tpu.memory_space<hbm>> -> memref<128xi32, #tpu.memory_space<hbm>>
            tpu.enqueue_dma source(%dma_start3A_196 : memref<128xi32, #tpu.memory_space<hbm>>) target(%arg19 : memref<128xi32, #tpu.memory_space<vmem>>) target_semaphore(%run_scoped3A_195 : memref<!tpu.dma_semaphore, #tpu.memory_space<semaphore_mem>>)
            %dma_wait3A = tpu.memref_slice %arg6[%mul3A_187] : memref<160000xi32, #tpu.memory_space<hbm>> -> memref<128xi32, #tpu.memory_space<hbm>>
            %dma_wait3A_197 = tpu.memref_slice %arg6[%mul3A_187] : memref<160000xi32, #tpu.memory_space<hbm>> -> memref<128xi32, #tpu.memory_space<hbm>>
            tpu.wait_dma2 semaphore(%run_scoped3A_195 : memref<!tpu.dma_semaphore, #tpu.memory_space<semaphore_mem>>) src(%dma_wait3A_197 : memref<128xi32, #tpu.memory_space<hbm>>) dst(%arg19 : memref<128xi32, #tpu.memory_space<vmem>>)
            tpu.yield
          }) : () -> ()
          %scan3A_188 = arith.constant 0 : i32
          %scan3A_189 = arith.constant 0 : i32
          %scan3A_190 = arith.constant 8 : i32
          %scan3A_191 = arith.addi %scan3A_189, %scan3A_190 : i32
          %scan3A_192 = arith.constant 1 : i32
          %scan3A_193 = scf.for %scan3A_195 = %scan3A_189 to %scan3A_191 step %scan3A_192 iter_args(%scan3A_196 = %scan3A_188) -> (i32)  : i32 {
            %mul3A_197 = arith.constant 16 : i32
            %mul3A_198 = arith.muli %scan3A_195, %mul3A_197 : i32
            %get3A = arith.index_cast %mul3A_198 : i32 to index
            %get3A_199 = tpu.vector_load %arg18[%get3A] {strides = array<i32>} : memref<128xi32, #tpu.memory_space<vmem>>, vector<16xi32>,
            %get3A_200 = vector.shape_cast %get3A_199 : vector<16xi32> to vector<16xi32>
            %mul3A_201 = arith.constant 10000 : i32
            %mul3A_202 = vector.broadcast %mul3A_201 : i32 to vector<16xi32>
            %mul3A_203 = arith.muli %get3A_200, %mul3A_202 : vector<16xi32>
            %get3A_204 = arith.index_cast %mul3A_198 : i32 to index
            %get3A_205 = tpu.vector_load %arg17[%get3A_204] {strides = array<i32>} : memref<128xi32, #tpu.memory_space<vmem>>, vector<16xi32>,
            %get3A_206 = vector.shape_cast %get3A_205 : vector<16xi32> to vector<16xi32>
            %add3A_207 = arith.addi %mul3A_203, %get3A_206 : vector<16xi32>
            %swap3A = arith.index_cast %mul3A_198 : i32 to index
            %swap3A_208 = tpu.vector_load %arg20[%swap3A] {strides = array<i32>} : memref<128xi32, #tpu.memory_space<vmem>>, vector<16xi32>,
            %swap3A_209 = vector.shape_cast %swap3A_208 : vector<16xi32> to vector<16xi32>
            %swap3A_210 = vector.shape_cast %add3A_207 : vector<16xi32> to vector<16xi32>
            tpu.vector_store %arg20[%swap3A], %swap3A_210 {strides = array<i32>} : memref<128xi32, #tpu.memory_space<vmem>>, vector<16xi32>,
            %scan3A_211 = arith.constant 0 : i32
            scf.yield %scan3A_211 : i32
          }
          %scan3A_194 = arith.constant 8 : i32
        } else {
        }
      } else {
      }
      %eq3A_139 = arith.constant 0 : i32
      %eq3A_140 = arith.cmpi eq, %arg0, %eq3A_139 : i32
      %convert_element_type3A_141 = arith.extui %eq3A_140 : i1 to i32
      %cond3A_142 = arith.constant 0 : i32
      %cond3A_143 = arith.cmpi ne, %convert_element_type3A_141, %cond3A_142 : i32
      scf.if %cond3A_143 {
        %dma_wait3A = arith.constant 0 : i32
        %dma_wait3A_167 = arith.constant 0 : i32
        %dma_wait3A_168 = arith.constant 0 : i32
        %dma_wait3A_169 = tpu.memref_slice %arg21[%dma_wait3A, %dma_wait3A_167, %dma_wait3A_168] : memref<2x128x128xf32, #tpu.memory_space<vmem>> -> memref<1x128x128xf32, #tpu.memory_space<vmem>>
        %dma_wait3A_170 = tpu.memref_squeeze %dma_wait3A_169 : memref<1x128x128xf32, #tpu.memory_space<vmem>> -> memref<128x128xf32, #tpu.memory_space<vmem>>
        %dma_wait3A_171 = arith.constant 0 : i32
        %dma_wait3A_172 = arith.constant 0 : i32
        %dma_wait3A_173 = tpu.memref_slice %arg2[%dma_wait3A_171, %dma_wait3A_172] : memref<80000x128xf32, #tpu.memory_space<hbm>> -> memref<80000x128xf32, #tpu.memory_space<hbm>>
        tpu.wait_indirect_dma semaphore(%arg25 : memref<!tpu.dma_semaphore, #tpu.memory_space<semaphore_mem>>) src(%dma_wait3A_173 : memref<80000x128xf32, #tpu.memory_space<hbm>>) dst(%dma_wait3A_170 : memref<128x128xf32, #tpu.memory_space<vmem>>)
      } else {
      }
      %eq3A_144 = arith.constant 1 : i32
      %eq3A_145 = arith.cmpi eq, %arg0, %eq3A_144 : i32
      %convert_element_type3A_146 = arith.extui %eq3A_145 : i1 to i32
      %cond3A_147 = arith.constant 0 : i32
      %cond3A_148 = arith.cmpi ne, %convert_element_type3A_146, %cond3A_147 : i32
      scf.if %cond3A_148 {
        %dma_wait3A = arith.constant 0 : i32
        %dma_wait3A_167 = arith.constant 0 : i32
        %dma_wait3A_168 = arith.constant 0 : i32
        %dma_wait3A_169 = tpu.memref_slice %arg21[%dma_wait3A, %dma_wait3A_167, %dma_wait3A_168] : memref<2x128x128xf32, #tpu.memory_space<vmem>> -> memref<1x128x128xf32, #tpu.memory_space<vmem>>
        %dma_wait3A_170 = tpu.memref_squeeze %dma_wait3A_169 : memref<1x128x128xf32, #tpu.memory_space<vmem>> -> memref<128x128xf32, #tpu.memory_space<vmem>>
        %dma_wait3A_171 = arith.constant 0 : i32
        %dma_wait3A_172 = arith.constant 0 : i32
        %dma_wait3A_173 = tpu.memref_slice %arg3[%dma_wait3A_171, %dma_wait3A_172] : memref<80000x128xf32, #tpu.memory_space<hbm>> -> memref<80000x128xf32, #tpu.memory_space<hbm>>
        tpu.wait_indirect_dma semaphore(%arg25 : memref<!tpu.dma_semaphore, #tpu.memory_space<semaphore_mem>>) src(%dma_wait3A_173 : memref<80000x128xf32, #tpu.memory_space<hbm>>) dst(%dma_wait3A_170 : memref<128x128xf32, #tpu.memory_space<vmem>>)
      } else {
      }
      %add3A_149 = arith.constant 1 : i32
      %add3A_150 = arith.addi %while3A_131, %add3A_149 : i32
      %lt3A_151 = arith.cmpi slt, %add3A_150, %select_n3A : i32
      %convert_element_type3A_152 = arith.extui %lt3A_151 : i1 to i32
      %cond3A_153 = arith.constant 0 : i32
      %cond3A_154 = arith.cmpi ne, %convert_element_type3A_152, %cond3A_153 : i32
      scf.if %cond3A_154 {
        %add3A_167 = arith.constant 1 : i32
        %add3A_168 = arith.addi %while3A_131, %add3A_167 : i32
        %rem3A_169 = arith.constant 2 : i32
        %rem3A_170 = arith.remsi %add3A_168, %rem3A_169 : i32
        %eq3A_171 = arith.constant 0 : i32
        %eq3A_172 = arith.cmpi eq, %rem3A_170, %eq3A_171 : i32
        %convert_element_type3A_173 = arith.extui %eq3A_172 : i1 to i32
        %cond3A_174 = arith.constant 0 : i32
        %cond3A_175 = arith.cmpi ne, %convert_element_type3A_173, %cond3A_174 : i32
        scf.if %cond3A_175 {
          %eq3A_181 = arith.constant 0 : i32
          %eq3A_182 = arith.cmpi eq, %arg0, %eq3A_181 : i32
          %convert_element_type3A_183 = arith.extui %eq3A_182 : i1 to i32
          %cond3A_184 = arith.constant 0 : i32
          %cond3A_185 = arith.cmpi ne, %convert_element_type3A_183, %cond3A_184 : i32
          scf.if %cond3A_185 {
            %dma_start3A = arith.constant 0 : i32
            %dma_start3A_191 = arith.constant 0 : i32
            %dma_start3A_192 = arith.constant 0 : i32
            %dma_start3A_193 = tpu.memref_slice %arg21[%dma_start3A, %dma_start3A_191, %dma_start3A_192] : memref<2x128x128xf32, #tpu.memory_space<vmem>> -> memref<1x128x128xf32, #tpu.memory_space<vmem>>
            %dma_start3A_194 = tpu.memref_squeeze %dma_start3A_193 : memref<1x128x128xf32, #tpu.memory_space<vmem>> -> memref<128x128xf32, #tpu.memory_space<vmem>>
            %dma_start3A_195 = arith.constant 0 : i32
            %dma_start3A_196 = arith.constant 0 : i32
            %dma_start3A_197 = tpu.memref_slice %arg2[%dma_start3A_195, %dma_start3A_196] : memref<80000x128xf32, #tpu.memory_space<hbm>> -> memref<80000x128xf32, #tpu.memory_space<hbm>>
            tpu.enqueue_indirect_dma source(%dma_start3A_197 : memref<80000x128xf32, #tpu.memory_space<hbm>>) target(%dma_start3A_194 : memref<128x128xf32, #tpu.memory_space<vmem>>) offsets(%arg15 : memref<128xi32, #tpu.memory_space<vmem>>) semaphore(%arg25 : memref<!tpu.dma_semaphore, #tpu.memory_space<semaphore_mem>>)
          } else {
          }
          %eq3A_186 = arith.constant 1 : i32
          %eq3A_187 = arith.cmpi eq, %arg0, %eq3A_186 : i32
          %convert_element_type3A_188 = arith.extui %eq3A_187 : i1 to i32
          %cond3A_189 = arith.constant 0 : i32
          %cond3A_190 = arith.cmpi ne, %convert_element_type3A_188, %cond3A_189 : i32
          scf.if %cond3A_190 {
            %dma_start3A = arith.constant 0 : i32
            %dma_start3A_191 = arith.constant 0 : i32
            %dma_start3A_192 = arith.constant 0 : i32
            %dma_start3A_193 = tpu.memref_slice %arg21[%dma_start3A, %dma_start3A_191, %dma_start3A_192] : memref<2x128x128xf32, #tpu.memory_space<vmem>> -> memref<1x128x128xf32, #tpu.memory_space<vmem>>
            %dma_start3A_194 = tpu.memref_squeeze %dma_start3A_193 : memref<1x128x128xf32, #tpu.memory_space<vmem>> -> memref<128x128xf32, #tpu.memory_space<vmem>>
            %dma_start3A_195 = arith.constant 0 : i32
            %dma_start3A_196 = arith.constant 0 : i32
            %dma_start3A_197 = tpu.memref_slice %arg3[%dma_start3A_195, %dma_start3A_196] : memref<80000x128xf32, #tpu.memory_space<hbm>> -> memref<80000x128xf32, #tpu.memory_space<hbm>>
            tpu.enqueue_indirect_dma source(%dma_start3A_197 : memref<80000x128xf32, #tpu.memory_space<hbm>>) target(%dma_start3A_194 : memref<128x128xf32, #tpu.memory_space<vmem>>) offsets(%arg15 : memref<128xi32, #tpu.memory_space<vmem>>) semaphore(%arg25 : memref<!tpu.dma_semaphore, #tpu.memory_space<semaphore_mem>>)
          } else {
          }
        } else {
        }
        %eq3A_176 = arith.constant 1 : i32
        %eq3A_177 = arith.cmpi eq, %rem3A_170, %eq3A_176 : i32
        %convert_element_type3A_178 = arith.extui %eq3A_177 : i1 to i32
        %cond3A_179 = arith.constant 0 : i32
        %cond3A_180 = arith.cmpi ne, %convert_element_type3A_178, %cond3A_179 : i32
        scf.if %cond3A_180 {
          %eq3A_181 = arith.constant 0 : i32
          %eq3A_182 = arith.cmpi eq, %arg0, %eq3A_181 : i32
          %convert_element_type3A_183 = arith.extui %eq3A_182 : i1 to i32
          %cond3A_184 = arith.constant 0 : i32
          %cond3A_185 = arith.cmpi ne, %convert_element_type3A_183, %cond3A_184 : i32
          scf.if %cond3A_185 {
            %dma_start3A = arith.constant 1 : i32
            %dma_start3A_191 = arith.constant 0 : i32
            %dma_start3A_192 = arith.constant 0 : i32
            %dma_start3A_193 = tpu.memref_slice %arg21[%dma_start3A, %dma_start3A_191, %dma_start3A_192] : memref<2x128x128xf32, #tpu.memory_space<vmem>> -> memref<1x128x128xf32, #tpu.memory_space<vmem>>
            %dma_start3A_194 = tpu.memref_squeeze %dma_start3A_193 : memref<1x128x128xf32, #tpu.memory_space<vmem>> -> memref<128x128xf32, #tpu.memory_space<vmem>>
            %dma_start3A_195 = arith.constant 0 : i32
            %dma_start3A_196 = arith.constant 0 : i32
            %dma_start3A_197 = tpu.memref_slice %arg2[%dma_start3A_195, %dma_start3A_196] : memref<80000x128xf32, #tpu.memory_space<hbm>> -> memref<80000x128xf32, #tpu.memory_space<hbm>>
            tpu.enqueue_indirect_dma source(%dma_start3A_197 : memref<80000x128xf32, #tpu.memory_space<hbm>>) target(%dma_start3A_194 : memref<128x128xf32, #tpu.memory_space<vmem>>) offsets(%arg20 : memref<128xi32, #tpu.memory_space<vmem>>) semaphore(%arg25 : memref<!tpu.dma_semaphore, #tpu.memory_space<semaphore_mem>>)
          } else {
          }
          %eq3A_186 = arith.constant 1 : i32
          %eq3A_187 = arith.cmpi eq, %arg0, %eq3A_186 : i32
          %convert_element_type3A_188 = arith.extui %eq3A_187 : i1 to i32
          %cond3A_189 = arith.constant 0 : i32
          %cond3A_190 = arith.cmpi ne, %convert_element_type3A_188, %cond3A_189 : i32
          scf.if %cond3A_190 {
            %dma_start3A = arith.constant 1 : i32
            %dma_start3A_191 = arith.constant 0 : i32
            %dma_start3A_192 = arith.constant 0 : i32
            %dma_start3A_193 = tpu.memref_slice %arg21[%dma_start3A, %dma_start3A_191, %dma_start3A_192] : memref<2x128x128xf32, #tpu.memory_space<vmem>> -> memref<1x128x128xf32, #tpu.memory_space<vmem>>
            %dma_start3A_194 = tpu.memref_squeeze %dma_start3A_193 : memref<1x128x128xf32, #tpu.memory_space<vmem>> -> memref<128x128xf32, #tpu.memory_space<vmem>>
            %dma_start3A_195 = arith.constant 0 : i32
            %dma_start3A_196 = arith.constant 0 : i32
            %dma_start3A_197 = tpu.memref_slice %arg3[%dma_start3A_195, %dma_start3A_196] : memref<80000x128xf32, #tpu.memory_space<hbm>> -> memref<80000x128xf32, #tpu.memory_space<hbm>>
            tpu.enqueue_indirect_dma source(%dma_start3A_197 : memref<80000x128xf32, #tpu.memory_space<hbm>>) target(%dma_start3A_194 : memref<128x128xf32, #tpu.memory_space<vmem>>) offsets(%arg20 : memref<128xi32, #tpu.memory_space<vmem>>) semaphore(%arg25 : memref<!tpu.dma_semaphore, #tpu.memory_space<semaphore_mem>>)
          } else {
          }
        } else {
        }
      } else {
      }
      %rem3A = arith.constant 2 : i32
      %rem3A_155 = arith.remsi %while3A_131, %rem3A : i32
      %eq3A_156 = arith.constant 0 : i32
      %eq3A_157 = arith.cmpi eq, %rem3A_155, %eq3A_156 : i32
      %convert_element_type3A_158 = arith.extui %eq3A_157 : i1 to i32
      %cond3A_159 = arith.constant 0 : i32
      %cond3A_160 = arith.cmpi ne, %convert_element_type3A_158, %cond3A_159 : i32
      scf.if %cond3A_160 {
        %run_scoped3A_167 = arith.constant 0 : i32
        "tpu.region"() ({
          %run_scoped3A_168 = tpu.sem_alloc : memref<!tpu.dma_semaphore, #tpu.memory_space<semaphore_mem>>
          %dma_start3A = arith.constant 0 : i32
          %dma_start3A_169 = arith.constant 0 : i32
          %dma_start3A_170 = tpu.memref_slice %arg21[%run_scoped3A_167, %dma_start3A, %dma_start3A_169] : memref<2x128x128xf32, #tpu.memory_space<vmem>> -> memref<1x128x128xf32, #tpu.memory_space<vmem>>
          %dma_start3A_171 = tpu.memref_squeeze %dma_start3A_170 : memref<1x128x128xf32, #tpu.memory_space<vmem>> -> memref<128x128xf32, #tpu.memory_space<vmem>>
          %dma_start3A_172 = arith.constant 0 : i32
          %dma_start3A_173 = arith.constant 0 : i32
          %dma_start3A_174 = tpu.memref_slice %arg24[%dma_start3A_172, %dma_start3A_173] : memref<10000x128xf32, #tpu.memory_space<vmem_shared>> -> memref<10000x128xf32, #tpu.memory_space<vmem_shared>>
          tpu.enqueue_indirect_dma source(%dma_start3A_171 : memref<128x128xf32, #tpu.memory_space<vmem>>) target(%dma_start3A_174 : memref<10000x128xf32, #tpu.memory_space<vmem_shared>>) offsets(%arg16 : memref<128xi32, #tpu.memory_space<vmem>>) semaphore(%run_scoped3A_168 : memref<!tpu.dma_semaphore, #tpu.memory_space<semaphore_mem>>) {add = true}
          %dma_wait3A = arith.constant 0 : i32
          %dma_wait3A_175 = arith.constant 0 : i32
          %dma_wait3A_176 = tpu.memref_slice %arg21[%run_scoped3A_167, %dma_wait3A, %dma_wait3A_175] : memref<2x128x128xf32, #tpu.memory_space<vmem>> -> memref<1x128x128xf32, #tpu.memory_space<vmem>>
          %dma_wait3A_177 = tpu.memref_squeeze %dma_wait3A_176 : memref<1x128x128xf32, #tpu.memory_space<vmem>> -> memref<128x128xf32, #tpu.memory_space<vmem>>
          %dma_wait3A_178 = arith.constant 0 : i32
          %dma_wait3A_179 = arith.constant 0 : i32
          %dma_wait3A_180 = tpu.memref_slice %arg24[%dma_wait3A_178, %dma_wait3A_179] : memref<10000x128xf32, #tpu.memory_space<vmem_shared>> -> memref<10000x128xf32, #tpu.memory_space<vmem_shared>>
          tpu.wait_indirect_dma semaphore(%run_scoped3A_168 : memref<!tpu.dma_semaphore, #tpu.memory_space<semaphore_mem>>) src(%dma_wait3A_177 : memref<128x128xf32, #tpu.memory_space<vmem>>) dst(%dma_wait3A_180 : memref<10000x128xf32, #tpu.memory_space<vmem_shared>>)
          tpu.yield
        }) : () -> ()
      } else {
      }
      %eq3A_161 = arith.constant 1 : i32
      %eq3A_162 = arith.cmpi eq, %rem3A_155, %eq3A_161 : i32
      %convert_element_type3A_163 = arith.extui %eq3A_162 : i1 to i32
      %cond3A_164 = arith.constant 0 : i32
      %cond3A_165 = arith.cmpi ne, %convert_element_type3A_163, %cond3A_164 : i32
      scf.if %cond3A_165 {
        %run_scoped3A_167 = arith.constant 1 : i32
        "tpu.region"() ({
          %run_scoped3A_168 = tpu.sem_alloc : memref<!tpu.dma_semaphore, #tpu.memory_space<semaphore_mem>>
          %dma_start3A = arith.constant 0 : i32
          %dma_start3A_169 = arith.constant 0 : i32
          %dma_start3A_170 = tpu.memref_slice %arg21[%run_scoped3A_167, %dma_start3A, %dma_start3A_169] : memref<2x128x128xf32, #tpu.memory_space<vmem>> -> memref<1x128x128xf32, #tpu.memory_space<vmem>>
          %dma_start3A_171 = tpu.memref_squeeze %dma_start3A_170 : memref<1x128x128xf32, #tpu.memory_space<vmem>> -> memref<128x128xf32, #tpu.memory_space<vmem>>
          %dma_start3A_172 = arith.constant 0 : i32
          %dma_start3A_173 = arith.constant 0 : i32
          %dma_start3A_174 = tpu.memref_slice %arg24[%dma_start3A_172, %dma_start3A_173] : memref<10000x128xf32, #tpu.memory_space<vmem_shared>> -> memref<10000x128xf32, #tpu.memory_space<vmem_shared>>
          tpu.enqueue_indirect_dma source(%dma_start3A_171 : memref<128x128xf32, #tpu.memory_space<vmem>>) target(%dma_start3A_174 : memref<10000x128xf32, #tpu.memory_space<vmem_shared>>) offsets(%arg19 : memref<128xi32, #tpu.memory_space<vmem>>) semaphore(%run_scoped3A_168 : memref<!tpu.dma_semaphore, #tpu.memory_space<semaphore_mem>>) {add = true}
          %dma_wait3A = arith.constant 0 : i32
          %dma_wait3A_175 = arith.constant 0 : i32
          %dma_wait3A_176 = tpu.memref_slice %arg21[%run_scoped3A_167, %dma_wait3A, %dma_wait3A_175] : memref<2x128x128xf32, #tpu.memory_space<vmem>> -> memref<1x128x128xf32, #tpu.memory_space<vmem>>
          %dma_wait3A_177 = tpu.memref_squeeze %dma_wait3A_176 : memref<1x128x128xf32, #tpu.memory_space<vmem>> -> memref<128x128xf32, #tpu.memory_space<vmem>>
          %dma_wait3A_178 = arith.constant 0 : i32
          %dma_wait3A_179 = arith.constant 0 : i32
          %dma_wait3A_180 = tpu.memref_slice %arg24[%dma_wait3A_178, %dma_wait3A_179] : memref<10000x128xf32, #tpu.memory_space<vmem_shared>> -> memref<10000x128xf32, #tpu.memory_space<vmem_shared>>
          tpu.wait_indirect_dma semaphore(%run_scoped3A_168 : memref<!tpu.dma_semaphore, #tpu.memory_space<semaphore_mem>>) src(%dma_wait3A_177 : memref<128x128xf32, #tpu.memory_space<vmem>>) dst(%dma_wait3A_180 : memref<10000x128xf32, #tpu.memory_space<vmem_shared>>)
          tpu.yield
        }) : () -> ()
      } else {
      }
      %while3A_166 = arith.constant 0 : i32
      scf.yield %while3A_166 : i32
    }
    %while3A_44 = arith.constant 1 : i32
    %while3A_45 = scf.for %while3A_131 = %while3A_41 to %while3A_37 step %while3A_44 iter_args(%while3A_132 = %while3A_43) -> (i32)  : i32 {
      %add3A_133 = arith.constant 1 : i32
      %add3A_134 = arith.addi %while3A_131, %add3A_133 : i32
      %lt3A_135 = arith.cmpi slt, %add3A_134, %select_n3A : i32
      %convert_element_type3A_136 = arith.extui %lt3A_135 : i1 to i32
      %cond3A_137 = arith.constant 0 : i32
      %cond3A_138 = arith.cmpi ne, %convert_element_type3A_136, %cond3A_137 : i32
      scf.if %cond3A_138 {
        %add3A_167 = arith.constant 1 : i32
        %add3A_168 = arith.addi %while3A_131, %add3A_167 : i32
        %rem3A_169 = arith.constant 2 : i32
        %rem3A_170 = arith.remsi %add3A_168, %rem3A_169 : i32
        %eq3A_171 = arith.constant 0 : i32
        %eq3A_172 = arith.cmpi eq, %rem3A_170, %eq3A_171 : i32
        %convert_element_type3A_173 = arith.extui %eq3A_172 : i1 to i32
        %cond3A_174 = arith.constant 0 : i32
        %cond3A_175 = arith.cmpi ne, %convert_element_type3A_173, %cond3A_174 : i32
        scf.if %cond3A_175 {
          %add3A_181 = arith.constant 1 : i32
          %add3A_182 = arith.addi %while3A_131, %add3A_181 : i32
          %mul3A_183 = arith.constant 16 : i32
          %mul3A_184 = arith.muli %mul3A_183, %add3A_182 : i32
          %add3A_185 = arith.addi %arg1, %mul3A_184 : i32
          %mul3A_186 = arith.constant 128 : i32
          %mul3A_187 = arith.muli %add3A_185, %mul3A_186 : i32
          "tpu.region"() ({
            %run_scoped3A_195 = tpu.sem_alloc : memref<!tpu.dma_semaphore, #tpu.memory_space<semaphore_mem>>
            %dma_start3A = tpu.memref_slice %arg4[%mul3A_187] : memref<160000xi32, #tpu.memory_space<hbm>> -> memref<128xi32, #tpu.memory_space<hbm>>
            %dma_start3A_196 = tpu.memref_slice %arg4[%mul3A_187] : memref<160000xi32, #tpu.memory_space<hbm>> -> memref<128xi32, #tpu.memory_space<hbm>>
            tpu.enqueue_dma source(%dma_start3A_196 : memref<128xi32, #tpu.memory_space<hbm>>) target(%arg13 : memref<128xi32, #tpu.memory_space<vmem>>) target_semaphore(%run_scoped3A_195 : memref<!tpu.dma_semaphore, #tpu.memory_space<semaphore_mem>>)
            %dma_wait3A = tpu.memref_slice %arg4[%mul3A_187] : memref<160000xi32, #tpu.memory_space<hbm>> -> memref<128xi32, #tpu.memory_space<hbm>>
            %dma_wait3A_197 = tpu.memref_slice %arg4[%mul3A_187] : memref<160000xi32, #tpu.memory_space<hbm>> -> memref<128xi32, #tpu.memory_space<hbm>>
            tpu.wait_dma2 semaphore(%run_scoped3A_195 : memref<!tpu.dma_semaphore, #tpu.memory_space<semaphore_mem>>) src(%dma_wait3A_197 : memref<128xi32, #tpu.memory_space<hbm>>) dst(%arg13 : memref<128xi32, #tpu.memory_space<vmem>>)
            tpu.yield
          }) : () -> ()
          "tpu.region"() ({
            %run_scoped3A_195 = tpu.sem_alloc : memref<!tpu.dma_semaphore, #tpu.memory_space<semaphore_mem>>
            %dma_start3A = tpu.memref_slice %arg5[%mul3A_187] : memref<160000xi32, #tpu.memory_space<hbm>> -> memref<128xi32, #tpu.memory_space<hbm>>
            %dma_start3A_196 = tpu.memref_slice %arg5[%mul3A_187] : memref<160000xi32, #tpu.memory_space<hbm>> -> memref<128xi32, #tpu.memory_space<hbm>>
            tpu.enqueue_dma source(%dma_start3A_196 : memref<128xi32, #tpu.memory_space<hbm>>) target(%arg14 : memref<128xi32, #tpu.memory_space<vmem>>) target_semaphore(%run_scoped3A_195 : memref<!tpu.dma_semaphore, #tpu.memory_space<semaphore_mem>>)
            %dma_wait3A = tpu.memref_slice %arg5[%mul3A_187] : memref<160000xi32, #tpu.memory_space<hbm>> -> memref<128xi32, #tpu.memory_space<hbm>>
            %dma_wait3A_197 = tpu.memref_slice %arg5[%mul3A_187] : memref<160000xi32, #tpu.memory_space<hbm>> -> memref<128xi32, #tpu.memory_space<hbm>>
            tpu.wait_dma2 semaphore(%run_scoped3A_195 : memref<!tpu.dma_semaphore, #tpu.memory_space<semaphore_mem>>) src(%dma_wait3A_197 : memref<128xi32, #tpu.memory_space<hbm>>) dst(%arg14 : memref<128xi32, #tpu.memory_space<vmem>>)
            tpu.yield
          }) : () -> ()
          "tpu.region"() ({
            %run_scoped3A_195 = tpu.sem_alloc : memref<!tpu.dma_semaphore, #tpu.memory_space<semaphore_mem>>
            %dma_start3A = tpu.memref_slice %arg6[%mul3A_187] : memref<160000xi32, #tpu.memory_space<hbm>> -> memref<128xi32, #tpu.memory_space<hbm>>
            %dma_start3A_196 = tpu.memref_slice %arg6[%mul3A_187] : memref<160000xi32, #tpu.memory_space<hbm>> -> memref<128xi32, #tpu.memory_space<hbm>>
            tpu.enqueue_dma source(%dma_start3A_196 : memref<128xi32, #tpu.memory_space<hbm>>) target(%arg16 : memref<128xi32, #tpu.memory_space<vmem>>) target_semaphore(%run_scoped3A_195 : memref<!tpu.dma_semaphore, #tpu.memory_space<semaphore_mem>>)
            %dma_wait3A = tpu.memref_slice %arg6[%mul3A_187] : memref<160000xi32, #tpu.memory_space<hbm>> -> memref<128xi32, #tpu.memory_space<hbm>>
            %dma_wait3A_197 = tpu.memref_slice %arg6[%mul3A_187] : memref<160000xi32, #tpu.memory_space<hbm>> -> memref<128xi32, #tpu.memory_space<hbm>>
            tpu.wait_dma2 semaphore(%run_scoped3A_195 : memref<!tpu.dma_semaphore, #tpu.memory_space<semaphore_mem>>) src(%dma_wait3A_197 : memref<128xi32, #tpu.memory_space<hbm>>) dst(%arg16 : memref<128xi32, #tpu.memory_space<vmem>>)
            tpu.yield
          }) : () -> ()
          %scan3A_188 = arith.constant 0 : i32
          %scan3A_189 = arith.constant 0 : i32
          %scan3A_190 = arith.constant 8 : i32
          %scan3A_191 = arith.addi %scan3A_189, %scan3A_190 : i32
          %scan3A_192 = arith.constant 1 : i32
          %scan3A_193 = scf.for %scan3A_195 = %scan3A_189 to %scan3A_191 step %scan3A_192 iter_args(%scan3A_196 = %scan3A_188) -> (i32)  : i32 {
            %mul3A_197 = arith.constant 16 : i32
            %mul3A_198 = arith.muli %scan3A_195, %mul3A_197 : i32
            %get3A = arith.index_cast %mul3A_198 : i32 to index
            %get3A_199 = tpu.vector_load %arg14[%get3A] {strides = array<i32>} : memref<128xi32, #tpu.memory_space<vmem>>, vector<16xi32>,
            %get3A_200 = vector.shape_cast %get3A_199 : vector<16xi32> to vector<16xi32>
            %mul3A_201 = arith.constant 10000 : i32
            %mul3A_202 = vector.broadcast %mul3A_201 : i32 to vector<16xi32>
            %mul3A_203 = arith.muli %get3A_200, %mul3A_202 : vector<16xi32>
            %get3A_204 = arith.index_cast %mul3A_198 : i32 to index
            %get3A_205 = tpu.vector_load %arg13[%get3A_204] {strides = array<i32>} : memref<128xi32, #tpu.memory_space<vmem>>, vector<16xi32>,
            %get3A_206 = vector.shape_cast %get3A_205 : vector<16xi32> to vector<16xi32>
            %add3A_207 = arith.addi %mul3A_203, %get3A_206 : vector<16xi32>
            %swap3A = arith.index_cast %mul3A_198 : i32 to index
            %swap3A_208 = tpu.vector_load %arg15[%swap3A] {strides = array<i32>} : memref<128xi32, #tpu.memory_space<vmem>>, vector<16xi32>,
            %swap3A_209 = vector.shape_cast %swap3A_208 : vector<16xi32> to vector<16xi32>
            %swap3A_210 = vector.shape_cast %add3A_207 : vector<16xi32> to vector<16xi32>
            tpu.vector_store %arg15[%swap3A], %swap3A_210 {strides = array<i32>} : memref<128xi32, #tpu.memory_space<vmem>>, vector<16xi32>,
            %scan3A_211 = arith.constant 0 : i32
            scf.yield %scan3A_211 : i32
          }
          %scan3A_194 = arith.constant 8 : i32
        } else {
        }
        %eq3A_176 = arith.constant 1 : i32
        %eq3A_177 = arith.cmpi eq, %rem3A_170, %eq3A_176 : i32
        %convert_element_type3A_178 = arith.extui %eq3A_177 : i1 to i32
        %cond3A_179 = arith.constant 0 : i32
        %cond3A_180 = arith.cmpi ne, %convert_element_type3A_178, %cond3A_179 : i32
        scf.if %cond3A_180 {
          %add3A_181 = arith.constant 1 : i32
          %add3A_182 = arith.addi %while3A_131, %add3A_181 : i32
          %mul3A_183 = arith.constant 16 : i32
          %mul3A_184 = arith.muli %mul3A_183, %add3A_182 : i32
          %add3A_185 = arith.addi %arg1, %mul3A_184 : i32
          %mul3A_186 = arith.constant 128 : i32
          %mul3A_187 = arith.muli %add3A_185, %mul3A_186 : i32
          "tpu.region"() ({
            %run_scoped3A_195 = tpu.sem_alloc : memref<!tpu.dma_semaphore, #tpu.memory_space<semaphore_mem>>
            %dma_start3A = tpu.memref_slice %arg4[%mul3A_187] : memref<160000xi32, #tpu.memory_space<hbm>> -> memref<128xi32, #tpu.memory_space<hbm>>
            %dma_start3A_196 = tpu.memref_slice %arg4[%mul3A_187] : memref<160000xi32, #tpu.memory_space<hbm>> -> memref<128xi32, #tpu.memory_space<hbm>>
            tpu.enqueue_dma source(%dma_start3A_196 : memref<128xi32, #tpu.memory_space<hbm>>) target(%arg17 : memref<128xi32, #tpu.memory_space<vmem>>) target_semaphore(%run_scoped3A_195 : memref<!tpu.dma_semaphore, #tpu.memory_space<semaphore_mem>>)
            %dma_wait3A = tpu.memref_slice %arg4[%mul3A_187] : memref<160000xi32, #tpu.memory_space<hbm>> -> memref<128xi32, #tpu.memory_space<hbm>>
            %dma_wait3A_197 = tpu.memref_slice %arg4[%mul3A_187] : memref<160000xi32, #tpu.memory_space<hbm>> -> memref<128xi32, #tpu.memory_space<hbm>>
            tpu.wait_dma2 semaphore(%run_scoped3A_195 : memref<!tpu.dma_semaphore, #tpu.memory_space<semaphore_mem>>) src(%dma_wait3A_197 : memref<128xi32, #tpu.memory_space<hbm>>) dst(%arg17 : memref<128xi32, #tpu.memory_space<vmem>>)
            tpu.yield
          }) : () -> ()
          "tpu.region"() ({
            %run_scoped3A_195 = tpu.sem_alloc : memref<!tpu.dma_semaphore, #tpu.memory_space<semaphore_mem>>
            %dma_start3A = tpu.memref_slice %arg5[%mul3A_187] : memref<160000xi32, #tpu.memory_space<hbm>> -> memref<128xi32, #tpu.memory_space<hbm>>
            %dma_start3A_196 = tpu.memref_slice %arg5[%mul3A_187] : memref<160000xi32, #tpu.memory_space<hbm>> -> memref<128xi32, #tpu.memory_space<hbm>>
            tpu.enqueue_dma source(%dma_start3A_196 : memref<128xi32, #tpu.memory_space<hbm>>) target(%arg18 : memref<128xi32, #tpu.memory_space<vmem>>) target_semaphore(%run_scoped3A_195 : memref<!tpu.dma_semaphore, #tpu.memory_space<semaphore_mem>>)
            %dma_wait3A = tpu.memref_slice %arg5[%mul3A_187] : memref<160000xi32, #tpu.memory_space<hbm>> -> memref<128xi32, #tpu.memory_space<hbm>>
            %dma_wait3A_197 = tpu.memref_slice %arg5[%mul3A_187] : memref<160000xi32, #tpu.memory_space<hbm>> -> memref<128xi32, #tpu.memory_space<hbm>>
            tpu.wait_dma2 semaphore(%run_scoped3A_195 : memref<!tpu.dma_semaphore, #tpu.memory_space<semaphore_mem>>) src(%dma_wait3A_197 : memref<128xi32, #tpu.memory_space<hbm>>) dst(%arg18 : memref<128xi32, #tpu.memory_space<vmem>>)
            tpu.yield
          }) : () -> ()
          "tpu.region"() ({
            %run_scoped3A_195 = tpu.sem_alloc : memref<!tpu.dma_semaphore, #tpu.memory_space<semaphore_mem>>
            %dma_start3A = tpu.memref_slice %arg6[%mul3A_187] : memref<160000xi32, #tpu.memory_space<hbm>> -> memref<128xi32, #tpu.memory_space<hbm>>
            %dma_start3A_196 = tpu.memref_slice %arg6[%mul3A_187] : memref<160000xi32, #tpu.memory_space<hbm>> -> memref<128xi32, #tpu.memory_space<hbm>>
            tpu.enqueue_dma source(%dma_start3A_196 : memref<128xi32, #tpu.memory_space<hbm>>) target(%arg19 : memref<128xi32, #tpu.memory_space<vmem>>) target_semaphore(%run_scoped3A_195 : memref<!tpu.dma_semaphore, #tpu.memory_space<semaphore_mem>>)
            %dma_wait3A = tpu.memref_slice %arg6[%mul3A_187] : memref<160000xi32, #tpu.memory_space<hbm>> -> memref<128xi32, #tpu.memory_space<hbm>>
            %dma_wait3A_197 = tpu.memref_slice %arg6[%mul3A_187] : memref<160000xi32, #tpu.memory_space<hbm>> -> memref<128xi32, #tpu.memory_space<hbm>>
            tpu.wait_dma2 semaphore(%run_scoped3A_195 : memref<!tpu.dma_semaphore, #tpu.memory_space<semaphore_mem>>) src(%dma_wait3A_197 : memref<128xi32, #tpu.memory_space<hbm>>) dst(%arg19 : memref<128xi32, #tpu.memory_space<vmem>>)
            tpu.yield
          }) : () -> ()
          %scan3A_188 = arith.constant 0 : i32
          %scan3A_189 = arith.constant 0 : i32
          %scan3A_190 = arith.constant 8 : i32
          %scan3A_191 = arith.addi %scan3A_189, %scan3A_190 : i32
          %scan3A_192 = arith.constant 1 : i32
          %scan3A_193 = scf.for %scan3A_195 = %scan3A_189 to %scan3A_191 step %scan3A_192 iter_args(%scan3A_196 = %scan3A_188) -> (i32)  : i32 {
            %mul3A_197 = arith.constant 16 : i32
            %mul3A_198 = arith.muli %scan3A_195, %mul3A_197 : i32
            %get3A = arith.index_cast %mul3A_198 : i32 to index
            %get3A_199 = tpu.vector_load %arg18[%get3A] {strides = array<i32>} : memref<128xi32, #tpu.memory_space<vmem>>, vector<16xi32>,
            %get3A_200 = vector.shape_cast %get3A_199 : vector<16xi32> to vector<16xi32>
            %mul3A_201 = arith.constant 10000 : i32
            %mul3A_202 = vector.broadcast %mul3A_201 : i32 to vector<16xi32>
            %mul3A_203 = arith.muli %get3A_200, %mul3A_202 : vector<16xi32>
            %get3A_204 = arith.index_cast %mul3A_198 : i32 to index
            %get3A_205 = tpu.vector_load %arg17[%get3A_204] {strides = array<i32>} : memref<128xi32, #tpu.memory_space<vmem>>, vector<16xi32>,
            %get3A_206 = vector.shape_cast %get3A_205 : vector<16xi32> to vector<16xi32>
            %add3A_207 = arith.addi %mul3A_203, %get3A_206 : vector<16xi32>
            %swap3A = arith.index_cast %mul3A_198 : i32 to index
            %swap3A_208 = tpu.vector_load %arg20[%swap3A] {strides = array<i32>} : memref<128xi32, #tpu.memory_space<vmem>>, vector<16xi32>,
            %swap3A_209 = vector.shape_cast %swap3A_208 : vector<16xi32> to vector<16xi32>
            %swap3A_210 = vector.shape_cast %add3A_207 : vector<16xi32> to vector<16xi32>
            tpu.vector_store %arg20[%swap3A], %swap3A_210 {strides = array<i32>} : memref<128xi32, #tpu.memory_space<vmem>>, vector<16xi32>,
            %scan3A_211 = arith.constant 0 : i32
            scf.yield %scan3A_211 : i32
          }
          %scan3A_194 = arith.constant 8 : i32
        } else {
        }
      } else {
      }
      %eq3A_139 = arith.constant 0 : i32
      %eq3A_140 = arith.cmpi eq, %arg0, %eq3A_139 : i32
      %convert_element_type3A_141 = arith.extui %eq3A_140 : i1 to i32
      %cond3A_142 = arith.constant 0 : i32
      %cond3A_143 = arith.cmpi ne, %convert_element_type3A_141, %cond3A_142 : i32
      scf.if %cond3A_143 {
        %dma_wait3A = arith.constant 0 : i32
        %dma_wait3A_167 = arith.constant 0 : i32
        %dma_wait3A_168 = arith.constant 0 : i32
        %dma_wait3A_169 = tpu.memref_slice %arg21[%dma_wait3A, %dma_wait3A_167, %dma_wait3A_168] : memref<2x128x128xf32, #tpu.memory_space<vmem>> -> memref<1x128x128xf32, #tpu.memory_space<vmem>>
        %dma_wait3A_170 = tpu.memref_squeeze %dma_wait3A_169 : memref<1x128x128xf32, #tpu.memory_space<vmem>> -> memref<128x128xf32, #tpu.memory_space<vmem>>
        %dma_wait3A_171 = arith.constant 0 : i32
        %dma_wait3A_172 = arith.constant 0 : i32
        %dma_wait3A_173 = tpu.memref_slice %arg2[%dma_wait3A_171, %dma_wait3A_172] : memref<80000x128xf32, #tpu.memory_space<hbm>> -> memref<80000x128xf32, #tpu.memory_space<hbm>>
        tpu.wait_indirect_dma semaphore(%arg25 : memref<!tpu.dma_semaphore, #tpu.memory_space<semaphore_mem>>) src(%dma_wait3A_173 : memref<80000x128xf32, #tpu.memory_space<hbm>>) dst(%dma_wait3A_170 : memref<128x128xf32, #tpu.memory_space<vmem>>)
      } else {
      }
      %eq3A_144 = arith.constant 1 : i32
      %eq3A_145 = arith.cmpi eq, %arg0, %eq3A_144 : i32
      %convert_element_type3A_146 = arith.extui %eq3A_145 : i1 to i32
      %cond3A_147 = arith.constant 0 : i32
      %cond3A_148 = arith.cmpi ne, %convert_element_type3A_146, %cond3A_147 : i32
      scf.if %cond3A_148 {
        %dma_wait3A = arith.constant 0 : i32
        %dma_wait3A_167 = arith.constant 0 : i32
        %dma_wait3A_168 = arith.constant 0 : i32
        %dma_wait3A_169 = tpu.memref_slice %arg21[%dma_wait3A, %dma_wait3A_167, %dma_wait3A_168] : memref<2x128x128xf32, #tpu.memory_space<vmem>> -> memref<1x128x128xf32, #tpu.memory_space<vmem>>
        %dma_wait3A_170 = tpu.memref_squeeze %dma_wait3A_169 : memref<1x128x128xf32, #tpu.memory_space<vmem>> -> memref<128x128xf32, #tpu.memory_space<vmem>>
        %dma_wait3A_171 = arith.constant 0 : i32
        %dma_wait3A_172 = arith.constant 0 : i32
        %dma_wait3A_173 = tpu.memref_slice %arg3[%dma_wait3A_171, %dma_wait3A_172] : memref<80000x128xf32, #tpu.memory_space<hbm>> -> memref<80000x128xf32, #tpu.memory_space<hbm>>
        tpu.wait_indirect_dma semaphore(%arg25 : memref<!tpu.dma_semaphore, #tpu.memory_space<semaphore_mem>>) src(%dma_wait3A_173 : memref<80000x128xf32, #tpu.memory_space<hbm>>) dst(%dma_wait3A_170 : memref<128x128xf32, #tpu.memory_space<vmem>>)
      } else {
      }
      %add3A_149 = arith.constant 1 : i32
      %add3A_150 = arith.addi %while3A_131, %add3A_149 : i32
      %lt3A_151 = arith.cmpi slt, %add3A_150, %select_n3A : i32
      %convert_element_type3A_152 = arith.extui %lt3A_151 : i1 to i32
      %cond3A_153 = arith.constant 0 : i32
      %cond3A_154 = arith.cmpi ne, %convert_element_type3A_152, %cond3A_153 : i32
      scf.if %cond3A_154 {
        %add3A_167 = arith.constant 1 : i32
        %add3A_168 = arith.addi %while3A_131, %add3A_167 : i32
        %rem3A_169 = arith.constant 2 : i32
        %rem3A_170 = arith.remsi %add3A_168, %rem3A_169 : i32
        %eq3A_171 = arith.constant 0 : i32
        %eq3A_172 = arith.cmpi eq, %rem3A_170, %eq3A_171 : i32
        %convert_element_type3A_173 = arith.extui %eq3A_172 : i1 to i32
        %cond3A_174 = arith.constant 0 : i32
        %cond3A_175 = arith.cmpi ne, %convert_element_type3A_173, %cond3A_174 : i32
        scf.if %cond3A_175 {
          %eq3A_181 = arith.constant 0 : i32
          %eq3A_182 = arith.cmpi eq, %arg0, %eq3A_181 : i32
          %convert_element_type3A_183 = arith.extui %eq3A_182 : i1 to i32
          %cond3A_184 = arith.constant 0 : i32
          %cond3A_185 = arith.cmpi ne, %convert_element_type3A_183, %cond3A_184 : i32
          scf.if %cond3A_185 {
            %dma_start3A = arith.constant 0 : i32
            %dma_start3A_191 = arith.constant 0 : i32
            %dma_start3A_192 = arith.constant 0 : i32
            %dma_start3A_193 = tpu.memref_slice %arg21[%dma_start3A, %dma_start3A_191, %dma_start3A_192] : memref<2x128x128xf32, #tpu.memory_space<vmem>> -> memref<1x128x128xf32, #tpu.memory_space<vmem>>
            %dma_start3A_194 = tpu.memref_squeeze %dma_start3A_193 : memref<1x128x128xf32, #tpu.memory_space<vmem>> -> memref<128x128xf32, #tpu.memory_space<vmem>>
            %dma_start3A_195 = arith.constant 0 : i32
            %dma_start3A_196 = arith.constant 0 : i32
            %dma_start3A_197 = tpu.memref_slice %arg2[%dma_start3A_195, %dma_start3A_196] : memref<80000x128xf32, #tpu.memory_space<hbm>> -> memref<80000x128xf32, #tpu.memory_space<hbm>>
            tpu.enqueue_indirect_dma source(%dma_start3A_197 : memref<80000x128xf32, #tpu.memory_space<hbm>>) target(%dma_start3A_194 : memref<128x128xf32, #tpu.memory_space<vmem>>) offsets(%arg15 : memref<128xi32, #tpu.memory_space<vmem>>) semaphore(%arg25 : memref<!tpu.dma_semaphore, #tpu.memory_space<semaphore_mem>>)
          } else {
          }
          %eq3A_186 = arith.constant 1 : i32
          %eq3A_187 = arith.cmpi eq, %arg0, %eq3A_186 : i32
          %convert_element_type3A_188 = arith.extui %eq3A_187 : i1 to i32
          %cond3A_189 = arith.constant 0 : i32
          %cond3A_190 = arith.cmpi ne, %convert_element_type3A_188, %cond3A_189 : i32
          scf.if %cond3A_190 {
            %dma_start3A = arith.constant 0 : i32
            %dma_start3A_191 = arith.constant 0 : i32
            %dma_start3A_192 = arith.constant 0 : i32
            %dma_start3A_193 = tpu.memref_slice %arg21[%dma_start3A, %dma_start3A_191, %dma_start3A_192] : memref<2x128x128xf32, #tpu.memory_space<vmem>> -> memref<1x128x128xf32, #tpu.memory_space<vmem>>
            %dma_start3A_194 = tpu.memref_squeeze %dma_start3A_193 : memref<1x128x128xf32, #tpu.memory_space<vmem>> -> memref<128x128xf32, #tpu.memory_space<vmem>>
            %dma_start3A_195 = arith.constant 0 : i32
            %dma_start3A_196 = arith.constant 0 : i32
            %dma_start3A_197 = tpu.memref_slice %arg3[%dma_start3A_195, %dma_start3A_196] : memref<80000x128xf32, #tpu.memory_space<hbm>> -> memref<80000x128xf32, #tpu.memory_space<hbm>>
            tpu.enqueue_indirect_dma source(%dma_start3A_197 : memref<80000x128xf32, #tpu.memory_space<hbm>>) target(%dma_start3A_194 : memref<128x128xf32, #tpu.memory_space<vmem>>) offsets(%arg15 : memref<128xi32, #tpu.memory_space<vmem>>) semaphore(%arg25 : memref<!tpu.dma_semaphore, #tpu.memory_space<semaphore_mem>>)
          } else {
          }
        } else {
        }
        %eq3A_176 = arith.constant 1 : i32
        %eq3A_177 = arith.cmpi eq, %rem3A_170, %eq3A_176 : i32
        %convert_element_type3A_178 = arith.extui %eq3A_177 : i1 to i32
        %cond3A_179 = arith.constant 0 : i32
        %cond3A_180 = arith.cmpi ne, %convert_element_type3A_178, %cond3A_179 : i32
        scf.if %cond3A_180 {
          %eq3A_181 = arith.constant 0 : i32
          %eq3A_182 = arith.cmpi eq, %arg0, %eq3A_181 : i32
          %convert_element_type3A_183 = arith.extui %eq3A_182 : i1 to i32
          %cond3A_184 = arith.constant 0 : i32
          %cond3A_185 = arith.cmpi ne, %convert_element_type3A_183, %cond3A_184 : i32
          scf.if %cond3A_185 {
            %dma_start3A = arith.constant 1 : i32
            %dma_start3A_191 = arith.constant 0 : i32
            %dma_start3A_192 = arith.constant 0 : i32
            %dma_start3A_193 = tpu.memref_slice %arg21[%dma_start3A, %dma_start3A_191, %dma_start3A_192] : memref<2x128x128xf32, #tpu.memory_space<vmem>> -> memref<1x128x128xf32, #tpu.memory_space<vmem>>
            %dma_start3A_194 = tpu.memref_squeeze %dma_start3A_193 : memref<1x128x128xf32, #tpu.memory_space<vmem>> -> memref<128x128xf32, #tpu.memory_space<vmem>>
            %dma_start3A_195 = arith.constant 0 : i32
            %dma_start3A_196 = arith.constant 0 : i32
            %dma_start3A_197 = tpu.memref_slice %arg2[%dma_start3A_195, %dma_start3A_196] : memref<80000x128xf32, #tpu.memory_space<hbm>> -> memref<80000x128xf32, #tpu.memory_space<hbm>>
            tpu.enqueue_indirect_dma source(%dma_start3A_197 : memref<80000x128xf32, #tpu.memory_space<hbm>>) target(%dma_start3A_194 : memref<128x128xf32, #tpu.memory_space<vmem>>) offsets(%arg20 : memref<128xi32, #tpu.memory_space<vmem>>) semaphore(%arg25 : memref<!tpu.dma_semaphore, #tpu.memory_space<semaphore_mem>>)
          } else {
          }
          %eq3A_186 = arith.constant 1 : i32
          %eq3A_187 = arith.cmpi eq, %arg0, %eq3A_186 : i32
          %convert_element_type3A_188 = arith.extui %eq3A_187 : i1 to i32
          %cond3A_189 = arith.constant 0 : i32
          %cond3A_190 = arith.cmpi ne, %convert_element_type3A_188, %cond3A_189 : i32
          scf.if %cond3A_190 {
            %dma_start3A = arith.constant 1 : i32
            %dma_start3A_191 = arith.constant 0 : i32
            %dma_start3A_192 = arith.constant 0 : i32
            %dma_start3A_193 = tpu.memref_slice %arg21[%dma_start3A, %dma_start3A_191, %dma_start3A_192] : memref<2x128x128xf32, #tpu.memory_space<vmem>> -> memref<1x128x128xf32, #tpu.memory_space<vmem>>
            %dma_start3A_194 = tpu.memref_squeeze %dma_start3A_193 : memref<1x128x128xf32, #tpu.memory_space<vmem>> -> memref<128x128xf32, #tpu.memory_space<vmem>>
            %dma_start3A_195 = arith.constant 0 : i32
            %dma_start3A_196 = arith.constant 0 : i32
            %dma_start3A_197 = tpu.memref_slice %arg3[%dma_start3A_195, %dma_start3A_196] : memref<80000x128xf32, #tpu.memory_space<hbm>> -> memref<80000x128xf32, #tpu.memory_space<hbm>>
            tpu.enqueue_indirect_dma source(%dma_start3A_197 : memref<80000x128xf32, #tpu.memory_space<hbm>>) target(%dma_start3A_194 : memref<128x128xf32, #tpu.memory_space<vmem>>) offsets(%arg20 : memref<128xi32, #tpu.memory_space<vmem>>) semaphore(%arg25 : memref<!tpu.dma_semaphore, #tpu.memory_space<semaphore_mem>>)
          } else {
          }
        } else {
        }
      } else {
      }
      %rem3A = arith.constant 2 : i32
      %rem3A_155 = arith.remsi %while3A_131, %rem3A : i32
      %eq3A_156 = arith.constant 0 : i32
      %eq3A_157 = arith.cmpi eq, %rem3A_155, %eq3A_156 : i32
      %convert_element_type3A_158 = arith.extui %eq3A_157 : i1 to i32
      %cond3A_159 = arith.constant 0 : i32
      %cond3A_160 = arith.cmpi ne, %convert_element_type3A_158, %cond3A_159 : i32
      scf.if %cond3A_160 {
        %run_scoped3A_167 = arith.constant 0 : i32
        "tpu.region"() ({
          %run_scoped3A_168 = tpu.sem_alloc : memref<!tpu.dma_semaphore, #tpu.memory_space<semaphore_mem>>
          %dma_start3A = arith.constant 0 : i32
          %dma_start3A_169 = arith.constant 0 : i32
          %dma_start3A_170 = tpu.memref_slice %arg21[%run_scoped3A_167, %dma_start3A, %dma_start3A_169] : memref<2x128x128xf32, #tpu.memory_space<vmem>> -> memref<1x128x128xf32, #tpu.memory_space<vmem>>
          %dma_start3A_171 = tpu.memref_squeeze %dma_start3A_170 : memref<1x128x128xf32, #tpu.memory_space<vmem>> -> memref<128x128xf32, #tpu.memory_space<vmem>>
          %dma_start3A_172 = arith.constant 0 : i32
          %dma_start3A_173 = arith.constant 0 : i32
          %dma_start3A_174 = tpu.memref_slice %arg24[%dma_start3A_172, %dma_start3A_173] : memref<10000x128xf32, #tpu.memory_space<vmem_shared>> -> memref<10000x128xf32, #tpu.memory_space<vmem_shared>>
          tpu.enqueue_indirect_dma source(%dma_start3A_171 : memref<128x128xf32, #tpu.memory_space<vmem>>) target(%dma_start3A_174 : memref<10000x128xf32, #tpu.memory_space<vmem_shared>>) offsets(%arg16 : memref<128xi32, #tpu.memory_space<vmem>>) semaphore(%run_scoped3A_168 : memref<!tpu.dma_semaphore, #tpu.memory_space<semaphore_mem>>) {add = true}
          %dma_wait3A = arith.constant 0 : i32
          %dma_wait3A_175 = arith.constant 0 : i32
          %dma_wait3A_176 = tpu.memref_slice %arg21[%run_scoped3A_167, %dma_wait3A, %dma_wait3A_175] : memref<2x128x128xf32, #tpu.memory_space<vmem>> -> memref<1x128x128xf32, #tpu.memory_space<vmem>>
          %dma_wait3A_177 = tpu.memref_squeeze %dma_wait3A_176 : memref<1x128x128xf32, #tpu.memory_space<vmem>> -> memref<128x128xf32, #tpu.memory_space<vmem>>
          %dma_wait3A_178 = arith.constant 0 : i32
          %dma_wait3A_179 = arith.constant 0 : i32
          %dma_wait3A_180 = tpu.memref_slice %arg24[%dma_wait3A_178, %dma_wait3A_179] : memref<10000x128xf32, #tpu.memory_space<vmem_shared>> -> memref<10000x128xf32, #tpu.memory_space<vmem_shared>>
          tpu.wait_indirect_dma semaphore(%run_scoped3A_168 : memref<!tpu.dma_semaphore, #tpu.memory_space<semaphore_mem>>) src(%dma_wait3A_177 : memref<128x128xf32, #tpu.memory_space<vmem>>) dst(%dma_wait3A_180 : memref<10000x128xf32, #tpu.memory_space<vmem_shared>>)
          tpu.yield
        }) : () -> ()
      } else {
      }
      %eq3A_161 = arith.constant 1 : i32
      %eq3A_162 = arith.cmpi eq, %rem3A_155, %eq3A_161 : i32
      %convert_element_type3A_163 = arith.extui %eq3A_162 : i1 to i32
      %cond3A_164 = arith.constant 0 : i32
      %cond3A_165 = arith.cmpi ne, %convert_element_type3A_163, %cond3A_164 : i32
      scf.if %cond3A_165 {
        %run_scoped3A_167 = arith.constant 1 : i32
        "tpu.region"() ({
          %run_scoped3A_168 = tpu.sem_alloc : memref<!tpu.dma_semaphore, #tpu.memory_space<semaphore_mem>>
          %dma_start3A = arith.constant 0 : i32
          %dma_start3A_169 = arith.constant 0 : i32
          %dma_start3A_170 = tpu.memref_slice %arg21[%run_scoped3A_167, %dma_start3A, %dma_start3A_169] : memref<2x128x128xf32, #tpu.memory_space<vmem>> -> memref<1x128x128xf32, #tpu.memory_space<vmem>>
          %dma_start3A_171 = tpu.memref_squeeze %dma_start3A_170 : memref<1x128x128xf32, #tpu.memory_space<vmem>> -> memref<128x128xf32, #tpu.memory_space<vmem>>
          %dma_start3A_172 = arith.constant 0 : i32
          %dma_start3A_173 = arith.constant 0 : i32
          %dma_start3A_174 = tpu.memref_slice %arg24[%dma_start3A_172, %dma_start3A_173] : memref<10000x128xf32, #tpu.memory_space<vmem_shared>> -> memref<10000x128xf32, #tpu.memory_space<vmem_shared>>
          tpu.enqueue_indirect_dma source(%dma_start3A_171 : memref<128x128xf32, #tpu.memory_space<vmem>>) target(%dma_start3A_174 : memref<10000x128xf32, #tpu.memory_space<vmem_shared>>) offsets(%arg19 : memref<128xi32, #tpu.memory_space<vmem>>) semaphore(%run_scoped3A_168 : memref<!tpu.dma_semaphore, #tpu.memory_space<semaphore_mem>>) {add = true}
          %dma_wait3A = arith.constant 0 : i32
          %dma_wait3A_175 = arith.constant 0 : i32
          %dma_wait3A_176 = tpu.memref_slice %arg21[%run_scoped3A_167, %dma_wait3A, %dma_wait3A_175] : memref<2x128x128xf32, #tpu.memory_space<vmem>> -> memref<1x128x128xf32, #tpu.memory_space<vmem>>
          %dma_wait3A_177 = tpu.memref_squeeze %dma_wait3A_176 : memref<1x128x128xf32, #tpu.memory_space<vmem>> -> memref<128x128xf32, #tpu.memory_space<vmem>>
          %dma_wait3A_178 = arith.constant 0 : i32
          %dma_wait3A_179 = arith.constant 0 : i32
          %dma_wait3A_180 = tpu.memref_slice %arg24[%dma_wait3A_178, %dma_wait3A_179] : memref<10000x128xf32, #tpu.memory_space<vmem_shared>> -> memref<10000x128xf32, #tpu.memory_space<vmem_shared>>
          tpu.wait_indirect_dma semaphore(%run_scoped3A_168 : memref<!tpu.dma_semaphore, #tpu.memory_space<semaphore_mem>>) src(%dma_wait3A_177 : memref<128x128xf32, #tpu.memory_space<vmem>>) dst(%dma_wait3A_180 : memref<10000x128xf32, #tpu.memory_space<vmem_shared>>)
          tpu.yield
        }) : () -> ()
      } else {
      }
      %while3A_166 = arith.constant 0 : i32
      scf.yield %while3A_166 : i32
    }
    %barrier3A_46 = arith.constant 0 : index
    tpu.barrier barrier_id(%barrier3A_46)
    %mul3A_47 = arith.constant 640 : i32
    %mul3A_48 = arith.muli %arg1, %mul3A_47 : i32
    %min3A_49 = arith.constant 9360 : i32
    %min3A_50 = arith.minsi %mul3A_48, %min3A_49 : i32
    %add3A_51 = arith.constant 0 : i32
    %add3A_52 = arith.addi %min3A_50, %add3A_51 : i32
    %run_scoped3A_53 = arith.constant 0 : i32
    "tpu.region"() ({
      %run_scoped3A_131 = tpu.sem_alloc : memref<!tpu.dma_semaphore, #tpu.memory_space<semaphore_mem>>
      %dma_start3A = arith.constant 0 : i32
      %dma_start3A_132 = arith.constant 0 : i32
      %dma_start3A_133 = tpu.memref_slice %arg21[%run_scoped3A_53, %dma_start3A, %dma_start3A_132] : memref<2x128x128xf32, #tpu.memory_space<vmem>> -> memref<1x128x128xf32, #tpu.memory_space<vmem>>
      %dma_start3A_134 = tpu.memref_squeeze %dma_start3A_133 : memref<1x128x128xf32, #tpu.memory_space<vmem>> -> memref<128x128xf32, #tpu.memory_space<vmem>>
      %dma_start3A_135 = arith.constant 0 : i32
      %dma_start3A_136 = tpu.memref_slice %arg24[%add3A_52, %dma_start3A_135] : memref<10000x128xf32, #tpu.memory_space<vmem_shared>> -> memref<128x128xf32, #tpu.memory_space<vmem_shared>>
      %dma_start3A_137 = arith.constant 0 : i32
      %dma_start3A_138 = arith.constant 0 : i32
      %dma_start3A_139 = tpu.memref_slice %arg21[%run_scoped3A_53, %dma_start3A_137, %dma_start3A_138] : memref<2x128x128xf32, #tpu.memory_space<vmem>> -> memref<1x128x128xf32, #tpu.memory_space<vmem>>
      %dma_start3A_140 = tpu.memref_squeeze %dma_start3A_139 : memref<1x128x128xf32, #tpu.memory_space<vmem>> -> memref<128x128xf32, #tpu.memory_space<vmem>>
      %dma_start3A_141 = arith.constant 0 : i32
      %dma_start3A_142 = tpu.memref_slice %arg24[%add3A_52, %dma_start3A_141] : memref<10000x128xf32, #tpu.memory_space<vmem_shared>> -> memref<128x128xf32, #tpu.memory_space<vmem_shared>>
      tpu.enqueue_dma source(%dma_start3A_142 : memref<128x128xf32, #tpu.memory_space<vmem_shared>>) target(%dma_start3A_140 : memref<128x128xf32, #tpu.memory_space<vmem>>) target_semaphore(%run_scoped3A_131 : memref<!tpu.dma_semaphore, #tpu.memory_space<semaphore_mem>>)
      %dma_wait3A = arith.constant 0 : i32
      %dma_wait3A_143 = arith.constant 0 : i32
      %dma_wait3A_144 = tpu.memref_slice %arg21[%run_scoped3A_53, %dma_wait3A, %dma_wait3A_143] : memref<2x128x128xf32, #tpu.memory_space<vmem>> -> memref<1x128x128xf32, #tpu.memory_space<vmem>>
      %dma_wait3A_145 = tpu.memref_squeeze %dma_wait3A_144 : memref<1x128x128xf32, #tpu.memory_space<vmem>> -> memref<128x128xf32, #tpu.memory_space<vmem>>
      %dma_wait3A_146 = arith.constant 0 : i32
      %dma_wait3A_147 = tpu.memref_slice %arg24[%add3A_52, %dma_wait3A_146] : memref<10000x128xf32, #tpu.memory_space<vmem_shared>> -> memref<128x128xf32, #tpu.memory_space<vmem_shared>>
      %dma_wait3A_148 = arith.constant 0 : i32
      %dma_wait3A_149 = arith.constant 0 : i32
      %dma_wait3A_150 = tpu.memref_slice %arg21[%run_scoped3A_53, %dma_wait3A_148, %dma_wait3A_149] : memref<2x128x128xf32, #tpu.memory_space<vmem>> -> memref<1x128x128xf32, #tpu.memory_space<vmem>>
      %dma_wait3A_151 = tpu.memref_squeeze %dma_wait3A_150 : memref<1x128x128xf32, #tpu.memory_space<vmem>> -> memref<128x128xf32, #tpu.memory_space<vmem>>
      %dma_wait3A_152 = arith.constant 0 : i32
      %dma_wait3A_153 = tpu.memref_slice %arg24[%add3A_52, %dma_wait3A_152] : memref<10000x128xf32, #tpu.memory_space<vmem_shared>> -> memref<128x128xf32, #tpu.memory_space<vmem_shared>>
      tpu.wait_dma2 semaphore(%run_scoped3A_131 : memref<!tpu.dma_semaphore, #tpu.memory_space<semaphore_mem>>) src(%dma_wait3A_153 : memref<128x128xf32, #tpu.memory_space<vmem_shared>>) dst(%dma_wait3A_151 : memref<128x128xf32, #tpu.memory_space<vmem>>)
      tpu.yield
    }) : () -> ()
    %eq3A_54 = arith.constant 0 : i32
    %eq3A_55 = arith.cmpi eq, %arg0, %eq3A_54 : i32
    %convert_element_type3A_56 = arith.extui %eq3A_55 : i1 to i32
    %cond3A_57 = arith.constant 0 : i32
    %cond3A_58 = arith.constant 0 : i32
    %cond3A_59 = arith.cmpi ne, %convert_element_type3A_56, %cond3A_58 : i32
    scf.if %cond3A_59 {
      %add3A_131 = arith.constant 0 : i32
      %add3A_132 = arith.addi %min3A_50, %add3A_131 : i32
      "tpu.region"() ({
        %run_scoped3A_133 = tpu.sem_alloc : memref<!tpu.dma_semaphore, #tpu.memory_space<semaphore_mem>>
        %dma_start3A = arith.constant 0 : i32
        %dma_start3A_134 = arith.constant 0 : i32
        %dma_start3A_135 = tpu.memref_slice %arg21[%cond3A_57, %dma_start3A, %dma_start3A_134] : memref<2x128x128xf32, #tpu.memory_space<vmem>> -> memref<1x128x128xf32, #tpu.memory_space<vmem>>
        %dma_start3A_136 = tpu.memref_squeeze %dma_start3A_135 : memref<1x128x128xf32, #tpu.memory_space<vmem>> -> memref<128x128xf32, #tpu.memory_space<vmem>>
        %dma_start3A_137 = arith.constant 0 : i32
        %dma_start3A_138 = tpu.memref_slice %arg10[%add3A_132, %dma_start3A_137] : memref<10000x128xf32, #tpu.memory_space<hbm>> -> memref<128x128xf32, #tpu.memory_space<hbm>>
        %dma_start3A_139 = arith.constant 0 : i32
        %dma_start3A_140 = tpu.memref_slice %arg10[%add3A_132, %dma_start3A_139] : memref<10000x128xf32, #tpu.memory_space<hbm>> -> memref<128x128xf32, #tpu.memory_space<hbm>>
        %dma_start3A_141 = arith.constant 0 : i32
        %dma_start3A_142 = arith.constant 0 : i32
        %dma_start3A_143 = tpu.memref_slice %arg21[%cond3A_57, %dma_start3A_141, %dma_start3A_142] : memref<2x128x128xf32, #tpu.memory_space<vmem>> -> memref<1x128x128xf32, #tpu.memory_space<vmem>>
        %dma_start3A_144 = tpu.memref_squeeze %dma_start3A_143 : memref<1x128x128xf32, #tpu.memory_space<vmem>> -> memref<128x128xf32, #tpu.memory_space<vmem>>
        tpu.enqueue_dma source(%dma_start3A_144 : memref<128x128xf32, #tpu.memory_space<vmem>>) target(%dma_start3A_140 : memref<128x128xf32, #tpu.memory_space<hbm>>) target_semaphore(%run_scoped3A_133 : memref<!tpu.dma_semaphore, #tpu.memory_space<semaphore_mem>>)
        %dma_wait3A = arith.constant 0 : i32
        %dma_wait3A_145 = arith.constant 0 : i32
        %dma_wait3A_146 = tpu.memref_slice %arg21[%cond3A_57, %dma_wait3A, %dma_wait3A_145] : memref<2x128x128xf32, #tpu.memory_space<vmem>> -> memref<1x128x128xf32, #tpu.memory_space<vmem>>
        %dma_wait3A_147 = tpu.memref_squeeze %dma_wait3A_146 : memref<1x128x128xf32, #tpu.memory_space<vmem>> -> memref<128x128xf32, #tpu.memory_space<vmem>>
        %dma_wait3A_148 = arith.constant 0 : i32
        %dma_wait3A_149 = tpu.memref_slice %arg10[%add3A_132, %dma_wait3A_148] : memref<10000x128xf32, #tpu.memory_space<hbm>> -> memref<128x128xf32, #tpu.memory_space<hbm>>
        %dma_wait3A_150 = arith.constant 0 : i32
        %dma_wait3A_151 = tpu.memref_slice %arg10[%add3A_132, %dma_wait3A_150] : memref<10000x128xf32, #tpu.memory_space<hbm>> -> memref<128x128xf32, #tpu.memory_space<hbm>>
        %dma_wait3A_152 = arith.constant 0 : i32
        %dma_wait3A_153 = arith.constant 0 : i32
        %dma_wait3A_154 = tpu.memref_slice %arg21[%cond3A_57, %dma_wait3A_152, %dma_wait3A_153] : memref<2x128x128xf32, #tpu.memory_space<vmem>> -> memref<1x128x128xf32, #tpu.memory_space<vmem>>
        %dma_wait3A_155 = tpu.memref_squeeze %dma_wait3A_154 : memref<1x128x128xf32, #tpu.memory_space<vmem>> -> memref<128x128xf32, #tpu.memory_space<vmem>>
        tpu.wait_dma2 semaphore(%run_scoped3A_133 : memref<!tpu.dma_semaphore, #tpu.memory_space<semaphore_mem>>) src(%dma_wait3A_155 : memref<128x128xf32, #tpu.memory_space<vmem>>) dst(%dma_wait3A_151 : memref<128x128xf32, #tpu.memory_space<hbm>>)
        tpu.yield
      }) : () -> ()
    } else {
    }
    %eq3A_60 = arith.constant 1 : i32
    %eq3A_61 = arith.cmpi eq, %arg0, %eq3A_60 : i32
    %convert_element_type3A_62 = arith.extui %eq3A_61 : i1 to i32
    %cond3A_63 = arith.constant 0 : i32
    %cond3A_64 = arith.constant 0 : i32
    %cond3A_65 = arith.cmpi ne, %convert_element_type3A_62, %cond3A_64 : i32
    scf.if %cond3A_65 {
      %add3A_131 = arith.constant 0 : i32
      %add3A_132 = arith.addi %min3A_50, %add3A_131 : i32
      "tpu.region"() ({
        %run_scoped3A_133 = tpu.sem_alloc : memref<!tpu.dma_semaphore, #tpu.memory_space<semaphore_mem>>
        %dma_start3A = arith.constant 0 : i32
        %dma_start3A_134 = arith.constant 0 : i32
        %dma_start3A_135 = tpu.memref_slice %arg21[%cond3A_63, %dma_start3A, %dma_start3A_134] : memref<2x128x128xf32, #tpu.memory_space<vmem>> -> memref<1x128x128xf32, #tpu.memory_space<vmem>>
        %dma_start3A_136 = tpu.memref_squeeze %dma_start3A_135 : memref<1x128x128xf32, #tpu.memory_space<vmem>> -> memref<128x128xf32, #tpu.memory_space<vmem>>
        %dma_start3A_137 = arith.constant 0 : i32
        %dma_start3A_138 = tpu.memref_slice %arg11[%add3A_132, %dma_start3A_137] : memref<10000x128xf32, #tpu.memory_space<hbm>> -> memref<128x128xf32, #tpu.memory_space<hbm>>
        %dma_start3A_139 = arith.constant 0 : i32
        %dma_start3A_140 = tpu.memref_slice %arg11[%add3A_132, %dma_start3A_139] : memref<10000x128xf32, #tpu.memory_space<hbm>> -> memref<128x128xf32, #tpu.memory_space<hbm>>
        %dma_start3A_141 = arith.constant 0 : i32
        %dma_start3A_142 = arith.constant 0 : i32
        %dma_start3A_143 = tpu.memref_slice %arg21[%cond3A_63, %dma_start3A_141, %dma_start3A_142] : memref<2x128x128xf32, #tpu.memory_space<vmem>> -> memref<1x128x128xf32, #tpu.memory_space<vmem>>
        %dma_start3A_144 = tpu.memref_squeeze %dma_start3A_143 : memref<1x128x128xf32, #tpu.memory_space<vmem>> -> memref<128x128xf32, #tpu.memory_space<vmem>>
        tpu.enqueue_dma source(%dma_start3A_144 : memref<128x128xf32, #tpu.memory_space<vmem>>) target(%dma_start3A_140 : memref<128x128xf32, #tpu.memory_space<hbm>>) target_semaphore(%run_scoped3A_133 : memref<!tpu.dma_semaphore, #tpu.memory_space<semaphore_mem>>)
        %dma_wait3A = arith.constant 0 : i32
        %dma_wait3A_145 = arith.constant 0 : i32
        %dma_wait3A_146 = tpu.memref_slice %arg21[%cond3A_63, %dma_wait3A, %dma_wait3A_145] : memref<2x128x128xf32, #tpu.memory_space<vmem>> -> memref<1x128x128xf32, #tpu.memory_space<vmem>>
        %dma_wait3A_147 = tpu.memref_squeeze %dma_wait3A_146 : memref<1x128x128xf32, #tpu.memory_space<vmem>> -> memref<128x128xf32, #tpu.memory_space<vmem>>
        %dma_wait3A_148 = arith.constant 0 : i32
        %dma_wait3A_149 = tpu.memref_slice %arg11[%add3A_132, %dma_wait3A_148] : memref<10000x128xf32, #tpu.memory_space<hbm>> -> memref<128x128xf32, #tpu.memory_space<hbm>>
        %dma_wait3A_150 = arith.constant 0 : i32
        %dma_wait3A_151 = tpu.memref_slice %arg11[%add3A_132, %dma_wait3A_150] : memref<10000x128xf32, #tpu.memory_space<hbm>> -> memref<128x128xf32, #tpu.memory_space<hbm>>
        %dma_wait3A_152 = arith.constant 0 : i32
        %dma_wait3A_153 = arith.constant 0 : i32
        %dma_wait3A_154 = tpu.memref_slice %arg21[%cond3A_63, %dma_wait3A_152, %dma_wait3A_153] : memref<2x128x128xf32, #tpu.memory_space<vmem>> -> memref<1x128x128xf32, #tpu.memory_space<vmem>>
        %dma_wait3A_155 = tpu.memref_squeeze %dma_wait3A_154 : memref<1x128x128xf32, #tpu.memory_space<vmem>> -> memref<128x128xf32, #tpu.memory_space<vmem>>
        tpu.wait_dma2 semaphore(%run_scoped3A_133 : memref<!tpu.dma_semaphore, #tpu.memory_space<semaphore_mem>>) src(%dma_wait3A_155 : memref<128x128xf32, #tpu.memory_space<vmem>>) dst(%dma_wait3A_151 : memref<128x128xf32, #tpu.memory_space<hbm>>)
        tpu.yield
      }) : () -> ()
    } else {
    }
    %add3A_66 = arith.constant 128 : i32
    %add3A_67 = arith.addi %min3A_50, %add3A_66 : i32
    %run_scoped3A_68 = arith.constant 1 : i32
    "tpu.region"() ({
      %run_scoped3A_131 = tpu.sem_alloc : memref<!tpu.dma_semaphore, #tpu.memory_space<semaphore_mem>>
      %dma_start3A = arith.constant 0 : i32
      %dma_start3A_132 = arith.constant 0 : i32
      %dma_start3A_133 = tpu.memref_slice %arg21[%run_scoped3A_68, %dma_start3A, %dma_start3A_132] : memref<2x128x128xf32, #tpu.memory_space<vmem>> -> memref<1x128x128xf32, #tpu.memory_space<vmem>>
      %dma_start3A_134 = tpu.memref_squeeze %dma_start3A_133 : memref<1x128x128xf32, #tpu.memory_space<vmem>> -> memref<128x128xf32, #tpu.memory_space<vmem>>
      %dma_start3A_135 = arith.constant 0 : i32
      %dma_start3A_136 = tpu.memref_slice %arg24[%add3A_67, %dma_start3A_135] : memref<10000x128xf32, #tpu.memory_space<vmem_shared>> -> memref<128x128xf32, #tpu.memory_space<vmem_shared>>
      %dma_start3A_137 = arith.constant 0 : i32
      %dma_start3A_138 = arith.constant 0 : i32
      %dma_start3A_139 = tpu.memref_slice %arg21[%run_scoped3A_68, %dma_start3A_137, %dma_start3A_138] : memref<2x128x128xf32, #tpu.memory_space<vmem>> -> memref<1x128x128xf32, #tpu.memory_space<vmem>>
      %dma_start3A_140 = tpu.memref_squeeze %dma_start3A_139 : memref<1x128x128xf32, #tpu.memory_space<vmem>> -> memref<128x128xf32, #tpu.memory_space<vmem>>
      %dma_start3A_141 = arith.constant 0 : i32
      %dma_start3A_142 = tpu.memref_slice %arg24[%add3A_67, %dma_start3A_141] : memref<10000x128xf32, #tpu.memory_space<vmem_shared>> -> memref<128x128xf32, #tpu.memory_space<vmem_shared>>
      tpu.enqueue_dma source(%dma_start3A_142 : memref<128x128xf32, #tpu.memory_space<vmem_shared>>) target(%dma_start3A_140 : memref<128x128xf32, #tpu.memory_space<vmem>>) target_semaphore(%run_scoped3A_131 : memref<!tpu.dma_semaphore, #tpu.memory_space<semaphore_mem>>)
      %dma_wait3A = arith.constant 0 : i32
      %dma_wait3A_143 = arith.constant 0 : i32
      %dma_wait3A_144 = tpu.memref_slice %arg21[%run_scoped3A_68, %dma_wait3A, %dma_wait3A_143] : memref<2x128x128xf32, #tpu.memory_space<vmem>> -> memref<1x128x128xf32, #tpu.memory_space<vmem>>
      %dma_wait3A_145 = tpu.memref_squeeze %dma_wait3A_144 : memref<1x128x128xf32, #tpu.memory_space<vmem>> -> memref<128x128xf32, #tpu.memory_space<vmem>>
      %dma_wait3A_146 = arith.constant 0 : i32
      %dma_wait3A_147 = tpu.memref_slice %arg24[%add3A_67, %dma_wait3A_146] : memref<10000x128xf32, #tpu.memory_space<vmem_shared>> -> memref<128x128xf32, #tpu.memory_space<vmem_shared>>
      %dma_wait3A_148 = arith.constant 0 : i32
      %dma_wait3A_149 = arith.constant 0 : i32
      %dma_wait3A_150 = tpu.memref_slice %arg21[%run_scoped3A_68, %dma_wait3A_148, %dma_wait3A_149] : memref<2x128x128xf32, #tpu.memory_space<vmem>> -> memref<1x128x128xf32, #tpu.memory_space<vmem>>
      %dma_wait3A_151 = tpu.memref_squeeze %dma_wait3A_150 : memref<1x128x128xf32, #tpu.memory_space<vmem>> -> memref<128x128xf32, #tpu.memory_space<vmem>>
      %dma_wait3A_152 = arith.constant 0 : i32
      %dma_wait3A_153 = tpu.memref_slice %arg24[%add3A_67, %dma_wait3A_152] : memref<10000x128xf32, #tpu.memory_space<vmem_shared>> -> memref<128x128xf32, #tpu.memory_space<vmem_shared>>
      tpu.wait_dma2 semaphore(%run_scoped3A_131 : memref<!tpu.dma_semaphore, #tpu.memory_space<semaphore_mem>>) src(%dma_wait3A_153 : memref<128x128xf32, #tpu.memory_space<vmem_shared>>) dst(%dma_wait3A_151 : memref<128x128xf32, #tpu.memory_space<vmem>>)
      tpu.yield
    }) : () -> ()
    %eq3A_69 = arith.constant 0 : i32
    %eq3A_70 = arith.cmpi eq, %arg0, %eq3A_69 : i32
    %convert_element_type3A_71 = arith.extui %eq3A_70 : i1 to i32
    %cond3A_72 = arith.constant 1 : i32
    %cond3A_73 = arith.constant 0 : i32
    %cond3A_74 = arith.cmpi ne, %convert_element_type3A_71, %cond3A_73 : i32
    scf.if %cond3A_74 {
      %add3A_131 = arith.constant 128 : i32
      %add3A_132 = arith.addi %min3A_50, %add3A_131 : i32
      "tpu.region"() ({
        %run_scoped3A_133 = tpu.sem_alloc : memref<!tpu.dma_semaphore, #tpu.memory_space<semaphore_mem>>
        %dma_start3A = arith.constant 0 : i32
        %dma_start3A_134 = arith.constant 0 : i32
        %dma_start3A_135 = tpu.memref_slice %arg21[%cond3A_72, %dma_start3A, %dma_start3A_134] : memref<2x128x128xf32, #tpu.memory_space<vmem>> -> memref<1x128x128xf32, #tpu.memory_space<vmem>>
        %dma_start3A_136 = tpu.memref_squeeze %dma_start3A_135 : memref<1x128x128xf32, #tpu.memory_space<vmem>> -> memref<128x128xf32, #tpu.memory_space<vmem>>
        %dma_start3A_137 = arith.constant 0 : i32
        %dma_start3A_138 = tpu.memref_slice %arg10[%add3A_132, %dma_start3A_137] : memref<10000x128xf32, #tpu.memory_space<hbm>> -> memref<128x128xf32, #tpu.memory_space<hbm>>
        %dma_start3A_139 = arith.constant 0 : i32
        %dma_start3A_140 = tpu.memref_slice %arg10[%add3A_132, %dma_start3A_139] : memref<10000x128xf32, #tpu.memory_space<hbm>> -> memref<128x128xf32, #tpu.memory_space<hbm>>
        %dma_start3A_141 = arith.constant 0 : i32
        %dma_start3A_142 = arith.constant 0 : i32
        %dma_start3A_143 = tpu.memref_slice %arg21[%cond3A_72, %dma_start3A_141, %dma_start3A_142] : memref<2x128x128xf32, #tpu.memory_space<vmem>> -> memref<1x128x128xf32, #tpu.memory_space<vmem>>
        %dma_start3A_144 = tpu.memref_squeeze %dma_start3A_143 : memref<1x128x128xf32, #tpu.memory_space<vmem>> -> memref<128x128xf32, #tpu.memory_space<vmem>>
        tpu.enqueue_dma source(%dma_start3A_144 : memref<128x128xf32, #tpu.memory_space<vmem>>) target(%dma_start3A_140 : memref<128x128xf32, #tpu.memory_space<hbm>>) target_semaphore(%run_scoped3A_133 : memref<!tpu.dma_semaphore, #tpu.memory_space<semaphore_mem>>)
        %dma_wait3A = arith.constant 0 : i32
        %dma_wait3A_145 = arith.constant 0 : i32
        %dma_wait3A_146 = tpu.memref_slice %arg21[%cond3A_72, %dma_wait3A, %dma_wait3A_145] : memref<2x128x128xf32, #tpu.memory_space<vmem>> -> memref<1x128x128xf32, #tpu.memory_space<vmem>>
        %dma_wait3A_147 = tpu.memref_squeeze %dma_wait3A_146 : memref<1x128x128xf32, #tpu.memory_space<vmem>> -> memref<128x128xf32, #tpu.memory_space<vmem>>
        %dma_wait3A_148 = arith.constant 0 : i32
        %dma_wait3A_149 = tpu.memref_slice %arg10[%add3A_132, %dma_wait3A_148] : memref<10000x128xf32, #tpu.memory_space<hbm>> -> memref<128x128xf32, #tpu.memory_space<hbm>>
        %dma_wait3A_150 = arith.constant 0 : i32
        %dma_wait3A_151 = tpu.memref_slice %arg10[%add3A_132, %dma_wait3A_150] : memref<10000x128xf32, #tpu.memory_space<hbm>> -> memref<128x128xf32, #tpu.memory_space<hbm>>
        %dma_wait3A_152 = arith.constant 0 : i32
        %dma_wait3A_153 = arith.constant 0 : i32
        %dma_wait3A_154 = tpu.memref_slice %arg21[%cond3A_72, %dma_wait3A_152, %dma_wait3A_153] : memref<2x128x128xf32, #tpu.memory_space<vmem>> -> memref<1x128x128xf32, #tpu.memory_space<vmem>>
        %dma_wait3A_155 = tpu.memref_squeeze %dma_wait3A_154 : memref<1x128x128xf32, #tpu.memory_space<vmem>> -> memref<128x128xf32, #tpu.memory_space<vmem>>
        tpu.wait_dma2 semaphore(%run_scoped3A_133 : memref<!tpu.dma_semaphore, #tpu.memory_space<semaphore_mem>>) src(%dma_wait3A_155 : memref<128x128xf32, #tpu.memory_space<vmem>>) dst(%dma_wait3A_151 : memref<128x128xf32, #tpu.memory_space<hbm>>)
        tpu.yield
      }) : () -> ()
    } else {
    }
    %eq3A_75 = arith.constant 1 : i32
    %eq3A_76 = arith.cmpi eq, %arg0, %eq3A_75 : i32
    %convert_element_type3A_77 = arith.extui %eq3A_76 : i1 to i32
    %cond3A_78 = arith.constant 1 : i32
    %cond3A_79 = arith.constant 0 : i32
    %cond3A_80 = arith.cmpi ne, %convert_element_type3A_77, %cond3A_79 : i32
    scf.if %cond3A_80 {
      %add3A_131 = arith.constant 128 : i32
      %add3A_132 = arith.addi %min3A_50, %add3A_131 : i32
      "tpu.region"() ({
        %run_scoped3A_133 = tpu.sem_alloc : memref<!tpu.dma_semaphore, #tpu.memory_space<semaphore_mem>>
        %dma_start3A = arith.constant 0 : i32
        %dma_start3A_134 = arith.constant 0 : i32
        %dma_start3A_135 = tpu.memref_slice %arg21[%cond3A_78, %dma_start3A, %dma_start3A_134] : memref<2x128x128xf32, #tpu.memory_space<vmem>> -> memref<1x128x128xf32, #tpu.memory_space<vmem>>
        %dma_start3A_136 = tpu.memref_squeeze %dma_start3A_135 : memref<1x128x128xf32, #tpu.memory_space<vmem>> -> memref<128x128xf32, #tpu.memory_space<vmem>>
        %dma_start3A_137 = arith.constant 0 : i32
        %dma_start3A_138 = tpu.memref_slice %arg11[%add3A_132, %dma_start3A_137] : memref<10000x128xf32, #tpu.memory_space<hbm>> -> memref<128x128xf32, #tpu.memory_space<hbm>>
        %dma_start3A_139 = arith.constant 0 : i32
        %dma_start3A_140 = tpu.memref_slice %arg11[%add3A_132, %dma_start3A_139] : memref<10000x128xf32, #tpu.memory_space<hbm>> -> memref<128x128xf32, #tpu.memory_space<hbm>>
        %dma_start3A_141 = arith.constant 0 : i32
        %dma_start3A_142 = arith.constant 0 : i32
        %dma_start3A_143 = tpu.memref_slice %arg21[%cond3A_78, %dma_start3A_141, %dma_start3A_142] : memref<2x128x128xf32, #tpu.memory_space<vmem>> -> memref<1x128x128xf32, #tpu.memory_space<vmem>>
        %dma_start3A_144 = tpu.memref_squeeze %dma_start3A_143 : memref<1x128x128xf32, #tpu.memory_space<vmem>> -> memref<128x128xf32, #tpu.memory_space<vmem>>
        tpu.enqueue_dma source(%dma_start3A_144 : memref<128x128xf32, #tpu.memory_space<vmem>>) target(%dma_start3A_140 : memref<128x128xf32, #tpu.memory_space<hbm>>) target_semaphore(%run_scoped3A_133 : memref<!tpu.dma_semaphore, #tpu.memory_space<semaphore_mem>>)
        %dma_wait3A = arith.constant 0 : i32
        %dma_wait3A_145 = arith.constant 0 : i32
        %dma_wait3A_146 = tpu.memref_slice %arg21[%cond3A_78, %dma_wait3A, %dma_wait3A_145] : memref<2x128x128xf32, #tpu.memory_space<vmem>> -> memref<1x128x128xf32, #tpu.memory_space<vmem>>
        %dma_wait3A_147 = tpu.memref_squeeze %dma_wait3A_146 : memref<1x128x128xf32, #tpu.memory_space<vmem>> -> memref<128x128xf32, #tpu.memory_space<vmem>>
        %dma_wait3A_148 = arith.constant 0 : i32
        %dma_wait3A_149 = tpu.memref_slice %arg11[%add3A_132, %dma_wait3A_148] : memref<10000x128xf32, #tpu.memory_space<hbm>> -> memref<128x128xf32, #tpu.memory_space<hbm>>
        %dma_wait3A_150 = arith.constant 0 : i32
        %dma_wait3A_151 = tpu.memref_slice %arg11[%add3A_132, %dma_wait3A_150] : memref<10000x128xf32, #tpu.memory_space<hbm>> -> memref<128x128xf32, #tpu.memory_space<hbm>>
        %dma_wait3A_152 = arith.constant 0 : i32
        %dma_wait3A_153 = arith.constant 0 : i32
        %dma_wait3A_154 = tpu.memref_slice %arg21[%cond3A_78, %dma_wait3A_152, %dma_wait3A_153] : memref<2x128x128xf32, #tpu.memory_space<vmem>> -> memref<1x128x128xf32, #tpu.memory_space<vmem>>
        %dma_wait3A_155 = tpu.memref_squeeze %dma_wait3A_154 : memref<1x128x128xf32, #tpu.memory_space<vmem>> -> memref<128x128xf32, #tpu.memory_space<vmem>>
        tpu.wait_dma2 semaphore(%run_scoped3A_133 : memref<!tpu.dma_semaphore, #tpu.memory_space<semaphore_mem>>) src(%dma_wait3A_155 : memref<128x128xf32, #tpu.memory_space<vmem>>) dst(%dma_wait3A_151 : memref<128x128xf32, #tpu.memory_space<hbm>>)
        tpu.yield
      }) : () -> ()
    } else {
    }
    %add3A_81 = arith.constant 256 : i32
    %add3A_82 = arith.addi %min3A_50, %add3A_81 : i32
    %run_scoped3A_83 = arith.constant 0 : i32
    "tpu.region"() ({
      %run_scoped3A_131 = tpu.sem_alloc : memref<!tpu.dma_semaphore, #tpu.memory_space<semaphore_mem>>
      %dma_start3A = arith.constant 0 : i32
      %dma_start3A_132 = arith.constant 0 : i32
      %dma_start3A_133 = tpu.memref_slice %arg21[%run_scoped3A_83, %dma_start3A, %dma_start3A_132] : memref<2x128x128xf32, #tpu.memory_space<vmem>> -> memref<1x128x128xf32, #tpu.memory_space<vmem>>
      %dma_start3A_134 = tpu.memref_squeeze %dma_start3A_133 : memref<1x128x128xf32, #tpu.memory_space<vmem>> -> memref<128x128xf32, #tpu.memory_space<vmem>>
      %dma_start3A_135 = arith.constant 0 : i32
      %dma_start3A_136 = tpu.memref_slice %arg24[%add3A_82, %dma_start3A_135] : memref<10000x128xf32, #tpu.memory_space<vmem_shared>> -> memref<128x128xf32, #tpu.memory_space<vmem_shared>>
      %dma_start3A_137 = arith.constant 0 : i32
      %dma_start3A_138 = arith.constant 0 : i32
      %dma_start3A_139 = tpu.memref_slice %arg21[%run_scoped3A_83, %dma_start3A_137, %dma_start3A_138] : memref<2x128x128xf32, #tpu.memory_space<vmem>> -> memref<1x128x128xf32, #tpu.memory_space<vmem>>
      %dma_start3A_140 = tpu.memref_squeeze %dma_start3A_139 : memref<1x128x128xf32, #tpu.memory_space<vmem>> -> memref<128x128xf32, #tpu.memory_space<vmem>>
      %dma_start3A_141 = arith.constant 0 : i32
      %dma_start3A_142 = tpu.memref_slice %arg24[%add3A_82, %dma_start3A_141] : memref<10000x128xf32, #tpu.memory_space<vmem_shared>> -> memref<128x128xf32, #tpu.memory_space<vmem_shared>>
      tpu.enqueue_dma source(%dma_start3A_142 : memref<128x128xf32, #tpu.memory_space<vmem_shared>>) target(%dma_start3A_140 : memref<128x128xf32, #tpu.memory_space<vmem>>) target_semaphore(%run_scoped3A_131 : memref<!tpu.dma_semaphore, #tpu.memory_space<semaphore_mem>>)
      %dma_wait3A = arith.constant 0 : i32
      %dma_wait3A_143 = arith.constant 0 : i32
      %dma_wait3A_144 = tpu.memref_slice %arg21[%run_scoped3A_83, %dma_wait3A, %dma_wait3A_143] : memref<2x128x128xf32, #tpu.memory_space<vmem>> -> memref<1x128x128xf32, #tpu.memory_space<vmem>>
      %dma_wait3A_145 = tpu.memref_squeeze %dma_wait3A_144 : memref<1x128x128xf32, #tpu.memory_space<vmem>> -> memref<128x128xf32, #tpu.memory_space<vmem>>
      %dma_wait3A_146 = arith.constant 0 : i32
      %dma_wait3A_147 = tpu.memref_slice %arg24[%add3A_82, %dma_wait3A_146] : memref<10000x128xf32, #tpu.memory_space<vmem_shared>> -> memref<128x128xf32, #tpu.memory_space<vmem_shared>>
      %dma_wait3A_148 = arith.constant 0 : i32
      %dma_wait3A_149 = arith.constant 0 : i32
      %dma_wait3A_150 = tpu.memref_slice %arg21[%run_scoped3A_83, %dma_wait3A_148, %dma_wait3A_149] : memref<2x128x128xf32, #tpu.memory_space<vmem>> -> memref<1x128x128xf32, #tpu.memory_space<vmem>>
      %dma_wait3A_151 = tpu.memref_squeeze %dma_wait3A_150 : memref<1x128x128xf32, #tpu.memory_space<vmem>> -> memref<128x128xf32, #tpu.memory_space<vmem>>
      %dma_wait3A_152 = arith.constant 0 : i32
      %dma_wait3A_153 = tpu.memref_slice %arg24[%add3A_82, %dma_wait3A_152] : memref<10000x128xf32, #tpu.memory_space<vmem_shared>> -> memref<128x128xf32, #tpu.memory_space<vmem_shared>>
      tpu.wait_dma2 semaphore(%run_scoped3A_131 : memref<!tpu.dma_semaphore, #tpu.memory_space<semaphore_mem>>) src(%dma_wait3A_153 : memref<128x128xf32, #tpu.memory_space<vmem_shared>>) dst(%dma_wait3A_151 : memref<128x128xf32, #tpu.memory_space<vmem>>)
      tpu.yield
    }) : () -> ()
    %eq3A_84 = arith.constant 0 : i32
    %eq3A_85 = arith.cmpi eq, %arg0, %eq3A_84 : i32
    %convert_element_type3A_86 = arith.extui %eq3A_85 : i1 to i32
    %cond3A_87 = arith.constant 0 : i32
    %cond3A_88 = arith.constant 0 : i32
    %cond3A_89 = arith.cmpi ne, %convert_element_type3A_86, %cond3A_88 : i32
    scf.if %cond3A_89 {
      %add3A_131 = arith.constant 256 : i32
      %add3A_132 = arith.addi %min3A_50, %add3A_131 : i32
      "tpu.region"() ({
        %run_scoped3A_133 = tpu.sem_alloc : memref<!tpu.dma_semaphore, #tpu.memory_space<semaphore_mem>>
        %dma_start3A = arith.constant 0 : i32
        %dma_start3A_134 = arith.constant 0 : i32
        %dma_start3A_135 = tpu.memref_slice %arg21[%cond3A_87, %dma_start3A, %dma_start3A_134] : memref<2x128x128xf32, #tpu.memory_space<vmem>> -> memref<1x128x128xf32, #tpu.memory_space<vmem>>
        %dma_start3A_136 = tpu.memref_squeeze %dma_start3A_135 : memref<1x128x128xf32, #tpu.memory_space<vmem>> -> memref<128x128xf32, #tpu.memory_space<vmem>>
        %dma_start3A_137 = arith.constant 0 : i32
        %dma_start3A_138 = tpu.memref_slice %arg10[%add3A_132, %dma_start3A_137] : memref<10000x128xf32, #tpu.memory_space<hbm>> -> memref<128x128xf32, #tpu.memory_space<hbm>>
        %dma_start3A_139 = arith.constant 0 : i32
        %dma_start3A_140 = tpu.memref_slice %arg10[%add3A_132, %dma_start3A_139] : memref<10000x128xf32, #tpu.memory_space<hbm>> -> memref<128x128xf32, #tpu.memory_space<hbm>>
        %dma_start3A_141 = arith.constant 0 : i32
        %dma_start3A_142 = arith.constant 0 : i32
        %dma_start3A_143 = tpu.memref_slice %arg21[%cond3A_87, %dma_start3A_141, %dma_start3A_142] : memref<2x128x128xf32, #tpu.memory_space<vmem>> -> memref<1x128x128xf32, #tpu.memory_space<vmem>>
        %dma_start3A_144 = tpu.memref_squeeze %dma_start3A_143 : memref<1x128x128xf32, #tpu.memory_space<vmem>> -> memref<128x128xf32, #tpu.memory_space<vmem>>
        tpu.enqueue_dma source(%dma_start3A_144 : memref<128x128xf32, #tpu.memory_space<vmem>>) target(%dma_start3A_140 : memref<128x128xf32, #tpu.memory_space<hbm>>) target_semaphore(%run_scoped3A_133 : memref<!tpu.dma_semaphore, #tpu.memory_space<semaphore_mem>>)
        %dma_wait3A = arith.constant 0 : i32
        %dma_wait3A_145 = arith.constant 0 : i32
        %dma_wait3A_146 = tpu.memref_slice %arg21[%cond3A_87, %dma_wait3A, %dma_wait3A_145] : memref<2x128x128xf32, #tpu.memory_space<vmem>> -> memref<1x128x128xf32, #tpu.memory_space<vmem>>
        %dma_wait3A_147 = tpu.memref_squeeze %dma_wait3A_146 : memref<1x128x128xf32, #tpu.memory_space<vmem>> -> memref<128x128xf32, #tpu.memory_space<vmem>>
        %dma_wait3A_148 = arith.constant 0 : i32
        %dma_wait3A_149 = tpu.memref_slice %arg10[%add3A_132, %dma_wait3A_148] : memref<10000x128xf32, #tpu.memory_space<hbm>> -> memref<128x128xf32, #tpu.memory_space<hbm>>
        %dma_wait3A_150 = arith.constant 0 : i32
        %dma_wait3A_151 = tpu.memref_slice %arg10[%add3A_132, %dma_wait3A_150] : memref<10000x128xf32, #tpu.memory_space<hbm>> -> memref<128x128xf32, #tpu.memory_space<hbm>>
        %dma_wait3A_152 = arith.constant 0 : i32
        %dma_wait3A_153 = arith.constant 0 : i32
        %dma_wait3A_154 = tpu.memref_slice %arg21[%cond3A_87, %dma_wait3A_152, %dma_wait3A_153] : memref<2x128x128xf32, #tpu.memory_space<vmem>> -> memref<1x128x128xf32, #tpu.memory_space<vmem>>
        %dma_wait3A_155 = tpu.memref_squeeze %dma_wait3A_154 : memref<1x128x128xf32, #tpu.memory_space<vmem>> -> memref<128x128xf32, #tpu.memory_space<vmem>>
        tpu.wait_dma2 semaphore(%run_scoped3A_133 : memref<!tpu.dma_semaphore, #tpu.memory_space<semaphore_mem>>) src(%dma_wait3A_155 : memref<128x128xf32, #tpu.memory_space<vmem>>) dst(%dma_wait3A_151 : memref<128x128xf32, #tpu.memory_space<hbm>>)
        tpu.yield
      }) : () -> ()
    } else {
    }
    %eq3A_90 = arith.constant 1 : i32
    %eq3A_91 = arith.cmpi eq, %arg0, %eq3A_90 : i32
    %convert_element_type3A_92 = arith.extui %eq3A_91 : i1 to i32
    %cond3A_93 = arith.constant 0 : i32
    %cond3A_94 = arith.constant 0 : i32
    %cond3A_95 = arith.cmpi ne, %convert_element_type3A_92, %cond3A_94 : i32
    scf.if %cond3A_95 {
      %add3A_131 = arith.constant 256 : i32
      %add3A_132 = arith.addi %min3A_50, %add3A_131 : i32
      "tpu.region"() ({
        %run_scoped3A_133 = tpu.sem_alloc : memref<!tpu.dma_semaphore, #tpu.memory_space<semaphore_mem>>
        %dma_start3A = arith.constant 0 : i32
        %dma_start3A_134 = arith.constant 0 : i32
        %dma_start3A_135 = tpu.memref_slice %arg21[%cond3A_93, %dma_start3A, %dma_start3A_134] : memref<2x128x128xf32, #tpu.memory_space<vmem>> -> memref<1x128x128xf32, #tpu.memory_space<vmem>>
        %dma_start3A_136 = tpu.memref_squeeze %dma_start3A_135 : memref<1x128x128xf32, #tpu.memory_space<vmem>> -> memref<128x128xf32, #tpu.memory_space<vmem>>
        %dma_start3A_137 = arith.constant 0 : i32
        %dma_start3A_138 = tpu.memref_slice %arg11[%add3A_132, %dma_start3A_137] : memref<10000x128xf32, #tpu.memory_space<hbm>> -> memref<128x128xf32, #tpu.memory_space<hbm>>
        %dma_start3A_139 = arith.constant 0 : i32
        %dma_start3A_140 = tpu.memref_slice %arg11[%add3A_132, %dma_start3A_139] : memref<10000x128xf32, #tpu.memory_space<hbm>> -> memref<128x128xf32, #tpu.memory_space<hbm>>
        %dma_start3A_141 = arith.constant 0 : i32
        %dma_start3A_142 = arith.constant 0 : i32
        %dma_start3A_143 = tpu.memref_slice %arg21[%cond3A_93, %dma_start3A_141, %dma_start3A_142] : memref<2x128x128xf32, #tpu.memory_space<vmem>> -> memref<1x128x128xf32, #tpu.memory_space<vmem>>
        %dma_start3A_144 = tpu.memref_squeeze %dma_start3A_143 : memref<1x128x128xf32, #tpu.memory_space<vmem>> -> memref<128x128xf32, #tpu.memory_space<vmem>>
        tpu.enqueue_dma source(%dma_start3A_144 : memref<128x128xf32, #tpu.memory_space<vmem>>) target(%dma_start3A_140 : memref<128x128xf32, #tpu.memory_space<hbm>>) target_semaphore(%run_scoped3A_133 : memref<!tpu.dma_semaphore, #tpu.memory_space<semaphore_mem>>)
        %dma_wait3A = arith.constant 0 : i32
        %dma_wait3A_145 = arith.constant 0 : i32
        %dma_wait3A_146 = tpu.memref_slice %arg21[%cond3A_93, %dma_wait3A, %dma_wait3A_145] : memref<2x128x128xf32, #tpu.memory_space<vmem>> -> memref<1x128x128xf32, #tpu.memory_space<vmem>>
        %dma_wait3A_147 = tpu.memref_squeeze %dma_wait3A_146 : memref<1x128x128xf32, #tpu.memory_space<vmem>> -> memref<128x128xf32, #tpu.memory_space<vmem>>
        %dma_wait3A_148 = arith.constant 0 : i32
        %dma_wait3A_149 = tpu.memref_slice %arg11[%add3A_132, %dma_wait3A_148] : memref<10000x128xf32, #tpu.memory_space<hbm>> -> memref<128x128xf32, #tpu.memory_space<hbm>>
        %dma_wait3A_150 = arith.constant 0 : i32
        %dma_wait3A_151 = tpu.memref_slice %arg11[%add3A_132, %dma_wait3A_150] : memref<10000x128xf32, #tpu.memory_space<hbm>> -> memref<128x128xf32, #tpu.memory_space<hbm>>
        %dma_wait3A_152 = arith.constant 0 : i32
        %dma_wait3A_153 = arith.constant 0 : i32
        %dma_wait3A_154 = tpu.memref_slice %arg21[%cond3A_93, %dma_wait3A_152, %dma_wait3A_153] : memref<2x128x128xf32, #tpu.memory_space<vmem>> -> memref<1x128x128xf32, #tpu.memory_space<vmem>>
        %dma_wait3A_155 = tpu.memref_squeeze %dma_wait3A_154 : memref<1x128x128xf32, #tpu.memory_space<vmem>> -> memref<128x128xf32, #tpu.memory_space<vmem>>
        tpu.wait_dma2 semaphore(%run_scoped3A_133 : memref<!tpu.dma_semaphore, #tpu.memory_space<semaphore_mem>>) src(%dma_wait3A_155 : memref<128x128xf32, #tpu.memory_space<vmem>>) dst(%dma_wait3A_151 : memref<128x128xf32, #tpu.memory_space<hbm>>)
        tpu.yield
      }) : () -> ()
    } else {
    }
    %add3A_96 = arith.constant 384 : i32
    %add3A_97 = arith.addi %min3A_50, %add3A_96 : i32
    %run_scoped3A_98 = arith.constant 1 : i32
    "tpu.region"() ({
      %run_scoped3A_131 = tpu.sem_alloc : memref<!tpu.dma_semaphore, #tpu.memory_space<semaphore_mem>>
      %dma_start3A = arith.constant 0 : i32
      %dma_start3A_132 = arith.constant 0 : i32
      %dma_start3A_133 = tpu.memref_slice %arg21[%run_scoped3A_98, %dma_start3A, %dma_start3A_132] : memref<2x128x128xf32, #tpu.memory_space<vmem>> -> memref<1x128x128xf32, #tpu.memory_space<vmem>>
      %dma_start3A_134 = tpu.memref_squeeze %dma_start3A_133 : memref<1x128x128xf32, #tpu.memory_space<vmem>> -> memref<128x128xf32, #tpu.memory_space<vmem>>
      %dma_start3A_135 = arith.constant 0 : i32
      %dma_start3A_136 = tpu.memref_slice %arg24[%add3A_97, %dma_start3A_135] : memref<10000x128xf32, #tpu.memory_space<vmem_shared>> -> memref<128x128xf32, #tpu.memory_space<vmem_shared>>
      %dma_start3A_137 = arith.constant 0 : i32
      %dma_start3A_138 = arith.constant 0 : i32
      %dma_start3A_139 = tpu.memref_slice %arg21[%run_scoped3A_98, %dma_start3A_137, %dma_start3A_138] : memref<2x128x128xf32, #tpu.memory_space<vmem>> -> memref<1x128x128xf32, #tpu.memory_space<vmem>>
      %dma_start3A_140 = tpu.memref_squeeze %dma_start3A_139 : memref<1x128x128xf32, #tpu.memory_space<vmem>> -> memref<128x128xf32, #tpu.memory_space<vmem>>
      %dma_start3A_141 = arith.constant 0 : i32
      %dma_start3A_142 = tpu.memref_slice %arg24[%add3A_97, %dma_start3A_141] : memref<10000x128xf32, #tpu.memory_space<vmem_shared>> -> memref<128x128xf32, #tpu.memory_space<vmem_shared>>
      tpu.enqueue_dma source(%dma_start3A_142 : memref<128x128xf32, #tpu.memory_space<vmem_shared>>) target(%dma_start3A_140 : memref<128x128xf32, #tpu.memory_space<vmem>>) target_semaphore(%run_scoped3A_131 : memref<!tpu.dma_semaphore, #tpu.memory_space<semaphore_mem>>)
      %dma_wait3A = arith.constant 0 : i32
      %dma_wait3A_143 = arith.constant 0 : i32
      %dma_wait3A_144 = tpu.memref_slice %arg21[%run_scoped3A_98, %dma_wait3A, %dma_wait3A_143] : memref<2x128x128xf32, #tpu.memory_space<vmem>> -> memref<1x128x128xf32, #tpu.memory_space<vmem>>
      %dma_wait3A_145 = tpu.memref_squeeze %dma_wait3A_144 : memref<1x128x128xf32, #tpu.memory_space<vmem>> -> memref<128x128xf32, #tpu.memory_space<vmem>>
      %dma_wait3A_146 = arith.constant 0 : i32
      %dma_wait3A_147 = tpu.memref_slice %arg24[%add3A_97, %dma_wait3A_146] : memref<10000x128xf32, #tpu.memory_space<vmem_shared>> -> memref<128x128xf32, #tpu.memory_space<vmem_shared>>
      %dma_wait3A_148 = arith.constant 0 : i32
      %dma_wait3A_149 = arith.constant 0 : i32
      %dma_wait3A_150 = tpu.memref_slice %arg21[%run_scoped3A_98, %dma_wait3A_148, %dma_wait3A_149] : memref<2x128x128xf32, #tpu.memory_space<vmem>> -> memref<1x128x128xf32, #tpu.memory_space<vmem>>
      %dma_wait3A_151 = tpu.memref_squeeze %dma_wait3A_150 : memref<1x128x128xf32, #tpu.memory_space<vmem>> -> memref<128x128xf32, #tpu.memory_space<vmem>>
      %dma_wait3A_152 = arith.constant 0 : i32
      %dma_wait3A_153 = tpu.memref_slice %arg24[%add3A_97, %dma_wait3A_152] : memref<10000x128xf32, #tpu.memory_space<vmem_shared>> -> memref<128x128xf32, #tpu.memory_space<vmem_shared>>
      tpu.wait_dma2 semaphore(%run_scoped3A_131 : memref<!tpu.dma_semaphore, #tpu.memory_space<semaphore_mem>>) src(%dma_wait3A_153 : memref<128x128xf32, #tpu.memory_space<vmem_shared>>) dst(%dma_wait3A_151 : memref<128x128xf32, #tpu.memory_space<vmem>>)
      tpu.yield
    }) : () -> ()
    %eq3A_99 = arith.constant 0 : i32
    %eq3A_100 = arith.cmpi eq, %arg0, %eq3A_99 : i32
    %convert_element_type3A_101 = arith.extui %eq3A_100 : i1 to i32
    %cond3A_102 = arith.constant 1 : i32
    %cond3A_103 = arith.constant 0 : i32
    %cond3A_104 = arith.cmpi ne, %convert_element_type3A_101, %cond3A_103 : i32
    scf.if %cond3A_104 {
      %add3A_131 = arith.constant 384 : i32
      %add3A_132 = arith.addi %min3A_50, %add3A_131 : i32
      "tpu.region"() ({
        %run_scoped3A_133 = tpu.sem_alloc : memref<!tpu.dma_semaphore, #tpu.memory_space<semaphore_mem>>
        %dma_start3A = arith.constant 0 : i32
        %dma_start3A_134 = arith.constant 0 : i32
        %dma_start3A_135 = tpu.memref_slice %arg21[%cond3A_102, %dma_start3A, %dma_start3A_134] : memref<2x128x128xf32, #tpu.memory_space<vmem>> -> memref<1x128x128xf32, #tpu.memory_space<vmem>>
        %dma_start3A_136 = tpu.memref_squeeze %dma_start3A_135 : memref<1x128x128xf32, #tpu.memory_space<vmem>> -> memref<128x128xf32, #tpu.memory_space<vmem>>
        %dma_start3A_137 = arith.constant 0 : i32
        %dma_start3A_138 = tpu.memref_slice %arg10[%add3A_132, %dma_start3A_137] : memref<10000x128xf32, #tpu.memory_space<hbm>> -> memref<128x128xf32, #tpu.memory_space<hbm>>
        %dma_start3A_139 = arith.constant 0 : i32
        %dma_start3A_140 = tpu.memref_slice %arg10[%add3A_132, %dma_start3A_139] : memref<10000x128xf32, #tpu.memory_space<hbm>> -> memref<128x128xf32, #tpu.memory_space<hbm>>
        %dma_start3A_141 = arith.constant 0 : i32
        %dma_start3A_142 = arith.constant 0 : i32
        %dma_start3A_143 = tpu.memref_slice %arg21[%cond3A_102, %dma_start3A_141, %dma_start3A_142] : memref<2x128x128xf32, #tpu.memory_space<vmem>> -> memref<1x128x128xf32, #tpu.memory_space<vmem>>
        %dma_start3A_144 = tpu.memref_squeeze %dma_start3A_143 : memref<1x128x128xf32, #tpu.memory_space<vmem>> -> memref<128x128xf32, #tpu.memory_space<vmem>>
        tpu.enqueue_dma source(%dma_start3A_144 : memref<128x128xf32, #tpu.memory_space<vmem>>) target(%dma_start3A_140 : memref<128x128xf32, #tpu.memory_space<hbm>>) target_semaphore(%run_scoped3A_133 : memref<!tpu.dma_semaphore, #tpu.memory_space<semaphore_mem>>)
        %dma_wait3A = arith.constant 0 : i32
        %dma_wait3A_145 = arith.constant 0 : i32
        %dma_wait3A_146 = tpu.memref_slice %arg21[%cond3A_102, %dma_wait3A, %dma_wait3A_145] : memref<2x128x128xf32, #tpu.memory_space<vmem>> -> memref<1x128x128xf32, #tpu.memory_space<vmem>>
        %dma_wait3A_147 = tpu.memref_squeeze %dma_wait3A_146 : memref<1x128x128xf32, #tpu.memory_space<vmem>> -> memref<128x128xf32, #tpu.memory_space<vmem>>
        %dma_wait3A_148 = arith.constant 0 : i32
        %dma_wait3A_149 = tpu.memref_slice %arg10[%add3A_132, %dma_wait3A_148] : memref<10000x128xf32, #tpu.memory_space<hbm>> -> memref<128x128xf32, #tpu.memory_space<hbm>>
        %dma_wait3A_150 = arith.constant 0 : i32
        %dma_wait3A_151 = tpu.memref_slice %arg10[%add3A_132, %dma_wait3A_150] : memref<10000x128xf32, #tpu.memory_space<hbm>> -> memref<128x128xf32, #tpu.memory_space<hbm>>
        %dma_wait3A_152 = arith.constant 0 : i32
        %dma_wait3A_153 = arith.constant 0 : i32
        %dma_wait3A_154 = tpu.memref_slice %arg21[%cond3A_102, %dma_wait3A_152, %dma_wait3A_153] : memref<2x128x128xf32, #tpu.memory_space<vmem>> -> memref<1x128x128xf32, #tpu.memory_space<vmem>>
        %dma_wait3A_155 = tpu.memref_squeeze %dma_wait3A_154 : memref<1x128x128xf32, #tpu.memory_space<vmem>> -> memref<128x128xf32, #tpu.memory_space<vmem>>
        tpu.wait_dma2 semaphore(%run_scoped3A_133 : memref<!tpu.dma_semaphore, #tpu.memory_space<semaphore_mem>>) src(%dma_wait3A_155 : memref<128x128xf32, #tpu.memory_space<vmem>>) dst(%dma_wait3A_151 : memref<128x128xf32, #tpu.memory_space<hbm>>)
        tpu.yield
      }) : () -> ()
    } else {
    }
    %eq3A_105 = arith.constant 1 : i32
    %eq3A_106 = arith.cmpi eq, %arg0, %eq3A_105 : i32
    %convert_element_type3A_107 = arith.extui %eq3A_106 : i1 to i32
    %cond3A_108 = arith.constant 1 : i32
    %cond3A_109 = arith.constant 0 : i32
    %cond3A_110 = arith.cmpi ne, %convert_element_type3A_107, %cond3A_109 : i32
    scf.if %cond3A_110 {
      %add3A_131 = arith.constant 384 : i32
      %add3A_132 = arith.addi %min3A_50, %add3A_131 : i32
      "tpu.region"() ({
        %run_scoped3A_133 = tpu.sem_alloc : memref<!tpu.dma_semaphore, #tpu.memory_space<semaphore_mem>>
        %dma_start3A = arith.constant 0 : i32
        %dma_start3A_134 = arith.constant 0 : i32
        %dma_start3A_135 = tpu.memref_slice %arg21[%cond3A_108, %dma_start3A, %dma_start3A_134] : memref<2x128x128xf32, #tpu.memory_space<vmem>> -> memref<1x128x128xf32, #tpu.memory_space<vmem>>
        %dma_start3A_136 = tpu.memref_squeeze %dma_start3A_135 : memref<1x128x128xf32, #tpu.memory_space<vmem>> -> memref<128x128xf32, #tpu.memory_space<vmem>>
        %dma_start3A_137 = arith.constant 0 : i32
        %dma_start3A_138 = tpu.memref_slice %arg11[%add3A_132, %dma_start3A_137] : memref<10000x128xf32, #tpu.memory_space<hbm>> -> memref<128x128xf32, #tpu.memory_space<hbm>>
        %dma_start3A_139 = arith.constant 0 : i32
        %dma_start3A_140 = tpu.memref_slice %arg11[%add3A_132, %dma_start3A_139] : memref<10000x128xf32, #tpu.memory_space<hbm>> -> memref<128x128xf32, #tpu.memory_space<hbm>>
        %dma_start3A_141 = arith.constant 0 : i32
        %dma_start3A_142 = arith.constant 0 : i32
        %dma_start3A_143 = tpu.memref_slice %arg21[%cond3A_108, %dma_start3A_141, %dma_start3A_142] : memref<2x128x128xf32, #tpu.memory_space<vmem>> -> memref<1x128x128xf32, #tpu.memory_space<vmem>>
        %dma_start3A_144 = tpu.memref_squeeze %dma_start3A_143 : memref<1x128x128xf32, #tpu.memory_space<vmem>> -> memref<128x128xf32, #tpu.memory_space<vmem>>
        tpu.enqueue_dma source(%dma_start3A_144 : memref<128x128xf32, #tpu.memory_space<vmem>>) target(%dma_start3A_140 : memref<128x128xf32, #tpu.memory_space<hbm>>) target_semaphore(%run_scoped3A_133 : memref<!tpu.dma_semaphore, #tpu.memory_space<semaphore_mem>>)
        %dma_wait3A = arith.constant 0 : i32
        %dma_wait3A_145 = arith.constant 0 : i32
        %dma_wait3A_146 = tpu.memref_slice %arg21[%cond3A_108, %dma_wait3A, %dma_wait3A_145] : memref<2x128x128xf32, #tpu.memory_space<vmem>> -> memref<1x128x128xf32, #tpu.memory_space<vmem>>
        %dma_wait3A_147 = tpu.memref_squeeze %dma_wait3A_146 : memref<1x128x128xf32, #tpu.memory_space<vmem>> -> memref<128x128xf32, #tpu.memory_space<vmem>>
        %dma_wait3A_148 = arith.constant 0 : i32
        %dma_wait3A_149 = tpu.memref_slice %arg11[%add3A_132, %dma_wait3A_148] : memref<10000x128xf32, #tpu.memory_space<hbm>> -> memref<128x128xf32, #tpu.memory_space<hbm>>
        %dma_wait3A_150 = arith.constant 0 : i32
        %dma_wait3A_151 = tpu.memref_slice %arg11[%add3A_132, %dma_wait3A_150] : memref<10000x128xf32, #tpu.memory_space<hbm>> -> memref<128x128xf32, #tpu.memory_space<hbm>>
        %dma_wait3A_152 = arith.constant 0 : i32
        %dma_wait3A_153 = arith.constant 0 : i32
        %dma_wait3A_154 = tpu.memref_slice %arg21[%cond3A_108, %dma_wait3A_152, %dma_wait3A_153] : memref<2x128x128xf32, #tpu.memory_space<vmem>> -> memref<1x128x128xf32, #tpu.memory_space<vmem>>
        %dma_wait3A_155 = tpu.memref_squeeze %dma_wait3A_154 : memref<1x128x128xf32, #tpu.memory_space<vmem>> -> memref<128x128xf32, #tpu.memory_space<vmem>>
        tpu.wait_dma2 semaphore(%run_scoped3A_133 : memref<!tpu.dma_semaphore, #tpu.memory_space<semaphore_mem>>) src(%dma_wait3A_155 : memref<128x128xf32, #tpu.memory_space<vmem>>) dst(%dma_wait3A_151 : memref<128x128xf32, #tpu.memory_space<hbm>>)
        tpu.yield
      }) : () -> ()
    } else {
    }
    %add3A_111 = arith.constant 512 : i32
    %add3A_112 = arith.addi %min3A_50, %add3A_111 : i32
    %run_scoped3A_113 = arith.constant 0 : i32
    "tpu.region"() ({
      %run_scoped3A_131 = tpu.sem_alloc : memref<!tpu.dma_semaphore, #tpu.memory_space<semaphore_mem>>
      %dma_start3A = arith.constant 0 : i32
      %dma_start3A_132 = arith.constant 0 : i32
      %dma_start3A_133 = tpu.memref_slice %arg21[%run_scoped3A_113, %dma_start3A, %dma_start3A_132] : memref<2x128x128xf32, #tpu.memory_space<vmem>> -> memref<1x128x128xf32, #tpu.memory_space<vmem>>
      %dma_start3A_134 = tpu.memref_squeeze %dma_start3A_133 : memref<1x128x128xf32, #tpu.memory_space<vmem>> -> memref<128x128xf32, #tpu.memory_space<vmem>>
      %dma_start3A_135 = arith.constant 0 : i32
      %dma_start3A_136 = tpu.memref_slice %arg24[%add3A_112, %dma_start3A_135] : memref<10000x128xf32, #tpu.memory_space<vmem_shared>> -> memref<128x128xf32, #tpu.memory_space<vmem_shared>>
      %dma_start3A_137 = arith.constant 0 : i32
      %dma_start3A_138 = arith.constant 0 : i32
      %dma_start3A_139 = tpu.memref_slice %arg21[%run_scoped3A_113, %dma_start3A_137, %dma_start3A_138] : memref<2x128x128xf32, #tpu.memory_space<vmem>> -> memref<1x128x128xf32, #tpu.memory_space<vmem>>
      %dma_start3A_140 = tpu.memref_squeeze %dma_start3A_139 : memref<1x128x128xf32, #tpu.memory_space<vmem>> -> memref<128x128xf32, #tpu.memory_space<vmem>>
      %dma_start3A_141 = arith.constant 0 : i32
      %dma_start3A_142 = tpu.memref_slice %arg24[%add3A_112, %dma_start3A_141] : memref<10000x128xf32, #tpu.memory_space<vmem_shared>> -> memref<128x128xf32, #tpu.memory_space<vmem_shared>>
      tpu.enqueue_dma source(%dma_start3A_142 : memref<128x128xf32, #tpu.memory_space<vmem_shared>>) target(%dma_start3A_140 : memref<128x128xf32, #tpu.memory_space<vmem>>) target_semaphore(%run_scoped3A_131 : memref<!tpu.dma_semaphore, #tpu.memory_space<semaphore_mem>>)
      %dma_wait3A = arith.constant 0 : i32
      %dma_wait3A_143 = arith.constant 0 : i32
      %dma_wait3A_144 = tpu.memref_slice %arg21[%run_scoped3A_113, %dma_wait3A, %dma_wait3A_143] : memref<2x128x128xf32, #tpu.memory_space<vmem>> -> memref<1x128x128xf32, #tpu.memory_space<vmem>>
      %dma_wait3A_145 = tpu.memref_squeeze %dma_wait3A_144 : memref<1x128x128xf32, #tpu.memory_space<vmem>> -> memref<128x128xf32, #tpu.memory_space<vmem>>
      %dma_wait3A_146 = arith.constant 0 : i32
      %dma_wait3A_147 = tpu.memref_slice %arg24[%add3A_112, %dma_wait3A_146] : memref<10000x128xf32, #tpu.memory_space<vmem_shared>> -> memref<128x128xf32, #tpu.memory_space<vmem_shared>>
      %dma_wait3A_148 = arith.constant 0 : i32
      %dma_wait3A_149 = arith.constant 0 : i32
      %dma_wait3A_150 = tpu.memref_slice %arg21[%run_scoped3A_113, %dma_wait3A_148, %dma_wait3A_149] : memref<2x128x128xf32, #tpu.memory_space<vmem>> -> memref<1x128x128xf32, #tpu.memory_space<vmem>>
      %dma_wait3A_151 = tpu.memref_squeeze %dma_wait3A_150 : memref<1x128x128xf32, #tpu.memory_space<vmem>> -> memref<128x128xf32, #tpu.memory_space<vmem>>
      %dma_wait3A_152 = arith.constant 0 : i32
      %dma_wait3A_153 = tpu.memref_slice %arg24[%add3A_112, %dma_wait3A_152] : memref<10000x128xf32, #tpu.memory_space<vmem_shared>> -> memref<128x128xf32, #tpu.memory_space<vmem_shared>>
      tpu.wait_dma2 semaphore(%run_scoped3A_131 : memref<!tpu.dma_semaphore, #tpu.memory_space<semaphore_mem>>) src(%dma_wait3A_153 : memref<128x128xf32, #tpu.memory_space<vmem_shared>>) dst(%dma_wait3A_151 : memref<128x128xf32, #tpu.memory_space<vmem>>)
      tpu.yield
    }) : () -> ()
    %eq3A_114 = arith.constant 0 : i32
    %eq3A_115 = arith.cmpi eq, %arg0, %eq3A_114 : i32
    %convert_element_type3A_116 = arith.extui %eq3A_115 : i1 to i32
    %cond3A_117 = arith.constant 0 : i32
    %cond3A_118 = arith.constant 0 : i32
    %cond3A_119 = arith.cmpi ne, %convert_element_type3A_116, %cond3A_118 : i32
    scf.if %cond3A_119 {
      %add3A_131 = arith.constant 512 : i32
      %add3A_132 = arith.addi %min3A_50, %add3A_131 : i32
      "tpu.region"() ({
        %run_scoped3A_133 = tpu.sem_alloc : memref<!tpu.dma_semaphore, #tpu.memory_space<semaphore_mem>>
        %dma_start3A = arith.constant 0 : i32
        %dma_start3A_134 = arith.constant 0 : i32
        %dma_start3A_135 = tpu.memref_slice %arg21[%cond3A_117, %dma_start3A, %dma_start3A_134] : memref<2x128x128xf32, #tpu.memory_space<vmem>> -> memref<1x128x128xf32, #tpu.memory_space<vmem>>
        %dma_start3A_136 = tpu.memref_squeeze %dma_start3A_135 : memref<1x128x128xf32, #tpu.memory_space<vmem>> -> memref<128x128xf32, #tpu.memory_space<vmem>>
        %dma_start3A_137 = arith.constant 0 : i32
        %dma_start3A_138 = tpu.memref_slice %arg10[%add3A_132, %dma_start3A_137] : memref<10000x128xf32, #tpu.memory_space<hbm>> -> memref<128x128xf32, #tpu.memory_space<hbm>>
        %dma_start3A_139 = arith.constant 0 : i32
        %dma_start3A_140 = tpu.memref_slice %arg10[%add3A_132, %dma_start3A_139] : memref<10000x128xf32, #tpu.memory_space<hbm>> -> memref<128x128xf32, #tpu.memory_space<hbm>>
        %dma_start3A_141 = arith.constant 0 : i32
        %dma_start3A_142 = arith.constant 0 : i32
        %dma_start3A_143 = tpu.memref_slice %arg21[%cond3A_117, %dma_start3A_141, %dma_start3A_142] : memref<2x128x128xf32, #tpu.memory_space<vmem>> -> memref<1x128x128xf32, #tpu.memory_space<vmem>>
        %dma_start3A_144 = tpu.memref_squeeze %dma_start3A_143 : memref<1x128x128xf32, #tpu.memory_space<vmem>> -> memref<128x128xf32, #tpu.memory_space<vmem>>
        tpu.enqueue_dma source(%dma_start3A_144 : memref<128x128xf32, #tpu.memory_space<vmem>>) target(%dma_start3A_140 : memref<128x128xf32, #tpu.memory_space<hbm>>) target_semaphore(%run_scoped3A_133 : memref<!tpu.dma_semaphore, #tpu.memory_space<semaphore_mem>>)
        %dma_wait3A = arith.constant 0 : i32
        %dma_wait3A_145 = arith.constant 0 : i32
        %dma_wait3A_146 = tpu.memref_slice %arg21[%cond3A_117, %dma_wait3A, %dma_wait3A_145] : memref<2x128x128xf32, #tpu.memory_space<vmem>> -> memref<1x128x128xf32, #tpu.memory_space<vmem>>
        %dma_wait3A_147 = tpu.memref_squeeze %dma_wait3A_146 : memref<1x128x128xf32, #tpu.memory_space<vmem>> -> memref<128x128xf32, #tpu.memory_space<vmem>>
        %dma_wait3A_148 = arith.constant 0 : i32
        %dma_wait3A_149 = tpu.memref_slice %arg10[%add3A_132, %dma_wait3A_148] : memref<10000x128xf32, #tpu.memory_space<hbm>> -> memref<128x128xf32, #tpu.memory_space<hbm>>
        %dma_wait3A_150 = arith.constant 0 : i32
        %dma_wait3A_151 = tpu.memref_slice %arg10[%add3A_132, %dma_wait3A_150] : memref<10000x128xf32, #tpu.memory_space<hbm>> -> memref<128x128xf32, #tpu.memory_space<hbm>>
        %dma_wait3A_152 = arith.constant 0 : i32
        %dma_wait3A_153 = arith.constant 0 : i32
        %dma_wait3A_154 = tpu.memref_slice %arg21[%cond3A_117, %dma_wait3A_152, %dma_wait3A_153] : memref<2x128x128xf32, #tpu.memory_space<vmem>> -> memref<1x128x128xf32, #tpu.memory_space<vmem>>
        %dma_wait3A_155 = tpu.memref_squeeze %dma_wait3A_154 : memref<1x128x128xf32, #tpu.memory_space<vmem>> -> memref<128x128xf32, #tpu.memory_space<vmem>>
        tpu.wait_dma2 semaphore(%run_scoped3A_133 : memref<!tpu.dma_semaphore, #tpu.memory_space<semaphore_mem>>) src(%dma_wait3A_155 : memref<128x128xf32, #tpu.memory_space<vmem>>) dst(%dma_wait3A_151 : memref<128x128xf32, #tpu.memory_space<hbm>>)
        tpu.yield
      }) : () -> ()
    } else {
    }
    %eq3A_120 = arith.constant 1 : i32
    %eq3A_121 = arith.cmpi eq, %arg0, %eq3A_120 : i32
    %convert_element_type3A_122 = arith.extui %eq3A_121 : i1 to i32
    %cond3A_123 = arith.constant 0 : i32
    %cond3A_124 = arith.constant 0 : i32
    %cond3A_125 = arith.cmpi ne, %convert_element_type3A_122, %cond3A_124 : i32
    scf.if %cond3A_125 {
      %add3A_131 = arith.constant 512 : i32
      %add3A_132 = arith.addi %min3A_50, %add3A_131 : i32
      "tpu.region"() ({
        %run_scoped3A_133 = tpu.sem_alloc : memref<!tpu.dma_semaphore, #tpu.memory_space<semaphore_mem>>
        %dma_start3A = arith.constant 0 : i32
        %dma_start3A_134 = arith.constant 0 : i32
        %dma_start3A_135 = tpu.memref_slice %arg21[%cond3A_123, %dma_start3A, %dma_start3A_134] : memref<2x128x128xf32, #tpu.memory_space<vmem>> -> memref<1x128x128xf32, #tpu.memory_space<vmem>>
        %dma_start3A_136 = tpu.memref_squeeze %dma_start3A_135 : memref<1x128x128xf32, #tpu.memory_space<vmem>> -> memref<128x128xf32, #tpu.memory_space<vmem>>
        %dma_start3A_137 = arith.constant 0 : i32
        %dma_start3A_138 = tpu.memref_slice %arg11[%add3A_132, %dma_start3A_137] : memref<10000x128xf32, #tpu.memory_space<hbm>> -> memref<128x128xf32, #tpu.memory_space<hbm>>
        %dma_start3A_139 = arith.constant 0 : i32
        %dma_start3A_140 = tpu.memref_slice %arg11[%add3A_132, %dma_start3A_139] : memref<10000x128xf32, #tpu.memory_space<hbm>> -> memref<128x128xf32, #tpu.memory_space<hbm>>
        %dma_start3A_141 = arith.constant 0 : i32
        %dma_start3A_142 = arith.constant 0 : i32
        %dma_start3A_143 = tpu.memref_slice %arg21[%cond3A_123, %dma_start3A_141, %dma_start3A_142] : memref<2x128x128xf32, #tpu.memory_space<vmem>> -> memref<1x128x128xf32, #tpu.memory_space<vmem>>
        %dma_start3A_144 = tpu.memref_squeeze %dma_start3A_143 : memref<1x128x128xf32, #tpu.memory_space<vmem>> -> memref<128x128xf32, #tpu.memory_space<vmem>>
        tpu.enqueue_dma source(%dma_start3A_144 : memref<128x128xf32, #tpu.memory_space<vmem>>) target(%dma_start3A_140 : memref<128x128xf32, #tpu.memory_space<hbm>>) target_semaphore(%run_scoped3A_133 : memref<!tpu.dma_semaphore, #tpu.memory_space<semaphore_mem>>)
        %dma_wait3A = arith.constant 0 : i32
        %dma_wait3A_145 = arith.constant 0 : i32
        %dma_wait3A_146 = tpu.memref_slice %arg21[%cond3A_123, %dma_wait3A, %dma_wait3A_145] : memref<2x128x128xf32, #tpu.memory_space<vmem>> -> memref<1x128x128xf32, #tpu.memory_space<vmem>>
        %dma_wait3A_147 = tpu.memref_squeeze %dma_wait3A_146 : memref<1x128x128xf32, #tpu.memory_space<vmem>> -> memref<128x128xf32, #tpu.memory_space<vmem>>
        %dma_wait3A_148 = arith.constant 0 : i32
        %dma_wait3A_149 = tpu.memref_slice %arg11[%add3A_132, %dma_wait3A_148] : memref<10000x128xf32, #tpu.memory_space<hbm>> -> memref<128x128xf32, #tpu.memory_space<hbm>>
        %dma_wait3A_150 = arith.constant 0 : i32
        %dma_wait3A_151 = tpu.memref_slice %arg11[%add3A_132, %dma_wait3A_150] : memref<10000x128xf32, #tpu.memory_space<hbm>> -> memref<128x128xf32, #tpu.memory_space<hbm>>
        %dma_wait3A_152 = arith.constant 0 : i32
        %dma_wait3A_153 = arith.constant 0 : i32
        %dma_wait3A_154 = tpu.memref_slice %arg21[%cond3A_123, %dma_wait3A_152, %dma_wait3A_153] : memref<2x128x128xf32, #tpu.memory_space<vmem>> -> memref<1x128x128xf32, #tpu.memory_space<vmem>>
        %dma_wait3A_155 = tpu.memref_squeeze %dma_wait3A_154 : memref<1x128x128xf32, #tpu.memory_space<vmem>> -> memref<128x128xf32, #tpu.memory_space<vmem>>
        tpu.wait_dma2 semaphore(%run_scoped3A_133 : memref<!tpu.dma_semaphore, #tpu.memory_space<semaphore_mem>>) src(%dma_wait3A_155 : memref<128x128xf32, #tpu.memory_space<vmem>>) dst(%dma_wait3A_151 : memref<128x128xf32, #tpu.memory_space<hbm>>)
        tpu.yield
      }) : () -> ()
    } else {
    }
    %eq3A_126 = arith.constant 0 : i32
    %eq3A_127 = arith.cmpi eq, %arg0, %eq3A_126 : i32
    %convert_element_type3A_128 = arith.extui %eq3A_127 : i1 to i32
    %cond3A_129 = arith.constant 0 : i32
    %cond3A_130 = arith.cmpi ne, %convert_element_type3A_128, %cond3A_129 : i32
    scf.if %cond3A_130 {
      "tpu.region"() ({
        %run_scoped3A_138 = tpu.sem_alloc : memref<!tpu.dma_semaphore, #tpu.memory_space<semaphore_mem>>
        %dma_start3A = tpu.memref_slice %arg7[%min3A_50] : memref<10000xf32, #tpu.memory_space<hbm>> -> memref<640xf32, #tpu.memory_space<hbm>>
        %dma_start3A_139 = tpu.memref_slice %arg7[%min3A_50] : memref<10000xf32, #tpu.memory_space<hbm>> -> memref<640xf32, #tpu.memory_space<hbm>>
        tpu.enqueue_dma source(%dma_start3A_139 : memref<640xf32, #tpu.memory_space<hbm>>) target(%arg22 : memref<640xf32, #tpu.memory_space<vmem>>) target_semaphore(%run_scoped3A_138 : memref<!tpu.dma_semaphore, #tpu.memory_space<semaphore_mem>>)
        %dma_wait3A = tpu.memref_slice %arg7[%min3A_50] : memref<10000xf32, #tpu.memory_space<hbm>> -> memref<640xf32, #tpu.memory_space<hbm>>
        %dma_wait3A_140 = tpu.memref_slice %arg7[%min3A_50] : memref<10000xf32, #tpu.memory_space<hbm>> -> memref<640xf32, #tpu.memory_space<hbm>>
        tpu.wait_dma2 semaphore(%run_scoped3A_138 : memref<!tpu.dma_semaphore, #tpu.memory_space<semaphore_mem>>) src(%dma_wait3A_140 : memref<640xf32, #tpu.memory_space<hbm>>) dst(%arg22 : memref<640xf32, #tpu.memory_space<vmem>>)
        tpu.yield
      }) : () -> ()
      "tpu.region"() ({
        %run_scoped3A_138 = tpu.sem_alloc : memref<!tpu.dma_semaphore, #tpu.memory_space<semaphore_mem>>
        %dma_start3A = tpu.memref_slice %arg8[%min3A_50] : memref<10000xf32, #tpu.memory_space<hbm>> -> memref<640xf32, #tpu.memory_space<hbm>>
        %dma_start3A_139 = tpu.memref_slice %arg8[%min3A_50] : memref<10000xf32, #tpu.memory_space<hbm>> -> memref<640xf32, #tpu.memory_space<hbm>>
        tpu.enqueue_dma source(%dma_start3A_139 : memref<640xf32, #tpu.memory_space<hbm>>) target(%arg23 : memref<640xf32, #tpu.memory_space<vmem>>) target_semaphore(%run_scoped3A_138 : memref<!tpu.dma_semaphore, #tpu.memory_space<semaphore_mem>>)
        %dma_wait3A = tpu.memref_slice %arg8[%min3A_50] : memref<10000xf32, #tpu.memory_space<hbm>> -> memref<640xf32, #tpu.memory_space<hbm>>
        %dma_wait3A_140 = tpu.memref_slice %arg8[%min3A_50] : memref<10000xf32, #tpu.memory_space<hbm>> -> memref<640xf32, #tpu.memory_space<hbm>>
        tpu.wait_dma2 semaphore(%run_scoped3A_138 : memref<!tpu.dma_semaphore, #tpu.memory_space<semaphore_mem>>) src(%dma_wait3A_140 : memref<640xf32, #tpu.memory_space<hbm>>) dst(%arg23 : memref<640xf32, #tpu.memory_space<vmem>>)
        tpu.yield
      }) : () -> ()
      %scan3A_131 = arith.constant 0 : i32
      %scan3A_132 = arith.constant 0 : i32
      %scan3A_133 = arith.constant 40 : i32
      %scan3A_134 = arith.addi %scan3A_132, %scan3A_133 : i32
      %scan3A_135 = arith.constant 1 : i32
      %scan3A_136 = scf.for %scan3A_138 = %scan3A_132 to %scan3A_134 step %scan3A_135 iter_args(%scan3A_139 = %scan3A_131) -> (i32)  : i32 {
        %mul3A_140 = arith.constant 16 : i32
        %mul3A_141 = arith.muli %scan3A_138, %mul3A_140 : i32
        %get3A = arith.index_cast %mul3A_141 : i32 to index
        %get3A_142 = tpu.vector_load %arg22[%get3A] {strides = array<i32>} : memref<640xf32, #tpu.memory_space<vmem>>, vector<16xf32>,
        %get3A_143 = vector.shape_cast %get3A_142 : vector<16xf32> to vector<16xf32>
        %get3A_144 = arith.index_cast %mul3A_141 : i32 to index
        %get3A_145 = tpu.vector_load %arg23[%get3A_144] {strides = array<i32>} : memref<640xf32, #tpu.memory_space<vmem>>, vector<16xf32>,
        %get3A_146 = vector.shape_cast %get3A_145 : vector<16xf32> to vector<16xf32>
        %add3A_147 = arith.addf %get3A_143, %get3A_146 : vector<16xf32>
        %swap3A = arith.index_cast %mul3A_141 : i32 to index
        %swap3A_148 = tpu.vector_load %arg22[%swap3A] {strides = array<i32>} : memref<640xf32, #tpu.memory_space<vmem>>, vector<16xf32>,
        %swap3A_149 = vector.shape_cast %swap3A_148 : vector<16xf32> to vector<16xf32>
        %swap3A_150 = vector.shape_cast %add3A_147 : vector<16xf32> to vector<16xf32>
        tpu.vector_store %arg22[%swap3A], %swap3A_150 {strides = array<i32>} : memref<640xf32, #tpu.memory_space<vmem>>, vector<16xf32>,
        %scan3A_151 = arith.constant 0 : i32
        scf.yield %scan3A_151 : i32
      }
      %scan3A_137 = arith.constant 40 : i32
      "tpu.region"() ({
        %run_scoped3A_138 = tpu.sem_alloc : memref<!tpu.dma_semaphore, #tpu.memory_space<semaphore_mem>>
        %dma_start3A = tpu.memref_slice %arg12[%min3A_50] : memref<10000xf32, #tpu.memory_space<hbm>> -> memref<640xf32, #tpu.memory_space<hbm>>
        %dma_start3A_139 = tpu.memref_slice %arg12[%min3A_50] : memref<10000xf32, #tpu.memory_space<hbm>> -> memref<640xf32, #tpu.memory_space<hbm>>
        tpu.enqueue_dma source(%arg22 : memref<640xf32, #tpu.memory_space<vmem>>) target(%dma_start3A_139 : memref<640xf32, #tpu.memory_space<hbm>>) target_semaphore(%run_scoped3A_138 : memref<!tpu.dma_semaphore, #tpu.memory_space<semaphore_mem>>)
        %dma_wait3A = tpu.memref_slice %arg12[%min3A_50] : memref<10000xf32, #tpu.memory_space<hbm>> -> memref<640xf32, #tpu.memory_space<hbm>>
        %dma_wait3A_140 = tpu.memref_slice %arg12[%min3A_50] : memref<10000xf32, #tpu.memory_space<hbm>> -> memref<640xf32, #tpu.memory_space<hbm>>
        tpu.wait_dma2 semaphore(%run_scoped3A_138 : memref<!tpu.dma_semaphore, #tpu.memory_space<semaphore_mem>>) src(%arg22 : memref<640xf32, #tpu.memory_space<vmem>>) dst(%dma_wait3A_140 : memref<640xf32, #tpu.memory_space<hbm>>)
        tpu.yield
      }) : () -> ()
    } else {
    }
    return
  }
}

module attributes {stable_mosaic.version = 14 : i64} {
  func.func @_tc_b_body(%arg0: i32, %arg1: memref<400x128xf32, #tpu.memory_space<vmem>>, %arg2: memref<8x128x256xf32, #tpu.memory_space<vmem>>, %arg3: memref<8x256x256xf32, #tpu.memory_space<vmem>>, %arg4: memref<1x256xf32, #tpu.memory_space<vmem>>, %arg5: memref<8x400x128xf32, #tpu.memory_space<vmem>>, %arg6: memref<8x400x128xf32, #tpu.memory_space<vmem>>) attributes {dimension_semantics = [#tpu.dimension_semantics<arbitrary>], iteration_bounds = array<i64: 25>, scalar_prefetch = 0 : i64, scratch_operands = 0 : i64, tpu.core_type = #tpu.core_type<tc>, window_params = [{transform_indices = @transform_0, window_bounds = array<i64: 400, 128>}, {pipeline_mode = #tpu.pipeline_mode<synchronous>, transform_indices = @transform_1, window_bounds = array<i64: 8, 128, 256>}, {pipeline_mode = #tpu.pipeline_mode<synchronous>, transform_indices = @transform_2, window_bounds = array<i64: 8, 256, 256>}, {pipeline_mode = #tpu.pipeline_mode<synchronous>, transform_indices = @transform_3, window_bounds = array<i64: 1, 256>}, {transform_indices = @transform_4, window_bounds = array<i64: 8, 400, 128>}, {transform_indices = @transform_5, window_bounds = array<i64: 8, 400, 128>}]} {
    %get3A = arith.constant 0 : index
    %get3A_0 = arith.constant 0 : index
    %get3A_1 = vector.load %arg1[%get3A, %get3A_0] : memref<400x128xf32, #tpu.memory_space<vmem>>, vector<400x128xf32>
    %get3A_2 = arith.constant 0 : index
    %get3A_3 = arith.constant 0 : index
    %get3A_4 = vector.load %arg4[%get3A_2, %get3A_3] : memref<1x256xf32, #tpu.memory_space<vmem>>, vector<1x256xf32>
    %get3A_5 = arith.constant 0 : index
    %get3A_6 = arith.constant 0 : index
    %get3A_7 = arith.constant 0 : index
    %get3A_8 = vector.load %arg2[%get3A_5, %get3A_6, %get3A_7] : memref<8x128x256xf32, #tpu.memory_space<vmem>>, vector<1x128x256xf32>
    %get3A_9 = vector.shape_cast %get3A_8 : vector<1x128x256xf32> to vector<128x256xf32>
    %dot_general3A = arith.constant dense<0.000000e+00> : vector<400x256xf32>
    %dot_general3A_10 = tpu.matmul %get3A_1, %get3A_9, %dot_general3A {dimension_numbers = #tpu.dot_dimension_numbers<[1], [0], [0], [1], [0, 0, 1, 1], [], []>, transpose_lhs_hint = false} : vector<400x128xf32>, vector<128x256xf32>, vector<400x256xf32> -> vector<400x256xf32>
    %get3A_11 = arith.constant 0 : index
    %get3A_12 = arith.constant 0 : index
    %get3A_13 = arith.constant 0 : index
    %get3A_14 = vector.load %arg3[%get3A_11, %get3A_12, %get3A_13] : memref<8x256x256xf32, #tpu.memory_space<vmem>>, vector<1x256x256xf32>
    %get3A_15 = vector.shape_cast %get3A_14 : vector<1x256x256xf32> to vector<256x256xf32>
    %dot_general3A_16 = arith.constant dense<0.000000e+00> : vector<1x256xf32>
    %dot_general3A_17 = tpu.matmul %get3A_4, %get3A_15, %dot_general3A_16 {dimension_numbers = #tpu.dot_dimension_numbers<[1], [0], [0], [1], [0, 0, 1, 1], [], []>, transpose_lhs_hint = false} : vector<1x256xf32>, vector<256x256xf32>, vector<1x256xf32> -> vector<1x256xf32>
    %add3A = vector.broadcast %dot_general3A_17 : vector<1x256xf32> to vector<400x256xf32>
    %add3A_18 = arith.addf %dot_general3A_10, %add3A : vector<400x256xf32>
    %slice3A = vector.extract_strided_slice %add3A_18 {offsets = [0, 0], sizes = [400, 128], strides = [1, 1]} : vector<400x256xf32> to vector<400x128xf32>
    %swap3A = arith.constant 0 : index
    %swap3A_19 = arith.constant 0 : index
    %swap3A_20 = arith.constant 0 : index
    %swap3A_21 = vector.load %arg5[%swap3A, %swap3A_19, %swap3A_20] : memref<8x400x128xf32, #tpu.memory_space<vmem>>, vector<1x400x128xf32>
    %swap3A_22 = vector.shape_cast %swap3A_21 : vector<1x400x128xf32> to vector<400x128xf32>
    %swap3A_23 = vector.shape_cast %slice3A : vector<400x128xf32> to vector<1x400x128xf32>
    tpu.vector_store %arg5[%swap3A, %swap3A_19, %swap3A_20], %swap3A_23 {strides = array<i32>} : memref<8x400x128xf32, #tpu.memory_space<vmem>>, vector<1x400x128xf32>,
    %slice3A_24 = vector.extract_strided_slice %add3A_18 {offsets = [0, 128], sizes = [400, 128], strides = [1, 1]} : vector<400x256xf32> to vector<400x128xf32>
    %swap3A_25 = arith.constant 0 : index
    %swap3A_26 = arith.constant 0 : index
    %swap3A_27 = arith.constant 0 : index
    %swap3A_28 = vector.load %arg6[%swap3A_25, %swap3A_26, %swap3A_27] : memref<8x400x128xf32, #tpu.memory_space<vmem>>, vector<1x400x128xf32>
    %swap3A_29 = vector.shape_cast %swap3A_28 : vector<1x400x128xf32> to vector<400x128xf32>
    %swap3A_30 = vector.shape_cast %slice3A_24 : vector<400x128xf32> to vector<1x400x128xf32>
    tpu.vector_store %arg6[%swap3A_25, %swap3A_26, %swap3A_27], %swap3A_30 {strides = array<i32>} : memref<8x400x128xf32, #tpu.memory_space<vmem>>, vector<1x400x128xf32>,
    %get3A_31 = arith.constant 1 : index
    %get3A_32 = arith.constant 0 : index
    %get3A_33 = arith.constant 0 : index
    %get3A_34 = vector.load %arg2[%get3A_31, %get3A_32, %get3A_33] : memref<8x128x256xf32, #tpu.memory_space<vmem>>, vector<1x128x256xf32>
    %get3A_35 = vector.shape_cast %get3A_34 : vector<1x128x256xf32> to vector<128x256xf32>
    %dot_general3A_36 = arith.constant dense<0.000000e+00> : vector<400x256xf32>
    %dot_general3A_37 = tpu.matmul %get3A_1, %get3A_35, %dot_general3A_36 {dimension_numbers = #tpu.dot_dimension_numbers<[1], [0], [0], [1], [0, 0, 1, 1], [], []>, transpose_lhs_hint = false} : vector<400x128xf32>, vector<128x256xf32>, vector<400x256xf32> -> vector<400x256xf32>
    %get3A_38 = arith.constant 1 : index
    %get3A_39 = arith.constant 0 : index
    %get3A_40 = arith.constant 0 : index
    %get3A_41 = vector.load %arg3[%get3A_38, %get3A_39, %get3A_40] : memref<8x256x256xf32, #tpu.memory_space<vmem>>, vector<1x256x256xf32>
    %get3A_42 = vector.shape_cast %get3A_41 : vector<1x256x256xf32> to vector<256x256xf32>
    %dot_general3A_43 = arith.constant dense<0.000000e+00> : vector<1x256xf32>
    %dot_general3A_44 = tpu.matmul %get3A_4, %get3A_42, %dot_general3A_43 {dimension_numbers = #tpu.dot_dimension_numbers<[1], [0], [0], [1], [0, 0, 1, 1], [], []>, transpose_lhs_hint = false} : vector<1x256xf32>, vector<256x256xf32>, vector<1x256xf32> -> vector<1x256xf32>
    %add3A_45 = vector.broadcast %dot_general3A_44 : vector<1x256xf32> to vector<400x256xf32>
    %add3A_46 = arith.addf %dot_general3A_37, %add3A_45 : vector<400x256xf32>
    %slice3A_47 = vector.extract_strided_slice %add3A_46 {offsets = [0, 0], sizes = [400, 128], strides = [1, 1]} : vector<400x256xf32> to vector<400x128xf32>
    %swap3A_48 = arith.constant 1 : index
    %swap3A_49 = arith.constant 0 : index
    %swap3A_50 = arith.constant 0 : index
    %swap3A_51 = vector.load %arg5[%swap3A_48, %swap3A_49, %swap3A_50] : memref<8x400x128xf32, #tpu.memory_space<vmem>>, vector<1x400x128xf32>
    %swap3A_52 = vector.shape_cast %swap3A_51 : vector<1x400x128xf32> to vector<400x128xf32>
    %swap3A_53 = vector.shape_cast %slice3A_47 : vector<400x128xf32> to vector<1x400x128xf32>
    tpu.vector_store %arg5[%swap3A_48, %swap3A_49, %swap3A_50], %swap3A_53 {strides = array<i32>} : memref<8x400x128xf32, #tpu.memory_space<vmem>>, vector<1x400x128xf32>,
    %slice3A_54 = vector.extract_strided_slice %add3A_46 {offsets = [0, 128], sizes = [400, 128], strides = [1, 1]} : vector<400x256xf32> to vector<400x128xf32>
    %swap3A_55 = arith.constant 1 : index
    %swap3A_56 = arith.constant 0 : index
    %swap3A_57 = arith.constant 0 : index
    %swap3A_58 = vector.load %arg6[%swap3A_55, %swap3A_56, %swap3A_57] : memref<8x400x128xf32, #tpu.memory_space<vmem>>, vector<1x400x128xf32>
    %swap3A_59 = vector.shape_cast %swap3A_58 : vector<1x400x128xf32> to vector<400x128xf32>
    %swap3A_60 = vector.shape_cast %slice3A_54 : vector<400x128xf32> to vector<1x400x128xf32>
    tpu.vector_store %arg6[%swap3A_55, %swap3A_56, %swap3A_57], %swap3A_60 {strides = array<i32>} : memref<8x400x128xf32, #tpu.memory_space<vmem>>, vector<1x400x128xf32>,
    %get3A_61 = arith.constant 2 : index
    %get3A_62 = arith.constant 0 : index
    %get3A_63 = arith.constant 0 : index
    %get3A_64 = vector.load %arg2[%get3A_61, %get3A_62, %get3A_63] : memref<8x128x256xf32, #tpu.memory_space<vmem>>, vector<1x128x256xf32>
    %get3A_65 = vector.shape_cast %get3A_64 : vector<1x128x256xf32> to vector<128x256xf32>
    %dot_general3A_66 = arith.constant dense<0.000000e+00> : vector<400x256xf32>
    %dot_general3A_67 = tpu.matmul %get3A_1, %get3A_65, %dot_general3A_66 {dimension_numbers = #tpu.dot_dimension_numbers<[1], [0], [0], [1], [0, 0, 1, 1], [], []>, transpose_lhs_hint = false} : vector<400x128xf32>, vector<128x256xf32>, vector<400x256xf32> -> vector<400x256xf32>
    %get3A_68 = arith.constant 2 : index
    %get3A_69 = arith.constant 0 : index
    %get3A_70 = arith.constant 0 : index
    %get3A_71 = vector.load %arg3[%get3A_68, %get3A_69, %get3A_70] : memref<8x256x256xf32, #tpu.memory_space<vmem>>, vector<1x256x256xf32>
    %get3A_72 = vector.shape_cast %get3A_71 : vector<1x256x256xf32> to vector<256x256xf32>
    %dot_general3A_73 = arith.constant dense<0.000000e+00> : vector<1x256xf32>
    %dot_general3A_74 = tpu.matmul %get3A_4, %get3A_72, %dot_general3A_73 {dimension_numbers = #tpu.dot_dimension_numbers<[1], [0], [0], [1], [0, 0, 1, 1], [], []>, transpose_lhs_hint = false} : vector<1x256xf32>, vector<256x256xf32>, vector<1x256xf32> -> vector<1x256xf32>
    %add3A_75 = vector.broadcast %dot_general3A_74 : vector<1x256xf32> to vector<400x256xf32>
    %add3A_76 = arith.addf %dot_general3A_67, %add3A_75 : vector<400x256xf32>
    %slice3A_77 = vector.extract_strided_slice %add3A_76 {offsets = [0, 0], sizes = [400, 128], strides = [1, 1]} : vector<400x256xf32> to vector<400x128xf32>
    %swap3A_78 = arith.constant 2 : index
    %swap3A_79 = arith.constant 0 : index
    %swap3A_80 = arith.constant 0 : index
    %swap3A_81 = vector.load %arg5[%swap3A_78, %swap3A_79, %swap3A_80] : memref<8x400x128xf32, #tpu.memory_space<vmem>>, vector<1x400x128xf32>
    %swap3A_82 = vector.shape_cast %swap3A_81 : vector<1x400x128xf32> to vector<400x128xf32>
    %swap3A_83 = vector.shape_cast %slice3A_77 : vector<400x128xf32> to vector<1x400x128xf32>
    tpu.vector_store %arg5[%swap3A_78, %swap3A_79, %swap3A_80], %swap3A_83 {strides = array<i32>} : memref<8x400x128xf32, #tpu.memory_space<vmem>>, vector<1x400x128xf32>,
    %slice3A_84 = vector.extract_strided_slice %add3A_76 {offsets = [0, 128], sizes = [400, 128], strides = [1, 1]} : vector<400x256xf32> to vector<400x128xf32>
    %swap3A_85 = arith.constant 2 : index
    %swap3A_86 = arith.constant 0 : index
    %swap3A_87 = arith.constant 0 : index
    %swap3A_88 = vector.load %arg6[%swap3A_85, %swap3A_86, %swap3A_87] : memref<8x400x128xf32, #tpu.memory_space<vmem>>, vector<1x400x128xf32>
    %swap3A_89 = vector.shape_cast %swap3A_88 : vector<1x400x128xf32> to vector<400x128xf32>
    %swap3A_90 = vector.shape_cast %slice3A_84 : vector<400x128xf32> to vector<1x400x128xf32>
    tpu.vector_store %arg6[%swap3A_85, %swap3A_86, %swap3A_87], %swap3A_90 {strides = array<i32>} : memref<8x400x128xf32, #tpu.memory_space<vmem>>, vector<1x400x128xf32>,
    %get3A_91 = arith.constant 3 : index
    %get3A_92 = arith.constant 0 : index
    %get3A_93 = arith.constant 0 : index
    %get3A_94 = vector.load %arg2[%get3A_91, %get3A_92, %get3A_93] : memref<8x128x256xf32, #tpu.memory_space<vmem>>, vector<1x128x256xf32>
    %get3A_95 = vector.shape_cast %get3A_94 : vector<1x128x256xf32> to vector<128x256xf32>
    %dot_general3A_96 = arith.constant dense<0.000000e+00> : vector<400x256xf32>
    %dot_general3A_97 = tpu.matmul %get3A_1, %get3A_95, %dot_general3A_96 {dimension_numbers = #tpu.dot_dimension_numbers<[1], [0], [0], [1], [0, 0, 1, 1], [], []>, transpose_lhs_hint = false} : vector<400x128xf32>, vector<128x256xf32>, vector<400x256xf32> -> vector<400x256xf32>
    %get3A_98 = arith.constant 3 : index
    %get3A_99 = arith.constant 0 : index
    %get3A_100 = arith.constant 0 : index
    %get3A_101 = vector.load %arg3[%get3A_98, %get3A_99, %get3A_100] : memref<8x256x256xf32, #tpu.memory_space<vmem>>, vector<1x256x256xf32>
    %get3A_102 = vector.shape_cast %get3A_101 : vector<1x256x256xf32> to vector<256x256xf32>
    %dot_general3A_103 = arith.constant dense<0.000000e+00> : vector<1x256xf32>
    %dot_general3A_104 = tpu.matmul %get3A_4, %get3A_102, %dot_general3A_103 {dimension_numbers = #tpu.dot_dimension_numbers<[1], [0], [0], [1], [0, 0, 1, 1], [], []>, transpose_lhs_hint = false} : vector<1x256xf32>, vector<256x256xf32>, vector<1x256xf32> -> vector<1x256xf32>
    %add3A_105 = vector.broadcast %dot_general3A_104 : vector<1x256xf32> to vector<400x256xf32>
    %add3A_106 = arith.addf %dot_general3A_97, %add3A_105 : vector<400x256xf32>
    %slice3A_107 = vector.extract_strided_slice %add3A_106 {offsets = [0, 0], sizes = [400, 128], strides = [1, 1]} : vector<400x256xf32> to vector<400x128xf32>
    %swap3A_108 = arith.constant 3 : index
    %swap3A_109 = arith.constant 0 : index
    %swap3A_110 = arith.constant 0 : index
    %swap3A_111 = vector.load %arg5[%swap3A_108, %swap3A_109, %swap3A_110] : memref<8x400x128xf32, #tpu.memory_space<vmem>>, vector<1x400x128xf32>
    %swap3A_112 = vector.shape_cast %swap3A_111 : vector<1x400x128xf32> to vector<400x128xf32>
    %swap3A_113 = vector.shape_cast %slice3A_107 : vector<400x128xf32> to vector<1x400x128xf32>
    tpu.vector_store %arg5[%swap3A_108, %swap3A_109, %swap3A_110], %swap3A_113 {strides = array<i32>} : memref<8x400x128xf32, #tpu.memory_space<vmem>>, vector<1x400x128xf32>,
    %slice3A_114 = vector.extract_strided_slice %add3A_106 {offsets = [0, 128], sizes = [400, 128], strides = [1, 1]} : vector<400x256xf32> to vector<400x128xf32>
    %swap3A_115 = arith.constant 3 : index
    %swap3A_116 = arith.constant 0 : index
    %swap3A_117 = arith.constant 0 : index
    %swap3A_118 = vector.load %arg6[%swap3A_115, %swap3A_116, %swap3A_117] : memref<8x400x128xf32, #tpu.memory_space<vmem>>, vector<1x400x128xf32>
    %swap3A_119 = vector.shape_cast %swap3A_118 : vector<1x400x128xf32> to vector<400x128xf32>
    %swap3A_120 = vector.shape_cast %slice3A_114 : vector<400x128xf32> to vector<1x400x128xf32>
    tpu.vector_store %arg6[%swap3A_115, %swap3A_116, %swap3A_117], %swap3A_120 {strides = array<i32>} : memref<8x400x128xf32, #tpu.memory_space<vmem>>, vector<1x400x128xf32>,
    %get3A_121 = arith.constant 4 : index
    %get3A_122 = arith.constant 0 : index
    %get3A_123 = arith.constant 0 : index
    %get3A_124 = vector.load %arg2[%get3A_121, %get3A_122, %get3A_123] : memref<8x128x256xf32, #tpu.memory_space<vmem>>, vector<1x128x256xf32>
    %get3A_125 = vector.shape_cast %get3A_124 : vector<1x128x256xf32> to vector<128x256xf32>
    %dot_general3A_126 = arith.constant dense<0.000000e+00> : vector<400x256xf32>
    %dot_general3A_127 = tpu.matmul %get3A_1, %get3A_125, %dot_general3A_126 {dimension_numbers = #tpu.dot_dimension_numbers<[1], [0], [0], [1], [0, 0, 1, 1], [], []>, transpose_lhs_hint = false} : vector<400x128xf32>, vector<128x256xf32>, vector<400x256xf32> -> vector<400x256xf32>
    %get3A_128 = arith.constant 4 : index
    %get3A_129 = arith.constant 0 : index
    %get3A_130 = arith.constant 0 : index
    %get3A_131 = vector.load %arg3[%get3A_128, %get3A_129, %get3A_130] : memref<8x256x256xf32, #tpu.memory_space<vmem>>, vector<1x256x256xf32>
    %get3A_132 = vector.shape_cast %get3A_131 : vector<1x256x256xf32> to vector<256x256xf32>
    %dot_general3A_133 = arith.constant dense<0.000000e+00> : vector<1x256xf32>
    %dot_general3A_134 = tpu.matmul %get3A_4, %get3A_132, %dot_general3A_133 {dimension_numbers = #tpu.dot_dimension_numbers<[1], [0], [0], [1], [0, 0, 1, 1], [], []>, transpose_lhs_hint = false} : vector<1x256xf32>, vector<256x256xf32>, vector<1x256xf32> -> vector<1x256xf32>
    %add3A_135 = vector.broadcast %dot_general3A_134 : vector<1x256xf32> to vector<400x256xf32>
    %add3A_136 = arith.addf %dot_general3A_127, %add3A_135 : vector<400x256xf32>
    %slice3A_137 = vector.extract_strided_slice %add3A_136 {offsets = [0, 0], sizes = [400, 128], strides = [1, 1]} : vector<400x256xf32> to vector<400x128xf32>
    %swap3A_138 = arith.constant 4 : index
    %swap3A_139 = arith.constant 0 : index
    %swap3A_140 = arith.constant 0 : index
    %swap3A_141 = vector.load %arg5[%swap3A_138, %swap3A_139, %swap3A_140] : memref<8x400x128xf32, #tpu.memory_space<vmem>>, vector<1x400x128xf32>
    %swap3A_142 = vector.shape_cast %swap3A_141 : vector<1x400x128xf32> to vector<400x128xf32>
    %swap3A_143 = vector.shape_cast %slice3A_137 : vector<400x128xf32> to vector<1x400x128xf32>
    tpu.vector_store %arg5[%swap3A_138, %swap3A_139, %swap3A_140], %swap3A_143 {strides = array<i32>} : memref<8x400x128xf32, #tpu.memory_space<vmem>>, vector<1x400x128xf32>,
    %slice3A_144 = vector.extract_strided_slice %add3A_136 {offsets = [0, 128], sizes = [400, 128], strides = [1, 1]} : vector<400x256xf32> to vector<400x128xf32>
    %swap3A_145 = arith.constant 4 : index
    %swap3A_146 = arith.constant 0 : index
    %swap3A_147 = arith.constant 0 : index
    %swap3A_148 = vector.load %arg6[%swap3A_145, %swap3A_146, %swap3A_147] : memref<8x400x128xf32, #tpu.memory_space<vmem>>, vector<1x400x128xf32>
    %swap3A_149 = vector.shape_cast %swap3A_148 : vector<1x400x128xf32> to vector<400x128xf32>
    %swap3A_150 = vector.shape_cast %slice3A_144 : vector<400x128xf32> to vector<1x400x128xf32>
    tpu.vector_store %arg6[%swap3A_145, %swap3A_146, %swap3A_147], %swap3A_150 {strides = array<i32>} : memref<8x400x128xf32, #tpu.memory_space<vmem>>, vector<1x400x128xf32>,
    %get3A_151 = arith.constant 5 : index
    %get3A_152 = arith.constant 0 : index
    %get3A_153 = arith.constant 0 : index
    %get3A_154 = vector.load %arg2[%get3A_151, %get3A_152, %get3A_153] : memref<8x128x256xf32, #tpu.memory_space<vmem>>, vector<1x128x256xf32>
    %get3A_155 = vector.shape_cast %get3A_154 : vector<1x128x256xf32> to vector<128x256xf32>
    %dot_general3A_156 = arith.constant dense<0.000000e+00> : vector<400x256xf32>
    %dot_general3A_157 = tpu.matmul %get3A_1, %get3A_155, %dot_general3A_156 {dimension_numbers = #tpu.dot_dimension_numbers<[1], [0], [0], [1], [0, 0, 1, 1], [], []>, transpose_lhs_hint = false} : vector<400x128xf32>, vector<128x256xf32>, vector<400x256xf32> -> vector<400x256xf32>
    %get3A_158 = arith.constant 5 : index
    %get3A_159 = arith.constant 0 : index
    %get3A_160 = arith.constant 0 : index
    %get3A_161 = vector.load %arg3[%get3A_158, %get3A_159, %get3A_160] : memref<8x256x256xf32, #tpu.memory_space<vmem>>, vector<1x256x256xf32>
    %get3A_162 = vector.shape_cast %get3A_161 : vector<1x256x256xf32> to vector<256x256xf32>
    %dot_general3A_163 = arith.constant dense<0.000000e+00> : vector<1x256xf32>
    %dot_general3A_164 = tpu.matmul %get3A_4, %get3A_162, %dot_general3A_163 {dimension_numbers = #tpu.dot_dimension_numbers<[1], [0], [0], [1], [0, 0, 1, 1], [], []>, transpose_lhs_hint = false} : vector<1x256xf32>, vector<256x256xf32>, vector<1x256xf32> -> vector<1x256xf32>
    %add3A_165 = vector.broadcast %dot_general3A_164 : vector<1x256xf32> to vector<400x256xf32>
    %add3A_166 = arith.addf %dot_general3A_157, %add3A_165 : vector<400x256xf32>
    %slice3A_167 = vector.extract_strided_slice %add3A_166 {offsets = [0, 0], sizes = [400, 128], strides = [1, 1]} : vector<400x256xf32> to vector<400x128xf32>
    %swap3A_168 = arith.constant 5 : index
    %swap3A_169 = arith.constant 0 : index
    %swap3A_170 = arith.constant 0 : index
    %swap3A_171 = vector.load %arg5[%swap3A_168, %swap3A_169, %swap3A_170] : memref<8x400x128xf32, #tpu.memory_space<vmem>>, vector<1x400x128xf32>
    %swap3A_172 = vector.shape_cast %swap3A_171 : vector<1x400x128xf32> to vector<400x128xf32>
    %swap3A_173 = vector.shape_cast %slice3A_167 : vector<400x128xf32> to vector<1x400x128xf32>
    tpu.vector_store %arg5[%swap3A_168, %swap3A_169, %swap3A_170], %swap3A_173 {strides = array<i32>} : memref<8x400x128xf32, #tpu.memory_space<vmem>>, vector<1x400x128xf32>,
    %slice3A_174 = vector.extract_strided_slice %add3A_166 {offsets = [0, 128], sizes = [400, 128], strides = [1, 1]} : vector<400x256xf32> to vector<400x128xf32>
    %swap3A_175 = arith.constant 5 : index
    %swap3A_176 = arith.constant 0 : index
    %swap3A_177 = arith.constant 0 : index
    %swap3A_178 = vector.load %arg6[%swap3A_175, %swap3A_176, %swap3A_177] : memref<8x400x128xf32, #tpu.memory_space<vmem>>, vector<1x400x128xf32>
    %swap3A_179 = vector.shape_cast %swap3A_178 : vector<1x400x128xf32> to vector<400x128xf32>
    %swap3A_180 = vector.shape_cast %slice3A_174 : vector<400x128xf32> to vector<1x400x128xf32>
    tpu.vector_store %arg6[%swap3A_175, %swap3A_176, %swap3A_177], %swap3A_180 {strides = array<i32>} : memref<8x400x128xf32, #tpu.memory_space<vmem>>, vector<1x400x128xf32>,
    %get3A_181 = arith.constant 6 : index
    %get3A_182 = arith.constant 0 : index
    %get3A_183 = arith.constant 0 : index
    %get3A_184 = vector.load %arg2[%get3A_181, %get3A_182, %get3A_183] : memref<8x128x256xf32, #tpu.memory_space<vmem>>, vector<1x128x256xf32>
    %get3A_185 = vector.shape_cast %get3A_184 : vector<1x128x256xf32> to vector<128x256xf32>
    %dot_general3A_186 = arith.constant dense<0.000000e+00> : vector<400x256xf32>
    %dot_general3A_187 = tpu.matmul %get3A_1, %get3A_185, %dot_general3A_186 {dimension_numbers = #tpu.dot_dimension_numbers<[1], [0], [0], [1], [0, 0, 1, 1], [], []>, transpose_lhs_hint = false} : vector<400x128xf32>, vector<128x256xf32>, vector<400x256xf32> -> vector<400x256xf32>
    %get3A_188 = arith.constant 6 : index
    %get3A_189 = arith.constant 0 : index
    %get3A_190 = arith.constant 0 : index
    %get3A_191 = vector.load %arg3[%get3A_188, %get3A_189, %get3A_190] : memref<8x256x256xf32, #tpu.memory_space<vmem>>, vector<1x256x256xf32>
    %get3A_192 = vector.shape_cast %get3A_191 : vector<1x256x256xf32> to vector<256x256xf32>
    %dot_general3A_193 = arith.constant dense<0.000000e+00> : vector<1x256xf32>
    %dot_general3A_194 = tpu.matmul %get3A_4, %get3A_192, %dot_general3A_193 {dimension_numbers = #tpu.dot_dimension_numbers<[1], [0], [0], [1], [0, 0, 1, 1], [], []>, transpose_lhs_hint = false} : vector<1x256xf32>, vector<256x256xf32>, vector<1x256xf32> -> vector<1x256xf32>
    %add3A_195 = vector.broadcast %dot_general3A_194 : vector<1x256xf32> to vector<400x256xf32>
    %add3A_196 = arith.addf %dot_general3A_187, %add3A_195 : vector<400x256xf32>
    %slice3A_197 = vector.extract_strided_slice %add3A_196 {offsets = [0, 0], sizes = [400, 128], strides = [1, 1]} : vector<400x256xf32> to vector<400x128xf32>
    %swap3A_198 = arith.constant 6 : index
    %swap3A_199 = arith.constant 0 : index
    %swap3A_200 = arith.constant 0 : index
    %swap3A_201 = vector.load %arg5[%swap3A_198, %swap3A_199, %swap3A_200] : memref<8x400x128xf32, #tpu.memory_space<vmem>>, vector<1x400x128xf32>
    %swap3A_202 = vector.shape_cast %swap3A_201 : vector<1x400x128xf32> to vector<400x128xf32>
    %swap3A_203 = vector.shape_cast %slice3A_197 : vector<400x128xf32> to vector<1x400x128xf32>
    tpu.vector_store %arg5[%swap3A_198, %swap3A_199, %swap3A_200], %swap3A_203 {strides = array<i32>} : memref<8x400x128xf32, #tpu.memory_space<vmem>>, vector<1x400x128xf32>,
    %slice3A_204 = vector.extract_strided_slice %add3A_196 {offsets = [0, 128], sizes = [400, 128], strides = [1, 1]} : vector<400x256xf32> to vector<400x128xf32>
    %swap3A_205 = arith.constant 6 : index
    %swap3A_206 = arith.constant 0 : index
    %swap3A_207 = arith.constant 0 : index
    %swap3A_208 = vector.load %arg6[%swap3A_205, %swap3A_206, %swap3A_207] : memref<8x400x128xf32, #tpu.memory_space<vmem>>, vector<1x400x128xf32>
    %swap3A_209 = vector.shape_cast %swap3A_208 : vector<1x400x128xf32> to vector<400x128xf32>
    %swap3A_210 = vector.shape_cast %slice3A_204 : vector<400x128xf32> to vector<1x400x128xf32>
    tpu.vector_store %arg6[%swap3A_205, %swap3A_206, %swap3A_207], %swap3A_210 {strides = array<i32>} : memref<8x400x128xf32, #tpu.memory_space<vmem>>, vector<1x400x128xf32>,
    %get3A_211 = arith.constant 7 : index
    %get3A_212 = arith.constant 0 : index
    %get3A_213 = arith.constant 0 : index
    %get3A_214 = vector.load %arg2[%get3A_211, %get3A_212, %get3A_213] : memref<8x128x256xf32, #tpu.memory_space<vmem>>, vector<1x128x256xf32>
    %get3A_215 = vector.shape_cast %get3A_214 : vector<1x128x256xf32> to vector<128x256xf32>
    %dot_general3A_216 = arith.constant dense<0.000000e+00> : vector<400x256xf32>
    %dot_general3A_217 = tpu.matmul %get3A_1, %get3A_215, %dot_general3A_216 {dimension_numbers = #tpu.dot_dimension_numbers<[1], [0], [0], [1], [0, 0, 1, 1], [], []>, transpose_lhs_hint = false} : vector<400x128xf32>, vector<128x256xf32>, vector<400x256xf32> -> vector<400x256xf32>
    %get3A_218 = arith.constant 7 : index
    %get3A_219 = arith.constant 0 : index
    %get3A_220 = arith.constant 0 : index
    %get3A_221 = vector.load %arg3[%get3A_218, %get3A_219, %get3A_220] : memref<8x256x256xf32, #tpu.memory_space<vmem>>, vector<1x256x256xf32>
    %get3A_222 = vector.shape_cast %get3A_221 : vector<1x256x256xf32> to vector<256x256xf32>
    %dot_general3A_223 = arith.constant dense<0.000000e+00> : vector<1x256xf32>
    %dot_general3A_224 = tpu.matmul %get3A_4, %get3A_222, %dot_general3A_223 {dimension_numbers = #tpu.dot_dimension_numbers<[1], [0], [0], [1], [0, 0, 1, 1], [], []>, transpose_lhs_hint = false} : vector<1x256xf32>, vector<256x256xf32>, vector<1x256xf32> -> vector<1x256xf32>
    %add3A_225 = vector.broadcast %dot_general3A_224 : vector<1x256xf32> to vector<400x256xf32>
    %add3A_226 = arith.addf %dot_general3A_217, %add3A_225 : vector<400x256xf32>
    %slice3A_227 = vector.extract_strided_slice %add3A_226 {offsets = [0, 0], sizes = [400, 128], strides = [1, 1]} : vector<400x256xf32> to vector<400x128xf32>
    %swap3A_228 = arith.constant 7 : index
    %swap3A_229 = arith.constant 0 : index
    %swap3A_230 = arith.constant 0 : index
    %swap3A_231 = vector.load %arg5[%swap3A_228, %swap3A_229, %swap3A_230] : memref<8x400x128xf32, #tpu.memory_space<vmem>>, vector<1x400x128xf32>
    %swap3A_232 = vector.shape_cast %swap3A_231 : vector<1x400x128xf32> to vector<400x128xf32>
    %swap3A_233 = vector.shape_cast %slice3A_227 : vector<400x128xf32> to vector<1x400x128xf32>
    tpu.vector_store %arg5[%swap3A_228, %swap3A_229, %swap3A_230], %swap3A_233 {strides = array<i32>} : memref<8x400x128xf32, #tpu.memory_space<vmem>>, vector<1x400x128xf32>,
    %slice3A_234 = vector.extract_strided_slice %add3A_226 {offsets = [0, 128], sizes = [400, 128], strides = [1, 1]} : vector<400x256xf32> to vector<400x128xf32>
    %swap3A_235 = arith.constant 7 : index
    %swap3A_236 = arith.constant 0 : index
    %swap3A_237 = arith.constant 0 : index
    %swap3A_238 = vector.load %arg6[%swap3A_235, %swap3A_236, %swap3A_237] : memref<8x400x128xf32, #tpu.memory_space<vmem>>, vector<1x400x128xf32>
    %swap3A_239 = vector.shape_cast %swap3A_238 : vector<1x400x128xf32> to vector<400x128xf32>
    %swap3A_240 = vector.shape_cast %slice3A_234 : vector<400x128xf32> to vector<1x400x128xf32>
    tpu.vector_store %arg6[%swap3A_235, %swap3A_236, %swap3A_237], %swap3A_240 {strides = array<i32>} : memref<8x400x128xf32, #tpu.memory_space<vmem>>, vector<1x400x128xf32>,
    return
  }
  func.func @transform_0(%arg0: i32) -> (i32, i32) {
    %c0_i32 = arith.constant 0 : i32
    %c0_i32_0 = arith.constant 0 : i32
    return %arg0, %c0_i32 : i32, i32
  }
  func.func @transform_1(%arg0: i32) -> (i32, i32, i32) {
    %c0_i32 = arith.constant 0 : i32
    %c0_i32_0 = arith.constant 0 : i32
    %c0_i32_1 = arith.constant 0 : i32
    %c0_i32_2 = arith.constant 0 : i32
    return %c0_i32, %c0_i32_0, %c0_i32_1 : i32, i32, i32
  }
  func.func @transform_2(%arg0: i32) -> (i32, i32, i32) {
    %c0_i32 = arith.constant 0 : i32
    %c0_i32_0 = arith.constant 0 : i32
    %c0_i32_1 = arith.constant 0 : i32
    %c0_i32_2 = arith.constant 0 : i32
    return %c0_i32, %c0_i32_0, %c0_i32_1 : i32, i32, i32
  }
  func.func @transform_3(%arg0: i32) -> (i32, i32) {
    %c0_i32 = arith.constant 0 : i32
    %c0_i32_0 = arith.constant 0 : i32
    %c0_i32_1 = arith.constant 0 : i32
    return %c0_i32, %c0_i32_0 : i32, i32
  }
  func.func @transform_4(%arg0: i32) -> (i32, i32, i32) {
    %c0_i32 = arith.constant 0 : i32
    %c0_i32_0 = arith.constant 0 : i32
    %c0_i32_1 = arith.constant 0 : i32
    return %c0_i32, %arg0, %c0_i32_0 : i32, i32, i32
  }
  func.func @transform_5(%arg0: i32) -> (i32, i32, i32) {
    %c0_i32 = arith.constant 0 : i32
    %c0_i32_0 = arith.constant 0 : i32
    %c0_i32_1 = arith.constant 0 : i32
    return %c0_i32, %arg0, %c0_i32_0 : i32, i32, i32
  }
}

module attributes {stable_mosaic.version = 14 : i64} {
  func.func @_tc_d_body(%arg0: i32, %arg1: memref<400x128xf32, #tpu.memory_space<vmem>>, %arg2: memref<400x128xf32, #tpu.memory_space<vmem>>, %arg3: memref<400x128xf32, #tpu.memory_space<vmem>>, %arg4: memref<400x1xf32, #tpu.memory_space<vmem>>, %arg5: memref<384x128xf32, #tpu.memory_space<vmem>>, %arg6: memref<384x128xf32, #tpu.memory_space<vmem>>, %arg7: memref<1x128xf32, #tpu.memory_space<vmem>>, %arg8: memref<1x128xf32, #tpu.memory_space<vmem>>, %arg9: memref<1x256xf32, #tpu.memory_space<vmem>>, %arg10: memref<256x256xf32, #tpu.memory_space<vmem>>, %arg11: memref<1x256xf32, #tpu.memory_space<vmem>>, %arg12: memref<256x128xf32, #tpu.memory_space<vmem>>, %arg13: memref<1x128xf32, #tpu.memory_space<vmem>>, %arg14: memref<256x128xf32, #tpu.memory_space<vmem>>, %arg15: memref<1x128xf32, #tpu.memory_space<vmem>>, %arg16: memref<400x256xf32, #tpu.memory_space<vmem>>, %arg17: memref<1x1xf32, #tpu.memory_space<vmem>>, %arg18: memref<1x1xf32, #tpu.memory_space<smem>>) attributes {dimension_semantics = [#tpu.dimension_semantics<arbitrary>], iteration_bounds = array<i64: 25>, scalar_prefetch = 0 : i64, scratch_operands = 1 : i64, tpu.core_type = #tpu.core_type<tc>, window_params = [{transform_indices = @transform_0, window_bounds = array<i64: 400, 128>}, {transform_indices = @transform_1, window_bounds = array<i64: 400, 128>}, {transform_indices = @transform_2, window_bounds = array<i64: 400, 128>}, {transform_indices = @transform_3, window_bounds = array<i64: 400, 1>}, {pipeline_mode = #tpu.pipeline_mode<synchronous>, transform_indices = @transform_4, window_bounds = array<i64: 384, 128>}, {pipeline_mode = #tpu.pipeline_mode<synchronous>, transform_indices = @transform_5, window_bounds = array<i64: 384, 128>}, {pipeline_mode = #tpu.pipeline_mode<synchronous>, transform_indices = @transform_6, window_bounds = array<i64: 1, 128>}, {pipeline_mode = #tpu.pipeline_mode<synchronous>, transform_indices = @transform_7, window_bounds = array<i64: 1, 128>}, {pipeline_mode = #tpu.pipeline_mode<synchronous>, transform_indices = @transform_8, window_bounds = array<i64: 1, 256>}, {pipeline_mode = #tpu.pipeline_mode<synchronous>, transform_indices = @transform_9, window_bounds = array<i64: 256, 256>}, {pipeline_mode = #tpu.pipeline_mode<synchronous>, transform_indices = @transform_10, window_bounds = array<i64: 1, 256>}, {pipeline_mode = #tpu.pipeline_mode<synchronous>, transform_indices = @transform_11, window_bounds = array<i64: 256, 128>}, {pipeline_mode = #tpu.pipeline_mode<synchronous>, transform_indices = @transform_12, window_bounds = array<i64: 1, 128>}, {pipeline_mode = #tpu.pipeline_mode<synchronous>, transform_indices = @transform_13, window_bounds = array<i64: 256, 128>}, {pipeline_mode = #tpu.pipeline_mode<synchronous>, transform_indices = @transform_14, window_bounds = array<i64: 1, 128>}, {transform_indices = @transform_15, window_bounds = array<i64: 400, 256>}, {pipeline_mode = #tpu.pipeline_mode<synchronous>, transform_indices = @transform_16, window_bounds = array<i64: 1, 1>}]} {
    %eq3A = arith.constant 0 : i32
    %eq3A_0 = arith.cmpi eq, %arg0, %eq3A : i32
    %convert_element_type3A = arith.extui %eq3A_0 : i1 to i32
    %cond3A = arith.constant 0 : i32
    %cond3A_1 = arith.cmpi ne, %convert_element_type3A, %cond3A : i32
    scf.if %cond3A_1 {
      %swap3A_147 = arith.constant 0.000000e+00 : f32
      %swap3A_148 = arith.constant 0 : index
      %swap3A_149 = arith.constant 0 : index
      %swap3A_150 = memref.load %arg18[%swap3A_148, %swap3A_149] : memref<1x1xf32, #tpu.memory_space<smem>>
      memref.store %swap3A_147, %arg18[%swap3A_148, %swap3A_149] : memref<1x1xf32, #tpu.memory_space<smem>>
    } else {
    }
    %get3A = arith.constant 0 : index
    %get3A_2 = arith.constant 0 : index
    %get3A_3 = vector.load %arg1[%get3A, %get3A_2] : memref<400x128xf32, #tpu.memory_space<vmem>>, vector<400x128xf32>
    %get3A_4 = arith.constant 0 : index
    %get3A_5 = arith.constant 0 : index
    %get3A_6 = vector.load %arg2[%get3A_4, %get3A_5] : memref<400x128xf32, #tpu.memory_space<vmem>>, vector<400x128xf32>
    %get3A_7 = arith.constant 0 : index
    %get3A_8 = arith.constant 0 : index
    %get3A_9 = vector.load %arg3[%get3A_7, %get3A_8] : memref<400x128xf32, #tpu.memory_space<vmem>>, vector<400x128xf32>
    %get3A_10 = arith.constant 0 : index
    %get3A_11 = arith.constant 0 : index
    %get3A_12 = vector.load %arg9[%get3A_10, %get3A_11] : memref<1x256xf32, #tpu.memory_space<vmem>>, vector<1x256xf32>
    %get3A_13 = arith.constant 0 : index
    %get3A_14 = arith.constant 0 : index
    %get3A_15 = vector.load %arg4[%get3A_13, %get3A_14] : memref<400x1xf32, #tpu.memory_space<vmem>>, vector<400x1xf32>
    %max3A = arith.constant 1.000000e+00 : f32
    %max3A_16 = vector.broadcast %max3A : f32 to vector<400x1xf32>
    %max3A_17 = arith.maximumf %get3A_15, %max3A_16 : vector<400x1xf32>
    %get3A_18 = arith.constant 0 : index
    %get3A_19 = arith.constant 0 : index
    %get3A_20 = vector.load %arg5[%get3A_18, %get3A_19] : memref<384x128xf32, #tpu.memory_space<vmem>>, vector<384x128xf32>
    %get3A_21 = arith.constant 0 : index
    %get3A_22 = arith.constant 0 : index
    %get3A_23 = vector.load %arg6[%get3A_21, %get3A_22] : memref<384x128xf32, #tpu.memory_space<vmem>>, vector<384x128xf32>
    %slice3A = vector.extract_strided_slice %get3A_20 {offsets = [128, 0], sizes = [256, 128], strides = [1, 1]} : vector<384x128xf32> to vector<256x128xf32>
    %dot_general3A = arith.constant dense<0.000000e+00> : vector<1x128xf32>
    %dot_general3A_24 = tpu.matmul %get3A_12, %slice3A, %dot_general3A {dimension_numbers = #tpu.dot_dimension_numbers<[1], [0], [0], [1], [0, 0, 1, 1], [], []>, transpose_lhs_hint = false} : vector<1x256xf32>, vector<256x128xf32>, vector<1x128xf32> -> vector<1x128xf32>
    %get3A_25 = arith.constant 0 : index
    %get3A_26 = arith.constant 0 : index
    %get3A_27 = vector.load %arg7[%get3A_25, %get3A_26] : memref<1x128xf32, #tpu.memory_space<vmem>>, vector<1x128xf32>
    %add3A = arith.addf %dot_general3A_24, %get3A_27 : vector<1x128xf32>
    %slice3A_28 = vector.extract_strided_slice %get3A_23 {offsets = [128, 0], sizes = [256, 128], strides = [1, 1]} : vector<384x128xf32> to vector<256x128xf32>
    %dot_general3A_29 = arith.constant dense<0.000000e+00> : vector<1x128xf32>
    %dot_general3A_30 = tpu.matmul %get3A_12, %slice3A_28, %dot_general3A_29 {dimension_numbers = #tpu.dot_dimension_numbers<[1], [0], [0], [1], [0, 0, 1, 1], [], []>, transpose_lhs_hint = false} : vector<1x256xf32>, vector<256x128xf32>, vector<1x128xf32> -> vector<1x128xf32>
    %get3A_31 = arith.constant 0 : index
    %get3A_32 = arith.constant 0 : index
    %get3A_33 = vector.load %arg8[%get3A_31, %get3A_32] : memref<1x128xf32, #tpu.memory_space<vmem>>, vector<1x128xf32>
    %add3A_34 = arith.addf %dot_general3A_30, %get3A_33 : vector<1x128xf32>
    %div3A = vector.broadcast %max3A_17 : vector<400x1xf32> to vector<400x128xf32>
    %div3A_35 = arith.divf %get3A_3, %div3A : vector<400x128xf32>
    %slice3A_36 = vector.extract_strided_slice %get3A_20 {offsets = [0, 0], sizes = [128, 128], strides = [1, 1]} : vector<384x128xf32> to vector<128x128xf32>
    %dot_general3A_37 = arith.constant dense<0.000000e+00> : vector<400x128xf32>
    %dot_general3A_38 = tpu.matmul %get3A_9, %slice3A_36, %dot_general3A_37 {dimension_numbers = #tpu.dot_dimension_numbers<[1], [0], [0], [1], [0, 0, 1, 1], [], []>, transpose_lhs_hint = false} : vector<400x128xf32>, vector<128x128xf32>, vector<400x128xf32> -> vector<400x128xf32>
    %add3A_39 = arith.addf %div3A_35, %dot_general3A_38 : vector<400x128xf32>
    %add3A_40 = vector.broadcast %add3A : vector<1x128xf32> to vector<400x128xf32>
    %add3A_41 = arith.addf %add3A_39, %add3A_40 : vector<400x128xf32>
    %div3A_42 = vector.broadcast %max3A_17 : vector<400x1xf32> to vector<400x128xf32>
    %div3A_43 = arith.divf %get3A_6, %div3A_42 : vector<400x128xf32>
    %slice3A_44 = vector.extract_strided_slice %get3A_23 {offsets = [0, 0], sizes = [128, 128], strides = [1, 1]} : vector<384x128xf32> to vector<128x128xf32>
    %dot_general3A_45 = arith.constant dense<0.000000e+00> : vector<400x128xf32>
    %dot_general3A_46 = tpu.matmul %get3A_9, %slice3A_44, %dot_general3A_45 {dimension_numbers = #tpu.dot_dimension_numbers<[1], [0], [0], [1], [0, 0, 1, 1], [], []>, transpose_lhs_hint = false} : vector<400x128xf32>, vector<128x128xf32>, vector<400x128xf32> -> vector<400x128xf32>
    %add3A_47 = arith.addf %div3A_43, %dot_general3A_46 : vector<400x128xf32>
    %add3A_48 = vector.broadcast %add3A_34 : vector<1x128xf32> to vector<400x128xf32>
    %add3A_49 = arith.addf %add3A_47, %add3A_48 : vector<400x128xf32>
    %custom_jvp_call3A = arith.constant 0.000000e+00 : f32
    %max3A_50 = vector.broadcast %custom_jvp_call3A : f32 to vector<400x128xf32>
    %max3A_51 = arith.maximumf %add3A_49, %max3A_50 : vector<400x128xf32>
    %sub3A = vector.broadcast %custom_jvp_call3A : f32 to vector<400x128xf32>
    %sub3A_52 = arith.subf %add3A_49, %sub3A : vector<400x128xf32>
    %ne3A = arith.cmpf one, %sub3A_52, %sub3A_52 : vector<400x128xf32>
    %add3A_53 = vector.broadcast %custom_jvp_call3A : f32 to vector<400x128xf32>
    %add3A_54 = arith.addf %add3A_49, %add3A_53 : vector<400x128xf32>
    %abs3A = math.absf %sub3A_52 : vector<400x128xf32>
    %neg3A = arith.constant 0.000000e+00 : f32
    %neg3A_55 = vector.broadcast %neg3A : f32 to vector<400x128xf32>
    %neg3A_56 = arith.subf %neg3A_55, %abs3A : vector<400x128xf32>
    %exp3A = math.exp %neg3A_56 : vector<400x128xf32>
    %log1p3A = math.log1p %exp3A : vector<400x128xf32>
    %add3A_57 = arith.addf %max3A_51, %log1p3A : vector<400x128xf32>
    %select_n3A = arith.select %ne3A, %add3A_54, %add3A_57 : vector<400x128xi1>, vector<400x128xf32>
    %add3A_58 = arith.constant 9.99999997E-7 : f32
    %add3A_59 = vector.broadcast %add3A_58 : f32 to vector<400x128xf32>
    %add3A_60 = arith.addf %select_n3A, %add3A_59 : vector<400x128xf32>
    %concatenate3A = tpu.concatenate %add3A_41, %add3A_60 in 1 : vector<400x128xf32>, vector<400x128xf32> -> vector<400x256xf32>
    %swap3A = arith.constant 0 : index
    %swap3A_61 = arith.constant 0 : index
    %swap3A_62 = vector.load %arg16[%swap3A, %swap3A_61] : memref<400x256xf32, #tpu.memory_space<vmem>>, vector<400x256xf32>
    tpu.vector_store %arg16[%swap3A, %swap3A_61], %concatenate3A {strides = array<i32>} : memref<400x256xf32, #tpu.memory_space<vmem>>, vector<400x256xf32>,
    %get3A_63 = arith.constant 0 : index
    %get3A_64 = arith.constant 0 : index
    %get3A_65 = vector.load %arg10[%get3A_63, %get3A_64] : memref<256x256xf32, #tpu.memory_space<vmem>>, vector<256x256xf32>
    %dot_general3A_66 = arith.constant dense<0.000000e+00> : vector<1x256xf32>
    %dot_general3A_67 = tpu.matmul %get3A_12, %get3A_65, %dot_general3A_66 {dimension_numbers = #tpu.dot_dimension_numbers<[1], [0], [0], [1], [0, 0, 1, 1], [], []>, transpose_lhs_hint = false} : vector<1x256xf32>, vector<256x256xf32>, vector<1x256xf32> -> vector<1x256xf32>
    %get3A_68 = arith.constant 0 : index
    %get3A_69 = arith.constant 0 : index
    %get3A_70 = vector.load %arg11[%get3A_68, %get3A_69] : memref<1x256xf32, #tpu.memory_space<vmem>>, vector<1x256xf32>
    %add3A_71 = arith.addf %dot_general3A_67, %get3A_70 : vector<1x256xf32>
    %max3A_72 = arith.constant 0.000000e+00 : f32
    %max3A_73 = vector.broadcast %max3A_72 : f32 to vector<1x256xf32>
    %max3A_74 = arith.maximumf %add3A_71, %max3A_73 : vector<1x256xf32>
    %get3A_75 = arith.constant 0 : index
    %get3A_76 = arith.constant 0 : index
    %get3A_77 = vector.load %arg12[%get3A_75, %get3A_76] : memref<256x128xf32, #tpu.memory_space<vmem>>, vector<256x128xf32>
    %dot_general3A_78 = arith.constant dense<0.000000e+00> : vector<1x128xf32>
    %dot_general3A_79 = tpu.matmul %max3A_74, %get3A_77, %dot_general3A_78 {dimension_numbers = #tpu.dot_dimension_numbers<[1], [0], [0], [1], [0, 0, 1, 1], [], []>, transpose_lhs_hint = false} : vector<1x256xf32>, vector<256x128xf32>, vector<1x128xf32> -> vector<1x128xf32>
    %get3A_80 = arith.constant 0 : index
    %get3A_81 = arith.constant 0 : index
    %get3A_82 = vector.load %arg13[%get3A_80, %get3A_81] : memref<1x128xf32, #tpu.memory_space<vmem>>, vector<1x128xf32>
    %add3A_83 = arith.addf %dot_general3A_79, %get3A_82 : vector<1x128xf32>
    %get3A_84 = arith.constant 0 : index
    %get3A_85 = arith.constant 0 : index
    %get3A_86 = vector.load %arg14[%get3A_84, %get3A_85] : memref<256x128xf32, #tpu.memory_space<vmem>>, vector<256x128xf32>
    %dot_general3A_87 = arith.constant dense<0.000000e+00> : vector<1x128xf32>
    %dot_general3A_88 = tpu.matmul %max3A_74, %get3A_86, %dot_general3A_87 {dimension_numbers = #tpu.dot_dimension_numbers<[1], [0], [0], [1], [0, 0, 1, 1], [], []>, transpose_lhs_hint = false} : vector<1x256xf32>, vector<256x128xf32>, vector<1x128xf32> -> vector<1x128xf32>
    %get3A_89 = arith.constant 0 : index
    %get3A_90 = arith.constant 0 : index
    %get3A_91 = vector.load %arg15[%get3A_89, %get3A_90] : memref<1x128xf32, #tpu.memory_space<vmem>>, vector<1x128xf32>
    %add3A_92 = arith.addf %dot_general3A_88, %get3A_91 : vector<1x128xf32>
    %custom_jvp_call3A_93 = arith.constant 0.000000e+00 : f32
    %max3A_94 = vector.broadcast %custom_jvp_call3A_93 : f32 to vector<1x128xf32>
    %max3A_95 = arith.maximumf %add3A_92, %max3A_94 : vector<1x128xf32>
    %sub3A_96 = vector.broadcast %custom_jvp_call3A_93 : f32 to vector<1x128xf32>
    %sub3A_97 = arith.subf %add3A_92, %sub3A_96 : vector<1x128xf32>
    %ne3A_98 = arith.cmpf one, %sub3A_97, %sub3A_97 : vector<1x128xf32>
    %add3A_99 = vector.broadcast %custom_jvp_call3A_93 : f32 to vector<1x128xf32>
    %add3A_100 = arith.addf %add3A_92, %add3A_99 : vector<1x128xf32>
    %abs3A_101 = math.absf %sub3A_97 : vector<1x128xf32>
    %neg3A_102 = arith.constant 0.000000e+00 : f32
    %neg3A_103 = vector.broadcast %neg3A_102 : f32 to vector<1x128xf32>
    %neg3A_104 = arith.subf %neg3A_103, %abs3A_101 : vector<1x128xf32>
    %exp3A_105 = math.exp %neg3A_104 : vector<1x128xf32>
    %log1p3A_106 = math.log1p %exp3A_105 : vector<1x128xf32>
    %add3A_107 = arith.addf %max3A_95, %log1p3A_106 : vector<1x128xf32>
    %select_n3A_108 = arith.select %ne3A_98, %add3A_100, %add3A_107 : vector<1x128xi1>, vector<1x128xf32>
    %add3A_109 = arith.constant 9.99999997E-7 : f32
    %add3A_110 = vector.broadcast %add3A_109 : f32 to vector<1x128xf32>
    %add3A_111 = arith.addf %select_n3A_108, %add3A_110 : vector<1x128xf32>
    %log3A = math.log %add3A_111 : vector<1x128xf32>
    %mul3A = arith.constant 2.000000e+00 : f32
    %mul3A_112 = vector.broadcast %mul3A : f32 to vector<1x128xf32>
    %mul3A_113 = arith.mulf %mul3A_112, %log3A : vector<1x128xf32>
    %log3A_114 = math.log %add3A_60 : vector<400x128xf32>
    %mul3A_115 = arith.constant 2.000000e+00 : f32
    %mul3A_116 = vector.broadcast %mul3A_115 : f32 to vector<400x128xf32>
    %mul3A_117 = arith.mulf %mul3A_116, %log3A_114 : vector<400x128xf32>
    %sub3A_118 = vector.broadcast %mul3A_113 : vector<1x128xf32> to vector<400x128xf32>
    %sub3A_119 = arith.subf %sub3A_118, %mul3A_117 : vector<400x128xf32>
    %mul3A_120 = arith.mulf %add3A_60, %add3A_60 : vector<400x128xf32>
    %sub3A_121 = vector.broadcast %add3A_83 : vector<1x128xf32> to vector<400x128xf32>
    %sub3A_122 = arith.subf %add3A_41, %sub3A_121 : vector<400x128xf32>
    %integer_pow3A = arith.mulf %sub3A_122, %sub3A_122 : vector<400x128xf32>
    %add3A_123 = arith.addf %mul3A_120, %integer_pow3A : vector<400x128xf32>
    %mul3A_124 = arith.mulf %add3A_111, %add3A_111 : vector<1x128xf32>
    %div3A_125 = vector.broadcast %mul3A_124 : vector<1x128xf32> to vector<400x128xf32>
    %div3A_126 = arith.divf %add3A_123, %div3A_125 : vector<400x128xf32>
    %add3A_127 = arith.addf %sub3A_119, %div3A_126 : vector<400x128xf32>
    %sub3A_128 = arith.constant 1.000000e+00 : f32
    %sub3A_129 = vector.broadcast %sub3A_128 : f32 to vector<400x128xf32>
    %sub3A_130 = arith.subf %add3A_127, %sub3A_129 : vector<400x128xf32>
    %get3A_131 = arith.constant 0 : index
    %get3A_132 = arith.constant 0 : index
    %get3A_133 = memref.load %arg18[%get3A_131, %get3A_132] : memref<1x1xf32, #tpu.memory_space<smem>>
    %reduce_sum3A = vector.shape_cast %sub3A_130 : vector<400x128xf32> to vector<1x400x128xf32>
    %reduce_sum3A_134 = arith.constant dense<0.000000e+00> : vector<1xf32>
    %reduce_sum3A_135 = vector.multi_reduction <add>, %reduce_sum3A, %reduce_sum3A_134 [1, 2] : vector<1x400x128xf32> to vector<1xf32>
    %reduce_sum3A_136 = vector.shape_cast %reduce_sum3A_135 : vector<1xf32> to vector<1x1x1xf32>
    %reduce_sum3A_137 = vector.extract %reduce_sum3A_136[0, 0, 0] : f32 from vector<1x1x1xf32>
    %add3A_138 = arith.addf %get3A_133, %reduce_sum3A_137 : f32
    %swap3A_139 = arith.constant 0 : index
    %swap3A_140 = arith.constant 0 : index
    %swap3A_141 = memref.load %arg18[%swap3A_139, %swap3A_140] : memref<1x1xf32, #tpu.memory_space<smem>>
    memref.store %add3A_138, %arg18[%swap3A_139, %swap3A_140] : memref<1x1xf32, #tpu.memory_space<smem>>
    %eq3A_142 = arith.constant 24 : i32
    %eq3A_143 = arith.cmpi eq, %arg0, %eq3A_142 : i32
    %convert_element_type3A_144 = arith.extui %eq3A_143 : i1 to i32
    %cond3A_145 = arith.constant 0 : i32
    %cond3A_146 = arith.cmpi ne, %convert_element_type3A_144, %cond3A_145 : i32
    scf.if %cond3A_146 {
      %get3A_147 = arith.constant 0 : index
      %get3A_148 = arith.constant 0 : index
      %get3A_149 = memref.load %arg18[%get3A_147, %get3A_148] : memref<1x1xf32, #tpu.memory_space<smem>>
      %mul3A_150 = arith.constant 5.000000e-01 : f32
      %mul3A_151 = arith.mulf %mul3A_150, %get3A_149 : f32
      %reshape3A = vector.broadcast %mul3A_151 : f32 to vector<1x1xf32>
      %swap3A_152 = arith.constant 0 : index
      %swap3A_153 = arith.constant 0 : index
      %swap3A_154 = vector.load %arg17[%swap3A_152, %swap3A_153] : memref<1x1xf32, #tpu.memory_space<vmem>>, vector<1x1xf32>
      tpu.vector_store %arg17[%swap3A_152, %swap3A_153], %reshape3A {strides = array<i32>} : memref<1x1xf32, #tpu.memory_space<vmem>>, vector<1x1xf32>,
    } else {
    }
    return
  }
  func.func @transform_0(%arg0: i32) -> (i32, i32) {
    %c0_i32 = arith.constant 0 : i32
    %c0_i32_0 = arith.constant 0 : i32
    return %arg0, %c0_i32 : i32, i32
  }
  func.func @transform_1(%arg0: i32) -> (i32, i32) {
    %c0_i32 = arith.constant 0 : i32
    %c0_i32_0 = arith.constant 0 : i32
    return %arg0, %c0_i32 : i32, i32
  }
  func.func @transform_2(%arg0: i32) -> (i32, i32) {
    %c0_i32 = arith.constant 0 : i32
    %c0_i32_0 = arith.constant 0 : i32
    return %arg0, %c0_i32 : i32, i32
  }
  func.func @transform_3(%arg0: i32) -> (i32, i32) {
    %c0_i32 = arith.constant 0 : i32
    %c0_i32_0 = arith.constant 0 : i32
    return %arg0, %c0_i32 : i32, i32
  }
  func.func @transform_4(%arg0: i32) -> (i32, i32) {
    %c0_i32 = arith.constant 0 : i32
    %c0_i32_0 = arith.constant 0 : i32
    %c0_i32_1 = arith.constant 0 : i32
    return %c0_i32, %c0_i32_0 : i32, i32
  }
  func.func @transform_5(%arg0: i32) -> (i32, i32) {
    %c0_i32 = arith.constant 0 : i32
    %c0_i32_0 = arith.constant 0 : i32
    %c0_i32_1 = arith.constant 0 : i32
    return %c0_i32, %c0_i32_0 : i32, i32
  }
  func.func @transform_6(%arg0: i32) -> (i32, i32) {
    %c0_i32 = arith.constant 0 : i32
    %c0_i32_0 = arith.constant 0 : i32
    %c0_i32_1 = arith.constant 0 : i32
    return %c0_i32, %c0_i32_0 : i32, i32
  }
  func.func @transform_7(%arg0: i32) -> (i32, i32) {
    %c0_i32 = arith.constant 0 : i32
    %c0_i32_0 = arith.constant 0 : i32
    %c0_i32_1 = arith.constant 0 : i32
    return %c0_i32, %c0_i32_0 : i32, i32
  }
  func.func @transform_8(%arg0: i32) -> (i32, i32) {
    %c0_i32 = arith.constant 0 : i32
    %c0_i32_0 = arith.constant 0 : i32
    %c0_i32_1 = arith.constant 0 : i32
    return %c0_i32, %c0_i32_0 : i32, i32
  }
  func.func @transform_9(%arg0: i32) -> (i32, i32) {
    %c0_i32 = arith.constant 0 : i32
    %c0_i32_0 = arith.constant 0 : i32
    %c0_i32_1 = arith.constant 0 : i32
    return %c0_i32, %c0_i32_0 : i32, i32
  }
  func.func @transform_10(%arg0: i32) -> (i32, i32) {
    %c0_i32 = arith.constant 0 : i32
    %c0_i32_0 = arith.constant 0 : i32
    %c0_i32_1 = arith.constant 0 : i32
    return %c0_i32, %c0_i32_0 : i32, i32
  }
  func.func @transform_11(%arg0: i32) -> (i32, i32) {
    %c0_i32 = arith.constant 0 : i32
    %c0_i32_0 = arith.constant 0 : i32
    %c0_i32_1 = arith.constant 0 : i32
    return %c0_i32, %c0_i32_0 : i32, i32
  }
  func.func @transform_12(%arg0: i32) -> (i32, i32) {
    %c0_i32 = arith.constant 0 : i32
    %c0_i32_0 = arith.constant 0 : i32
    %c0_i32_1 = arith.constant 0 : i32
    return %c0_i32, %c0_i32_0 : i32, i32
  }
  func.func @transform_13(%arg0: i32) -> (i32, i32) {
    %c0_i32 = arith.constant 0 : i32
    %c0_i32_0 = arith.constant 0 : i32
    %c0_i32_1 = arith.constant 0 : i32
    return %c0_i32, %c0_i32_0 : i32, i32
  }
  func.func @transform_14(%arg0: i32) -> (i32, i32) {
    %c0_i32 = arith.constant 0 : i32
    %c0_i32_0 = arith.constant 0 : i32
    %c0_i32_1 = arith.constant 0 : i32
    return %c0_i32, %c0_i32_0 : i32, i32
  }
  func.func @transform_15(%arg0: i32) -> (i32, i32) {
    %c0_i32 = arith.constant 0 : i32
    %c0_i32_0 = arith.constant 0 : i32
    return %arg0, %c0_i32 : i32, i32
  }
  func.func @transform_16(%arg0: i32) -> (i32, i32) {
    %c0_i32 = arith.constant 0 : i32
    %c0_i32_0 = arith.constant 0 : i32
    %c0_i32_1 = arith.constant 0 : i32
    return %c0_i32, %c0_i32_0 : i32, i32
  }
}

module attributes {stable_mosaic.version = 14 : i64} {
  func.func @_tc_f_body(%arg0: i32, %arg1: memref<800x256xf32, #tpu.memory_space<vmem>>, %arg2: memref<800x256xf32, #tpu.memory_space<vmem>>, %arg3: memref<800x128xf32, #tpu.memory_space<vmem>>, %arg4: memref<800x128xf32, #tpu.memory_space<vmem>>, %arg5: memref<800x128xf32, #tpu.memory_space<vmem>>, %arg6: memref<1x1x800xi32, #tpu.memory_space<vmem>>, %arg7: memref<1x256xf32, #tpu.memory_space<vmem>>, %arg8: memref<256x128xf32, #tpu.memory_space<vmem>>, %arg9: memref<1x128xf32, #tpu.memory_space<vmem>>, %arg10: memref<256x128xf32, #tpu.memory_space<vmem>>, %arg11: memref<1x128xf32, #tpu.memory_space<vmem>>, %arg12: memref<256x256xf32, #tpu.memory_space<vmem>>, %arg13: memref<1x256xf32, #tpu.memory_space<vmem>>, %arg14: memref<256x128xf32, #tpu.memory_space<vmem>>, %arg15: memref<1x128xf32, #tpu.memory_space<vmem>>, %arg16: memref<256x128xf32, #tpu.memory_space<vmem>>, %arg17: memref<1x128xf32, #tpu.memory_space<vmem>>, %arg18: memref<1x1xf32, #tpu.memory_space<vmem>>, %arg19: memref<1x1xf32, #tpu.memory_space<vmem>>, %arg20: memref<1x1xf32, #tpu.memory_space<smem>>) attributes {dimension_semantics = [#tpu.dimension_semantics<arbitrary>], iteration_bounds = array<i64: 25>, scalar_prefetch = 0 : i64, scratch_operands = 1 : i64, tpu.core_type = #tpu.core_type<tc>, window_params = [{transform_indices = @transform_0, window_bounds = array<i64: 800, 256>}, {transform_indices = @transform_1, window_bounds = array<i64: 800, 256>}, {transform_indices = @transform_2, window_bounds = array<i64: 800, 128>}, {transform_indices = @transform_3, window_bounds = array<i64: 800, 128>}, {transform_indices = @transform_4, window_bounds = array<i64: 800, 128>}, {transform_indices = @transform_5, window_bounds = array<i64: 1, 1, 800>}, {pipeline_mode = #tpu.pipeline_mode<synchronous>, transform_indices = @transform_6, window_bounds = array<i64: 1, 256>}, {pipeline_mode = #tpu.pipeline_mode<synchronous>, transform_indices = @transform_7, window_bounds = array<i64: 256, 128>}, {pipeline_mode = #tpu.pipeline_mode<synchronous>, transform_indices = @transform_8, window_bounds = array<i64: 1, 128>}, {pipeline_mode = #tpu.pipeline_mode<synchronous>, transform_indices = @transform_9, window_bounds = array<i64: 256, 128>}, {pipeline_mode = #tpu.pipeline_mode<synchronous>, transform_indices = @transform_10, window_bounds = array<i64: 1, 128>}, {pipeline_mode = #tpu.pipeline_mode<synchronous>, transform_indices = @transform_11, window_bounds = array<i64: 256, 256>}, {pipeline_mode = #tpu.pipeline_mode<synchronous>, transform_indices = @transform_12, window_bounds = array<i64: 1, 256>}, {pipeline_mode = #tpu.pipeline_mode<synchronous>, transform_indices = @transform_13, window_bounds = array<i64: 256, 128>}, {pipeline_mode = #tpu.pipeline_mode<synchronous>, transform_indices = @transform_14, window_bounds = array<i64: 1, 128>}, {pipeline_mode = #tpu.pipeline_mode<synchronous>, transform_indices = @transform_15, window_bounds = array<i64: 256, 128>}, {pipeline_mode = #tpu.pipeline_mode<synchronous>, transform_indices = @transform_16, window_bounds = array<i64: 1, 128>}, {pipeline_mode = #tpu.pipeline_mode<synchronous>, transform_indices = @transform_17, window_bounds = array<i64: 1, 1>}, {pipeline_mode = #tpu.pipeline_mode<synchronous>, transform_indices = @transform_18, window_bounds = array<i64: 1, 1>}]} {
    %eq3A = arith.constant 0 : i32
    %eq3A_0 = arith.cmpi eq, %arg0, %eq3A : i32
    %convert_element_type3A = arith.extui %eq3A_0 : i1 to i32
    %cond3A = arith.constant 0 : i32
    %cond3A_1 = arith.cmpi ne, %convert_element_type3A, %cond3A : i32
    scf.if %cond3A_1 {
      %swap3A_94 = arith.constant 0.000000e+00 : f32
      %swap3A_95 = arith.constant 0 : index
      %swap3A_96 = arith.constant 0 : index
      %swap3A_97 = memref.load %arg20[%swap3A_95, %swap3A_96] : memref<1x1xf32, #tpu.memory_space<smem>>
      memref.store %swap3A_94, %arg20[%swap3A_95, %swap3A_96] : memref<1x1xf32, #tpu.memory_space<smem>>
    } else {
    }
    %get3A = arith.constant 0 : index
    %get3A_2 = arith.constant 0 : index
    %get3A_3 = vector.load %arg7[%get3A, %get3A_2] : memref<1x256xf32, #tpu.memory_space<vmem>>, vector<1x256xf32>
    %get3A_4 = arith.constant 0 : index
    %get3A_5 = arith.constant 0 : index
    %get3A_6 = vector.load %arg8[%get3A_4, %get3A_5] : memref<256x128xf32, #tpu.memory_space<vmem>>, vector<256x128xf32>
    %dot_general3A = arith.constant dense<0.000000e+00> : vector<1x128xf32>
    %dot_general3A_7 = tpu.matmul %get3A_3, %get3A_6, %dot_general3A {dimension_numbers = #tpu.dot_dimension_numbers<[1], [0], [0], [1], [0, 0, 1, 1], [], []>, transpose_lhs_hint = false} : vector<1x256xf32>, vector<256x128xf32>, vector<1x128xf32> -> vector<1x128xf32>
    %get3A_8 = arith.constant 0 : index
    %get3A_9 = arith.constant 0 : index
    %get3A_10 = vector.load %arg9[%get3A_8, %get3A_9] : memref<1x128xf32, #tpu.memory_space<vmem>>, vector<1x128xf32>
    %add3A = arith.addf %dot_general3A_7, %get3A_10 : vector<1x128xf32>
    %get3A_11 = arith.constant 0 : index
    %get3A_12 = arith.constant 0 : index
    %get3A_13 = vector.load %arg10[%get3A_11, %get3A_12] : memref<256x128xf32, #tpu.memory_space<vmem>>, vector<256x128xf32>
    %dot_general3A_14 = arith.constant dense<0.000000e+00> : vector<1x128xf32>
    %dot_general3A_15 = tpu.matmul %get3A_3, %get3A_13, %dot_general3A_14 {dimension_numbers = #tpu.dot_dimension_numbers<[1], [0], [0], [1], [0, 0, 1, 1], [], []>, transpose_lhs_hint = false} : vector<1x256xf32>, vector<256x128xf32>, vector<1x128xf32> -> vector<1x128xf32>
    %get3A_16 = arith.constant 0 : index
    %get3A_17 = arith.constant 0 : index
    %get3A_18 = vector.load %arg11[%get3A_16, %get3A_17] : memref<1x128xf32, #tpu.memory_space<vmem>>, vector<1x128xf32>
    %add3A_19 = arith.addf %dot_general3A_15, %get3A_18 : vector<1x128xf32>
    %custom_jvp_call3A = arith.constant 0.000000e+00 : f32
    %max3A = vector.broadcast %custom_jvp_call3A : f32 to vector<1x128xf32>
    %max3A_20 = arith.maximumf %add3A_19, %max3A : vector<1x128xf32>
    %sub3A = vector.broadcast %custom_jvp_call3A : f32 to vector<1x128xf32>
    %sub3A_21 = arith.subf %add3A_19, %sub3A : vector<1x128xf32>
    %ne3A = arith.cmpf one, %sub3A_21, %sub3A_21 : vector<1x128xf32>
    %add3A_22 = vector.broadcast %custom_jvp_call3A : f32 to vector<1x128xf32>
    %add3A_23 = arith.addf %add3A_19, %add3A_22 : vector<1x128xf32>
    %abs3A = math.absf %sub3A_21 : vector<1x128xf32>
    %neg3A = arith.constant 0.000000e+00 : f32
    %neg3A_24 = vector.broadcast %neg3A : f32 to vector<1x128xf32>
    %neg3A_25 = arith.subf %neg3A_24, %abs3A : vector<1x128xf32>
    %exp3A = math.exp %neg3A_25 : vector<1x128xf32>
    %log1p3A = math.log1p %exp3A : vector<1x128xf32>
    %add3A_26 = arith.addf %max3A_20, %log1p3A : vector<1x128xf32>
    %select_n3A = arith.select %ne3A, %add3A_23, %add3A_26 : vector<1x128xi1>, vector<1x128xf32>
    %add3A_27 = arith.constant 9.99999997E-7 : f32
    %add3A_28 = vector.broadcast %add3A_27 : f32 to vector<1x128xf32>
    %add3A_29 = arith.addf %select_n3A, %add3A_28 : vector<1x128xf32>
    %get3A_30 = arith.constant 0 : index
    %get3A_31 = arith.constant 0 : index
    %get3A_32 = vector.load %arg1[%get3A_30, %get3A_31] : memref<800x256xf32, #tpu.memory_space<vmem>>, vector<800x256xf32>
    %get3A_33 = arith.constant 0 : index
    %get3A_34 = arith.constant 0 : index
    %get3A_35 = vector.load %arg2[%get3A_33, %get3A_34] : memref<800x256xf32, #tpu.memory_space<vmem>>, vector<800x256xf32>
    %slice3A = vector.extract_strided_slice %get3A_32 {offsets = [0, 0], sizes = [800, 128], strides = [1, 1]} : vector<800x256xf32> to vector<800x128xf32>
    %get3A_36 = arith.constant 0 : index
    %get3A_37 = arith.constant 0 : index
    %get3A_38 = vector.load %arg3[%get3A_36, %get3A_37] : memref<800x128xf32, #tpu.memory_space<vmem>>, vector<800x128xf32>
    %slice3A_39 = vector.extract_strided_slice %get3A_32 {offsets = [0, 128], sizes = [800, 128], strides = [1, 1]} : vector<800x256xf32> to vector<800x128xf32>
    %mul3A = arith.mulf %get3A_38, %slice3A_39 : vector<800x128xf32>
    %add3A_40 = arith.addf %slice3A, %mul3A : vector<800x128xf32>
    %slice3A_41 = vector.extract_strided_slice %get3A_35 {offsets = [0, 0], sizes = [800, 128], strides = [1, 1]} : vector<800x256xf32> to vector<800x128xf32>
    %get3A_42 = arith.constant 0 : index
    %get3A_43 = arith.constant 0 : index
    %get3A_44 = vector.load %arg5[%get3A_42, %get3A_43] : memref<800x128xf32, #tpu.memory_space<vmem>>, vector<800x128xf32>
    %slice3A_45 = vector.extract_strided_slice %get3A_35 {offsets = [0, 128], sizes = [800, 128], strides = [1, 1]} : vector<800x256xf32> to vector<800x128xf32>
    %mul3A_46 = arith.mulf %get3A_44, %slice3A_45 : vector<800x128xf32>
    %add3A_47 = arith.addf %slice3A_41, %mul3A_46 : vector<800x128xf32>
    %get3A_48 = arith.constant 0 : index
    %get3A_49 = arith.constant 0 : index
    %get3A_50 = vector.load %arg4[%get3A_48, %get3A_49] : memref<800x128xf32, #tpu.memory_space<vmem>>, vector<800x128xf32>
    %mul3A_51 = vector.broadcast %add3A_29 : vector<1x128xf32> to vector<800x128xf32>
    %mul3A_52 = arith.mulf %get3A_50, %mul3A_51 : vector<800x128xf32>
    %add3A_53 = vector.broadcast %add3A : vector<1x128xf32> to vector<800x128xf32>
    %add3A_54 = arith.addf %add3A_53, %mul3A_52 : vector<800x128xf32>
    %mul3A_55 = arith.mulf %add3A_40, %add3A_54 : vector<800x128xf32>
    %mul3A_56 = arith.mulf %mul3A_55, %add3A_47 : vector<800x128xf32>
    %reduce_sum3A = arith.constant dense<0.000000e+00> : vector<800xf32>
    %reduce_sum3A_57 = vector.multi_reduction <add>, %mul3A_56, %reduce_sum3A [1] : vector<800x128xf32> to vector<800xf32>
    %get3A_58 = arith.constant 0 : index
    %get3A_59 = arith.constant 0 : index
    %get3A_60 = arith.constant 0 : index
    %get3A_61 = vector.load %arg6[%get3A_58, %get3A_59, %get3A_60] : memref<1x1x800xi32, #tpu.memory_space<vmem>>, vector<1x1x800xi32>
    %get3A_62 = vector.shape_cast %get3A_61 : vector<1x1x800xi32> to vector<800xi32>
    %convert_element_type3A_63 = arith.sitofp %get3A_62 : vector<800xi32> to vector<800xf32>
    %max3A_64 = arith.constant 0.000000e+00 : f32
    %max3A_65 = vector.broadcast %max3A_64 : f32 to vector<800xf32>
    %max3A_66 = arith.maximumf %reduce_sum3A_57, %max3A_65 : vector<800xf32>
    %mul3A_67 = arith.mulf %reduce_sum3A_57, %convert_element_type3A_63 : vector<800xf32>
    %sub3A_68 = arith.subf %max3A_66, %mul3A_67 : vector<800xf32>
    %abs3A_69 = math.absf %reduce_sum3A_57 : vector<800xf32>
    %neg3A_70 = arith.constant 0.000000e+00 : f32
    %neg3A_71 = vector.broadcast %neg3A_70 : f32 to vector<800xf32>
    %neg3A_72 = arith.subf %neg3A_71, %abs3A_69 : vector<800xf32>
    %exp3A_73 = math.exp %neg3A_72 : vector<800xf32>
    %add3A_74 = arith.constant 1.000000e+00 : f32
    %add3A_75 = vector.broadcast %add3A_74 : f32 to vector<800xf32>
    %add3A_76 = arith.addf %add3A_75, %exp3A_73 : vector<800xf32>
    %log3A = math.log %add3A_76 : vector<800xf32>
    %add3A_77 = arith.addf %sub3A_68, %log3A : vector<800xf32>
    %get3A_78 = arith.constant 0 : index
    %get3A_79 = arith.constant 0 : index
    %get3A_80 = memref.load %arg20[%get3A_78, %get3A_79] : memref<1x1xf32, #tpu.memory_space<smem>>
    %reduce_sum3A_81 = vector.shape_cast %add3A_77 : vector<800xf32> to vector<1x800xf32>
    %reduce_sum3A_82 = arith.constant dense<0.000000e+00> : vector<1xf32>
    %reduce_sum3A_83 = vector.multi_reduction <add>, %reduce_sum3A_81, %reduce_sum3A_82 [1] : vector<1x800xf32> to vector<1xf32>
    %reduce_sum3A_84 = vector.shape_cast %reduce_sum3A_83 : vector<1xf32> to vector<1x1xf32>
    %reduce_sum3A_85 = vector.extract %reduce_sum3A_84[0, 0] : f32 from vector<1x1xf32>
    %add3A_86 = arith.addf %get3A_80, %reduce_sum3A_85 : f32
    %swap3A = arith.constant 0 : index
    %swap3A_87 = arith.constant 0 : index
    %swap3A_88 = memref.load %arg20[%swap3A, %swap3A_87] : memref<1x1xf32, #tpu.memory_space<smem>>
    memref.store %add3A_86, %arg20[%swap3A, %swap3A_87] : memref<1x1xf32, #tpu.memory_space<smem>>
    %eq3A_89 = arith.constant 24 : i32
    %eq3A_90 = arith.cmpi eq, %arg0, %eq3A_89 : i32
    %convert_element_type3A_91 = arith.extui %eq3A_90 : i1 to i32
    %cond3A_92 = arith.constant 0 : i32
    %cond3A_93 = arith.cmpi ne, %convert_element_type3A_91, %cond3A_92 : i32
    scf.if %cond3A_93 {
      %get3A_94 = arith.constant 0 : index
      %get3A_95 = arith.constant 0 : index
      %get3A_96 = vector.load %arg12[%get3A_94, %get3A_95] : memref<256x256xf32, #tpu.memory_space<vmem>>, vector<256x256xf32>
      %dot_general3A_97 = arith.constant dense<0.000000e+00> : vector<1x256xf32>
      %dot_general3A_98 = tpu.matmul %get3A_3, %get3A_96, %dot_general3A_97 {dimension_numbers = #tpu.dot_dimension_numbers<[1], [0], [0], [1], [0, 0, 1, 1], [], []>, transpose_lhs_hint = false} : vector<1x256xf32>, vector<256x256xf32>, vector<1x256xf32> -> vector<1x256xf32>
      %get3A_99 = arith.constant 0 : index
      %get3A_100 = arith.constant 0 : index
      %get3A_101 = vector.load %arg13[%get3A_99, %get3A_100] : memref<1x256xf32, #tpu.memory_space<vmem>>, vector<1x256xf32>
      %add3A_102 = arith.addf %dot_general3A_98, %get3A_101 : vector<1x256xf32>
      %max3A_103 = arith.constant 0.000000e+00 : f32
      %max3A_104 = vector.broadcast %max3A_103 : f32 to vector<1x256xf32>
      %max3A_105 = arith.maximumf %add3A_102, %max3A_104 : vector<1x256xf32>
      %get3A_106 = arith.constant 0 : index
      %get3A_107 = arith.constant 0 : index
      %get3A_108 = vector.load %arg14[%get3A_106, %get3A_107] : memref<256x128xf32, #tpu.memory_space<vmem>>, vector<256x128xf32>
      %dot_general3A_109 = arith.constant dense<0.000000e+00> : vector<1x128xf32>
      %dot_general3A_110 = tpu.matmul %max3A_105, %get3A_108, %dot_general3A_109 {dimension_numbers = #tpu.dot_dimension_numbers<[1], [0], [0], [1], [0, 0, 1, 1], [], []>, transpose_lhs_hint = false} : vector<1x256xf32>, vector<256x128xf32>, vector<1x128xf32> -> vector<1x128xf32>
      %get3A_111 = arith.constant 0 : index
      %get3A_112 = arith.constant 0 : index
      %get3A_113 = vector.load %arg15[%get3A_111, %get3A_112] : memref<1x128xf32, #tpu.memory_space<vmem>>, vector<1x128xf32>
      %add3A_114 = arith.addf %dot_general3A_110, %get3A_113 : vector<1x128xf32>
      %get3A_115 = arith.constant 0 : index
      %get3A_116 = arith.constant 0 : index
      %get3A_117 = vector.load %arg16[%get3A_115, %get3A_116] : memref<256x128xf32, #tpu.memory_space<vmem>>, vector<256x128xf32>
      %dot_general3A_118 = arith.constant dense<0.000000e+00> : vector<1x128xf32>
      %dot_general3A_119 = tpu.matmul %max3A_105, %get3A_117, %dot_general3A_118 {dimension_numbers = #tpu.dot_dimension_numbers<[1], [0], [0], [1], [0, 0, 1, 1], [], []>, transpose_lhs_hint = false} : vector<1x256xf32>, vector<256x128xf32>, vector<1x128xf32> -> vector<1x128xf32>
      %get3A_120 = arith.constant 0 : index
      %get3A_121 = arith.constant 0 : index
      %get3A_122 = vector.load %arg17[%get3A_120, %get3A_121] : memref<1x128xf32, #tpu.memory_space<vmem>>, vector<1x128xf32>
      %add3A_123 = arith.addf %dot_general3A_119, %get3A_122 : vector<1x128xf32>
      %custom_jvp_call3A_124 = arith.constant 0.000000e+00 : f32
      %max3A_125 = vector.broadcast %custom_jvp_call3A_124 : f32 to vector<1x128xf32>
      %max3A_126 = arith.maximumf %add3A_123, %max3A_125 : vector<1x128xf32>
      %sub3A_127 = vector.broadcast %custom_jvp_call3A_124 : f32 to vector<1x128xf32>
      %sub3A_128 = arith.subf %add3A_123, %sub3A_127 : vector<1x128xf32>
      %ne3A_129 = arith.cmpf one, %sub3A_128, %sub3A_128 : vector<1x128xf32>
      %add3A_130 = vector.broadcast %custom_jvp_call3A_124 : f32 to vector<1x128xf32>
      %add3A_131 = arith.addf %add3A_123, %add3A_130 : vector<1x128xf32>
      %abs3A_132 = math.absf %sub3A_128 : vector<1x128xf32>
      %neg3A_133 = arith.constant 0.000000e+00 : f32
      %neg3A_134 = vector.broadcast %neg3A_133 : f32 to vector<1x128xf32>
      %neg3A_135 = arith.subf %neg3A_134, %abs3A_132 : vector<1x128xf32>
      %exp3A_136 = math.exp %neg3A_135 : vector<1x128xf32>
      %log1p3A_137 = math.log1p %exp3A_136 : vector<1x128xf32>
      %add3A_138 = arith.addf %max3A_126, %log1p3A_137 : vector<1x128xf32>
      %select_n3A_139 = arith.select %ne3A_129, %add3A_131, %add3A_138 : vector<1x128xi1>, vector<1x128xf32>
      %add3A_140 = arith.constant 9.99999997E-7 : f32
      %add3A_141 = vector.broadcast %add3A_140 : f32 to vector<1x128xf32>
      %add3A_142 = arith.addf %select_n3A_139, %add3A_141 : vector<1x128xf32>
      %log3A_143 = math.log %add3A_142 : vector<1x128xf32>
      %mul3A_144 = arith.constant 2.000000e+00 : f32
      %mul3A_145 = vector.broadcast %mul3A_144 : f32 to vector<1x128xf32>
      %mul3A_146 = arith.mulf %mul3A_145, %log3A_143 : vector<1x128xf32>
      %log3A_147 = math.log %add3A_29 : vector<1x128xf32>
      %mul3A_148 = arith.constant 2.000000e+00 : f32
      %mul3A_149 = vector.broadcast %mul3A_148 : f32 to vector<1x128xf32>
      %mul3A_150 = arith.mulf %mul3A_149, %log3A_147 : vector<1x128xf32>
      %sub3A_151 = arith.subf %mul3A_146, %mul3A_150 : vector<1x128xf32>
      %mul3A_152 = arith.mulf %add3A_29, %add3A_29 : vector<1x128xf32>
      %sub3A_153 = arith.subf %add3A, %add3A_114 : vector<1x128xf32>
      %integer_pow3A = arith.mulf %sub3A_153, %sub3A_153 : vector<1x128xf32>
      %add3A_154 = arith.addf %mul3A_152, %integer_pow3A : vector<1x128xf32>
      %mul3A_155 = arith.mulf %add3A_142, %add3A_142 : vector<1x128xf32>
      %div3A = arith.divf %add3A_154, %mul3A_155 : vector<1x128xf32>
      %add3A_156 = arith.addf %sub3A_151, %div3A : vector<1x128xf32>
      %sub3A_157 = arith.constant 1.000000e+00 : f32
      %sub3A_158 = vector.broadcast %sub3A_157 : f32 to vector<1x128xf32>
      %sub3A_159 = arith.subf %add3A_156, %sub3A_158 : vector<1x128xf32>
      %reduce_sum3A_160 = vector.shape_cast %sub3A_159 : vector<1x128xf32> to vector<1x1x128xf32>
      %reduce_sum3A_161 = arith.constant dense<0.000000e+00> : vector<1xf32>
      %reduce_sum3A_162 = vector.multi_reduction <add>, %reduce_sum3A_160, %reduce_sum3A_161 [1, 2] : vector<1x1x128xf32> to vector<1xf32>
      %reduce_sum3A_163 = vector.shape_cast %reduce_sum3A_162 : vector<1xf32> to vector<1x1x1xf32>
      %reduce_sum3A_164 = vector.extract %reduce_sum3A_163[0, 0, 0] : f32 from vector<1x1x1xf32>
      %mul3A_165 = arith.constant 4.000000e+00 : f32
      %mul3A_166 = arith.mulf %mul3A_165, %reduce_sum3A_164 : f32
      %get3A_167 = arith.constant 0 : index
      %get3A_168 = arith.constant 0 : index
      %get3A_169 = memref.load %arg20[%get3A_167, %get3A_168] : memref<1x1xf32, #tpu.memory_space<smem>>
      %div3A_170 = arith.constant 2.000000e+04 : f32
      %div3A_171 = arith.divf %get3A_169, %div3A_170 : f32
      %get3A_172 = arith.constant 0 : index
      %get3A_173 = arith.constant 0 : index
      %get3A_174 = vector.load %arg18[%get3A_172, %get3A_173] : memref<1x1xf32, #tpu.memory_space<vmem>>, vector<1x1xf32>
      %reduce_sum3A_175 = vector.shape_cast %get3A_174 : vector<1x1xf32> to vector<1x1x1xf32>
      %reduce_sum3A_176 = arith.constant dense<0.000000e+00> : vector<1xf32>
      %reduce_sum3A_177 = vector.multi_reduction <add>, %reduce_sum3A_175, %reduce_sum3A_176 [1, 2] : vector<1x1x1xf32> to vector<1xf32>
      %reduce_sum3A_178 = vector.shape_cast %reduce_sum3A_177 : vector<1xf32> to vector<1x1x1xf32>
      %reduce_sum3A_179 = vector.extract %reduce_sum3A_178[0, 0, 0] : f32 from vector<1x1x1xf32>
      %add3A_180 = arith.addf %div3A_171, %reduce_sum3A_179 : f32
      %add3A_181 = arith.addf %add3A_180, %mul3A_166 : f32
      %reshape3A = vector.broadcast %add3A_181 : f32 to vector<1x1xf32>
      %swap3A_182 = arith.constant 0 : index
      %swap3A_183 = arith.constant 0 : index
      %swap3A_184 = vector.load %arg19[%swap3A_182, %swap3A_183] : memref<1x1xf32, #tpu.memory_space<vmem>>, vector<1x1xf32>
      tpu.vector_store %arg19[%swap3A_182, %swap3A_183], %reshape3A {strides = array<i32>} : memref<1x1xf32, #tpu.memory_space<vmem>>, vector<1x1xf32>,
    } else {
    }
    return
  }
  func.func @transform_0(%arg0: i32) -> (i32, i32) {
    %c0_i32 = arith.constant 0 : i32
    %c0_i32_0 = arith.constant 0 : i32
    return %arg0, %c0_i32 : i32, i32
  }
  func.func @transform_1(%arg0: i32) -> (i32, i32) {
    %c0_i32 = arith.constant 0 : i32
    %c0_i32_0 = arith.constant 0 : i32
    return %arg0, %c0_i32 : i32, i32
  }
  func.func @transform_2(%arg0: i32) -> (i32, i32) {
    %c0_i32 = arith.constant 0 : i32
    %c0_i32_0 = arith.constant 0 : i32
    return %arg0, %c0_i32 : i32, i32
  }
  func.func @transform_3(%arg0: i32) -> (i32, i32) {
    %c0_i32 = arith.constant 0 : i32
    %c0_i32_0 = arith.constant 0 : i32
    return %arg0, %c0_i32 : i32, i32
  }
  func.func @transform_4(%arg0: i32) -> (i32, i32) {
    %c0_i32 = arith.constant 0 : i32
    %c0_i32_0 = arith.constant 0 : i32
    return %arg0, %c0_i32 : i32, i32
  }
  func.func @transform_5(%arg0: i32) -> (i32, i32, i32) {
    %c0_i32 = arith.constant 0 : i32
    %c0_i32_0 = arith.constant 0 : i32
    %c0_i32_1 = arith.constant 0 : i32
    return %arg0, %c0_i32, %c0_i32_0 : i32, i32, i32
  }
  func.func @transform_6(%arg0: i32) -> (i32, i32) {
    %c0_i32 = arith.constant 0 : i32
    %c0_i32_0 = arith.constant 0 : i32
    %c0_i32_1 = arith.constant 0 : i32
    return %c0_i32, %c0_i32_0 : i32, i32
  }
  func.func @transform_7(%arg0: i32) -> (i32, i32) {
    %c0_i32 = arith.constant 0 : i32
    %c0_i32_0 = arith.constant 0 : i32
    %c0_i32_1 = arith.constant 0 : i32
    return %c0_i32, %c0_i32_0 : i32, i32
  }
  func.func @transform_8(%arg0: i32) -> (i32, i32) {
    %c0_i32 = arith.constant 0 : i32
    %c0_i32_0 = arith.constant 0 : i32
    %c0_i32_1 = arith.constant 0 : i32
    return %c0_i32, %c0_i32_0 : i32, i32
  }
  func.func @transform_9(%arg0: i32) -> (i32, i32) {
    %c0_i32 = arith.constant 0 : i32
    %c0_i32_0 = arith.constant 0 : i32
    %c0_i32_1 = arith.constant 0 : i32
    return %c0_i32, %c0_i32_0 : i32, i32
  }
  func.func @transform_10(%arg0: i32) -> (i32, i32) {
    %c0_i32 = arith.constant 0 : i32
    %c0_i32_0 = arith.constant 0 : i32
    %c0_i32_1 = arith.constant 0 : i32
    return %c0_i32, %c0_i32_0 : i32, i32
  }
  func.func @transform_11(%arg0: i32) -> (i32, i32) {
    %c0_i32 = arith.constant 0 : i32
    %c0_i32_0 = arith.constant 0 : i32
    %c0_i32_1 = arith.constant 0 : i32
    return %c0_i32, %c0_i32_0 : i32, i32
  }
  func.func @transform_12(%arg0: i32) -> (i32, i32) {
    %c0_i32 = arith.constant 0 : i32
    %c0_i32_0 = arith.constant 0 : i32
    %c0_i32_1 = arith.constant 0 : i32
    return %c0_i32, %c0_i32_0 : i32, i32
  }
  func.func @transform_13(%arg0: i32) -> (i32, i32) {
    %c0_i32 = arith.constant 0 : i32
    %c0_i32_0 = arith.constant 0 : i32
    %c0_i32_1 = arith.constant 0 : i32
    return %c0_i32, %c0_i32_0 : i32, i32
  }
  func.func @transform_14(%arg0: i32) -> (i32, i32) {
    %c0_i32 = arith.constant 0 : i32
    %c0_i32_0 = arith.constant 0 : i32
    %c0_i32_1 = arith.constant 0 : i32
    return %c0_i32, %c0_i32_0 : i32, i32
  }
  func.func @transform_15(%arg0: i32) -> (i32, i32) {
    %c0_i32 = arith.constant 0 : i32
    %c0_i32_0 = arith.constant 0 : i32
    %c0_i32_1 = arith.constant 0 : i32
    return %c0_i32, %c0_i32_0 : i32, i32
  }
  func.func @transform_16(%arg0: i32) -> (i32, i32) {
    %c0_i32 = arith.constant 0 : i32
    %c0_i32_0 = arith.constant 0 : i32
    %c0_i32_1 = arith.constant 0 : i32
    return %c0_i32, %c0_i32_0 : i32, i32
  }
  func.func @transform_17(%arg0: i32) -> (i32, i32) {
    %c0_i32 = arith.constant 0 : i32
    %c0_i32_0 = arith.constant 0 : i32
    %c0_i32_1 = arith.constant 0 : i32
    return %c0_i32, %c0_i32_0 : i32, i32
  }
  func.func @transform_18(%arg0: i32) -> (i32, i32) {
    %c0_i32 = arith.constant 0 : i32
    %c0_i32_0 = arith.constant 0 : i32
    %c0_i32_1 = arith.constant 0 : i32
    return %c0_i32, %c0_i32_0 : i32, i32
  }
}

</mosaic_0001>

<sc_bundles>
// kernel: kernel.11.cloned.1.call-start
scs
__scs_entry_jumppad:
0x0: {  	(pc) =	sbr.rel $0x88, $3  }
0x1: {  	(tag) =	ssettag $0x0;
	lr =	simm.s32 $0x1  }
0x2: {  	[smem:$0x3F85] =	sst lr;
	_ =	strace $0xD0000000  }
0x3: {  	_ = 	snop  }
0x4: {  	_ = 	snop  }
0x5: {  	_ = 	snop  }
0x6: {  	_ = 	snop  }
0x7: {  	_ = 	snop  }
__scs_overlays_trampoline_lowered:
0x8: {  	[smem:$0x3F94] =	sst s0  }
0x9: {  	[smem:$0x3F95] =	sst s1  }
0xa: {  	[smem:$0x3F96] =	sst s2  }
0xb: {  	[smem:$0x3F97] =	sst s3  }
0xc: {  	[smem:$0x3F98] =	sst s4  }
0xd: {  	[smem:$0x3F99] =	sst s5  }
0xe: {  	[smem:$0x3F9A] =	sst s6  }
0xf: {  	[smem:$0x3F9B] =	sst s7  }
0x10: {  	[smem:$0x3F9C] =	sst s8  }
0x11: {  	[smem:$0x3F9D] =	sst s9;
	s0 =	simm.s32 @!p0 $0x0  }
0x12: {  	s1 =	sld [smem:$0x3F83];
	s0 =	simm.s32 @p0 $0x1  }
0x13: {  	[smem:$0x3F9E] =	sst s0;
	s0 =	simm.s32 @!p1 $0x0  }
0x14: {  	s2 =	sld [smem:$0x3F82];
	s0 =	simm.s32 @p1 $0x1  }
0x15: {  	[smem:$0x3F9F] =	sst s0;
	s0 =	simm.s32 @!p2 $0x0  }
0x16: {  	s3 =	sld [smem:$0x3FDB];
	s0 =	simm.s32 @p2 $0x1  }
0x17: {  	s4 =	simm.s32 $0x1BF5;
	[smem:$0x3FA1] =	sst s0  }
0x18: {  	s0 =	sld [smem:$0x3F84];
	_ =	swait.ge [sflag:s4], $0x0  }
0x19: {  	s7 =	sld [smem:$0x3F85]  }
0x1a: {  	s8 =	sadd.s32 $0xFFFFE003, lr  }
0x1b: {  	s9 =	sadd.s32 $0xFFFFFEF7, lr;
	s5 =	simm.s32 $0xFFFFFFFF;
	p2 =	slt.u32 s8, $0xFFFFF086  }
0x1c: {  	p1 =	slt.u32 s9, $0xF7A;
	s5 =	simm.s32 @!p2 $0x0  }
0x1d: {  	s5 =	simm.s32 @p1 $0x1;
	p0 =	seq.s32 s7, s2  }
0x1e: {  	s7 =	smul.u32 @!p0 $0xF7A, s2;
	p2 =	seq.s32 @!p0 s5, $0x0  }
0x1f: {  	s9 =	smul.u32 $0xF7A, s1;
	s8 =	simm.s32 @!p0 $0x1BF5;
	p2 =	por !p2, p0  }
0x20: {  	[sflag:s8] =	ssyncset.s32 @!p0 $0xFFFFF086;
	s6 =	sadd.s32 @!p0 s3, s7;
	s7 =	simm.s32 @!p0 $0x108  }
0x21: {  	s3 =	sadd.s32 s3, s9;
	s6 =	sadd.s32 @!p0 $0x88, s6;
	s7 =	simm.s32 @p2 $0x1082  }
0x22: {  	[simem:s7], [sflag:s8] =	dma.local @!p0 [hbm:s6], $0xF7A  }
0x23: {  	s9 =	sor.u32 $0xD0000000, s2;
	s6 =	simm.s32 $0x108;
	_ =	swait.ge @!p0 [sflag:s8], $0x0  }
0x24: {  	s3 =	sadd.s32 $0x88, s3;
	s6 =	simm.s32 @!p1 $0x1082;
	[sflag:s4] =	ssyncset.s32 $0xFFFFF086  }
0x25: {  	[simem:s6], [sflag:s4] =	dma.local [hbm:s3], $0xF7A  }
0x26: {  	[smem:$0x3F85] =	sst s1;
	(tag) =	ssettag s2;
	_ =	strace s9  }
0x27: {  	s1 =	sld [smem:$0x3F95]  }
0x28: {  	s2 =	sld [smem:$0x3F96]  }
0x29: {  	s4 =	sld [smem:$0x3F98]  }
0x2a: {  	p0 =	seq.s32 s5, $0x0;
	s5 =	sld [smem:$0x3F99]  }
0x2b: {  	s6 =	sld [smem:$0x3F9A]  }
0x2c: {  	s7 =	sld [smem:$0x3F9B]  }
0x2d: {  	s3 =	simm.s32 $0x108;
	s8 =	sld [smem:$0x3F9C]  }
0x2e: {  	s3 =	simm.s32 @!p0 $0x1082;
	s9 =	sld [smem:$0x3F9D]  }
0x2f: {  	lr =	sadd.s32 s0, s3;
	s0 =	sld [smem:$0x3F94]  }
0x30: {  	s3 =	sld [smem:$0x3F97]  }
0x31: {  	[smem:$0x3FA0] =	sst s10  }
0x32: {  	s10 =	sld [smem:$0x3F9E];
	_ =	sdelay $0x3  }
0x33: {  	p0 =	seq.s32 s10, $0x1;
	s10 =	sld [smem:$0x3FA0];
	_ =	sdelay $0x3  }
0x34: {  	[smem:$0x3FA0] =	sst s10  }
0x35: {  	s10 =	sld [smem:$0x3F9F];
	_ =	sdelay $0x3  }
0x36: {  	p1 =	seq.s32 s10, $0x1;
	s10 =	sld [smem:$0x3FA0];
	_ =	sdelay $0x3  }
0x37: {  	[smem:$0x3FA0] =	sst s10  }
0x38: {  	s10 =	sld [smem:$0x3FA1]  }
0x39: {  	_ = 	snop;
	(pc) =	sbr.ind lr, $3  }
0x3a: {  	_ = 	snop  }
0x3b: {  	_ = 	snop  }
0x3c: {  	p2 =	seq.s32 s10, $0x1;
	s10 =	sld [smem:$0x3FA0]  }
0x3d: {  	_ =	shalt  }
0x3e: {  	_ =	shalt  }
0x3f: {  	_ =	shalt  }
0x40: {  	_ =	shalt  }
0x41: {  	_ =	shalt  }
0x42: {  	_ =	shalt  }
0x43: {  	_ =	shalt  }
0x44: {  	_ =	shalt  }
0x45: {  	_ =	shalt  }
0x46: {  	_ =	shalt  }
0x47: {  	_ =	shalt  }
0x48: {  	_ =	shalt  }
0x49: {  	_ =	shalt  }
0x4a: {  	_ =	shalt  }
0x4b: {  	_ =	shalt  }
0x4c: {  	_ =	shalt  }
0x4d: {  	_ =	shalt  }
0x4e: {  	_ =	shalt  }
0x4f: {  	_ =	shalt  }
0x50: {  	_ =	shalt  }
0x51: {  	_ =	shalt  }
0x52: {  	_ =	shalt  }
0x53: {  	_ =	shalt  }
0x54: {  	_ =	shalt  }
0x55: {  	_ =	shalt  }
0x56: {  	_ =	shalt  }
0x57: {  	_ =	shalt  }
0x58: {  	_ =	shalt  }
0x59: {  	_ =	shalt  }
0x5a: {  	_ =	shalt  }
0x5b: {  	_ =	shalt  }
0x5c: {  	_ =	shalt  }
0x5d: {  	_ =	shalt  }
0x5e: {  	_ =	shalt  }
0x5f: {  	_ =	shalt  }
0x60: {  	_ =	shalt  }
0x61: {  	_ =	shalt  }
0x62: {  	_ =	shalt  }
0x63: {  	_ =	shalt  }
0x64: {  	_ =	shalt  }
0x65: {  	_ =	shalt  }
0x66: {  	_ =	shalt  }
0x67: {  	_ =	shalt  }
0x68: {  	_ =	shalt  }
0x69: {  	_ =	shalt  }
0x6a: {  	_ =	shalt  }
0x6b: {  	_ =	shalt  }
0x6c: {  	_ =	shalt  }
0x6d: {  	_ =	shalt  }
0x6e: {  	_ =	shalt  }
0x6f: {  	_ =	shalt  }
0x70: {  	_ =	shalt  }
0x71: {  	_ =	shalt  }
0x72: {  	_ =	shalt  }
0x73: {  	_ =	shalt  }
0x74: {  	_ =	shalt  }
0x75: {  	_ =	shalt  }
0x76: {  	_ =	shalt  }
0x77: {  	_ =	shalt  }
0x78: {  	_ =	shalt  }
0x79: {  	_ =	shalt  }
0x7a: {  	_ =	shalt  }
0x7b: {  	_ =	shalt  }
0x7c: {  	_ =	shalt  }
0x7d: {  	_ =	shalt  }
0x7e: {  	_ =	shalt  }
0x7f: {  	_ =	shalt  }
0x80: {  	_ =	shalt  }
0x81: {  	_ =	shalt  }
0x82: {  	_ =	shalt  }
0x83: {  	_ =	shalt  }
0x84: {  	_ =	shalt  }
0x85: {  	_ =	shalt  }
0x86: {  	_ =	shalt  }
0x87: {  	_ =	shalt  }
.Lfunc_end0:
.L_simem_size_0:
called_computation.1_lowered:
.L_overlay_start_0:
0x88: {  	s2 =	sld [smem:$0x3FD9]  }
0x89: {  	s3 =	sld [smem:$0x3FFE];
	_ =	sdelay $0x1  }
0x8a: {  	s1 =	srdreg.scid  }
0x8b: {  	s0 =	sand.u32 $0x1, s1  }
0x8c: {  	s17 =	sshll.u32 s0, $0xA;
	s2 =	sadd.s32 s3, s2  }
0x8d: {  	s2 =	sadd.s32 s2, s17  }
0x8e: {  	[smem:$0x3FAC] =	sst s2  }
0x8f: {  	_ = 	snop  }
0x90: {  	s2 =	sld [smem:$0x3FC7];
	(tm) =	ssettm $0x1  }
0x91: {  	s18 =	sld [smem:$0x3FFB];
	_ =	sdelay $0x3  }
0x92: {  	_ =	strace s18  }
0x93: {  	s3 =	sld [smem:$0x3FFC];
	_ =	sdelay $0x3  }
0x94: {  	_ =	strace s3  }
0x95: {  	s3 =	sld [smem:$0x3FFD];
	_ =	sdelay $0x3  }
0x96: {  	_ =	strace s3  }
0x97: {  	_ =	strace $0x8FFFFFFF  }
0x98: {  	s19 =	sld [smem:$0x3FDB];
	_ =	sdelay $0x1  }
0x99: {  	s4 =	simm.s32 $_scs_section_size  }
0x9a: {  	s5 =	simm.s32 $_size__tile_overlayer_lowered;
	s6 =	simm.s32 $_tile_overlayer_lowered  }
0x9b: {  	s22 =	simm.s32 $0x1BFF;
	s21 =	sshll.u32 s6, $0x1;
	s3 =	sadd.s32 s4, s19  }
0x9c: {  	s7 =	simm.s32 $0x0;
	s20 =	sshll.u32 s5, $0x1;
	s5 =	sadd.s32 s21, s3  }
0x9d: {  	[timem:s7], [sflag:s22] =	dma.local [hbm:s5], s20  }
0x9e: {  	_ =	swait.ge [sflag:s22], s20  }
0x9f: {  	s4 =	ssub.s32 $0x0, s20;
	[sflag:s22] =	ssyncset.done $0x0  }
0xa0: {  	[sflag:s22] =	ssyncadd.s32 s4;
	_ =	sdelay $0x1  }
0xa1: {  	s23 =	simm.s32 $0x1B8B  }
0xa2: {  	_ =	swait.ge [sflag:s23], $0x1  }
0xa3: {  	[sflag:s23] =	ssyncset.done $0x0  }
0xa4: {  	s25 =	simm.s32 $0x1B8E;
	s24 =	sld [smem:$0x3FFE];
	[sflag:s23] =	ssyncadd.s32 $0xFFFFFFFF  }
0xa5: {  	s26 =	simm.s32 $execute0_lowered;
	[smem:$0x3FD2] =	sst s25  }
0xa6: {  	s5 =	sshll.u32 s26, $0x1;
	_ =	strace $0x80000049;
	[dreg:$0x1] =	wrdreg $0xFFFFFFFF  }
0xa7: {  	s28 =	simm.s32 $_size_execute0_lowered;
	s3 =	sadd.s32 s3, s5;
	[dreg:$0x0] =	wrdreg $0x0  }
0xa8: {  	s5 =	sshll.u32 s28, $0x1;
	[dreg:$0x2] =	wrdreg s3  }
0xa9: {  	[dreg:$0x3] =	wrdreg s5  }
0xaa: {  	[dreg:$0x4] =	wrdreg $0xC0  }
0xab: {  	_ =	task [dreg:s7], $0x5FFFF  }
0xac: {  	[dreg:$0x1] =	wrdreg $0xFFFFFFFF  }
0xad: {  	[dreg:$0x0] =	wrdreg $0x60  }
0xae: {  	[dreg:$0x2] =	wrdreg s24  }
0xaf: {  	[dreg:$0x3] =	wrdreg s2  }
0xb0: {  	[dreg:$0x4] =	wrdreg $0x89000  }
0xb1: {  	[dreg:$0x5] =	wrdreg $0x9  }
0xb2: {  	_ =	task.clear_ibuf [dreg:s7], $0x6FFFF;
	_ =	strace $0x90000049  }
0xb3: {  	s29 =	simm.s32 $0x9;
	_ =	strace $0x8000004B  }
0xb4: {  	_ =	swait.ge [sflag:s29], $0x1  }
0xb5: {  	[sflag:s29] =	ssyncadd.s32 $0xFFFFFFFF  }
0xb6: {  	_ =	strace $0x9000004B  }
0xb7: {  	_ =	sfence  }
0xb8: {  	s30 =	sld [smem:$0x0];
	_ =	sdelay $0x2  }
0xb9: {  	s31 =	sshll.u32 s1, $0xD;
	s1 =	sshrl.u32 s1, $0x2  }
0xba: {  	s3 =	sand.u32 $0x4000, s31;
	s1 =	sadd.s32 s1, s30  }
0xbb: {  	s0 =	sor.u32 s3, s0;
	s1 =	sshll.u32 s1, $0x11  }
0xbc: {  	s0 =	sor.u32 s1, s0  }
0xbd: {  	s0 =	sadd.s32 $0x8F2B, s0  }
0xbe: {  	[sflag:s0] =	ssyncadd.remote.s32 $0x1  }
0xbf: {  	_ =	sfence.sel $0xFFFF  }
0xc0: {  	[dreg:$0x0] =	wrdreg $0xFFFFFFFF;
	(pc) =	sbr.abs _section_cstart, $3  }
0xc1: {  	[dreg:$0x1] =	wrdreg $0xFFFFFFFF  }
0xc2: {  	_ =	task.clear_ibuf [dreg:s7], $0x2FFFF;
	_ =	strace $0x9FFFFFFF  }
0xc3: {  	(tm) =	ssettm $0x7FFFFFFF  }
tec
execute0_lowered:
.L_overlay_start_1:
0x0: {  	(tag) =	ssettag $0x1  }
0x1: {  	s0 =	rddreg [dreg:$0x0]  }
0x2: {  	s2 =	rddreg [dreg:$0x1]  }
0x3: {  	s1 =	rddreg [dreg:$0x2];
	s3 =	simm.s32 $0x0  }
0x4: {  	s10 =	stileid.u32;
	s8 =	srdreg.scid;
	s31 =	simm.s32 $0x400  }
0x5: {  	[smem:$0x7FF] =	sst s3;
	s4 =	sadd.s32 $0x38200, s0;
	s6 =	sshll.u32 s10, $0x4  }
0x6: {  	s7 =	smul.u32 $0x280, s10;
	s5 =	sadd.s32 $0x170A00, s0;
	s9 =	sadd.s32 $0x10200, s0  }
0x7: {  	s15 =	sand.u32 $0x1, s8;
	s16 =	sadd.s32 $0x2A9200, s0;
	s17 =	sadd.s32 $0x2D0400, s0  }
0x8: {  	p0 =	slt.u32 s10, $0x2;
	s10 =	simm.s32 $0x4F;
	_ =	strace $0x8000004A  }
0x9: {  	s13 =	sadd.s32 s6, s0;
	[dreg:$0x4] =	wrdreg s9;
	s8 =	ssub.s32 $0x2, s15  }
0xa: {  	s10 =	simm.s32 @!p0 $0x4E;
	s24 =	sadd.s32 s2, s6;
	p0 =	seq.s32 s15, $0x0  }
0xb: {  	p1 =	sne.s32 s15, $0x0;
	s15 =	simm.s32 $0x300;
	s14 =	smin.u32 s7, $0x2490  }
0xc: {  	s30 =	sshrl.u32 s8, $0x1;
	[dreg:$0x5] =	wrdreg s24;
	s7 =	sshrl.u32 s14, $0x3  }
0xd: {  	s18 =	ssub.s32 s8, s30;
	s9 =	sshll.u32 s14, $0x7;
	s19 =	sadd.s32 $0x80, s14  }
0xe: {  	s20 =	sadd.s32 $0x100, s14;
	s21 =	sadd.s32 $0x180, s14;
	s22 =	sadd.s32 $0x200, s14  }
0xf: {  	s23 =	sshll.u32 s14, $0x4;
	s0 =	sadd.s32 s7, s0;
	s12 =	sshll.u32 s20, $0x7  }
0x10: {  	s7 =	sadd.s32 s9, s1;
	s11 =	sshll.u32 s19, $0x7;
	s9 =	sadd.s32 s12, s1  }
0x11: {  	s12 =	sshll.u32 s22, $0x7;
	s22 =	sshll.u32 s22, $0x4;
	s30 =	sadd.s32 $0x37600, s0  }
0x12: {  	s25 =	sshll.u32 s19, $0x4;
	s26 =	sadd.s32 s17, s22;
	[dreg:$0x8] =	wrdreg s30  }
0x13: {  	s28 =	sshll.u32 s20, $0x4;
	s2 =	sadd.s32 s16, s22;
	[dreg:$0x6] =	wrdreg s26  }
0x14: {  	s17 =	smov.u32 @p0 s16;
	s30 =	sadd.s32 $0x6300, s13;
	[dreg:$0x7] =	wrdreg s2  }
0x15: {  	s29 =	sshll.u32 s21, $0x4;
	s6 =	sadd.s32 s17, s23;
	[dreg:$0x13] =	wrdreg s30  }
0x16: {  	s8 =	sadd.s32 s11, s1;
	s16 =	sadd.s32 s17, s25;
	[dreg:$0x9] =	wrdreg s6  }
0x17: {  	s11 =	sshll.u32 s21, $0x7;
	s21 =	sadd.s32 s17, s28;
	[dreg:$0xa] =	wrdreg s16  }
0x18: {  	s14 =	simm.s32 $0x180;
	s22 =	sadd.s32 s17, s29;
	[dreg:$0xb] =	wrdreg s21  }
0x19: {  	s19 =	sadd.s32 $0x100, s24;
	s23 =	sadd.s32 $0x37C00, s0;
	[dreg:$0xc] =	wrdreg s22  }
0x1a: {  	s11 =	sadd.s32 s11, s1;
	s0 =	sadd.s32 $0x10A00, s0;
	[dreg:$0xd] =	wrdreg s23  }
0x1b: {  	s12 =	sadd.s32 s12, s1;
	s25 =	smax.u32 s18, $0x1;
	[dreg:$0xe] =	wrdreg s0  }
0x1c: {  	s26 =	sadd.s32 $0x6200, s13;
	s28 =	sadd.s32 $0xB200, s13;
	[dreg:$0xf] =	wrdreg s25  }
.Ltmp0:
0x1d: {  	s29 =	sadd.s32 $0xB300, s13;
	[dreg:$0x10] =	wrdreg s26;
	(pc) =	sbr.rel .LBB2_1-.Ltmp0, $4  }
0x1e: {  	s2 =	simm.s32 $0x80;
	s17 =	simm.s32 $0x4400;
	[dreg:$0x11] =	wrdreg s28  }
0x1f: {  	s18 =	simm.s32 $0x0;
	s23 =	smov.u32 s5;
	[dreg:$0x12] =	wrdreg s29  }
0x20: {  	s0 =	simm.s32 $0x2;
	s16 =	simm.s32 $0x200;
	s21 =	simm.s32 $0x3  }
0x21: {  	s22 =	simm.s32 $0x280;
	s6 =	simm.s32 $0x1;
	s23 =	smov.u32 @p0 s4  }
.LBB2_9:
0x22: {  	s13 =	rddreg [dreg:$0x6]  }
0x23: {  	[hbm4b:s13+s3] =	stream.linear.scatter [tilespmem:s31], [sflag:$0x2], $0x4000, $0x38;
	[tilespmem:$0x1C180] =	vst v63  }
0x24: {  	_ =	swait.ge [sflag:s0], $0x4000  }
0x25: {  	[sflag:s0] =	ssyncset.done $0x0  }
0x26: {  	[sflag:s0] =	ssyncadd.s32 $0xFFFFC000  }
.LBB2_13:
0x27: {  	s18 =	sadd.s32 $0x1, s18;
	s13 =	rddreg [dreg:$0xf]  }
0x28: {  	p2 =	sne.s32 s18, s13  }
.Ltmp1:
0x29: {  	_ = 	snop;
	(pc) =	sbr.rel @!p2 .LBB2_14-.Ltmp1, $1  }
0x2a: {  	_ =	sdelay $0x3  }
.LBB2_1:
0x2b: {  	s13 =	rddreg [dreg:$0x4]  }
0x2c: {  	[tilespmem:s31], [sflag:$0x2] =	stream.linear.gather [hbm4b:s13+s3], $0x4000, $0x38;
	[tilespmem:$0x1C180] =	vst v63  }
0x2d: {  	_ =	swait.ge [sflag:s0], $0x4000  }
0x2e: {  	[sflag:s0] =	ssyncset.done $0x0  }
0x2f: {  	[sflag:s0] =	ssyncadd.s32 $0xFFFFC000  }
0x30: {  	[spmem:s7] =	stream.linear.scatter [tilespmem:s31], [sflag:$0x2], $0x4000, $0x38;
	[tilespmem:$0x1C180] =	vst v63  }
0x31: {  	_ =	swait.ge [sflag:s0], $0x4000  }
0x32: {  	[sflag:s0] =	ssyncset.done $0x0  }
0x33: {  	[sflag:s0] =	ssyncadd.s32 $0xFFFFC000  }
0x34: {  	[spmem:s8] =	stream.linear.scatter [tilespmem:s31], [sflag:$0x2], $0x4000, $0x38;
	[tilespmem:$0x1C180] =	vst v63  }
0x35: {  	_ =	swait.ge [sflag:s0], $0x4000  }
0x36: {  	[sflag:s0] =	ssyncset.done $0x0  }
0x37: {  	[sflag:s0] =	ssyncadd.s32 $0xFFFFC000  }
0x38: {  	[spmem:s9] =	stream.linear.scatter [tilespmem:s31], [sflag:$0x2], $0x4000, $0x38;
	[tilespmem:$0x1C180] =	vst v63  }
0x39: {  	_ =	swait.ge [sflag:s0], $0x4000  }
0x3a: {  	[sflag:s0] =	ssyncset.done $0x0  }
0x3b: {  	[sflag:s0] =	ssyncadd.s32 $0xFFFFC000  }
0x3c: {  	[spmem:s11] =	stream.linear.scatter [tilespmem:s31], [sflag:$0x2], $0x4000, $0x38;
	[tilespmem:$0x1C180] =	vst v63  }
0x3d: {  	_ =	swait.ge [sflag:s0], $0x4000  }
0x3e: {  	[sflag:s0] =	ssyncset.done $0x0  }
0x3f: {  	[sflag:s0] =	ssyncadd.s32 $0xFFFFC000  }
0x40: {  	[spmem:s12] =	stream.linear.scatter [tilespmem:s31], [sflag:$0x2], $0x4000, $0x38;
	[tilespmem:$0x1C180] =	vst v63  }
0x41: {  	_ =	swait.ge [sflag:s0], $0x4000  }
0x42: {  	[sflag:s0] =	ssyncset.done $0x0  }
0x43: {  	[sflag:s0] =	ssyncadd.s32 $0xFFFFC000  }
0x44: {  	[bflag:$0x0] =	sbarrier.arrive $0xFFFF  }
0x45: {  	s20 =	rddreg [dreg:$0x10]  }
0x46: {  	[tilespmem:s3], [sflag:$0x2] =	stream.linear.gather [hbm4b:s20+s3], $0x80, $0x38;
	[tilespmem:$0x1C180] =	vst v63  }
0x47: {  	_ =	swait.ge [sflag:s0], $0x80  }
0x48: {  	[sflag:s0] =	ssyncset.done $0x0  }
0x49: {  	s24 =	rddreg [dreg:$0x5];
	[sflag:s0] =	ssyncadd.s32 $0xFFFFFF80  }
0x4a: {  	[tilespmem:s2], [sflag:$0x2] =	stream.linear.gather [hbm4b:s24+s3], $0x80, $0x38;
	[tilespmem:$0x1C180] =	vst v63  }
0x4b: {  	_ =	swait.ge [sflag:s0], $0x80  }
0x4c: {  	[sflag:s0] =	ssyncset.done $0x0  }
0x4d: {  	s25 =	rddreg [dreg:$0x11];
	[sflag:s0] =	ssyncadd.s32 $0xFFFFFF80  }
0x4e: {  	[tilespmem:s14], [sflag:$0x2] =	stream.linear.gather [hbm4b:s25+s3], $0x80, $0x38;
	[tilespmem:$0x1C180] =	vst v63  }
0x4f: {  	_ =	swait.ge [sflag:s0], $0x80  }
0x50: {  	[sflag:s0] =	ssyncset.done $0x0  }
0x51: {  	[sflag:s0] =	ssyncadd.s32 $0xFFFFFF80  }
0x52: {  	v0 =	vld [tilespmem:$0x80]  }
0x53: {  	v1 =	vld [tilespmem:$0x0]  }
0x54: {  	v2 =	vld [tilespmem:$0x90]  }
0x55: {  	v3 =	vld [tilespmem:$0x10]  }
0x56: {  	v4 =	vld [tilespmem:$0xA0]  }
0x57: {  	v5 =	vld [tilespmem:$0x20]  }
0x58: {  	v6 =	vld [tilespmem:$0xB0]  }
0x59: {  	v7 =	vld [tilespmem:$0x30]  }
0x5a: {  	v8 =	vld [tilespmem:$0xC0]  }
0x5b: {  	v9 =	vld [tilespmem:$0x40]  }
0x5c: {  	v10 =	vld [tilespmem:$0xD0]  }
0x5d: {  	v11 =	vld [tilespmem:$0x50];
	v0 =	vmul.u32 $0x2710, v0  }
0x5e: {  	v12 =	vld [tilespmem:$0xE0];
	v2 =	vmul.u32 $0x2710, v2  }
0x5f: {  	v49 =	vld [tilespmem:$0xF0];
	v48 =	vmul.u32 $0x2710, v4;
	v0 =	vadd.s32 v1, v0  }
0x60: {  	v52 =	vld [tilespmem:$0x60];
	v51 =	vmul.u32 $0x2710, v6;
	v50 =	vadd.s32 v3, v2;
	[tilespmem:$0x100] =	vst v0  }
0x61: {  	v55 =	vld [tilespmem:$0x70];
	v54 =	vmul.u32 $0x2710, v8;
	v53 =	vadd.s32 v5, v48;
	[tilespmem:$0x110] =	vst v50  }
0x62: {  	v57 =	vmul.u32 $0x2710, v10;
	v56 =	vadd.s32 v7, v51;
	[tilespmem:$0x120] =	vst v53  }
0x63: {  	v59 =	vmul.u32 $0x2710, v12;
	v58 =	vadd.s32 v9, v54;
	[tilespmem:$0x130] =	vst v56  }
.Ltmp2:
0x64: {  	v61 =	vmul.u32 $0x2710, v49;
	v60 =	vadd.s32 v11, v57;
	[tilespmem:$0x140] =	vst v58;
	(pc) =	sbr.rel .LBB2_2-.Ltmp2, $4  }
0x65: {  	v62 =	vadd.s32 v52, v59;
	[tilespmem:$0x150] =	vst v60  }
0x66: {  	s26 =	simm.s32 $0x100;
	s29 =	rddreg [dreg:$0x13];
	v63 =	vadd.s32 v55, v61;
	[tilespmem:$0x160] =	vst v62  }
0x67: {  	s30 =	smov.u32 s19;
	s24 =	simm.s32 $0x0;
	s28 =	rddreg [dreg:$0x12];
	[tilespmem:$0x170] =	vst v63  }
0x68: {  	[tilespmem:s31], [sflag:$0x1] =	stream.indirect.gather [hbm4b:s23+s2], $0x80, s26, s2, $0xb8;
	[tilespmem:$0x1C180] =	vst v63  }
.LBB2_6:
0x69: {  	_ =	swait.ge [sflag:s6], $0x4000  }
0x6a: {  	[sflag:s6] =	ssyncset.done $0x0  }
0x6b: {  	[sflag:s6] =	ssyncadd.s32 $0xFFFFC000  }
.LBB2_7:
0x6c: {  	s13 =	sand.u32 $0x1, s25  }
0x6d: {  	p2 =	seq.s32 s13, $0x1  }
0x6e: {  	s13 =	simm.s32 @p2 $0x80;
	s20 =	simm.s32 @p2 $0x300;
	s25 =	simm.s32 @p2 $0x4400  }
0x6f: {  	[spmem:s1] =	stream.indirect.scatter.add.f32 @p2 [tilespmem:s25], [sflag:$0x2], $0x80, s20, s13, $0xb8;
	[tilespmem:$0x1C180] =	vst v63  }
0x70: {  	s13 =	simm.s32 @!p2 $0x80;
	s20 =	simm.s32 @!p2 $0x180;
	s25 =	simm.s32 @!p2 $0x400  }
0x71: {  	[spmem:s1] =	stream.indirect.scatter.add.f32 @!p2 [tilespmem:s25], [sflag:$0x3], $0x80, s20, s13, $0xb8;
	[tilespmem:$0x1C180] =	vst v63  }
0x72: {  	s13 =	simm.s32 @!p2 $0x3  }
0x73: {  	s13 =	simm.s32 @p2 $0x2;
	p2 =	sne.s32 s10, s24  }
.Ltmp3:
0x74: {  	_ = 	snop;
	(pc) =	sbr.rel @!p2 .LBB2_8-.Ltmp3, $4  }
0x75: {  	_ = 	snop  }
0x76: {  	_ =	swait.ge [sflag:s13], $0x4000  }
0x77: {  	s28 =	sadd.s32 $0x100, s28;
	[sflag:s13] =	ssyncset.done $0x0  }
0x78: {  	s30 =	sadd.s32 $0x100, s30;
	s29 =	sadd.s32 $0x100, s29;
	[sflag:s13] =	ssyncadd.s32 $0xFFFFC000  }
.LBB2_2:
0x79: {  	s25 =	smov.u32 s24;
	s24 =	sadd.s32 $0x1, s24  }
0x7a: {  	p2 =	sge.u32 s24, s10  }
.Ltmp4:
0x7b: {  	_ = 	snop;
	(pc) =	sbr.rel @p2 .LBB2_6-.Ltmp4, $1  }
0x7c: {  	_ =	sdelay $0x3  }
0x7d: {  	s26 =	sand.u32 $0x1, s24  }
0x7e: {  	p2 =	seq.s32 s26, $0x1  }
.Ltmp5:
0x7f: {  	_ = 	snop;
	(pc) =	sbr.rel @!p2 .LBB2_4-.Ltmp5, $1  }
0x80: {  	_ =	sdelay $0x3  }
0x81: {  	[tilespmem:s16], [sflag:$0x3] =	stream.linear.gather [hbm4b:s29+s3], $0x80, $0x38;
	[tilespmem:$0x1C180] =	vst v63  }
0x82: {  	_ =	swait.ge [sflag:s21], $0x80  }
0x83: {  	[sflag:s21] =	ssyncset.done $0x0  }
0x84: {  	[sflag:s21] =	ssyncadd.s32 $0xFFFFFF80  }
0x85: {  	[tilespmem:s22], [sflag:$0x3] =	stream.linear.gather [hbm4b:s30+s3], $0x80, $0x38;
	[tilespmem:$0x1C180] =	vst v63  }
0x86: {  	_ =	swait.ge [sflag:s21], $0x80  }
0x87: {  	[sflag:s21] =	ssyncset.done $0x0  }
0x88: {  	[sflag:s21] =	ssyncadd.s32 $0xFFFFFF80  }
0x89: {  	[tilespmem:s15], [sflag:$0x3] =	stream.linear.gather [hbm4b:s28+s3], $0x80, $0x38;
	[tilespmem:$0x1C180] =	vst v63  }
0x8a: {  	_ =	swait.ge [sflag:s21], $0x80  }
0x8b: {  	[sflag:s21] =	ssyncset.done $0x0  }
0x8c: {  	[sflag:s21] =	ssyncadd.s32 $0xFFFFFF80  }
0x8d: {  	v0 =	vld [tilespmem:$0x280]  }
0x8e: {  	v1 =	vld [tilespmem:$0x200]  }
0x8f: {  	v2 =	vld [tilespmem:$0x290]  }
0x90: {  	v3 =	vld [tilespmem:$0x210]  }
0x91: {  	v4 =	vld [tilespmem:$0x2A0]  }
0x92: {  	v5 =	vld [tilespmem:$0x220]  }
0x93: {  	v6 =	vld [tilespmem:$0x2B0]  }
0x94: {  	v7 =	vld [tilespmem:$0x230]  }
0x95: {  	v8 =	vld [tilespmem:$0x2C0]  }
0x96: {  	v9 =	vld [tilespmem:$0x240]  }
0x97: {  	v10 =	vld [tilespmem:$0x2D0]  }
0x98: {  	v11 =	vld [tilespmem:$0x250];
	v0 =	vmul.u32 $0x2710, v0  }
0x99: {  	v12 =	vld [tilespmem:$0x2E0];
	v2 =	vmul.u32 $0x2710, v2  }
0x9a: {  	v49 =	vld [tilespmem:$0x2F0];
	v48 =	vmul.u32 $0x2710, v4;
	v0 =	vadd.s32 v1, v0  }
0x9b: {  	v52 =	vld [tilespmem:$0x260];
	v51 =	vmul.u32 $0x2710, v6;
	v50 =	vadd.s32 v3, v2;
	[tilespmem:$0x380] =	vst v0  }
0x9c: {  	v55 =	vld [tilespmem:$0x270];
	v54 =	vmul.u32 $0x2710, v8;
	v53 =	vadd.s32 v5, v48;
	[tilespmem:$0x390] =	vst v50  }
0x9d: {  	v57 =	vmul.u32 $0x2710, v10;
	v56 =	vadd.s32 v7, v51;
	[tilespmem:$0x3A0] =	vst v53  }
0x9e: {  	v59 =	vmul.u32 $0x2710, v12;
	v58 =	vadd.s32 v9, v54;
	[tilespmem:$0x3B0] =	vst v56  }
0x9f: {  	v61 =	vmul.u32 $0x2710, v49;
	v60 =	vadd.s32 v11, v57;
	[tilespmem:$0x3C0] =	vst v58  }
0xa0: {  	v62 =	vadd.s32 v52, v59;
	[tilespmem:$0x3D0] =	vst v60  }
0xa1: {  	v63 =	vadd.s32 v55, v61;
	[tilespmem:$0x3E0] =	vst v62  }
0xa2: {  	[tilespmem:$0x3F0] =	vst v63  }
0xa3: {  	_ =	swait.ge [sflag:s6], $0x4000  }
.Ltmp6:
0xa4: {  	s13 =	simm.s32 @p1 $0x80;
	[sflag:s6] =	ssyncset.done $0x0;
	(pc) =	sbr.rel .LBB2_7-.Ltmp6, $4  }
0xa5: {  	s20 =	simm.s32 @p1 $0x380;
	s26 =	simm.s32 @p1 $0x4400;
	[sflag:s6] =	ssyncadd.s32 $0xFFFFC000  }
0xa6: {  	[tilespmem:s26], [sflag:$0x1] =	stream.indirect.gather @p1 [hbm4b:s5+s13], $0x80, s20, s13, $0xb8;
	[tilespmem:$0x1C180] =	vst v63  }
0xa7: {  	s13 =	simm.s32 @!p1 $0x80;
	s20 =	simm.s32 @!p1 $0x380;
	s26 =	simm.s32 @!p1 $0x4400  }
0xa8: {  	[tilespmem:s26], [sflag:$0x1] =	stream.indirect.gather @!p1 [hbm4b:s4+s13], $0x80, s20, s13, $0xb8;
	[tilespmem:$0x1C180] =	vst v63  }
.LBB2_4:
0xa9: {  	[tilespmem:s3], [sflag:$0x3] =	stream.linear.gather [hbm4b:s29+s3], $0x80, $0x38;
	[tilespmem:$0x1C180] =	vst v63  }
0xaa: {  	_ =	swait.ge [sflag:s21], $0x80  }
0xab: {  	[sflag:s21] =	ssyncset.done $0x0  }
0xac: {  	[sflag:s21] =	ssyncadd.s32 $0xFFFFFF80  }
0xad: {  	[tilespmem:s2], [sflag:$0x3] =	stream.linear.gather [hbm4b:s30+s3], $0x80, $0x38;
	[tilespmem:$0x1C180] =	vst v63  }
0xae: {  	_ =	swait.ge [sflag:s21], $0x80  }
0xaf: {  	[sflag:s21] =	ssyncset.done $0x0  }
0xb0: {  	[sflag:s21] =	ssyncadd.s32 $0xFFFFFF80  }
0xb1: {  	[tilespmem:s14], [sflag:$0x3] =	stream.linear.gather [hbm4b:s28+s3], $0x80, $0x38;
	[tilespmem:$0x1C180] =	vst v63  }
0xb2: {  	_ =	swait.ge [sflag:s21], $0x80  }
0xb3: {  	[sflag:s21] =	ssyncset.done $0x0  }
0xb4: {  	[sflag:s21] =	ssyncadd.s32 $0xFFFFFF80  }
0xb5: {  	v0 =	vld [tilespmem:$0x80]  }
0xb6: {  	v1 =	vld [tilespmem:$0x0]  }
0xb7: {  	v2 =	vld [tilespmem:$0x90]  }
0xb8: {  	v3 =	vld [tilespmem:$0x10]  }
0xb9: {  	v4 =	vld [tilespmem:$0xA0]  }
0xba: {  	v5 =	vld [tilespmem:$0x20]  }
0xbb: {  	v6 =	vld [tilespmem:$0xB0]  }
0xbc: {  	v7 =	vld [tilespmem:$0x30]  }
0xbd: {  	v8 =	vld [tilespmem:$0xC0]  }
0xbe: {  	v9 =	vld [tilespmem:$0x40]  }
0xbf: {  	v10 =	vld [tilespmem:$0xD0]  }
0xc0: {  	v11 =	vld [tilespmem:$0x50];
	v0 =	vmul.u32 $0x2710, v0  }
0xc1: {  	v12 =	vld [tilespmem:$0xE0];
	v2 =	vmul.u32 $0x2710, v2  }
0xc2: {  	v49 =	vld [tilespmem:$0xF0];
	v48 =	vmul.u32 $0x2710, v4;
	v0 =	vadd.s32 v1, v0  }
0xc3: {  	v52 =	vld [tilespmem:$0x60];
	v51 =	vmul.u32 $0x2710, v6;
	v50 =	vadd.s32 v3, v2;
	[tilespmem:$0x100] =	vst v0  }
0xc4: {  	v55 =	vld [tilespmem:$0x70];
	v54 =	vmul.u32 $0x2710, v8;
	v53 =	vadd.s32 v5, v48;
	[tilespmem:$0x110] =	vst v50  }
0xc5: {  	v57 =	vmul.u32 $0x2710, v10;
	v56 =	vadd.s32 v7, v51;
	[tilespmem:$0x120] =	vst v53  }
0xc6: {  	v59 =	vmul.u32 $0x2710, v12;
	v58 =	vadd.s32 v9, v54;
	[tilespmem:$0x130] =	vst v56  }
0xc7: {  	v61 =	vmul.u32 $0x2710, v49;
	v60 =	vadd.s32 v11, v57;
	[tilespmem:$0x140] =	vst v58  }
0xc8: {  	v62 =	vadd.s32 v52, v59;
	[tilespmem:$0x150] =	vst v60  }
0xc9: {  	v63 =	vadd.s32 v55, v61;
	[tilespmem:$0x160] =	vst v62  }
0xca: {  	[tilespmem:$0x170] =	vst v63  }
0xcb: {  	_ =	swait.ge [sflag:s6], $0x4000  }
.Ltmp7:
0xcc: {  	s26 =	simm.s32 @p1 $0x80;
	[sflag:s6] =	ssyncset.done $0x0;
	(pc) =	sbr.rel .LBB2_7-.Ltmp7, $4  }
0xcd: {  	s20 =	simm.s32 @p1 $0x100;
	s13 =	simm.s32 @p1 $0x400;
	[sflag:s6] =	ssyncadd.s32 $0xFFFFC000  }
0xce: {  	[tilespmem:s13], [sflag:$0x1] =	stream.indirect.gather @p1 [hbm4b:s5+s26], $0x80, s20, s26, $0xb8;
	[tilespmem:$0x1C180] =	vst v63  }
0xcf: {  	s13 =	simm.s32 @!p1 $0x80;
	s20 =	simm.s32 @!p1 $0x100;
	s26 =	simm.s32 @!p1 $0x400  }
0xd0: {  	[tilespmem:s26], [sflag:$0x1] =	stream.indirect.gather @!p1 [hbm4b:s4+s13], $0x80, s20, s13, $0xb8;
	[tilespmem:$0x1C180] =	vst v63  }
.LBB2_8:
0xd1: {  	[bflag:$0x0] =	sbarrier.arrive $0xFFFF  }
0xd2: {  	[tilespmem:s31], [sflag:$0x2] =	stream.linear.gather [spmem:s7], $0x4000, $0x38;
	[tilespmem:$0x1C180] =	vst v63  }
0xd3: {  	_ =	swait.ge [sflag:s0], $0x4000  }
0xd4: {  	[sflag:s0] =	ssyncset.done $0x0  }
0xd5: {  	s13 =	rddreg [dreg:$0x9];
	[sflag:s0] =	ssyncadd.s32 $0xFFFFC000  }
0xd6: {  	[hbm4b:s13+s3] =	stream.linear.scatter [tilespmem:s31], [sflag:$0x2], $0x4000, $0x38;
	[tilespmem:$0x1C180] =	vst v63  }
0xd7: {  	_ =	swait.ge [sflag:s0], $0x4000  }
0xd8: {  	[sflag:s0] =	ssyncset.done $0x0  }
0xd9: {  	[sflag:s0] =	ssyncadd.s32 $0xFFFFC000  }
0xda: {  	[tilespmem:s17], [sflag:$0x2] =	stream.linear.gather [spmem:s8], $0x4000, $0x38;
	[tilespmem:$0x1C180] =	vst v63  }
0xdb: {  	_ =	swait.ge [sflag:s0], $0x4000  }
0xdc: {  	[sflag:s0] =	ssyncset.done $0x0  }
0xdd: {  	s28 =	rddreg [dreg:$0xa];
	[sflag:s0] =	ssyncadd.s32 $0xFFFFC000  }
0xde: {  	[hbm4b:s28+s3] =	stream.linear.scatter [tilespmem:s17], [sflag:$0x2], $0x4000, $0x38;
	[tilespmem:$0x1C180] =	vst v63  }
0xdf: {  	_ =	swait.ge [sflag:s0], $0x4000  }
0xe0: {  	[sflag:s0] =	ssyncset.done $0x0  }
0xe1: {  	[sflag:s0] =	ssyncadd.s32 $0xFFFFC000  }
0xe2: {  	[tilespmem:s31], [sflag:$0x2] =	stream.linear.gather [spmem:s9], $0x4000, $0x38;
	[tilespmem:$0x1C180] =	vst v63  }
0xe3: {  	_ =	swait.ge [sflag:s0], $0x4000  }
0xe4: {  	[sflag:s0] =	ssyncset.done $0x0  }
0xe5: {  	s29 =	rddreg [dreg:$0xb];
	[sflag:s0] =	ssyncadd.s32 $0xFFFFC000  }
0xe6: {  	[hbm4b:s29+s3] =	stream.linear.scatter [tilespmem:s31], [sflag:$0x2], $0x4000, $0x38;
	[tilespmem:$0x1C180] =	vst v63  }
0xe7: {  	_ =	swait.ge [sflag:s0], $0x4000  }
0xe8: {  	[sflag:s0] =	ssyncset.done $0x0  }
0xe9: {  	[sflag:s0] =	ssyncadd.s32 $0xFFFFC000  }
0xea: {  	[tilespmem:s17], [sflag:$0x2] =	stream.linear.gather [spmem:s11], $0x4000, $0x38;
	[tilespmem:$0x1C180] =	vst v63  }
0xeb: {  	_ =	swait.ge [sflag:s0], $0x4000  }
0xec: {  	[sflag:s0] =	ssyncset.done $0x0  }
0xed: {  	s30 =	rddreg [dreg:$0xc];
	[sflag:s0] =	ssyncadd.s32 $0xFFFFC000  }
0xee: {  	[hbm4b:s30+s3] =	stream.linear.scatter [tilespmem:s17], [sflag:$0x2], $0x4000, $0x38;
	[tilespmem:$0x1C180] =	vst v63  }
0xef: {  	_ =	swait.ge [sflag:s0], $0x4000  }
0xf0: {  	[sflag:s0] =	ssyncset.done $0x0  }
.Ltmp8:
0xf1: {  	[sflag:s0] =	ssyncadd.s32 $0xFFFFC000;
	(pc) =	sbr.rel @!p0 .LBB2_9-.Ltmp8, $4  }
0xf2: {  	[tilespmem:s31], [sflag:$0x2] =	stream.linear.gather [spmem:s12], $0x4000, $0x38;
	[tilespmem:$0x1C180] =	vst v63  }
0xf3: {  	_ =	swait.ge [sflag:s0], $0x4000  }
0xf4: {  	[sflag:s0] =	ssyncset.done $0x0  }
0xf5: {  	[sflag:s0] =	ssyncadd.s32 $0xFFFFC000  }
0xf6: {  	s13 =	simm.s32 $0x0;
	s20 =	rddreg [dreg:$0x7]  }
0xf7: {  	[hbm4b:s20+s13] =	stream.linear.scatter [tilespmem:s31], [sflag:$0x2], $0x4000, $0x38;
	[tilespmem:$0x1C180] =	vst v63  }
0xf8: {  	_ =	swait.ge [sflag:s0], $0x4000  }
0xf9: {  	[sflag:s0] =	ssyncset.done $0x0  }
0xfa: {  	s24 =	simm.s32 $0x8400;
	s28 =	rddreg [dreg:$0x8];
	[sflag:s0] =	ssyncadd.s32 $0xFFFFC000  }
0xfb: {  	[tilespmem:s24], [sflag:$0x2] =	stream.linear.gather [hbm4b:s28+s13], $0x280, $0x38;
	[tilespmem:$0x1C180] =	vst v63  }
0xfc: {  	_ =	swait.ge [sflag:s0], $0x280  }
0xfd: {  	[sflag:s0] =	ssyncset.done $0x0  }
0xfe: {  	s30 =	simm.s32 $0x8680;
	s29 =	rddreg [dreg:$0xd];
	[sflag:s0] =	ssyncadd.s32 $0xFFFFFD80  }
0xff: {  	[tilespmem:s30], [sflag:$0x2] =	stream.linear.gather [hbm4b:s29+s13], $0x280, $0x38;
	[tilespmem:$0x1C180] =	vst v63  }
0x100: {  	_ =	swait.ge [sflag:s0], $0x280  }
0x101: {  	[sflag:s0] =	ssyncset.done $0x0  }
0x102: {  	s24 =	simm.s32 $0x0;
	[sflag:s0] =	ssyncadd.s32 $0xFFFFFD80  }
0x103: {  	s25 =	simm.s32 $0x40;
	v0 =	vld [tilespmem:s24+$0x8680]  }
.LBB2_11:
0x104: {  	p2 =	sne.s32 s25, $0x9C0;
	v1 =	vld [tilespmem:s24+$0x8400];
	_ =	sdelay $0x2  }
.Ltmp9:
0x105: {  	(pc) =	sbr.rel @p2 .LBB2_11-.Ltmp9, $4  }
0x106: {  	_ = 	snop  }
0x107: {  	v1 =	vadd.f32 v0, v1  }
0x108: {  	s13 =	sshra.s32 s25, $0x2  }
0x109: {  	s25 =	sadd.s32 $0x40, s25;
	v0 =	vld [tilespmem:s13+$0x8680];
	[tilespmem:s24+$0x8400] =	vst v1;
	s24 =	smov.u32 s13  }
0x10a: {  	v1 =	vld [tilespmem:s24+$0x8400];
	_ =	sdelay $0x4  }
0x10b: {  	v0 =	vadd.f32 v0, v1;
	_ =	sdelay $0x1  }
.Ltmp10:
0x10c: {  	s13 =	rddreg [dreg:$0xe];
	s20 =	simm.s32 $0x8400;
	[tilespmem:s24+$0x8400] =	vst v0;
	(pc) =	sbr.rel .LBB2_13-.Ltmp10, $4  }
0x10d: {  	[hbm4b:s13+s3] =	stream.linear.scatter [tilespmem:s20], [sflag:$0x2], $0x280, $0x38;
	[tilespmem:$0x1C180] =	vst v63  }
0x10e: {  	_ =	swait.ge [sflag:s0], $0x280  }
0x10f: {  	[sflag:s0] =	ssyncset.done $0x0  }
0x110: {  	[sflag:s0] =	ssyncadd.s32 $0xFFFFFD80  }
.LBB2_14:
0x111: {  	_ =	sfence.sel $0x180000  }
0x112: {  	[bflag:$0x0] =	sbarrier.arrive $0xFFFF  }
0x113: {  	_ =	strace $0x9000004A  }
0x114: {  	s0 =	stileid.u32;
	[bflag:$0x2] =	sbarrier.arrive $0xFFFF  }
0x115: {  	p0 =	sne.s32 s0, $0x0;
	s0 =	rddreg [dreg:$0x3]  }
0x116: {  	s0 =	sadd.s32 @!p0 $0x100000, s0  }
0x117: {  	[sflag:s0] =	ssyncadd.tile.s32 @!p0 $0x1;
	_ =	shalt  }
.Lfunc_end2:
_tile_overlayer_lowered:
.L_overlay_start_2:
0x118: {  	(tag) =	ssettag $0x2  }
0x119: {  	s0 =	rddreg [dreg:$0x0];
	s2 =	stileid.u32  }
0x11a: {  	s1 =	rddreg [dreg:$0x1];
	p0 =	sne.s32 s2, $0x0  }
0x11b: {  	s3 =	rddreg [dreg:$0x2];
	[bflag:$0x3] =	sbarrier.arrive $0xFFFF;
	s2 =	simm.s32 @!p0 $0x1C02  }
0x11c: {  	[timem:s3], [sflag:s2] =	dma.local @!p0 [hbm:s0], s1  }
0x11d: {  	s0 =	simm.s32 @!p0 $0x2  }
0x11e: {  	_ =	swait.ge @!p0 [sflag:s0], s1  }
0x11f: {  	s1 =	ssub.s32 @!p0 $0x0, s1;
	[sflag:s0] =	ssyncset.done @!p0 $0x0  }
0x120: {  	[sflag:s0] =	ssyncadd.s32 @!p0 s1  }
0x121: {  	[bflag:$0x3] =	sbarrier.arrive $0xFFFF  }
0x122: {  	_ =	shalt  }

// kernel: kernel.16.cloned.1.call-start
scs
__scs_entry_jumppad:
0x0: {  	(pc) =	sbr.rel $0x88, $3  }
0x1: {  	(tag) =	ssettag $0x0;
	lr =	simm.s32 $0x1  }
0x2: {  	[smem:$0x3F85] =	sst lr;
	_ =	strace $0xD0000000  }
0x3: {  	_ = 	snop  }
0x4: {  	_ = 	snop  }
0x5: {  	_ = 	snop  }
0x6: {  	_ = 	snop  }
0x7: {  	_ = 	snop  }
__scs_overlays_trampoline_lowered:
0x8: {  	[smem:$0x3F94] =	sst s0  }
0x9: {  	[smem:$0x3F95] =	sst s1  }
0xa: {  	[smem:$0x3F96] =	sst s2  }
0xb: {  	[smem:$0x3F97] =	sst s3  }
0xc: {  	[smem:$0x3F98] =	sst s4  }
0xd: {  	[smem:$0x3F99] =	sst s5  }
0xe: {  	[smem:$0x3F9A] =	sst s6  }
0xf: {  	[smem:$0x3F9B] =	sst s7  }
0x10: {  	[smem:$0x3F9C] =	sst s8  }
0x11: {  	[smem:$0x3F9D] =	sst s9;
	s0 =	simm.s32 @!p0 $0x0  }
0x12: {  	s1 =	sld [smem:$0x3F83];
	s0 =	simm.s32 @p0 $0x1  }
0x13: {  	[smem:$0x3F9E] =	sst s0;
	s0 =	simm.s32 @!p1 $0x0  }
0x14: {  	s2 =	sld [smem:$0x3F82];
	s0 =	simm.s32 @p1 $0x1  }
0x15: {  	[smem:$0x3F9F] =	sst s0;
	s0 =	simm.s32 @!p2 $0x0  }
0x16: {  	s3 =	sld [smem:$0x3FDB];
	s0 =	simm.s32 @p2 $0x1  }
0x17: {  	s4 =	simm.s32 $0x1BF5;
	[smem:$0x3FA1] =	sst s0  }
0x18: {  	s0 =	sld [smem:$0x3F84];
	_ =	swait.ge [sflag:s4], $0x0  }
0x19: {  	s7 =	sld [smem:$0x3F85]  }
0x1a: {  	s8 =	sadd.s32 $0xFFFFE003, lr  }
0x1b: {  	s9 =	sadd.s32 $0xFFFFFEF7, lr;
	s5 =	simm.s32 $0xFFFFFFFF;
	p2 =	slt.u32 s8, $0xFFFFF086  }
0x1c: {  	p1 =	slt.u32 s9, $0xF7A;
	s5 =	simm.s32 @!p2 $0x0  }
0x1d: {  	s5 =	simm.s32 @p1 $0x1;
	p0 =	seq.s32 s7, s2  }
0x1e: {  	s7 =	smul.u32 @!p0 $0xF7A, s2;
	p2 =	seq.s32 @!p0 s5, $0x0  }
0x1f: {  	s9 =	smul.u32 $0xF7A, s1;
	s8 =	simm.s32 @!p0 $0x1BF5;
	p2 =	por !p2, p0  }
0x20: {  	[sflag:s8] =	ssyncset.s32 @!p0 $0xFFFFF086;
	s6 =	sadd.s32 @!p0 s3, s7;
	s7 =	simm.s32 @!p0 $0x108  }
0x21: {  	s3 =	sadd.s32 s3, s9;
	s6 =	sadd.s32 @!p0 $0x88, s6;
	s7 =	simm.s32 @p2 $0x1082  }
0x22: {  	[simem:s7], [sflag:s8] =	dma.local @!p0 [hbm:s6], $0xF7A  }
0x23: {  	s9 =	sor.u32 $0xD0000000, s2;
	s6 =	simm.s32 $0x108;
	_ =	swait.ge @!p0 [sflag:s8], $0x0  }
0x24: {  	s3 =	sadd.s32 $0x88, s3;
	s6 =	simm.s32 @!p1 $0x1082;
	[sflag:s4] =	ssyncset.s32 $0xFFFFF086  }
0x25: {  	[simem:s6], [sflag:s4] =	dma.local [hbm:s3], $0xF7A  }
0x26: {  	[smem:$0x3F85] =	sst s1;
	(tag) =	ssettag s2;
	_ =	strace s9  }
0x27: {  	s1 =	sld [smem:$0x3F95]  }
0x28: {  	s2 =	sld [smem:$0x3F96]  }
0x29: {  	s4 =	sld [smem:$0x3F98]  }
0x2a: {  	p0 =	seq.s32 s5, $0x0;
	s5 =	sld [smem:$0x3F99]  }
0x2b: {  	s6 =	sld [smem:$0x3F9A]  }
0x2c: {  	s7 =	sld [smem:$0x3F9B]  }
0x2d: {  	s3 =	simm.s32 $0x108;
	s8 =	sld [smem:$0x3F9C]  }
0x2e: {  	s3 =	simm.s32 @!p0 $0x1082;
	s9 =	sld [smem:$0x3F9D]  }
0x2f: {  	lr =	sadd.s32 s0, s3;
	s0 =	sld [smem:$0x3F94]  }
0x30: {  	s3 =	sld [smem:$0x3F97]  }
0x31: {  	[smem:$0x3FA0] =	sst s10  }
0x32: {  	s10 =	sld [smem:$0x3F9E];
	_ =	sdelay $0x3  }
0x33: {  	p0 =	seq.s32 s10, $0x1;
	s10 =	sld [smem:$0x3FA0];
	_ =	sdelay $0x3  }
0x34: {  	[smem:$0x3FA0] =	sst s10  }
0x35: {  	s10 =	sld [smem:$0x3F9F];
	_ =	sdelay $0x3  }
0x36: {  	p1 =	seq.s32 s10, $0x1;
	s10 =	sld [smem:$0x3FA0];
	_ =	sdelay $0x3  }
0x37: {  	[smem:$0x3FA0] =	sst s10  }
0x38: {  	s10 =	sld [smem:$0x3FA1]  }
0x39: {  	_ = 	snop;
	(pc) =	sbr.ind lr, $3  }
0x3a: {  	_ = 	snop  }
0x3b: {  	_ = 	snop  }
0x3c: {  	p2 =	seq.s32 s10, $0x1;
	s10 =	sld [smem:$0x3FA0]  }
0x3d: {  	_ =	shalt  }
0x3e: {  	_ =	shalt  }
0x3f: {  	_ =	shalt  }
0x40: {  	_ =	shalt  }
0x41: {  	_ =	shalt  }
0x42: {  	_ =	shalt  }
0x43: {  	_ =	shalt  }
0x44: {  	_ =	shalt  }
0x45: {  	_ =	shalt  }
0x46: {  	_ =	shalt  }
0x47: {  	_ =	shalt  }
0x48: {  	_ =	shalt  }
0x49: {  	_ =	shalt  }
0x4a: {  	_ =	shalt  }
0x4b: {  	_ =	shalt  }
0x4c: {  	_ =	shalt  }
0x4d: {  	_ =	shalt  }
0x4e: {  	_ =	shalt  }
0x4f: {  	_ =	shalt  }
0x50: {  	_ =	shalt  }
0x51: {  	_ =	shalt  }
0x52: {  	_ =	shalt  }
0x53: {  	_ =	shalt  }
0x54: {  	_ =	shalt  }
0x55: {  	_ =	shalt  }
0x56: {  	_ =	shalt  }
0x57: {  	_ =	shalt  }
0x58: {  	_ =	shalt  }
0x59: {  	_ =	shalt  }
0x5a: {  	_ =	shalt  }
0x5b: {  	_ =	shalt  }
0x5c: {  	_ =	shalt  }
0x5d: {  	_ =	shalt  }
0x5e: {  	_ =	shalt  }
0x5f: {  	_ =	shalt  }
0x60: {  	_ =	shalt  }
0x61: {  	_ =	shalt  }
0x62: {  	_ =	shalt  }
0x63: {  	_ =	shalt  }
0x64: {  	_ =	shalt  }
0x65: {  	_ =	shalt  }
0x66: {  	_ =	shalt  }
0x67: {  	_ =	shalt  }
0x68: {  	_ =	shalt  }
0x69: {  	_ =	shalt  }
0x6a: {  	_ =	shalt  }
0x6b: {  	_ =	shalt  }
0x6c: {  	_ =	shalt  }
0x6d: {  	_ =	shalt  }
0x6e: {  	_ =	shalt  }
0x6f: {  	_ =	shalt  }
0x70: {  	_ =	shalt  }
0x71: {  	_ =	shalt  }
0x72: {  	_ =	shalt  }
0x73: {  	_ =	shalt  }
0x74: {  	_ =	shalt  }
0x75: {  	_ =	shalt  }
0x76: {  	_ =	shalt  }
0x77: {  	_ =	shalt  }
0x78: {  	_ =	shalt  }
0x79: {  	_ =	shalt  }
0x7a: {  	_ =	shalt  }
0x7b: {  	_ =	shalt  }
0x7c: {  	_ =	shalt  }
0x7d: {  	_ =	shalt  }
0x7e: {  	_ =	shalt  }
0x7f: {  	_ =	shalt  }
0x80: {  	_ =	shalt  }
0x81: {  	_ =	shalt  }
0x82: {  	_ =	shalt  }
0x83: {  	_ =	shalt  }
0x84: {  	_ =	shalt  }
0x85: {  	_ =	shalt  }
0x86: {  	_ =	shalt  }
0x87: {  	_ =	shalt  }
.Lfunc_end0:
.L_simem_size_0:
called_computation.2_lowered:
.L_overlay_start_0:
0x88: {  	s2 =	sld [smem:$0x3FD9]  }
0x89: {  	s3 =	sld [smem:$0x3FFE];
	_ =	sdelay $0x1  }
0x8a: {  	s1 =	srdreg.scid  }
0x8b: {  	s0 =	sand.u32 $0x1, s1  }
0x8c: {  	s17 =	sshll.u32 s0, $0xA;
	s2 =	sadd.s32 s3, s2  }
0x8d: {  	s2 =	sadd.s32 s2, s17  }
0x8e: {  	[smem:$0x3FAC] =	sst s2  }
0x8f: {  	_ = 	snop  }
0x90: {  	s2 =	sld [smem:$0x3FC6]  }
0x91: {  	s18 =	sld [smem:$0x3FC5];
	(tm) =	ssettm $0x1  }
0x92: {  	s4 =	sld [smem:$0x3FFB];
	_ =	sdelay $0x3  }
0x93: {  	_ =	strace s4  }
0x94: {  	s4 =	sld [smem:$0x3FFC];
	_ =	sdelay $0x3  }
0x95: {  	_ =	strace s4  }
0x96: {  	s4 =	sld [smem:$0x3FFD];
	_ =	sdelay $0x3  }
0x97: {  	_ =	strace s4  }
0x98: {  	_ =	strace $0x8FFFFFFF  }
0x99: {  	s19 =	sld [smem:$0x3FDB];
	_ =	sdelay $0x1  }
0x9a: {  	s5 =	simm.s32 $_scs_section_size  }
0x9b: {  	s6 =	simm.s32 $_size__tile_overlayer_lowered;
	s7 =	simm.s32 $_tile_overlayer_lowered  }
0x9c: {  	s22 =	simm.s32 $0x1BFF;
	s21 =	sshll.u32 s7, $0x1;
	s4 =	sadd.s32 s5, s19  }
0x9d: {  	s8 =	simm.s32 $0x0;
	s20 =	sshll.u32 s6, $0x1;
	s6 =	sadd.s32 s21, s4  }
0x9e: {  	[timem:s8], [sflag:s22] =	dma.local [hbm:s6], s20  }
0x9f: {  	_ =	swait.ge [sflag:s22], s20  }
0xa0: {  	s5 =	ssub.s32 $0x0, s20;
	[sflag:s22] =	ssyncset.done $0x0  }
0xa1: {  	[sflag:s22] =	ssyncadd.s32 s5;
	_ =	sdelay $0x1  }
0xa2: {  	s23 =	simm.s32 $0x1B8B  }
0xa3: {  	_ =	swait.ge [sflag:s23], $0x1  }
0xa4: {  	[sflag:s23] =	ssyncset.done $0x0  }
0xa5: {  	s25 =	simm.s32 $0x1B8E;
	s24 =	sld [smem:$0x3FFE];
	[sflag:s23] =	ssyncadd.s32 $0xFFFFFFFF  }
0xa6: {  	s26 =	simm.s32 $execute0_lowered;
	[smem:$0x3FD2] =	sst s25  }
0xa7: {  	s6 =	sshll.u32 s26, $0x1;
	_ =	strace $0x8000004C;
	[dreg:$0x1] =	wrdreg $0xFFFFFFFF  }
0xa8: {  	s28 =	simm.s32 $_size_execute0_lowered;
	s4 =	sadd.s32 s4, s6;
	[dreg:$0x0] =	wrdreg $0x0  }
0xa9: {  	s6 =	sshll.u32 s28, $0x1;
	[dreg:$0x2] =	wrdreg s4  }
0xaa: {  	[dreg:$0x3] =	wrdreg s6  }
0xab: {  	[dreg:$0x4] =	wrdreg $0xC0  }
0xac: {  	_ =	task [dreg:s8], $0x5FFFF  }
0xad: {  	[dreg:$0x1] =	wrdreg $0xFFFFFFFF  }
0xae: {  	[dreg:$0x0] =	wrdreg $0x60  }
0xaf: {  	[dreg:$0x2] =	wrdreg s24  }
0xb0: {  	[dreg:$0x3] =	wrdreg s2  }
0xb1: {  	[dreg:$0x4] =	wrdreg s18  }
0xb2: {  	[dreg:$0x5] =	wrdreg $0x9  }
0xb3: {  	_ =	task.clear_ibuf [dreg:s8], $0x6FFFF;
	_ =	strace $0x9000004C  }
0xb4: {  	s29 =	simm.s32 $0x9;
	_ =	strace $0x8000004E  }
0xb5: {  	_ =	swait.ge [sflag:s29], $0x1  }
0xb6: {  	[sflag:s29] =	ssyncadd.s32 $0xFFFFFFFF  }
0xb7: {  	_ =	strace $0x9000004E  }
0xb8: {  	_ =	sfence  }
0xb9: {  	s30 =	sld [smem:$0x0];
	_ =	sdelay $0x2  }
0xba: {  	s31 =	sshll.u32 s1, $0xD;
	s1 =	sshrl.u32 s1, $0x2  }
0xbb: {  	s3 =	sand.u32 $0x4000, s31;
	s1 =	sadd.s32 s1, s30  }
0xbc: {  	s0 =	sor.u32 s3, s0;
	s1 =	sshll.u32 s1, $0x11  }
0xbd: {  	s0 =	sor.u32 s1, s0  }
0xbe: {  	s0 =	sadd.s32 $0x8F2B, s0  }
0xbf: {  	[sflag:s0] =	ssyncadd.remote.s32 $0x1  }
0xc0: {  	_ =	sfence.sel $0xFFFF  }
0xc1: {  	[dreg:$0x0] =	wrdreg $0xFFFFFFFF;
	(pc) =	sbr.abs _section_cstart, $3  }
0xc2: {  	[dreg:$0x1] =	wrdreg $0xFFFFFFFF  }
0xc3: {  	_ =	task.clear_ibuf [dreg:s8], $0x2FFFF;
	_ =	strace $0x9FFFFFFF  }
0xc4: {  	(tm) =	ssettm $0x7FFFFFFF  }
0xc5: {  	_ =	shalt  }
tec
execute0_lowered:
.L_overlay_start_1:
0x0: {  	(tag) =	ssettag $0x1  }
0x1: {  	s3 =	rddreg [dreg:$0x0]  }
0x2: {  	s0 =	rddreg [dreg:$0x1]  }
0x3: {  	s13 =	rddreg [dreg:$0x2]  }
0x4: {  	[dreg:$0x4] =	wrdreg s0  }
0x5: {  	[dreg:$0x5] =	wrdreg s13  }
0x6: {  	s1 =	simm.s32 $0x0;
	s0 =	rddreg [dreg:$0x3]  }
0x7: {  	[smem:$0x7FF] =	sst s1;
	s2 =	sadd.s32 $0x54600, s3  }
0x8: {  	s5 =	sadd.s32 $0xF0A00, s3;
	_ =	strace $0x8000004D;
	[dreg:$0x6] =	wrdreg s2  }
0x9: {  	s15 =	simm.s32 $0x80;
	[dreg:$0x7] =	wrdreg s5  }
0xa: {  	s16 =	simm.s32 $0x900;
	[dreg:$0x9] =	wrdreg s15  }
0xb: {  	s17 =	simm.s32 $0x1100;
	[dreg:$0xa] =	wrdreg s16  }
0xc: {  	s18 =	simm.s32 $0x1900;
	[dreg:$0xb] =	wrdreg s17  }
0xd: {  	s19 =	simm.s32 $0x2100;
	[dreg:$0xc] =	wrdreg s18  }
0xe: {  	s20 =	simm.s32 $0x2900;
	[dreg:$0xd] =	wrdreg s19  }
0xf: {  	s4 =	srdreg.scid;
	s21 =	simm.s32 $0x3100;
	[dreg:$0xe] =	wrdreg s20  }
0x10: {  	s22 =	simm.s32 $0x3900;
	s23 =	simm.s32 $0x4100;
	[dreg:$0xf] =	wrdreg s21  }
0x11: {  	s24 =	simm.s32 $0x4900;
	s25 =	simm.s32 $0x5100;
	[dreg:$0x10] =	wrdreg s22  }
0x12: {  	s28 =	simm.s32 $0x5900;
	s29 =	simm.s32 $0x6100;
	[dreg:$0x11] =	wrdreg s23  }
0x13: {  	s30 =	simm.s32 $0x6900;
	s7 =	simm.s32 $0x7100;
	[dreg:$0x12] =	wrdreg s24  }
0x14: {  	s31 =	simm.s32 $0x7900;
	s8 =	simm.s32 $0x8900;
	[dreg:$0x13] =	wrdreg s25  }
0x15: {  	s9 =	simm.s32 $0x9900;
	s10 =	simm.s32 $0xA100;
	[dreg:$0x14] =	wrdreg s28  }
0x16: {  	s11 =	simm.s32 $0xA900;
	s12 =	simm.s32 $0xB100;
	[dreg:$0x15] =	wrdreg s29  }
0x17: {  	s4 =	sand.u32 $0x1, s4;
	s3 =	sadd.s32 $0x6200, s3;
	[dreg:$0x16] =	wrdreg s30  }
0x18: {  	s13 =	simm.s32 $0xB900;
	s2 =	stileid.u32;
	[dreg:$0x17] =	wrdreg s7  }
0x19: {  	s5 =	simm.s32 $0x3;
	[dreg:$0x18] =	wrdreg s31;
	s7 =	simm.s32 $0x8100  }
0x1a: {  	[dreg:$0x19] =	wrdreg s8;
	s8 =	simm.s32 $0x9100;
	s15 =	simm.s32 $0xC900  }
0x1b: {  	s16 =	simm.s32 $0xD100;
	s17 =	simm.s32 $0xD900;
	s18 =	simm.s32 $0xE100  }
0x1c: {  	s19 =	simm.s32 $0xE900;
	s20 =	simm.s32 $0xF100;
	s6 =	sshll.u32 s2, $0x1  }
0x1d: {  	s21 =	simm.s32 $0xF900;
	s14 =	sor.u32 s4, s6;
	s4 =	ssub.s32 $0x2, s4  }
0x1e: {  	v2 =	vlaneseq.u32;
	s22 =	simm.s32 $0x1;
	s23 =	simm.s32 $0x2;
	s26 =	sshrl.u32 s4, $0x1  }
0x1f: {  	vm0 =	vmmov $0xffff;
	v1 =	vshrl.u32 v2, $0x3;
	s24 =	simm.s32 $0x0;
	s6 =	simm.s32 $0x100;
	s4 =	ssub.s32 s4, s26  }
0x20: {  	v0 =	vand.u32 $0x7, v2;
	v2 =	vor.u32 $0x8, v2;
	v1 =	vmul.u32 $0x8, v1;
	[dreg:$0x8] =	wrdreg s14;
	s14 =	simm.s32 $0xC100;
	s4 =	smax.u32 s4, $0x1  }
.LBB2_1:
0x21: {  	s25 =	simm.s32 $0x0  }
.LBB2_2:
0x22: {  	s26 =	rddreg [dreg:$0x8]  }
0x23: {  	s26 =	sadd.s32 s25, s26  }
0x24: {  	p0 =	slt.s32 s26, $0x9C  }
0x25: {  	s26 =	simm.s32 @!p0 $0x9C  }
0x26: {  	s26 =	sshll.u32 s26, $0x7  }
0x27: {  	s26 =	smin.u32 s26, $0x4DA0  }
0x28: {  	s28 =	rddreg [dreg:$0x4];
	s29 =	sshrl.u32 s26, $0x3  }
0x29: {  	s28 =	sadd.s32 s28, s29  }
0x2a: {  	[tilespmem:s1], [sflag:$0x3] =	stream.linear.gather [hbm4b:s28+s1], $0x80, $0x38;
	[tilespmem:$0x10100] =	vst v63  }
0x2b: {  	_ =	swait.ge [sflag:s5], $0x80  }
0x2c: {  	s31 =	rddreg [dreg:$0x5];
	[sflag:s5] =	ssyncset.done $0x0  }
0x2d: {  	s30 =	rddreg [dreg:$0x9];
	s28 =	sadd.s32 s31, s29;
	[sflag:s5] =	ssyncadd.s32 $0xFFFFFF80  }
0x2e: {  	[tilespmem:s30], [sflag:$0x3] =	stream.linear.gather [hbm4b:s28+s1], $0x80, $0x38;
	[tilespmem:$0x10100] =	vst v63  }
0x2f: {  	_ =	swait.ge [sflag:s5], $0x80  }
0x30: {  	[sflag:s5] =	ssyncset.done $0x0  }
0x31: {  	[sflag:s5] =	ssyncadd.s32 $0xFFFFFF80  }
0x32: {  	v3 =	vld [tilespmem:$0x0];
	_ =	sdelay $0x4  }
0x33: {  	v4 =	vshll.u32 v3, $0x1  }
0x34: {  	v3 =	vand.u32 $0x7, v3;
	v4 =	vand.u32 $0xFFFFFFF0, v4  }
0x35: {  	v3 =	vor.u32 v3, v4  }
0x36: {  	v4 =	vperm.xlane v3, v0;
	_ =	sdelay $0x1  }
0x37: {  	v3 =	vperm.xlane v3, v2;
	v4 =	vadd.s32 v1, v4;
	_ =	sdelay $0x1  }
0x38: {  	v3 =	vadd.s32 v1, v3;
	_ =	sdelay $0x2  }
0x39: {  	[tilespmem:s6], [sflag:$0x1] =	stream.indirect_vreg.gather [hbm4b:s3+s1], $0x80, v4, vm0, $0xb8;
	[tilespmem:$0x10100] =	vst v63  }
0x3a: {  	s29 =	rddreg [dreg:$0xa]  }
0x3b: {  	[tilespmem:s29], [sflag:$0x1] =	stream.indirect_vreg.gather [hbm4b:s3+s1], $0x80, v3, vm0, $0xb8;
	[tilespmem:$0x10100] =	vst v63  }
0x3c: {  	v3 =	vld [tilespmem:$0x10];
	_ =	sdelay $0x4  }
0x3d: {  	v49 =	vshll.u32 v3, $0x1  }
0x3e: {  	v3 =	vand.u32 $0x7, v3;
	v4 =	vand.u32 $0xFFFFFFF0, v49  }
0x3f: {  	v3 =	vor.u32 v3, v4  }
0x40: {  	v4 =	vperm.xlane v3, v0;
	_ =	sdelay $0x1  }
0x41: {  	v3 =	vperm.xlane v3, v2;
	v4 =	vadd.s32 v1, v4;
	_ =	sdelay $0x1  }
0x42: {  	v3 =	vadd.s32 v1, v3;
	_ =	sdelay $0x1  }
0x43: {  	s30 =	rddreg [dreg:$0xb]  }
0x44: {  	[tilespmem:s30], [sflag:$0x1] =	stream.indirect_vreg.gather [hbm4b:s3+s1], $0x80, v4, vm0, $0xb8;
	[tilespmem:$0x10100] =	vst v63  }
0x45: {  	s31 =	rddreg [dreg:$0xc]  }
0x46: {  	[tilespmem:s31], [sflag:$0x1] =	stream.indirect_vreg.gather [hbm4b:s3+s1], $0x80, v3, vm0, $0xb8;
	[tilespmem:$0x10100] =	vst v63  }
0x47: {  	v3 =	vld [tilespmem:$0x20];
	_ =	sdelay $0x4  }
0x48: {  	v50 =	vshll.u32 v3, $0x1  }
0x49: {  	v3 =	vand.u32 $0x7, v3;
	v4 =	vand.u32 $0xFFFFFFF0, v50  }
0x4a: {  	v3 =	vor.u32 v3, v4  }
0x4b: {  	v4 =	vperm.xlane v3, v0;
	_ =	sdelay $0x1  }
0x4c: {  	v3 =	vperm.xlane v3, v2;
	v4 =	vadd.s32 v1, v4;
	_ =	sdelay $0x1  }
0x4d: {  	v3 =	vadd.s32 v1, v3;
	_ =	sdelay $0x1  }
0x4e: {  	s30 =	rddreg [dreg:$0xd]  }
0x4f: {  	[tilespmem:s30], [sflag:$0x1] =	stream.indirect_vreg.gather [hbm4b:s3+s1], $0x80, v4, vm0, $0xb8;
	[tilespmem:$0x10100] =	vst v63  }
0x50: {  	s31 =	rddreg [dreg:$0xe]  }
0x51: {  	[tilespmem:s31], [sflag:$0x1] =	stream.indirect_vreg.gather [hbm4b:s3+s1], $0x80, v3, vm0, $0xb8;
	[tilespmem:$0x10100] =	vst v63  }
0x52: {  	v3 =	vld [tilespmem:$0x30];
	_ =	sdelay $0x4  }
0x53: {  	v51 =	vshll.u32 v3, $0x1  }
0x54: {  	v3 =	vand.u32 $0x7, v3;
	v4 =	vand.u32 $0xFFFFFFF0, v51  }
0x55: {  	v3 =	vor.u32 v3, v4  }
0x56: {  	v4 =	vperm.xlane v3, v0;
	_ =	sdelay $0x1  }
0x57: {  	v3 =	vperm.xlane v3, v2;
	v4 =	vadd.s32 v1, v4;
	_ =	sdelay $0x1  }
0x58: {  	v3 =	vadd.s32 v1, v3;
	_ =	sdelay $0x1  }
0x59: {  	s30 =	rddreg [dreg:$0xf]  }
0x5a: {  	[tilespmem:s30], [sflag:$0x1] =	stream.indirect_vreg.gather [hbm4b:s3+s1], $0x80, v4, vm0, $0xb8;
	[tilespmem:$0x10100] =	vst v63  }
0x5b: {  	s31 =	rddreg [dreg:$0x10]  }
0x5c: {  	[tilespmem:s31], [sflag:$0x1] =	stream.indirect_vreg.gather [hbm4b:s3+s1], $0x80, v3, vm0, $0xb8;
	[tilespmem:$0x10100] =	vst v63  }
0x5d: {  	v3 =	vld [tilespmem:$0x40];
	_ =	sdelay $0x4  }
0x5e: {  	v52 =	vshll.u32 v3, $0x1  }
0x5f: {  	v3 =	vand.u32 $0x7, v3;
	v4 =	vand.u32 $0xFFFFFFF0, v52  }
0x60: {  	v3 =	vor.u32 v3, v4  }
0x61: {  	v4 =	vperm.xlane v3, v0;
	_ =	sdelay $0x1  }
0x62: {  	v3 =	vperm.xlane v3, v2;
	v4 =	vadd.s32 v1, v4;
	_ =	sdelay $0x1  }
0x63: {  	v3 =	vadd.s32 v1, v3;
	_ =	sdelay $0x1  }
0x64: {  	s30 =	rddreg [dreg:$0x11]  }
0x65: {  	[tilespmem:s30], [sflag:$0x1] =	stream.indirect_vreg.gather [hbm4b:s3+s1], $0x80, v4, vm0, $0xb8;
	[tilespmem:$0x10100] =	vst v63  }
0x66: {  	s31 =	rddreg [dreg:$0x12]  }
0x67: {  	[tilespmem:s31], [sflag:$0x1] =	stream.indirect_vreg.gather [hbm4b:s3+s1], $0x80, v3, vm0, $0xb8;
	[tilespmem:$0x10100] =	vst v63  }
0x68: {  	v3 =	vld [tilespmem:$0x50];
	_ =	sdelay $0x4  }
0x69: {  	v53 =	vshll.u32 v3, $0x1  }
0x6a: {  	v3 =	vand.u32 $0x7, v3;
	v4 =	vand.u32 $0xFFFFFFF0, v53  }
0x6b: {  	v3 =	vor.u32 v3, v4  }
0x6c: {  	v4 =	vperm.xlane v3, v0;
	_ =	sdelay $0x1  }
0x6d: {  	v3 =	vperm.xlane v3, v2;
	v4 =	vadd.s32 v1, v4;
	_ =	sdelay $0x1  }
0x6e: {  	v3 =	vadd.s32 v1, v3;
	_ =	sdelay $0x1  }
0x6f: {  	s30 =	rddreg [dreg:$0x13]  }
0x70: {  	[tilespmem:s30], [sflag:$0x1] =	stream.indirect_vreg.gather [hbm4b:s3+s1], $0x80, v4, vm0, $0xb8;
	[tilespmem:$0x10100] =	vst v63  }
0x71: {  	s31 =	rddreg [dreg:$0x14]  }
0x72: {  	[tilespmem:s31], [sflag:$0x1] =	stream.indirect_vreg.gather [hbm4b:s3+s1], $0x80, v3, vm0, $0xb8;
	[tilespmem:$0x10100] =	vst v63  }
0x73: {  	v3 =	vld [tilespmem:$0x60];
	_ =	sdelay $0x4  }
0x74: {  	v54 =	vshll.u32 v3, $0x1  }
0x75: {  	v3 =	vand.u32 $0x7, v3;
	v4 =	vand.u32 $0xFFFFFFF0, v54  }
0x76: {  	v3 =	vor.u32 v3, v4  }
0x77: {  	v4 =	vperm.xlane v3, v0;
	_ =	sdelay $0x1  }
0x78: {  	v3 =	vperm.xlane v3, v2;
	v4 =	vadd.s32 v1, v4;
	_ =	sdelay $0x1  }
0x79: {  	v3 =	vadd.s32 v1, v3;
	_ =	sdelay $0x1  }
0x7a: {  	s30 =	rddreg [dreg:$0x15]  }
0x7b: {  	[tilespmem:s30], [sflag:$0x1] =	stream.indirect_vreg.gather [hbm4b:s3+s1], $0x80, v4, vm0, $0xb8;
	[tilespmem:$0x10100] =	vst v63  }
0x7c: {  	s31 =	rddreg [dreg:$0x16]  }
0x7d: {  	[tilespmem:s31], [sflag:$0x1] =	stream.indirect_vreg.gather [hbm4b:s3+s1], $0x80, v3, vm0, $0xb8;
	[tilespmem:$0x10100] =	vst v63  }
0x7e: {  	v3 =	vld [tilespmem:$0x70];
	_ =	sdelay $0x4  }
0x7f: {  	v55 =	vshll.u32 v3, $0x1  }
0x80: {  	v3 =	vand.u32 $0x7, v3;
	v4 =	vand.u32 $0xFFFFFFF0, v55  }
0x81: {  	v3 =	vor.u32 v3, v4  }
0x82: {  	v4 =	vperm.xlane v3, v0;
	_ =	sdelay $0x1  }
0x83: {  	v3 =	vperm.xlane v3, v2;
	v4 =	vadd.s32 v1, v4;
	_ =	sdelay $0x1  }
0x84: {  	v3 =	vadd.s32 v1, v3;
	_ =	sdelay $0x1  }
0x85: {  	s30 =	rddreg [dreg:$0x17]  }
0x86: {  	[tilespmem:s30], [sflag:$0x1] =	stream.indirect_vreg.gather [hbm4b:s3+s1], $0x80, v4, vm0, $0xb8;
	[tilespmem:$0x10100] =	vst v63  }
0x87: {  	s31 =	rddreg [dreg:$0x18]  }
0x88: {  	[tilespmem:s31], [sflag:$0x1] =	stream.indirect_vreg.gather [hbm4b:s3+s1], $0x80, v3, vm0, $0xb8;
	[tilespmem:$0x10100] =	vst v63  }
0x89: {  	v3 =	vld [tilespmem:$0x80];
	_ =	sdelay $0x4  }
0x8a: {  	v56 =	vshll.u32 v3, $0x1  }
0x8b: {  	v3 =	vand.u32 $0x7, v3;
	v4 =	vand.u32 $0xFFFFFFF0, v56  }
0x8c: {  	v3 =	vor.u32 v3, v4  }
0x8d: {  	v4 =	vperm.xlane v3, v0;
	_ =	sdelay $0x1  }
0x8e: {  	v3 =	vperm.xlane v3, v2;
	v4 =	vadd.s32 v1, v4;
	_ =	sdelay $0x1  }
0x8f: {  	v3 =	vadd.s32 v1, v3;
	_ =	sdelay $0x2  }
0x90: {  	[tilespmem:s7], [sflag:$0x2] =	stream.indirect_vreg.gather [hbm4b:s3+s1], $0x80, v4, vm0, $0xb8;
	[tilespmem:$0x10100] =	vst v63  }
0x91: {  	s29 =	rddreg [dreg:$0x19]  }
0x92: {  	[tilespmem:s29], [sflag:$0x2] =	stream.indirect_vreg.gather [hbm4b:s3+s1], $0x80, v3, vm0, $0xb8;
	[tilespmem:$0x10100] =	vst v63  }
0x93: {  	v3 =	vld [tilespmem:$0x90];
	_ =	sdelay $0x4  }
0x94: {  	v57 =	vshll.u32 v3, $0x1  }
0x95: {  	v3 =	vand.u32 $0x7, v3;
	v4 =	vand.u32 $0xFFFFFFF0, v57  }
0x96: {  	v3 =	vor.u32 v3, v4  }
0x97: {  	v4 =	vperm.xlane v3, v0;
	_ =	sdelay $0x1  }
0x98: {  	v3 =	vperm.xlane v3, v2;
	v4 =	vadd.s32 v1, v4;
	_ =	sdelay $0x1  }
0x99: {  	v3 =	vadd.s32 v1, v3;
	_ =	sdelay $0x2  }
0x9a: {  	[tilespmem:s8], [sflag:$0x2] =	stream.indirect_vreg.gather [hbm4b:s3+s1], $0x80, v4, vm0, $0xb8;
	[tilespmem:$0x10100] =	vst v63  }
0x9b: {  	_ = 	snop  }
0x9c: {  	[tilespmem:s9], [sflag:$0x2] =	stream.indirect_vreg.gather [hbm4b:s3+s1], $0x80, v3, vm0, $0xb8;
	[tilespmem:$0x10100] =	vst v63  }
0x9d: {  	v3 =	vld [tilespmem:$0xA0];
	_ =	sdelay $0x4  }
0x9e: {  	v58 =	vshll.u32 v3, $0x1  }
0x9f: {  	v3 =	vand.u32 $0x7, v3;
	v4 =	vand.u32 $0xFFFFFFF0, v58  }
0xa0: {  	v3 =	vor.u32 v3, v4  }
0xa1: {  	v4 =	vperm.xlane v3, v0;
	_ =	sdelay $0x1  }
0xa2: {  	v3 =	vperm.xlane v3, v2;
	v4 =	vadd.s32 v1, v4;
	_ =	sdelay $0x1  }
0xa3: {  	v3 =	vadd.s32 v1, v3;
	_ =	sdelay $0x2  }
0xa4: {  	[tilespmem:s10], [sflag:$0x2] =	stream.indirect_vreg.gather [hbm4b:s3+s1], $0x80, v4, vm0, $0xb8;
	[tilespmem:$0x10100] =	vst v63  }
0xa5: {  	_ = 	snop  }
0xa6: {  	[tilespmem:s11], [sflag:$0x2] =	stream.indirect_vreg.gather [hbm4b:s3+s1], $0x80, v3, vm0, $0xb8;
	[tilespmem:$0x10100] =	vst v63  }
0xa7: {  	v3 =	vld [tilespmem:$0xB0];
	_ =	sdelay $0x4  }
0xa8: {  	v59 =	vshll.u32 v3, $0x1  }
0xa9: {  	v3 =	vand.u32 $0x7, v3;
	v4 =	vand.u32 $0xFFFFFFF0, v59  }
0xaa: {  	v3 =	vor.u32 v3, v4  }
0xab: {  	v4 =	vperm.xlane v3, v0;
	_ =	sdelay $0x1  }
0xac: {  	v3 =	vperm.xlane v3, v2;
	v4 =	vadd.s32 v1, v4;
	_ =	sdelay $0x1  }
0xad: {  	v3 =	vadd.s32 v1, v3;
	_ =	sdelay $0x2  }
0xae: {  	[tilespmem:s12], [sflag:$0x2] =	stream.indirect_vreg.gather [hbm4b:s3+s1], $0x80, v4, vm0, $0xb8;
	[tilespmem:$0x10100] =	vst v63  }
0xaf: {  	_ = 	snop  }
0xb0: {  	[tilespmem:s13], [sflag:$0x2] =	stream.indirect_vreg.gather [hbm4b:s3+s1], $0x80, v3, vm0, $0xb8;
	[tilespmem:$0x10100] =	vst v63  }
0xb1: {  	v3 =	vld [tilespmem:$0xC0];
	_ =	sdelay $0x4  }
0xb2: {  	v60 =	vshll.u32 v3, $0x1  }
0xb3: {  	v3 =	vand.u32 $0x7, v3;
	v4 =	vand.u32 $0xFFFFFFF0, v60  }
0xb4: {  	v3 =	vor.u32 v3, v4  }
0xb5: {  	v4 =	vperm.xlane v3, v0;
	_ =	sdelay $0x1  }
0xb6: {  	v3 =	vperm.xlane v3, v2;
	v4 =	vadd.s32 v1, v4;
	_ =	sdelay $0x1  }
0xb7: {  	v3 =	vadd.s32 v1, v3;
	_ =	sdelay $0x2  }
0xb8: {  	[tilespmem:s14], [sflag:$0x2] =	stream.indirect_vreg.gather [hbm4b:s3+s1], $0x80, v4, vm0, $0xb8;
	[tilespmem:$0x10100] =	vst v63  }
0xb9: {  	_ = 	snop  }
0xba: {  	[tilespmem:s15], [sflag:$0x2] =	stream.indirect_vreg.gather [hbm4b:s3+s1], $0x80, v3, vm0, $0xb8;
	[tilespmem:$0x10100] =	vst v63  }
0xbb: {  	v3 =	vld [tilespmem:$0xD0];
	_ =	sdelay $0x4  }
0xbc: {  	v61 =	vshll.u32 v3, $0x1  }
0xbd: {  	v3 =	vand.u32 $0x7, v3;
	v4 =	vand.u32 $0xFFFFFFF0, v61  }
0xbe: {  	v3 =	vor.u32 v3, v4  }
0xbf: {  	v4 =	vperm.xlane v3, v0;
	_ =	sdelay $0x1  }
0xc0: {  	v3 =	vperm.xlane v3, v2;
	v4 =	vadd.s32 v1, v4;
	_ =	sdelay $0x1  }
0xc1: {  	v3 =	vadd.s32 v1, v3;
	_ =	sdelay $0x2  }
0xc2: {  	[tilespmem:s16], [sflag:$0x2] =	stream.indirect_vreg.gather [hbm4b:s3+s1], $0x80, v4, vm0, $0xb8;
	[tilespmem:$0x10100] =	vst v63  }
0xc3: {  	_ = 	snop  }
0xc4: {  	[tilespmem:s17], [sflag:$0x2] =	stream.indirect_vreg.gather [hbm4b:s3+s1], $0x80, v3, vm0, $0xb8;
	[tilespmem:$0x10100] =	vst v63  }
0xc5: {  	v3 =	vld [tilespmem:$0xE0];
	_ =	sdelay $0x4  }
0xc6: {  	v62 =	vshll.u32 v3, $0x1  }
0xc7: {  	v3 =	vand.u32 $0x7, v3;
	v4 =	vand.u32 $0xFFFFFFF0, v62  }
0xc8: {  	v3 =	vor.u32 v3, v4  }
0xc9: {  	v4 =	vperm.xlane v3, v0;
	_ =	sdelay $0x1  }
0xca: {  	v3 =	vperm.xlane v3, v2;
	v4 =	vadd.s32 v1, v4;
	_ =	sdelay $0x1  }
0xcb: {  	v3 =	vadd.s32 v1, v3;
	_ =	sdelay $0x2  }
0xcc: {  	[tilespmem:s18], [sflag:$0x2] =	stream.indirect_vreg.gather [hbm4b:s3+s1], $0x80, v4, vm0, $0xb8;
	[tilespmem:$0x10100] =	vst v63  }
0xcd: {  	_ = 	snop  }
0xce: {  	[tilespmem:s19], [sflag:$0x2] =	stream.indirect_vreg.gather [hbm4b:s3+s1], $0x80, v3, vm0, $0xb8;
	[tilespmem:$0x10100] =	vst v63  }
0xcf: {  	v3 =	vld [tilespmem:$0xF0];
	_ =	sdelay $0x4  }
0xd0: {  	v63 =	vshll.u32 v3, $0x1  }
0xd1: {  	v3 =	vand.u32 $0x7, v3;
	v4 =	vand.u32 $0xFFFFFFF0, v63  }
0xd2: {  	v3 =	vor.u32 v3, v4  }
0xd3: {  	v4 =	vperm.xlane v3, v0;
	_ =	sdelay $0x1  }
0xd4: {  	v3 =	vperm.xlane v3, v2;
	v4 =	vadd.s32 v1, v4;
	_ =	sdelay $0x1  }
0xd5: {  	v3 =	vadd.s32 v1, v3;
	_ =	sdelay $0x2  }
0xd6: {  	[tilespmem:s20], [sflag:$0x2] =	stream.indirect_vreg.gather [hbm4b:s3+s1], $0x80, v4, vm0, $0xb8;
	[tilespmem:$0x10100] =	vst v63  }
0xd7: {  	_ = 	snop  }
0xd8: {  	[tilespmem:s21], [sflag:$0x2] =	stream.indirect_vreg.gather [hbm4b:s3+s1], $0x80, v3, vm0, $0xb8;
	[tilespmem:$0x10100] =	vst v63  }
0xd9: {  	_ =	swait.ge [sflag:s22], $0x8000  }
0xda: {  	s26 =	sshll.u32 s26, $0x5;
	s30 =	rddreg [dreg:$0x6];
	[sflag:s22] =	ssyncset.done $0x0  }
0xdb: {  	[sflag:s22] =	ssyncadd.s32 $0xFFFF8000;
	s28 =	sadd.s32 s30, s26  }
0xdc: {  	[hbm4b:s28+s1] =	stream.linear.scatter [tilespmem:s6], [sflag:$0x3], $0x8000, $0x38;
	[tilespmem:$0x10100] =	vst v63  }
0xdd: {  	_ =	swait.ge [sflag:s5], $0x8000  }
0xde: {  	[sflag:s5] =	ssyncset.done $0x0  }
0xdf: {  	[sflag:s5] =	ssyncadd.s32 $0xFFFF8000  }
0xe0: {  	_ =	swait.ge [sflag:s23], $0x8000  }
0xe1: {  	p0 =	sne.s32 s25, $0x80;
	s31 =	rddreg [dreg:$0x7];
	[sflag:s23] =	ssyncset.done $0x0  }
.Ltmp0:
0xe2: {  	[sflag:s23] =	ssyncadd.s32 $0xFFFF8000;
	s26 =	sadd.s32 s31, s26;
	(pc) =	sbr.rel @p0 .LBB2_2-.Ltmp0, $4  }
0xe3: {  	[hbm4b:s26+s1] =	stream.linear.scatter [tilespmem:s7], [sflag:$0x3], $0x8000, $0x38;
	[tilespmem:$0x10100] =	vst v63  }
0xe4: {  	_ =	swait.ge [sflag:s5], $0x8000  }
0xe5: {  	[sflag:s5] =	ssyncset.done $0x0  }
0xe6: {  	s25 =	sadd.s32 $0x20, s25;
	[sflag:s5] =	ssyncadd.s32 $0xFFFF8000  }
0xe7: {  	s24 =	sadd.s32 $0x1, s24  }
0xe8: {  	p0 =	sne.s32 s24, s4  }
.Ltmp1:
0xe9: {  	_ = 	snop;
	(pc) =	sbr.rel @p0 .LBB2_1-.Ltmp1, $1  }
0xea: {  	_ =	sdelay $0x3  }
0xeb: {  	_ =	sfence.sel $0x180000  }
0xec: {  	[bflag:$0x0] =	sbarrier.arrive $0xFFFF  }
0xed: {  	p0 =	sne.s32 s2, $0x0;
	_ =	strace $0x9000004D  }
0xee: {  	s0 =	sadd.s32 @!p0 $0x100000, s0;
	[bflag:$0x2] =	sbarrier.arrive $0xFFFF  }
0xef: {  	[sflag:s0] =	ssyncadd.tile.s32 @!p0 $0x1;
	_ =	shalt  }
.Lfunc_end2:
_tile_overlayer_lowered:
.L_overlay_start_2:
0xf0: {  	(tag) =	ssettag $0x2  }
0xf1: {  	s0 =	rddreg [dreg:$0x0];
	s2 =	stileid.u32  }
0xf2: {  	s1 =	rddreg [dreg:$0x1];
	p0 =	sne.s32 s2, $0x0  }
0xf3: {  	s3 =	rddreg [dreg:$0x2];
	[bflag:$0x3] =	sbarrier.arrive $0xFFFF;
	s2 =	simm.s32 @!p0 $0x1C03  }
0xf4: {  	[timem:s3], [sflag:s2] =	dma.local @!p0 [hbm:s0], s1  }
0xf5: {  	s0 =	simm.s32 @!p0 $0x3  }
0xf6: {  	_ =	swait.ge @!p0 [sflag:s0], s1  }
0xf7: {  	s1 =	ssub.s32 @!p0 $0x0, s1;
	[sflag:s0] =	ssyncset.done @!p0 $0x0  }
0xf8: {  	[sflag:s0] =	ssyncadd.s32 @!p0 s1  }
0xf9: {  	[bflag:$0x3] =	sbarrier.arrive $0xFFFF  }
0xfa: {  	_ =	shalt  }

// kernel: kernel.8.cloned.1.call-start
scs
__scs_entry_jumppad:
0x0: {  	(pc) =	sbr.rel $0x88, $3  }
0x1: {  	(tag) =	ssettag $0x0;
	lr =	simm.s32 $0x1  }
0x2: {  	[smem:$0x3F85] =	sst lr;
	_ =	strace $0xD0000000  }
0x3: {  	_ = 	snop  }
0x4: {  	_ = 	snop  }
0x5: {  	_ = 	snop  }
0x6: {  	_ = 	snop  }
0x7: {  	_ = 	snop  }
__scs_overlays_trampoline_lowered:
0x8: {  	[smem:$0x3F94] =	sst s0  }
0x9: {  	[smem:$0x3F95] =	sst s1  }
0xa: {  	[smem:$0x3F96] =	sst s2  }
0xb: {  	[smem:$0x3F97] =	sst s3  }
0xc: {  	[smem:$0x3F98] =	sst s4  }
0xd: {  	[smem:$0x3F99] =	sst s5  }
0xe: {  	[smem:$0x3F9A] =	sst s6  }
0xf: {  	[smem:$0x3F9B] =	sst s7  }
0x10: {  	[smem:$0x3F9C] =	sst s8  }
0x11: {  	[smem:$0x3F9D] =	sst s9;
	s0 =	simm.s32 @!p0 $0x0  }
0x12: {  	s1 =	sld [smem:$0x3F83];
	s0 =	simm.s32 @p0 $0x1  }
0x13: {  	[smem:$0x3F9E] =	sst s0;
	s0 =	simm.s32 @!p1 $0x0  }
0x14: {  	s2 =	sld [smem:$0x3F82];
	s0 =	simm.s32 @p1 $0x1  }
0x15: {  	[smem:$0x3F9F] =	sst s0;
	s0 =	simm.s32 @!p2 $0x0  }
0x16: {  	s3 =	sld [smem:$0x3FDB];
	s0 =	simm.s32 @p2 $0x1  }
0x17: {  	s4 =	simm.s32 $0x1BF5;
	[smem:$0x3FA1] =	sst s0  }
0x18: {  	s0 =	sld [smem:$0x3F84];
	_ =	swait.ge [sflag:s4], $0x0  }
0x19: {  	s7 =	sld [smem:$0x3F85]  }
0x1a: {  	s8 =	sadd.s32 $0xFFFFE003, lr  }
0x1b: {  	s9 =	sadd.s32 $0xFFFFFEF7, lr;
	s5 =	simm.s32 $0xFFFFFFFF;
	p2 =	slt.u32 s8, $0xFFFFF086  }
0x1c: {  	p1 =	slt.u32 s9, $0xF7A;
	s5 =	simm.s32 @!p2 $0x0  }
0x1d: {  	s5 =	simm.s32 @p1 $0x1;
	p0 =	seq.s32 s7, s2  }
0x1e: {  	s7 =	smul.u32 @!p0 $0xF7A, s2;
	p2 =	seq.s32 @!p0 s5, $0x0  }
0x1f: {  	s9 =	smul.u32 $0xF7A, s1;
	s8 =	simm.s32 @!p0 $0x1BF5;
	p2 =	por !p2, p0  }
0x20: {  	[sflag:s8] =	ssyncset.s32 @!p0 $0xFFFFF086;
	s6 =	sadd.s32 @!p0 s3, s7;
	s7 =	simm.s32 @!p0 $0x108  }
0x21: {  	s3 =	sadd.s32 s3, s9;
	s6 =	sadd.s32 @!p0 $0x88, s6;
	s7 =	simm.s32 @p2 $0x1082  }
0x22: {  	[simem:s7], [sflag:s8] =	dma.local @!p0 [hbm:s6], $0xF7A  }
0x23: {  	s9 =	sor.u32 $0xD0000000, s2;
	s6 =	simm.s32 $0x108;
	_ =	swait.ge @!p0 [sflag:s8], $0x0  }
0x24: {  	s3 =	sadd.s32 $0x88, s3;
	s6 =	simm.s32 @!p1 $0x1082;
	[sflag:s4] =	ssyncset.s32 $0xFFFFF086  }
0x25: {  	[simem:s6], [sflag:s4] =	dma.local [hbm:s3], $0xF7A  }
0x26: {  	[smem:$0x3F85] =	sst s1;
	(tag) =	ssettag s2;
	_ =	strace s9  }
0x27: {  	s1 =	sld [smem:$0x3F95]  }
0x28: {  	s2 =	sld [smem:$0x3F96]  }
0x29: {  	s4 =	sld [smem:$0x3F98]  }
0x2a: {  	p0 =	seq.s32 s5, $0x0;
	s5 =	sld [smem:$0x3F99]  }
0x2b: {  	s6 =	sld [smem:$0x3F9A]  }
0x2c: {  	s7 =	sld [smem:$0x3F9B]  }
0x2d: {  	s3 =	simm.s32 $0x108;
	s8 =	sld [smem:$0x3F9C]  }
0x2e: {  	s3 =	simm.s32 @!p0 $0x1082;
	s9 =	sld [smem:$0x3F9D]  }
0x2f: {  	lr =	sadd.s32 s0, s3;
	s0 =	sld [smem:$0x3F94]  }
0x30: {  	s3 =	sld [smem:$0x3F97]  }
0x31: {  	[smem:$0x3FA0] =	sst s10  }
0x32: {  	s10 =	sld [smem:$0x3F9E];
	_ =	sdelay $0x3  }
0x33: {  	p0 =	seq.s32 s10, $0x1;
	s10 =	sld [smem:$0x3FA0];
	_ =	sdelay $0x3  }
0x34: {  	[smem:$0x3FA0] =	sst s10  }
0x35: {  	s10 =	sld [smem:$0x3F9F];
	_ =	sdelay $0x3  }
0x36: {  	p1 =	seq.s32 s10, $0x1;
	s10 =	sld [smem:$0x3FA0];
	_ =	sdelay $0x3  }
0x37: {  	[smem:$0x3FA0] =	sst s10  }
0x38: {  	s10 =	sld [smem:$0x3FA1]  }
0x39: {  	_ = 	snop;
	(pc) =	sbr.ind lr, $3  }
0x3a: {  	_ = 	snop  }
0x3b: {  	_ = 	snop  }
0x3c: {  	p2 =	seq.s32 s10, $0x1;
	s10 =	sld [smem:$0x3FA0]  }
0x3d: {  	_ =	shalt  }
0x3e: {  	_ =	shalt  }
0x3f: {  	_ =	shalt  }
0x40: {  	_ =	shalt  }
0x41: {  	_ =	shalt  }
0x42: {  	_ =	shalt  }
0x43: {  	_ =	shalt  }
0x44: {  	_ =	shalt  }
0x45: {  	_ =	shalt  }
0x46: {  	_ =	shalt  }
0x47: {  	_ =	shalt  }
0x48: {  	_ =	shalt  }
0x49: {  	_ =	shalt  }
0x4a: {  	_ =	shalt  }
0x4b: {  	_ =	shalt  }
0x4c: {  	_ =	shalt  }
0x4d: {  	_ =	shalt  }
0x4e: {  	_ =	shalt  }
0x4f: {  	_ =	shalt  }
0x50: {  	_ =	shalt  }
0x51: {  	_ =	shalt  }
0x52: {  	_ =	shalt  }
0x53: {  	_ =	shalt  }
0x54: {  	_ =	shalt  }
0x55: {  	_ =	shalt  }
0x56: {  	_ =	shalt  }
0x57: {  	_ =	shalt  }
0x58: {  	_ =	shalt  }
0x59: {  	_ =	shalt  }
0x5a: {  	_ =	shalt  }
0x5b: {  	_ =	shalt  }
0x5c: {  	_ =	shalt  }
0x5d: {  	_ =	shalt  }
0x5e: {  	_ =	shalt  }
0x5f: {  	_ =	shalt  }
0x60: {  	_ =	shalt  }
0x61: {  	_ =	shalt  }
0x62: {  	_ =	shalt  }
0x63: {  	_ =	shalt  }
0x64: {  	_ =	shalt  }
0x65: {  	_ =	shalt  }
0x66: {  	_ =	shalt  }
0x67: {  	_ =	shalt  }
0x68: {  	_ =	shalt  }
0x69: {  	_ =	shalt  }
0x6a: {  	_ =	shalt  }
0x6b: {  	_ =	shalt  }
0x6c: {  	_ =	shalt  }
0x6d: {  	_ =	shalt  }
0x6e: {  	_ =	shalt  }
0x6f: {  	_ =	shalt  }
0x70: {  	_ =	shalt  }
0x71: {  	_ =	shalt  }
0x72: {  	_ =	shalt  }
0x73: {  	_ =	shalt  }
0x74: {  	_ =	shalt  }
0x75: {  	_ =	shalt  }
0x76: {  	_ =	shalt  }
0x77: {  	_ =	shalt  }
0x78: {  	_ =	shalt  }
0x79: {  	_ =	shalt  }
0x7a: {  	_ =	shalt  }
0x7b: {  	_ =	shalt  }
0x7c: {  	_ =	shalt  }
0x7d: {  	_ =	shalt  }
0x7e: {  	_ =	shalt  }
0x7f: {  	_ =	shalt  }
0x80: {  	_ =	shalt  }
0x81: {  	_ =	shalt  }
0x82: {  	_ =	shalt  }
0x83: {  	_ =	shalt  }
0x84: {  	_ =	shalt  }
0x85: {  	_ =	shalt  }
0x86: {  	_ =	shalt  }
0x87: {  	_ =	shalt  }
.Lfunc_end0:
.L_simem_size_0:
called_computation_lowered:
.L_overlay_start_0:
0x88: {  	s2 =	sld [smem:$0x3FD9]  }
0x89: {  	s3 =	sld [smem:$0x3FFE];
	_ =	sdelay $0x1  }
0x8a: {  	s1 =	srdreg.scid  }
0x8b: {  	s0 =	sand.u32 $0x1, s1  }
0x8c: {  	s17 =	sshll.u32 s0, $0xA;
	s2 =	sadd.s32 s3, s2  }
0x8d: {  	s2 =	sadd.s32 s2, s17  }
0x8e: {  	[smem:$0x3FAC] =	sst s2  }
0x8f: {  	_ = 	snop  }
0x90: {  	s2 =	sld [smem:$0x3FC9]  }
0x91: {  	s18 =	sld [smem:$0x3FC3]  }
0x92: {  	s4 =	sld [smem:$0x3FD0];
	(tm) =	ssettm $0x1  }
0x93: {  	s5 =	sld [smem:$0x3FFB];
	_ =	sdelay $0x3  }
0x94: {  	_ =	strace s5  }
0x95: {  	s5 =	sld [smem:$0x3FFC];
	_ =	sdelay $0x3  }
0x96: {  	_ =	strace s5  }
0x97: {  	s5 =	sld [smem:$0x3FFD];
	_ =	sdelay $0x3  }
0x98: {  	_ =	strace s5  }
0x99: {  	_ =	strace $0x8FFFFFFF  }
0x9a: {  	s19 =	sld [smem:$0x3FDB];
	_ =	sdelay $0x1  }
0x9b: {  	s6 =	simm.s32 $_scs_section_size  }
0x9c: {  	s7 =	simm.s32 $_size__tile_overlayer_lowered;
	s8 =	simm.s32 $_tile_overlayer_lowered  }
0x9d: {  	s22 =	simm.s32 $0x1BFF;
	s21 =	sshll.u32 s8, $0x1;
	s5 =	sadd.s32 s6, s19  }
0x9e: {  	s9 =	simm.s32 $0x0;
	s20 =	sshll.u32 s7, $0x1;
	s7 =	sadd.s32 s21, s5  }
0x9f: {  	[timem:s9], [sflag:s22] =	dma.local [hbm:s7], s20  }
0xa0: {  	_ =	swait.ge [sflag:s22], s20  }
0xa1: {  	s6 =	ssub.s32 $0x0, s20;
	[sflag:s22] =	ssyncset.done $0x0  }
0xa2: {  	[sflag:s22] =	ssyncadd.s32 s6;
	_ =	sdelay $0x1  }
0xa3: {  	s23 =	simm.s32 $0x1B8B  }
0xa4: {  	_ =	swait.ge [sflag:s23], $0x1  }
0xa5: {  	[sflag:s23] =	ssyncset.done $0x0  }
0xa6: {  	s25 =	simm.s32 $0x1B8E;
	s24 =	sld [smem:$0x3FFE];
	[sflag:s23] =	ssyncadd.s32 $0xFFFFFFFF  }
0xa7: {  	s26 =	simm.s32 $execute0_lowered;
	[smem:$0x3FD2] =	sst s25  }
0xa8: {  	s7 =	sshll.u32 s26, $0x1;
	_ =	strace $0x80000046;
	[dreg:$0x1] =	wrdreg $0xFFFFFFFF  }
0xa9: {  	s28 =	simm.s32 $_size_execute0_lowered;
	s5 =	sadd.s32 s5, s7;
	[dreg:$0x0] =	wrdreg $0x0  }
0xaa: {  	s7 =	sshll.u32 s28, $0x1;
	[dreg:$0x2] =	wrdreg s5  }
0xab: {  	[dreg:$0x3] =	wrdreg s7  }
0xac: {  	[dreg:$0x4] =	wrdreg $0xC0  }
0xad: {  	_ =	task [dreg:s9], $0x5FFFF  }
0xae: {  	[dreg:$0x1] =	wrdreg $0xFFFFFFFF  }
0xaf: {  	[dreg:$0x0] =	wrdreg $0x60  }
0xb0: {  	[dreg:$0x2] =	wrdreg s18  }
0xb1: {  	[dreg:$0x3] =	wrdreg s2  }
0xb2: {  	[dreg:$0x4] =	wrdreg s24  }
0xb3: {  	[dreg:$0x5] =	wrdreg s4  }
0xb4: {  	[dreg:$0x6] =	wrdreg $0x43800  }
0xb5: {  	[dreg:$0x7] =	wrdreg $0x9  }
0xb6: {  	_ =	task.clear_ibuf [dreg:s9], $0x8FFFF;
	_ =	strace $0x90000046  }
0xb7: {  	s29 =	simm.s32 $0x9;
	_ =	strace $0x80000048  }
0xb8: {  	_ =	swait.ge [sflag:s29], $0x1  }
0xb9: {  	[sflag:s29] =	ssyncadd.s32 $0xFFFFFFFF  }
0xba: {  	_ =	strace $0x90000048  }
0xbb: {  	_ =	sfence  }
0xbc: {  	s30 =	sld [smem:$0x0];
	_ =	sdelay $0x2  }
0xbd: {  	s31 =	sshll.u32 s1, $0xD;
	s1 =	sshrl.u32 s1, $0x2  }
0xbe: {  	s3 =	sand.u32 $0x4000, s31;
	s1 =	sadd.s32 s1, s30  }
0xbf: {  	s0 =	sor.u32 s3, s0;
	s1 =	sshll.u32 s1, $0x11  }
0xc0: {  	s0 =	sor.u32 s1, s0  }
0xc1: {  	s0 =	sadd.s32 $0x8F2B, s0  }
0xc2: {  	[sflag:s0] =	ssyncadd.remote.s32 $0x1  }
0xc3: {  	_ =	sfence.sel $0xFFFF  }
0xc4: {  	[dreg:$0x0] =	wrdreg $0xFFFFFFFF;
	(pc) =	sbr.abs _section_cstart, $3  }
0xc5: {  	[dreg:$0x1] =	wrdreg $0xFFFFFFFF  }
0xc6: {  	_ =	task.clear_ibuf [dreg:s9], $0x2FFFF;
	_ =	strace $0x9FFFFFFF  }
0xc7: {  	(tm) =	ssettm $0x7FFFFFFF  }
tec
execute0_lowered:
.L_overlay_start_1:
0x0: {  	(tag) =	ssettag $0x1  }
0x1: {  	s0 =	rddreg [dreg:$0x0]  }
0x2: {  	s14 =	rddreg [dreg:$0x1]  }
0x3: {  	s15 =	rddreg [dreg:$0x2]  }
0x4: {  	s2 =	srdreg.scid;
	s3 =	rddreg [dreg:$0x3]  }
0x5: {  	s1 =	stileid.u32;
	s4 =	rddreg [dreg:$0x4];
	s5 =	simm.s32 $0x0  }
0x6: {  	s22 =	simm.s32 $0x4080;
	s9 =	sand.u32 $0x1, s2;
	s2 =	rddreg [dreg:$0x5]  }
0x7: {  	s23 =	simm.s32 $0x0;
	s6 =	sshll.u32 s1, $0x8;
	[smem:$0x7FF] =	sst s5  }
0x8: {  	s8 =	smul.u32 $0x280, s1;
	s16 =	sadd.s32 $0x10400, s15;
	s11 =	sshll.u32 s1, $0x1  }
0x9: {  	p0 =	seq.s32 s1, $0x0;
	s7 =	sshll.u32 s9, $0x7;
	_ =	strace $0x80000047  }
0xa: {  	s28 =	ssub.s32 $0x2, s9;
	s11 =	sor.u32 s9, s11;
	s6 =	sor.u32 s7, s6  }
0xb: {  	s10 =	sshrl.u32 s28, $0x1;
	s12 =	smin.u32 s8, $0x2490;
	s8 =	simm.s32 $0x28  }
0xc: {  	s13 =	sshll.u32 s11, $0x7;
	s29 =	sshll.u32 s11, $0xB;
	s30 =	sshll.u32 s11, $0x4  }
0xd: {  	s11 =	sor.u32 $0x40, s11;
	s6 =	sshrl.u32 s6, $0x3;
	s10 =	ssub.s32 s28, s10  }
0xe: {  	s7 =	sadd.s32 s12, s4;
	s8 =	simm.s32 @!p0 $0x27;
	p0 =	seq.s32 s9, $0x1  }
0xf: {  	s18 =	sshrl.u32 s12, $0x3;
	s13 =	sor.u32 $0x1000, s13;
	s20 =	smin.u32 s11, $0x4E  }
0x10: {  	s11 =	sadd.s32 s16, s29;
	s17 =	sadd.s32 s6, s15;
	s6 =	sadd.s32 $0x10200, s15  }
0x11: {  	s9 =	smax.u32 s10, $0x1;
	s10 =	sadd.s32 s14, s30;
	s19 =	sshrl.u32 s13, $0x3  }
0x12: {  	s31 =	sshll.u32 s20, $0x7;
	s13 =	sshll.u32 s13, $0x4;
	s20 =	simm.s32 $0x37C00  }
0x13: {  	s12 =	sadd.s32 s14, s19;
	s19 =	smin.u32 s31, $0x2690;
	s13 =	sadd.s32 s16, s13  }
0x14: {  	s20 =	simm.s32 @!p0 $0x37600;
	s17 =	sadd.s32 $0xB200, s17;
	s21 =	sshrl.u32 s19, $0x3  }
0x15: {  	s19 =	sshll.u32 s19, $0x4;
	s20 =	sadd.s32 s20, s15;
	s14 =	sadd.s32 s14, s21  }
0x16: {  	s15 =	sadd.s32 s16, s19;
	s16 =	sadd.s32 s20, s18;
	s18 =	simm.s32 $0x2  }
0x17: {  	s19 =	simm.s32 $0x80;
	s20 =	simm.s32 $0x1;
	s21 =	simm.s32 $0x4100  }
.LBB2_1:
0x18: {  	[tilespmem:s5], [sflag:$0x2] =	stream.linear.gather [hbm4b:s10+s5], $0x80, $0x38;
	[tilespmem:$0x45F8] =	vst v63  }
0x19: {  	_ =	swait.ge [sflag:s18], $0x80  }
0x1a: {  	[sflag:s18] =	ssyncset.done $0x0  }
0x1b: {  	[sflag:s18] =	ssyncadd.s32 $0xFFFFFF80  }
0x1c: {  	[tilespmem:s19], [sflag:$0x1] =	stream.indirect.gather [hbm4b:s0+s19], $0x80, s5, s19, $0xb8;
	[tilespmem:$0x45F8] =	vst v63  }
0x1d: {  	_ =	swait.ge [sflag:s20], $0x4000  }
0x1e: {  	[sflag:s20] =	ssyncset.done $0x0  }
0x1f: {  	[sflag:s20] =	ssyncadd.s32 $0xFFFFC000  }
0x20: {  	[hbm4b:s11+s5] =	stream.linear.scatter [tilespmem:s19], [sflag:$0x2], $0x4000, $0x38;
	[tilespmem:$0x45F8] =	vst v63  }
0x21: {  	_ =	swait.ge [sflag:s18], $0x4000  }
0x22: {  	[sflag:s18] =	ssyncset.done $0x0  }
0x23: {  	[sflag:s18] =	ssyncadd.s32 $0xFFFFC000  }
0x24: {  	[tilespmem:s5], [sflag:$0x2] =	stream.linear.gather [hbm4b:s12+s5], $0x80, $0x38;
	[tilespmem:$0x45F8] =	vst v63  }
0x25: {  	_ =	swait.ge [sflag:s18], $0x80  }
0x26: {  	[sflag:s18] =	ssyncset.done $0x0  }
0x27: {  	[sflag:s18] =	ssyncadd.s32 $0xFFFFFF80  }
0x28: {  	[tilespmem:s19], [sflag:$0x1] =	stream.indirect.gather [hbm4b:s0+s19], $0x80, s5, s19, $0xb8;
	[tilespmem:$0x45F8] =	vst v63  }
0x29: {  	_ =	swait.ge [sflag:s20], $0x4000  }
0x2a: {  	[sflag:s20] =	ssyncset.done $0x0  }
0x2b: {  	[sflag:s20] =	ssyncadd.s32 $0xFFFFC000  }
0x2c: {  	[hbm4b:s13+s5] =	stream.linear.scatter [tilespmem:s19], [sflag:$0x2], $0x4000, $0x38;
	[tilespmem:$0x45F8] =	vst v63  }
0x2d: {  	_ =	swait.ge [sflag:s18], $0x4000  }
0x2e: {  	[sflag:s18] =	ssyncset.done $0x0  }
0x2f: {  	[sflag:s18] =	ssyncadd.s32 $0xFFFFC000  }
0x30: {  	[tilespmem:s5], [sflag:$0x2] =	stream.linear.gather [hbm4b:s14+s5], $0x80, $0x38;
	[tilespmem:$0x45F8] =	vst v63  }
0x31: {  	_ =	swait.ge [sflag:s18], $0x80  }
0x32: {  	[sflag:s18] =	ssyncset.done $0x0  }
0x33: {  	[sflag:s18] =	ssyncadd.s32 $0xFFFFFF80  }
0x34: {  	[tilespmem:s19], [sflag:$0x1] =	stream.indirect.gather [hbm4b:s0+s19], $0x80, s5, s19, $0xb8;
	[tilespmem:$0x45F8] =	vst v63  }
0x35: {  	_ =	swait.ge [sflag:s20], $0x4000  }
0x36: {  	[sflag:s20] =	ssyncset.done $0x0  }
0x37: {  	[sflag:s20] =	ssyncadd.s32 $0xFFFFC000  }
0x38: {  	[hbm4b:s15+s5] =	stream.linear.scatter [tilespmem:s19], [sflag:$0x2], $0x4000, $0x38;
	[tilespmem:$0x45F8] =	vst v63  }
0x39: {  	_ =	swait.ge [sflag:s18], $0x4000  }
0x3a: {  	[sflag:s18] =	ssyncset.done $0x0  }
0x3b: {  	[sflag:s18] =	ssyncadd.s32 $0xFFFFC000  }
0x3c: {  	[tilespmem:s21], [sflag:$0x2] =	stream.linear.gather [hbm4b:s6+s5], $0x280, $0x38;
	[tilespmem:$0x45F8] =	vst v63  }
0x3d: {  	_ =	swait.ge [sflag:s18], $0x280  }
0x3e: {  	[sflag:s18] =	ssyncset.done $0x0  }
0x3f: {  	[sflag:s18] =	ssyncadd.s32 $0xFFFFFD80  }
0x40: {  	[spmem:s7] =	stream.linear.scatter [tilespmem:s21], [sflag:$0x2], $0x280, $0x38;
	[tilespmem:$0x45F8] =	vst v63  }
0x41: {  	_ =	swait.ge [sflag:s18], $0x280  }
0x42: {  	[sflag:s18] =	ssyncset.done $0x0  }
0x43: {  	[sflag:s18] =	ssyncadd.s32 $0xFFFFFD80  }
0x44: {  	[tilespmem:s22], [sflag:$0x2] =	stream.linear.gather [hbm4b:s3+s5], $0x80, $0x38;
	[tilespmem:$0x45F8] =	vst v63  }
0x45: {  	_ =	swait.ge [sflag:s18], $0x80  }
0x46: {  	[sflag:s18] =	ssyncset.done $0x0  }
0x47: {  	[sflag:s18] =	ssyncadd.s32 $0xFFFFFF80  }
0x48: {  	[bflag:$0x0] =	sbarrier.arrive $0xFFFF  }
0x49: {  	[tilespmem:s5], [sflag:$0x2] =	stream.linear.gather [hbm4b:s17+s5], $0x80, $0x38;
	[tilespmem:$0x45F8] =	vst v63  }
0x4a: {  	p0 =	sne.s32 s8, $0x1;
	_ =	swait.ge [sflag:s18], $0x80  }
.Ltmp0:
0x4b: {  	[sflag:s18] =	ssyncset.done $0x0;
	(pc) =	sbr.rel @!p0 .LBB2_3-.Ltmp0, $4  }
0x4c: {  	[sflag:s18] =	ssyncadd.s32 $0xFFFFFF80  }
0x4d: {  	[spmem:s4] =	stream.indirect.scatter.add.f32 [tilespmem:s22], [sflag:$0x2], $0x1, s5, s19, $0xb8;
	[tilespmem:$0x45F8] =	vst v63  }
0x4e: {  	_ =	swait.ge [sflag:s18], $0x80  }
0x4f: {  	s24 =	sadd.s32 $0xFFFFFFFF, s8;
	s25 =	smov.u32 s17;
	[sflag:s18] =	ssyncset.done $0x0  }
.LBB2_2:
0x50: {  	p0 =	sne.s32 s24, $0x1;
	[sflag:s18] =	ssyncadd.s32 $0xFFFFFF80;
	s25 =	sadd.s32 $0x200, s25  }
0x51: {  	[tilespmem:s5], [sflag:$0x2] =	stream.linear.gather [hbm4b:s25+s5], $0x80, $0x38;
	[tilespmem:$0x45F8] =	vst v63  }
0x52: {  	s24 =	sadd.s32 $0xFFFFFFFF, s24;
	_ =	swait.ge [sflag:s18], $0x80  }
.Ltmp1:
0x53: {  	[sflag:s18] =	ssyncset.done $0x0;
	(pc) =	sbr.rel @p0 .LBB2_2-.Ltmp1, $4  }
0x54: {  	[sflag:s18] =	ssyncadd.s32 $0xFFFFFF80  }
0x55: {  	[spmem:s4] =	stream.indirect.scatter.add.f32 [tilespmem:s22], [sflag:$0x2], $0x1, s5, s19, $0xb8;
	[tilespmem:$0x45F8] =	vst v63  }
0x56: {  	_ =	swait.ge [sflag:s18], $0x80  }
0x57: {  	[sflag:s18] =	ssyncset.done $0x0  }
.LBB2_3:
0x58: {  	[sflag:s18] =	ssyncadd.s32 $0xFFFFFF80  }
0x59: {  	[bflag:$0x0] =	sbarrier.arrive $0xFFFF  }
0x5a: {  	[tilespmem:s21], [sflag:$0x2] =	stream.linear.gather [spmem:s7], $0x280, $0x38;
	[tilespmem:$0x45F8] =	vst v63  }
0x5b: {  	s23 =	sadd.s32 $0x1, s23;
	_ =	swait.ge [sflag:s18], $0x280  }
0x5c: {  	p0 =	sne.s32 s23, s9;
	[sflag:s18] =	ssyncset.done $0x0  }
.Ltmp2:
0x5d: {  	[sflag:s18] =	ssyncadd.s32 $0xFFFFFD80;
	(pc) =	sbr.rel @p0 .LBB2_1-.Ltmp2, $4  }
0x5e: {  	[hbm4b:s16+s5] =	stream.linear.scatter [tilespmem:s21], [sflag:$0x2], $0x280, $0x38;
	[tilespmem:$0x45F8] =	vst v63  }
0x5f: {  	_ =	swait.ge [sflag:s18], $0x280  }
0x60: {  	[sflag:s18] =	ssyncset.done $0x0  }
0x61: {  	[sflag:s18] =	ssyncadd.s32 $0xFFFFFD80  }
0x62: {  	_ =	sfence.sel $0x180000  }
0x63: {  	[bflag:$0x0] =	sbarrier.arrive $0xFFFF  }
0x64: {  	p0 =	sne.s32 s1, $0x0;
	_ =	strace $0x90000047  }
0x65: {  	s0 =	sadd.s32 @!p0 $0x100000, s2;
	[bflag:$0x2] =	sbarrier.arrive $0xFFFF  }
0x66: {  	[sflag:s0] =	ssyncadd.tile.s32 @!p0 $0x1;
	_ =	shalt  }
.Lfunc_end2:
_tile_overlayer_lowered:
.L_overlay_start_2:
0x67: {  	(tag) =	ssettag $0x2  }
0x68: {  	s0 =	rddreg [dreg:$0x0];
	s2 =	stileid.u32  }
0x69: {  	s1 =	rddreg [dreg:$0x1];
	p0 =	sne.s32 s2, $0x0  }
0x6a: {  	s3 =	rddreg [dreg:$0x2];
	[bflag:$0x3] =	sbarrier.arrive $0xFFFF;
	s2 =	simm.s32 @!p0 $0x1C02  }
0x6b: {  	[timem:s3], [sflag:s2] =	dma.local @!p0 [hbm:s0], s1  }
0x6c: {  	s0 =	simm.s32 @!p0 $0x2  }
0x6d: {  	_ =	swait.ge @!p0 [sflag:s0], s1  }
0x6e: {  	s1 =	ssub.s32 @!p0 $0x0, s1;
	[sflag:s0] =	ssyncset.done @!p0 $0x0  }
0x6f: {  	[sflag:s0] =	ssyncadd.s32 @!p0 s1  }
0x70: {  	[bflag:$0x3] =	sbarrier.arrive $0xFFFF  }
0x71: {  	_ =	shalt  }

</sc_bundles>
